<compile_context>
chip_gen: v7x
topology: tpu7x:2x2x1
jax: 0.10.2.dev20260603
libtpu: 0.0.44.dev20260713+nightly
codegen_flags: <defaults>
</compile_context>

<pallas_src>
import functools

import jax
import jax.numpy as jnp
from jax import lax
from jax.experimental import pallas as pl
from jax.experimental.pallas import tpu as pltpu
from jax.experimental.pallas import tpu_sc as plsc

NC = 2
NS = 16
L = 16
NW = NC * NS
B = 16384
D = 128
BPW = B // NW
C = 64
NCHUNK = BPW // C
NSLOT = 2


def _sc_body(ent_hbm, rel_hbm, hidx_hbm, ridx_hbm, tidx_hbm, out_hbm,
             hidx_v, ridx_v, tidx_v, hbufs, rbufs, tbufs, outbuf, red,
             sem0, sem1):
    wid = lax.axis_index("s") * NC + lax.axis_index("c")
    base_w = wid * BPW
    lane = lax.iota(jnp.int32, L)
    sems = [sem0, sem1]

    s0 = pl.ds(base_w, 2 * C)
    d0 = pl.ds(0, 2 * C)
    ih = pltpu.async_copy(hidx_hbm.at[s0], hidx_v.at[d0], sem0)
    ir = pltpu.async_copy(ridx_hbm.at[s0], ridx_v.at[d0], sem0)
    it = pltpu.async_copy(tidx_hbm.at[s0], tidx_v.at[d0], sem0)
    ih.wait()
    ir.wait()
    it.wait()

    NSPLIT = max(1, C // 64)
    H = C // NSPLIT

    def fire(c, slot):
        for h in range(NSPLIT):
            s = pl.ds(c * C + h * H, H)
            d = pl.ds(h * H, H)
            pltpu.async_copy(ent_hbm.at[hidx_v.at[s]],
                             hbufs.at[slot].at[d], sems[slot])
            pltpu.async_copy(rel_hbm.at[ridx_v.at[s]],
                             rbufs.at[slot].at[d], sems[slot])
            pltpu.async_copy(ent_hbm.at[tidx_v.at[s]],
                             tbufs.at[slot].at[d], sems[slot])

    def drain(slot):
        for h in range(NSPLIT):
            s = pl.ds(h * H, H)
            pltpu.make_async_copy(ent_hbm.at[hidx_v.at[s]],
                                  hbufs.at[slot].at[s], sems[slot]).wait()
            pltpu.make_async_copy(rel_hbm.at[ridx_v.at[s]],
                                  rbufs.at[slot].at[s], sems[slot]).wait()
            pltpu.make_async_copy(ent_hbm.at[tidx_v.at[s]],
                                  tbufs.at[slot].at[s], sems[slot]).wait()

    def compute(c, slot):
        def group_body(g, gcarry):
            for i in range(L):
                row = g * L + i
                acc = None
                for jv in range(D // L):
                    s = pl.ds(jv * L, L)
                    p = (hbufs[slot, row, s] * rbufs[slot, row, s]
                         * tbufs[slot, row, s])
                    acc = p if acc is None else acc + p
                red[pl.ds(i * L, L)] = acc
            scores = None
            for l in range(L):
                v = plsc.load_gather(red, [lane * L + l])
                scores = v if scores is None else scores + v
            outbuf[pl.ds(c * C + g * L, L)] = scores
            return gcarry

        lax.fori_loop(0, C // L, group_body, 0)

    fire(0, 0)
    fire(1, 1)
    s1 = pl.ds(base_w + 2 * C, BPW - 2 * C)
    d1 = pl.ds(2 * C, BPW - 2 * C)
    rh = pltpu.async_copy(hidx_hbm.at[s1], hidx_v.at[d1], sem0)
    rr = pltpu.async_copy(ridx_hbm.at[s1], ridx_v.at[d1], sem0)
    rt = pltpu.async_copy(tidx_hbm.at[s1], tidx_v.at[d1], sem0)
    rh.wait()
    rr.wait()
    rt.wait()

    def pair_body(p, carry):
        c0 = p * 2
        drain(0)
        compute(c0, 0)

        @pl.when(p + 1 < NCHUNK // 2)
        def _():
            fire(c0 + 2, 0)

        drain(1)
        compute(c0 + 1, 1)

        @pl.when(p + 1 < NCHUNK // 2)
        def _():
            fire(c0 + 3, 1)

        return carry

    lax.fori_loop(0, NCHUNK // 2, pair_body, 0)

    pltpu.sync_copy(outbuf, out_hbm.at[pl.ds(base_w, BPW)])


_distmult_sc = functools.partial(
    pl.kernel,
    out_type=jax.ShapeDtypeStruct((B,), jnp.float32),
    mesh=plsc.VectorSubcoreMesh(
        core_axis_name="c", subcore_axis_name="s",
        num_cores=NC, num_subcores=NS),
    scratch_types=[
        pltpu.VMEM((BPW,), jnp.int32),
        pltpu.VMEM((BPW,), jnp.int32),
        pltpu.VMEM((BPW,), jnp.int32),
        pltpu.VMEM((NSLOT, C, D), jnp.float32),
        pltpu.VMEM((NSLOT, C, D), jnp.float32),
        pltpu.VMEM((NSLOT, C, D), jnp.float32),
        pltpu.VMEM((BPW,), jnp.float32),
        pltpu.VMEM((L * L,), jnp.float32),
        pltpu.SemaphoreType.DMA,
        pltpu.SemaphoreType.DMA,
    ],
    compiler_params=pltpu.CompilerParams(needs_layout_passes=False),
)(_sc_body)


@jax.jit
def kernel(entity_emb, relation_emb, head_index, relation_index, tail_index):
    return _distmult_sc(
        entity_emb,
        relation_emb,
        head_index.astype(jnp.int32),
        relation_index.astype(jnp.int32),
        tail_index.astype(jnp.int32),
    )

# --- scband reference (transcript-rebuilt; emitter-appended) ---
"""Pipeline reference for scband-link-predictor-46256797778566 (READ-ONLY COPY).

The authoritative reference and input builder live on the scoring server;
editing this copy changes nothing except your own understanding.
"""

import jax, jax.numpy as jnp
import numpy as np

NUM_ENTITIES = 100000
NUM_RELATIONS = 1000
EMBED_DIM = 128
BATCH = 16384


def setup_inputs(seed: int = 0) -> dict:
    key = jax.random.key(seed)
    k1, k2, k3, k4, k5 = jax.random.split(key, 5)
    entity_emb = jax.random.normal(k1, (NUM_ENTITIES, EMBED_DIM), dtype=jnp.float32)
    relation_emb = jax.random.normal(k2, (NUM_RELATIONS, EMBED_DIM), dtype=jnp.float32)
    head_index = jax.random.randint(k3, (BATCH,), 0, NUM_ENTITIES, dtype=jnp.int64 if jax.config.jax_enable_x64 else jnp.int32)
    relation_index = jax.random.randint(k4, (BATCH,), 0, NUM_RELATIONS, dtype=jnp.int64 if jax.config.jax_enable_x64 else jnp.int32)
    tail_index = jax.random.randint(k5, (BATCH,), 0, NUM_ENTITIES, dtype=jnp.int64 if jax.config.jax_enable_x64 else jnp.int32)
    return {
        "entity_emb": entity_emb,
        "relation_emb": relation_emb,
        "head_index": head_index,
        "relation_index": relation_index,
        "tail_index": tail_index,
    }


def reference(entity_emb, relation_emb, head_index, relation_index, tail_index):
    # Embedding lookups (frozen tables in the original module)
    heads = jnp.take(entity_emb, head_index, axis=0)
    relations = jnp.take(relation_emb, relation_index, axis=0)
    tails = jnp.take(entity_emb, tail_index, axis=0)
    # DistMult score function
    x = heads * relations * tails
    score = jnp.sum(x, axis=1)
    return score

if __name__ == "__main__":
    import jax
    _d = setup_inputs()
    print(jax.jit(kernel)(*tuple(_d.values())))

</pallas_src>

<mosaic_0001>
#map = affine_map<(d0, d1) -> (0, 0)>
#map1 = affine_map<(d0, d1) -> (0)>
module attributes {stable_mosaic.version = 14 : i64} {
  func.func @_sc_body(%arg0: i32, %arg1: i32, %arg2: memref<100000x128xf32, #tpu.memory_space<hbm>>, %arg3: memref<1000x128xf32, #tpu.memory_space<hbm>>, %arg4: memref<16384xi32, #tpu.memory_space<hbm>>, %arg5: memref<16384xi32, #tpu.memory_space<hbm>>, %arg6: memref<16384xi32, #tpu.memory_space<hbm>>, %arg7: memref<16384xf32, #tpu.memory_space<hbm>>, %arg8: memref<512xi32, #tpu.memory_space<vmem>>, %arg9: memref<512xi32, #tpu.memory_space<vmem>>, %arg10: memref<512xi32, #tpu.memory_space<vmem>>, %arg11: memref<2x64x128xf32, #tpu.memory_space<vmem>>, %arg12: memref<2x64x128xf32, #tpu.memory_space<vmem>>, %arg13: memref<2x64x128xf32, #tpu.memory_space<vmem>>, %arg14: memref<512xf32, #tpu.memory_space<vmem>>, %arg15: memref<256xf32, #tpu.memory_space<vmem>>, %arg16: memref<!tpu.dma_semaphore, #tpu.memory_space<semaphore_mem>>, %arg17: memref<!tpu.dma_semaphore, #tpu.memory_space<semaphore_mem>>) attributes {dimension_semantics = [#tpu.dimension_semantics<core_parallel>, #tpu.dimension_semantics<subcore_parallel>], iteration_bounds = array<i64: 2, 16>, scalar_prefetch = 0 : i64, scratch_operands = 10 : i64, tpu.core_type = #tpu.core_type<sc_vector_subcore>, window_params = [{transform_indices = #map}, {transform_indices = #map}, {transform_indices = #map1}, {transform_indices = #map1}, {transform_indices = #map1}, {transform_indices = #map1}]} {
    %mul3A = arith.constant 2 : i32
    %mul3A_0 = arith.muli %arg1, %mul3A : i32
    %add3A = arith.addi %mul3A_0, %arg0 : i32
    %mul3A_1 = arith.constant 512 : i32
    %mul3A_2 = arith.muli %add3A, %mul3A_1 : i32
    %iota3A = tpu.iota {dimensions = array<i32: 0>} : vector<16xi32>
    %dma_start3A = arith.constant 0 : i32
    %dma_start3A_3 = tpu.memref_slice %arg8[%dma_start3A] : memref<512xi32, #tpu.memory_space<vmem>> -> memref<128xi32, #tpu.memory_space<vmem>>
    %dma_start3A_4 = tpu.memref_slice %arg4[%mul3A_2] : memref<16384xi32, #tpu.memory_space<hbm>> -> memref<128xi32, #tpu.memory_space<hbm>>
    %dma_start3A_5 = arith.constant 0 : i32
    %dma_start3A_6 = tpu.memref_slice %arg8[%dma_start3A_5] : memref<512xi32, #tpu.memory_space<vmem>> -> memref<128xi32, #tpu.memory_space<vmem>>
    %dma_start3A_7 = tpu.memref_slice %arg4[%mul3A_2] : memref<16384xi32, #tpu.memory_space<hbm>> -> memref<128xi32, #tpu.memory_space<hbm>>
    tpu.enqueue_dma source(%dma_start3A_7 : memref<128xi32, #tpu.memory_space<hbm>>) target(%dma_start3A_6 : memref<128xi32, #tpu.memory_space<vmem>>) target_semaphore(%arg16 : memref<!tpu.dma_semaphore, #tpu.memory_space<semaphore_mem>>)
    %dma_start3A_8 = arith.constant 0 : i32
    %dma_start3A_9 = tpu.memref_slice %arg9[%dma_start3A_8] : memref<512xi32, #tpu.memory_space<vmem>> -> memref<128xi32, #tpu.memory_space<vmem>>
    %dma_start3A_10 = tpu.memref_slice %arg5[%mul3A_2] : memref<16384xi32, #tpu.memory_space<hbm>> -> memref<128xi32, #tpu.memory_space<hbm>>
    %dma_start3A_11 = arith.constant 0 : i32
    %dma_start3A_12 = tpu.memref_slice %arg9[%dma_start3A_11] : memref<512xi32, #tpu.memory_space<vmem>> -> memref<128xi32, #tpu.memory_space<vmem>>
    %dma_start3A_13 = tpu.memref_slice %arg5[%mul3A_2] : memref<16384xi32, #tpu.memory_space<hbm>> -> memref<128xi32, #tpu.memory_space<hbm>>
    tpu.enqueue_dma source(%dma_start3A_13 : memref<128xi32, #tpu.memory_space<hbm>>) target(%dma_start3A_12 : memref<128xi32, #tpu.memory_space<vmem>>) target_semaphore(%arg16 : memref<!tpu.dma_semaphore, #tpu.memory_space<semaphore_mem>>)
    %dma_start3A_14 = arith.constant 0 : i32
    %dma_start3A_15 = tpu.memref_slice %arg10[%dma_start3A_14] : memref<512xi32, #tpu.memory_space<vmem>> -> memref<128xi32, #tpu.memory_space<vmem>>
    %dma_start3A_16 = tpu.memref_slice %arg6[%mul3A_2] : memref<16384xi32, #tpu.memory_space<hbm>> -> memref<128xi32, #tpu.memory_space<hbm>>
    %dma_start3A_17 = arith.constant 0 : i32
    %dma_start3A_18 = tpu.memref_slice %arg10[%dma_start3A_17] : memref<512xi32, #tpu.memory_space<vmem>> -> memref<128xi32, #tpu.memory_space<vmem>>
    %dma_start3A_19 = tpu.memref_slice %arg6[%mul3A_2] : memref<16384xi32, #tpu.memory_space<hbm>> -> memref<128xi32, #tpu.memory_space<hbm>>
    tpu.enqueue_dma source(%dma_start3A_19 : memref<128xi32, #tpu.memory_space<hbm>>) target(%dma_start3A_18 : memref<128xi32, #tpu.memory_space<vmem>>) target_semaphore(%arg16 : memref<!tpu.dma_semaphore, #tpu.memory_space<semaphore_mem>>)
    %dma_wait3A = arith.constant 0 : i32
    %dma_wait3A_20 = tpu.memref_slice %arg8[%dma_wait3A] : memref<512xi32, #tpu.memory_space<vmem>> -> memref<128xi32, #tpu.memory_space<vmem>>
    %dma_wait3A_21 = tpu.memref_slice %arg4[%mul3A_2] : memref<16384xi32, #tpu.memory_space<hbm>> -> memref<128xi32, #tpu.memory_space<hbm>>
    %dma_wait3A_22 = arith.constant 0 : i32
    %dma_wait3A_23 = tpu.memref_slice %arg8[%dma_wait3A_22] : memref<512xi32, #tpu.memory_space<vmem>> -> memref<128xi32, #tpu.memory_space<vmem>>
    %dma_wait3A_24 = tpu.memref_slice %arg4[%mul3A_2] : memref<16384xi32, #tpu.memory_space<hbm>> -> memref<128xi32, #tpu.memory_space<hbm>>
    tpu.wait_dma2 semaphore(%arg16 : memref<!tpu.dma_semaphore, #tpu.memory_space<semaphore_mem>>) src(%dma_wait3A_24 : memref<128xi32, #tpu.memory_space<hbm>>) dst(%dma_wait3A_23 : memref<128xi32, #tpu.memory_space<vmem>>)
    %dma_wait3A_25 = arith.constant 0 : i32
    %dma_wait3A_26 = tpu.memref_slice %arg9[%dma_wait3A_25] : memref<512xi32, #tpu.memory_space<vmem>> -> memref<128xi32, #tpu.memory_space<vmem>>
    %dma_wait3A_27 = tpu.memref_slice %arg5[%mul3A_2] : memref<16384xi32, #tpu.memory_space<hbm>> -> memref<128xi32, #tpu.memory_space<hbm>>
    %dma_wait3A_28 = arith.constant 0 : i32
    %dma_wait3A_29 = tpu.memref_slice %arg9[%dma_wait3A_28] : memref<512xi32, #tpu.memory_space<vmem>> -> memref<128xi32, #tpu.memory_space<vmem>>
    %dma_wait3A_30 = tpu.memref_slice %arg5[%mul3A_2] : memref<16384xi32, #tpu.memory_space<hbm>> -> memref<128xi32, #tpu.memory_space<hbm>>
    tpu.wait_dma2 semaphore(%arg16 : memref<!tpu.dma_semaphore, #tpu.memory_space<semaphore_mem>>) src(%dma_wait3A_30 : memref<128xi32, #tpu.memory_space<hbm>>) dst(%dma_wait3A_29 : memref<128xi32, #tpu.memory_space<vmem>>)
    %dma_wait3A_31 = arith.constant 0 : i32
    %dma_wait3A_32 = tpu.memref_slice %arg10[%dma_wait3A_31] : memref<512xi32, #tpu.memory_space<vmem>> -> memref<128xi32, #tpu.memory_space<vmem>>
    %dma_wait3A_33 = tpu.memref_slice %arg6[%mul3A_2] : memref<16384xi32, #tpu.memory_space<hbm>> -> memref<128xi32, #tpu.memory_space<hbm>>
    %dma_wait3A_34 = arith.constant 0 : i32
    %dma_wait3A_35 = tpu.memref_slice %arg10[%dma_wait3A_34] : memref<512xi32, #tpu.memory_space<vmem>> -> memref<128xi32, #tpu.memory_space<vmem>>
    %dma_wait3A_36 = tpu.memref_slice %arg6[%mul3A_2] : memref<16384xi32, #tpu.memory_space<hbm>> -> memref<128xi32, #tpu.memory_space<hbm>>
    tpu.wait_dma2 semaphore(%arg16 : memref<!tpu.dma_semaphore, #tpu.memory_space<semaphore_mem>>) src(%dma_wait3A_36 : memref<128xi32, #tpu.memory_space<hbm>>) dst(%dma_wait3A_35 : memref<128xi32, #tpu.memory_space<vmem>>)
    %dma_start3A_37 = arith.constant 0 : i32
    %dma_start3A_38 = arith.constant 0 : i32
    %dma_start3A_39 = arith.constant 0 : i32
    %dma_start3A_40 = tpu.memref_slice %arg11[%dma_start3A_37, %dma_start3A_38, %dma_start3A_39] : memref<2x64x128xf32, #tpu.memory_space<vmem>> -> memref<1x64x128xf32, #tpu.memory_space<vmem>>
    %dma_start3A_41 = tpu.memref_squeeze %dma_start3A_40 : memref<1x64x128xf32, #tpu.memory_space<vmem>> -> memref<64x128xf32, #tpu.memory_space<vmem>>
    %dma_start3A_42 = arith.constant 0 : i32
    %dma_start3A_43 = arith.constant 0 : i32
    %dma_start3A_44 = tpu.memref_slice %dma_start3A_41[%dma_start3A_42, %dma_start3A_43] : memref<64x128xf32, #tpu.memory_space<vmem>> -> memref<64x128xf32, #tpu.memory_space<vmem>>
    %dma_start3A_45 = arith.constant 0 : i32
    %dma_start3A_46 = tpu.memref_slice %arg8[%dma_start3A_45] : memref<512xi32, #tpu.memory_space<vmem>> -> memref<64xi32, #tpu.memory_space<vmem>>
    %dma_start3A_47 = arith.constant 0 : i32
    %dma_start3A_48 = arith.constant 0 : i32
    %dma_start3A_49 = tpu.memref_slice %arg2[%dma_start3A_47, %dma_start3A_48] : memref<100000x128xf32, #tpu.memory_space<hbm>> -> memref<100000x128xf32, #tpu.memory_space<hbm>>
    tpu.enqueue_indirect_dma source(%dma_start3A_49 : memref<100000x128xf32, #tpu.memory_space<hbm>>) target(%dma_start3A_44 : memref<64x128xf32, #tpu.memory_space<vmem>>) offsets(%dma_start3A_46 : memref<64xi32, #tpu.memory_space<vmem>>) semaphore(%arg16 : memref<!tpu.dma_semaphore, #tpu.memory_space<semaphore_mem>>)
    %dma_start3A_50 = arith.constant 0 : i32
    %dma_start3A_51 = arith.constant 0 : i32
    %dma_start3A_52 = arith.constant 0 : i32
    %dma_start3A_53 = tpu.memref_slice %arg12[%dma_start3A_50, %dma_start3A_51, %dma_start3A_52] : memref<2x64x128xf32, #tpu.memory_space<vmem>> -> memref<1x64x128xf32, #tpu.memory_space<vmem>>
    %dma_start3A_54 = tpu.memref_squeeze %dma_start3A_53 : memref<1x64x128xf32, #tpu.memory_space<vmem>> -> memref<64x128xf32, #tpu.memory_space<vmem>>
    %dma_start3A_55 = arith.constant 0 : i32
    %dma_start3A_56 = arith.constant 0 : i32
    %dma_start3A_57 = tpu.memref_slice %dma_start3A_54[%dma_start3A_55, %dma_start3A_56] : memref<64x128xf32, #tpu.memory_space<vmem>> -> memref<64x128xf32, #tpu.memory_space<vmem>>
    %dma_start3A_58 = arith.constant 0 : i32
    %dma_start3A_59 = tpu.memref_slice %arg9[%dma_start3A_58] : memref<512xi32, #tpu.memory_space<vmem>> -> memref<64xi32, #tpu.memory_space<vmem>>
    %dma_start3A_60 = arith.constant 0 : i32
    %dma_start3A_61 = arith.constant 0 : i32
    %dma_start3A_62 = tpu.memref_slice %arg3[%dma_start3A_60, %dma_start3A_61] : memref<1000x128xf32, #tpu.memory_space<hbm>> -> memref<1000x128xf32, #tpu.memory_space<hbm>>
    tpu.enqueue_indirect_dma source(%dma_start3A_62 : memref<1000x128xf32, #tpu.memory_space<hbm>>) target(%dma_start3A_57 : memref<64x128xf32, #tpu.memory_space<vmem>>) offsets(%dma_start3A_59 : memref<64xi32, #tpu.memory_space<vmem>>) semaphore(%arg16 : memref<!tpu.dma_semaphore, #tpu.memory_space<semaphore_mem>>)
    %dma_start3A_63 = arith.constant 0 : i32
    %dma_start3A_64 = arith.constant 0 : i32
    %dma_start3A_65 = arith.constant 0 : i32
    %dma_start3A_66 = tpu.memref_slice %arg13[%dma_start3A_63, %dma_start3A_64, %dma_start3A_65] : memref<2x64x128xf32, #tpu.memory_space<vmem>> -> memref<1x64x128xf32, #tpu.memory_space<vmem>>
    %dma_start3A_67 = tpu.memref_squeeze %dma_start3A_66 : memref<1x64x128xf32, #tpu.memory_space<vmem>> -> memref<64x128xf32, #tpu.memory_space<vmem>>
    %dma_start3A_68 = arith.constant 0 : i32
    %dma_start3A_69 = arith.constant 0 : i32
    %dma_start3A_70 = tpu.memref_slice %dma_start3A_67[%dma_start3A_68, %dma_start3A_69] : memref<64x128xf32, #tpu.memory_space<vmem>> -> memref<64x128xf32, #tpu.memory_space<vmem>>
    %dma_start3A_71 = arith.constant 0 : i32
    %dma_start3A_72 = tpu.memref_slice %arg10[%dma_start3A_71] : memref<512xi32, #tpu.memory_space<vmem>> -> memref<64xi32, #tpu.memory_space<vmem>>
    %dma_start3A_73 = arith.constant 0 : i32
    %dma_start3A_74 = arith.constant 0 : i32
    %dma_start3A_75 = tpu.memref_slice %arg2[%dma_start3A_73, %dma_start3A_74] : memref<100000x128xf32, #tpu.memory_space<hbm>> -> memref<100000x128xf32, #tpu.memory_space<hbm>>
    tpu.enqueue_indirect_dma source(%dma_start3A_75 : memref<100000x128xf32, #tpu.memory_space<hbm>>) target(%dma_start3A_70 : memref<64x128xf32, #tpu.memory_space<vmem>>) offsets(%dma_start3A_72 : memref<64xi32, #tpu.memory_space<vmem>>) semaphore(%arg16 : memref<!tpu.dma_semaphore, #tpu.memory_space<semaphore_mem>>)
    %dma_start3A_76 = arith.constant 1 : i32
    %dma_start3A_77 = arith.constant 0 : i32
    %dma_start3A_78 = arith.constant 0 : i32
    %dma_start3A_79 = tpu.memref_slice %arg11[%dma_start3A_76, %dma_start3A_77, %dma_start3A_78] : memref<2x64x128xf32, #tpu.memory_space<vmem>> -> memref<1x64x128xf32, #tpu.memory_space<vmem>>
    %dma_start3A_80 = tpu.memref_squeeze %dma_start3A_79 : memref<1x64x128xf32, #tpu.memory_space<vmem>> -> memref<64x128xf32, #tpu.memory_space<vmem>>
    %dma_start3A_81 = arith.constant 0 : i32
    %dma_start3A_82 = arith.constant 0 : i32
    %dma_start3A_83 = tpu.memref_slice %dma_start3A_80[%dma_start3A_81, %dma_start3A_82] : memref<64x128xf32, #tpu.memory_space<vmem>> -> memref<64x128xf32, #tpu.memory_space<vmem>>
    %dma_start3A_84 = arith.constant 64 : i32
    %dma_start3A_85 = tpu.memref_slice %arg8[%dma_start3A_84] : memref<512xi32, #tpu.memory_space<vmem>> -> memref<64xi32, #tpu.memory_space<vmem>>
    %dma_start3A_86 = arith.constant 0 : i32
    %dma_start3A_87 = arith.constant 0 : i32
    %dma_start3A_88 = tpu.memref_slice %arg2[%dma_start3A_86, %dma_start3A_87] : memref<100000x128xf32, #tpu.memory_space<hbm>> -> memref<100000x128xf32, #tpu.memory_space<hbm>>
    tpu.enqueue_indirect_dma source(%dma_start3A_88 : memref<100000x128xf32, #tpu.memory_space<hbm>>) target(%dma_start3A_83 : memref<64x128xf32, #tpu.memory_space<vmem>>) offsets(%dma_start3A_85 : memref<64xi32, #tpu.memory_space<vmem>>) semaphore(%arg17 : memref<!tpu.dma_semaphore, #tpu.memory_space<semaphore_mem>>)
    %dma_start3A_89 = arith.constant 1 : i32
    %dma_start3A_90 = arith.constant 0 : i32
    %dma_start3A_91 = arith.constant 0 : i32
    %dma_start3A_92 = tpu.memref_slice %arg12[%dma_start3A_89, %dma_start3A_90, %dma_start3A_91] : memref<2x64x128xf32, #tpu.memory_space<vmem>> -> memref<1x64x128xf32, #tpu.memory_space<vmem>>
    %dma_start3A_93 = tpu.memref_squeeze %dma_start3A_92 : memref<1x64x128xf32, #tpu.memory_space<vmem>> -> memref<64x128xf32, #tpu.memory_space<vmem>>
    %dma_start3A_94 = arith.constant 0 : i32
    %dma_start3A_95 = arith.constant 0 : i32
    %dma_start3A_96 = tpu.memref_slice %dma_start3A_93[%dma_start3A_94, %dma_start3A_95] : memref<64x128xf32, #tpu.memory_space<vmem>> -> memref<64x128xf32, #tpu.memory_space<vmem>>
    %dma_start3A_97 = arith.constant 64 : i32
    %dma_start3A_98 = tpu.memref_slice %arg9[%dma_start3A_97] : memref<512xi32, #tpu.memory_space<vmem>> -> memref<64xi32, #tpu.memory_space<vmem>>
    %dma_start3A_99 = arith.constant 0 : i32
    %dma_start3A_100 = arith.constant 0 : i32
    %dma_start3A_101 = tpu.memref_slice %arg3[%dma_start3A_99, %dma_start3A_100] : memref<1000x128xf32, #tpu.memory_space<hbm>> -> memref<1000x128xf32, #tpu.memory_space<hbm>>
    tpu.enqueue_indirect_dma source(%dma_start3A_101 : memref<1000x128xf32, #tpu.memory_space<hbm>>) target(%dma_start3A_96 : memref<64x128xf32, #tpu.memory_space<vmem>>) offsets(%dma_start3A_98 : memref<64xi32, #tpu.memory_space<vmem>>) semaphore(%arg17 : memref<!tpu.dma_semaphore, #tpu.memory_space<semaphore_mem>>)
    %dma_start3A_102 = arith.constant 1 : i32
    %dma_start3A_103 = arith.constant 0 : i32
    %dma_start3A_104 = arith.constant 0 : i32
    %dma_start3A_105 = tpu.memref_slice %arg13[%dma_start3A_102, %dma_start3A_103, %dma_start3A_104] : memref<2x64x128xf32, #tpu.memory_space<vmem>> -> memref<1x64x128xf32, #tpu.memory_space<vmem>>
    %dma_start3A_106 = tpu.memref_squeeze %dma_start3A_105 : memref<1x64x128xf32, #tpu.memory_space<vmem>> -> memref<64x128xf32, #tpu.memory_space<vmem>>
    %dma_start3A_107 = arith.constant 0 : i32
    %dma_start3A_108 = arith.constant 0 : i32
    %dma_start3A_109 = tpu.memref_slice %dma_start3A_106[%dma_start3A_107, %dma_start3A_108] : memref<64x128xf32, #tpu.memory_space<vmem>> -> memref<64x128xf32, #tpu.memory_space<vmem>>
    %dma_start3A_110 = arith.constant 64 : i32
    %dma_start3A_111 = tpu.memref_slice %arg10[%dma_start3A_110] : memref<512xi32, #tpu.memory_space<vmem>> -> memref<64xi32, #tpu.memory_space<vmem>>
    %dma_start3A_112 = arith.constant 0 : i32
    %dma_start3A_113 = arith.constant 0 : i32
    %dma_start3A_114 = tpu.memref_slice %arg2[%dma_start3A_112, %dma_start3A_113] : memref<100000x128xf32, #tpu.memory_space<hbm>> -> memref<100000x128xf32, #tpu.memory_space<hbm>>
    tpu.enqueue_indirect_dma source(%dma_start3A_114 : memref<100000x128xf32, #tpu.memory_space<hbm>>) target(%dma_start3A_109 : memref<64x128xf32, #tpu.memory_space<vmem>>) offsets(%dma_start3A_111 : memref<64xi32, #tpu.memory_space<vmem>>) semaphore(%arg17 : memref<!tpu.dma_semaphore, #tpu.memory_space<semaphore_mem>>)
    %add3A_115 = arith.constant 128 : i32
    %add3A_116 = arith.addi %mul3A_2, %add3A_115 : i32
    %dma_start3A_117 = arith.constant 128 : i32
    %dma_start3A_118 = tpu.memref_slice %arg8[%dma_start3A_117] : memref<512xi32, #tpu.memory_space<vmem>> -> memref<384xi32, #tpu.memory_space<vmem>>
    %dma_start3A_119 = tpu.memref_slice %arg4[%add3A_116] : memref<16384xi32, #tpu.memory_space<hbm>> -> memref<384xi32, #tpu.memory_space<hbm>>
    %dma_start3A_120 = arith.constant 128 : i32
    %dma_start3A_121 = tpu.memref_slice %arg8[%dma_start3A_120] : memref<512xi32, #tpu.memory_space<vmem>> -> memref<384xi32, #tpu.memory_space<vmem>>
    %dma_start3A_122 = tpu.memref_slice %arg4[%add3A_116] : memref<16384xi32, #tpu.memory_space<hbm>> -> memref<384xi32, #tpu.memory_space<hbm>>
    tpu.enqueue_dma source(%dma_start3A_122 : memref<384xi32, #tpu.memory_space<hbm>>) target(%dma_start3A_121 : memref<384xi32, #tpu.memory_space<vmem>>) target_semaphore(%arg16 : memref<!tpu.dma_semaphore, #tpu.memory_space<semaphore_mem>>)
    %dma_start3A_123 = arith.constant 128 : i32
    %dma_start3A_124 = tpu.memref_slice %arg9[%dma_start3A_123] : memref<512xi32, #tpu.memory_space<vmem>> -> memref<384xi32, #tpu.memory_space<vmem>>
    %dma_start3A_125 = tpu.memref_slice %arg5[%add3A_116] : memref<16384xi32, #tpu.memory_space<hbm>> -> memref<384xi32, #tpu.memory_space<hbm>>
    %dma_start3A_126 = arith.constant 128 : i32
    %dma_start3A_127 = tpu.memref_slice %arg9[%dma_start3A_126] : memref<512xi32, #tpu.memory_space<vmem>> -> memref<384xi32, #tpu.memory_space<vmem>>
    %dma_start3A_128 = tpu.memref_slice %arg5[%add3A_116] : memref<16384xi32, #tpu.memory_space<hbm>> -> memref<384xi32, #tpu.memory_space<hbm>>
    tpu.enqueue_dma source(%dma_start3A_128 : memref<384xi32, #tpu.memory_space<hbm>>) target(%dma_start3A_127 : memref<384xi32, #tpu.memory_space<vmem>>) target_semaphore(%arg16 : memref<!tpu.dma_semaphore, #tpu.memory_space<semaphore_mem>>)
    %dma_start3A_129 = arith.constant 128 : i32
    %dma_start3A_130 = tpu.memref_slice %arg10[%dma_start3A_129] : memref<512xi32, #tpu.memory_space<vmem>> -> memref<384xi32, #tpu.memory_space<vmem>>
    %dma_start3A_131 = tpu.memref_slice %arg6[%add3A_116] : memref<16384xi32, #tpu.memory_space<hbm>> -> memref<384xi32, #tpu.memory_space<hbm>>
    %dma_start3A_132 = arith.constant 128 : i32
    %dma_start3A_133 = tpu.memref_slice %arg10[%dma_start3A_132] : memref<512xi32, #tpu.memory_space<vmem>> -> memref<384xi32, #tpu.memory_space<vmem>>
    %dma_start3A_134 = tpu.memref_slice %arg6[%add3A_116] : memref<16384xi32, #tpu.memory_space<hbm>> -> memref<384xi32, #tpu.memory_space<hbm>>
    tpu.enqueue_dma source(%dma_start3A_134 : memref<384xi32, #tpu.memory_space<hbm>>) target(%dma_start3A_133 : memref<384xi32, #tpu.memory_space<vmem>>) target_semaphore(%arg16 : memref<!tpu.dma_semaphore, #tpu.memory_space<semaphore_mem>>)
    %dma_wait3A_135 = arith.constant 128 : i32
    %dma_wait3A_136 = tpu.memref_slice %arg8[%dma_wait3A_135] : memref<512xi32, #tpu.memory_space<vmem>> -> memref<384xi32, #tpu.memory_space<vmem>>
    %dma_wait3A_137 = tpu.memref_slice %arg4[%add3A_116] : memref<16384xi32, #tpu.memory_space<hbm>> -> memref<384xi32, #tpu.memory_space<hbm>>
    %dma_wait3A_138 = arith.constant 128 : i32
    %dma_wait3A_139 = tpu.memref_slice %arg8[%dma_wait3A_138] : memref<512xi32, #tpu.memory_space<vmem>> -> memref<384xi32, #tpu.memory_space<vmem>>
    %dma_wait3A_140 = tpu.memref_slice %arg4[%add3A_116] : memref<16384xi32, #tpu.memory_space<hbm>> -> memref<384xi32, #tpu.memory_space<hbm>>
    tpu.wait_dma2 semaphore(%arg16 : memref<!tpu.dma_semaphore, #tpu.memory_space<semaphore_mem>>) src(%dma_wait3A_140 : memref<384xi32, #tpu.memory_space<hbm>>) dst(%dma_wait3A_139 : memref<384xi32, #tpu.memory_space<vmem>>)
    %dma_wait3A_141 = arith.constant 128 : i32
    %dma_wait3A_142 = tpu.memref_slice %arg9[%dma_wait3A_141] : memref<512xi32, #tpu.memory_space<vmem>> -> memref<384xi32, #tpu.memory_space<vmem>>
    %dma_wait3A_143 = tpu.memref_slice %arg5[%add3A_116] : memref<16384xi32, #tpu.memory_space<hbm>> -> memref<384xi32, #tpu.memory_space<hbm>>
    %dma_wait3A_144 = arith.constant 128 : i32
    %dma_wait3A_145 = tpu.memref_slice %arg9[%dma_wait3A_144] : memref<512xi32, #tpu.memory_space<vmem>> -> memref<384xi32, #tpu.memory_space<vmem>>
    %dma_wait3A_146 = tpu.memref_slice %arg5[%add3A_116] : memref<16384xi32, #tpu.memory_space<hbm>> -> memref<384xi32, #tpu.memory_space<hbm>>
    tpu.wait_dma2 semaphore(%arg16 : memref<!tpu.dma_semaphore, #tpu.memory_space<semaphore_mem>>) src(%dma_wait3A_146 : memref<384xi32, #tpu.memory_space<hbm>>) dst(%dma_wait3A_145 : memref<384xi32, #tpu.memory_space<vmem>>)
    %dma_wait3A_147 = arith.constant 128 : i32
    %dma_wait3A_148 = tpu.memref_slice %arg10[%dma_wait3A_147] : memref<512xi32, #tpu.memory_space<vmem>> -> memref<384xi32, #tpu.memory_space<vmem>>
    %dma_wait3A_149 = tpu.memref_slice %arg6[%add3A_116] : memref<16384xi32, #tpu.memory_space<hbm>> -> memref<384xi32, #tpu.memory_space<hbm>>
    %dma_wait3A_150 = arith.constant 128 : i32
    %dma_wait3A_151 = tpu.memref_slice %arg10[%dma_wait3A_150] : memref<512xi32, #tpu.memory_space<vmem>> -> memref<384xi32, #tpu.memory_space<vmem>>
    %dma_wait3A_152 = tpu.memref_slice %arg6[%add3A_116] : memref<16384xi32, #tpu.memory_space<hbm>> -> memref<384xi32, #tpu.memory_space<hbm>>
    tpu.wait_dma2 semaphore(%arg16 : memref<!tpu.dma_semaphore, #tpu.memory_space<semaphore_mem>>) src(%dma_wait3A_152 : memref<384xi32, #tpu.memory_space<hbm>>) dst(%dma_wait3A_151 : memref<384xi32, #tpu.memory_space<vmem>>)
    %scan3A = arith.constant 0 : i32
    %scan3A_153 = arith.constant 0 : i32
    %scan3A_154 = arith.constant 4 : i32
    %scan3A_155 = arith.addi %scan3A_153, %scan3A_154 : i32
    %scan3A_156 = arith.constant 1 : i32
    scf.for %scan3A_158 = %scan3A_153 to %scan3A_155 step %scan3A_156  : i32 {
      %mul3A_159 = arith.constant 2 : i32
      %mul3A_160 = arith.muli %scan3A_158, %mul3A_159 : i32
      %dma_wait3A_161 = arith.constant 0 : i32
      %dma_wait3A_162 = arith.constant 0 : i32
      %dma_wait3A_163 = arith.constant 0 : i32
      %dma_wait3A_164 = tpu.memref_slice %arg11[%dma_wait3A_161, %dma_wait3A_162, %dma_wait3A_163] : memref<2x64x128xf32, #tpu.memory_space<vmem>> -> memref<1x64x128xf32, #tpu.memory_space<vmem>>
      %dma_wait3A_165 = tpu.memref_squeeze %dma_wait3A_164 : memref<1x64x128xf32, #tpu.memory_space<vmem>> -> memref<64x128xf32, #tpu.memory_space<vmem>>
      %dma_wait3A_166 = arith.constant 0 : i32
      %dma_wait3A_167 = arith.constant 0 : i32
      %dma_wait3A_168 = tpu.memref_slice %dma_wait3A_165[%dma_wait3A_166, %dma_wait3A_167] : memref<64x128xf32, #tpu.memory_space<vmem>> -> memref<64x128xf32, #tpu.memory_space<vmem>>
      %dma_wait3A_169 = arith.constant 0 : i32
      %dma_wait3A_170 = tpu.memref_slice %arg8[%dma_wait3A_169] : memref<512xi32, #tpu.memory_space<vmem>> -> memref<64xi32, #tpu.memory_space<vmem>>
      %dma_wait3A_171 = arith.constant 0 : i32
      %dma_wait3A_172 = arith.constant 0 : i32
      %dma_wait3A_173 = tpu.memref_slice %arg2[%dma_wait3A_171, %dma_wait3A_172] : memref<100000x128xf32, #tpu.memory_space<hbm>> -> memref<100000x128xf32, #tpu.memory_space<hbm>>
      tpu.wait_indirect_dma semaphore(%arg16 : memref<!tpu.dma_semaphore, #tpu.memory_space<semaphore_mem>>) src(%dma_wait3A_173 : memref<100000x128xf32, #tpu.memory_space<hbm>>) dst(%dma_wait3A_168 : memref<64x128xf32, #tpu.memory_space<vmem>>)
      %dma_wait3A_174 = arith.constant 0 : i32
      %dma_wait3A_175 = arith.constant 0 : i32
      %dma_wait3A_176 = arith.constant 0 : i32
      %dma_wait3A_177 = tpu.memref_slice %arg12[%dma_wait3A_174, %dma_wait3A_175, %dma_wait3A_176] : memref<2x64x128xf32, #tpu.memory_space<vmem>> -> memref<1x64x128xf32, #tpu.memory_space<vmem>>
      %dma_wait3A_178 = tpu.memref_squeeze %dma_wait3A_177 : memref<1x64x128xf32, #tpu.memory_space<vmem>> -> memref<64x128xf32, #tpu.memory_space<vmem>>
      %dma_wait3A_179 = arith.constant 0 : i32
      %dma_wait3A_180 = arith.constant 0 : i32
      %dma_wait3A_181 = tpu.memref_slice %dma_wait3A_178[%dma_wait3A_179, %dma_wait3A_180] : memref<64x128xf32, #tpu.memory_space<vmem>> -> memref<64x128xf32, #tpu.memory_space<vmem>>
      %dma_wait3A_182 = arith.constant 0 : i32
      %dma_wait3A_183 = tpu.memref_slice %arg9[%dma_wait3A_182] : memref<512xi32, #tpu.memory_space<vmem>> -> memref<64xi32, #tpu.memory_space<vmem>>
      %dma_wait3A_184 = arith.constant 0 : i32
      %dma_wait3A_185 = arith.constant 0 : i32
      %dma_wait3A_186 = tpu.memref_slice %arg3[%dma_wait3A_184, %dma_wait3A_185] : memref<1000x128xf32, #tpu.memory_space<hbm>> -> memref<1000x128xf32, #tpu.memory_space<hbm>>
      tpu.wait_indirect_dma semaphore(%arg16 : memref<!tpu.dma_semaphore, #tpu.memory_space<semaphore_mem>>) src(%dma_wait3A_186 : memref<1000x128xf32, #tpu.memory_space<hbm>>) dst(%dma_wait3A_181 : memref<64x128xf32, #tpu.memory_space<vmem>>)
      %dma_wait3A_187 = arith.constant 0 : i32
      %dma_wait3A_188 = arith.constant 0 : i32
      %dma_wait3A_189 = arith.constant 0 : i32
      %dma_wait3A_190 = tpu.memref_slice %arg13[%dma_wait3A_187, %dma_wait3A_188, %dma_wait3A_189] : memref<2x64x128xf32, #tpu.memory_space<vmem>> -> memref<1x64x128xf32, #tpu.memory_space<vmem>>
      %dma_wait3A_191 = tpu.memref_squeeze %dma_wait3A_190 : memref<1x64x128xf32, #tpu.memory_space<vmem>> -> memref<64x128xf32, #tpu.memory_space<vmem>>
      %dma_wait3A_192 = arith.constant 0 : i32
      %dma_wait3A_193 = arith.constant 0 : i32
      %dma_wait3A_194 = tpu.memref_slice %dma_wait3A_191[%dma_wait3A_192, %dma_wait3A_193] : memref<64x128xf32, #tpu.memory_space<vmem>> -> memref<64x128xf32, #tpu.memory_space<vmem>>
      %dma_wait3A_195 = arith.constant 0 : i32
      %dma_wait3A_196 = tpu.memref_slice %arg10[%dma_wait3A_195] : memref<512xi32, #tpu.memory_space<vmem>> -> memref<64xi32, #tpu.memory_space<vmem>>
      %dma_wait3A_197 = arith.constant 0 : i32
      %dma_wait3A_198 = arith.constant 0 : i32
      %dma_wait3A_199 = tpu.memref_slice %arg2[%dma_wait3A_197, %dma_wait3A_198] : memref<100000x128xf32, #tpu.memory_space<hbm>> -> memref<100000x128xf32, #tpu.memory_space<hbm>>
      tpu.wait_indirect_dma semaphore(%arg16 : memref<!tpu.dma_semaphore, #tpu.memory_space<semaphore_mem>>) src(%dma_wait3A_199 : memref<100000x128xf32, #tpu.memory_space<hbm>>) dst(%dma_wait3A_194 : memref<64x128xf32, #tpu.memory_space<vmem>>)
      %scan3A_200 = arith.constant 0 : i32
      %scan3A_201 = arith.constant 0 : i32
      %scan3A_202 = arith.constant 4 : i32
      %scan3A_203 = arith.addi %scan3A_201, %scan3A_202 : i32
      %scan3A_204 = arith.constant 1 : i32
      scf.for %scan3A_264 = %scan3A_201 to %scan3A_203 step %scan3A_204  : i32 {
        %mul3A_265 = arith.constant 16 : i32
        %mul3A_266 = arith.muli %scan3A_264, %mul3A_265 : i32
        %add3A_267 = arith.constant 0 : i32
        %add3A_268 = arith.addi %mul3A_266, %add3A_267 : i32
        %get3A = arith.constant 0 : i32
        %get3A_269 = arith.index_cast %get3A : i32 to index
        %get3A_270 = arith.index_cast %add3A_268 : i32 to index
        %get3A_271 = arith.constant 0 : index
        %get3A_272 = tpu.vector_load %arg11[%get3A_269, %get3A_270, %get3A_271] {strides = array<i32>} : memref<2x64x128xf32, #tpu.memory_space<vmem>>, vector<16xf32>,
        %get3A_273 = arith.constant 0 : i32
        %get3A_274 = arith.index_cast %get3A_273 : i32 to index
        %get3A_275 = arith.index_cast %add3A_268 : i32 to index
        %get3A_276 = arith.constant 0 : index
        %get3A_277 = tpu.vector_load %arg12[%get3A_274, %get3A_275, %get3A_276] {strides = array<i32>} : memref<2x64x128xf32, #tpu.memory_space<vmem>>, vector<16xf32>,
        %mul3A_278 = arith.mulf %get3A_272, %get3A_277 : vector<16xf32>
        %get3A_279 = arith.constant 0 : i32
        %get3A_280 = arith.index_cast %get3A_279 : i32 to index
        %get3A_281 = arith.index_cast %add3A_268 : i32 to index
        %get3A_282 = arith.constant 0 : index
        %get3A_283 = tpu.vector_load %arg13[%get3A_280, %get3A_281, %get3A_282] {strides = array<i32>} : memref<2x64x128xf32, #tpu.memory_space<vmem>>, vector<16xf32>,
        %mul3A_284 = arith.mulf %mul3A_278, %get3A_283 : vector<16xf32>
        %get3A_285 = arith.constant 0 : i32
        %get3A_286 = arith.index_cast %get3A_285 : i32 to index
        %get3A_287 = arith.index_cast %add3A_268 : i32 to index
        %get3A_288 = arith.constant 16 : index
        %get3A_289 = tpu.vector_load %arg11[%get3A_286, %get3A_287, %get3A_288] {strides = array<i32>} : memref<2x64x128xf32, #tpu.memory_space<vmem>>, vector<16xf32>,
        %get3A_290 = arith.constant 0 : i32
        %get3A_291 = arith.index_cast %get3A_290 : i32 to index
        %get3A_292 = arith.index_cast %add3A_268 : i32 to index
        %get3A_293 = arith.constant 16 : index
        %get3A_294 = tpu.vector_load %arg12[%get3A_291, %get3A_292, %get3A_293] {strides = array<i32>} : memref<2x64x128xf32, #tpu.memory_space<vmem>>, vector<16xf32>,
        %mul3A_295 = arith.mulf %get3A_289, %get3A_294 : vector<16xf32>
        %get3A_296 = arith.constant 0 : i32
        %get3A_297 = arith.index_cast %get3A_296 : i32 to index
        %get3A_298 = arith.index_cast %add3A_268 : i32 to index
        %get3A_299 = arith.constant 16 : index
        %get3A_300 = tpu.vector_load %arg13[%get3A_297, %get3A_298, %get3A_299] {strides = array<i32>} : memref<2x64x128xf32, #tpu.memory_space<vmem>>, vector<16xf32>,
        %mul3A_301 = arith.mulf %mul3A_295, %get3A_300 : vector<16xf32>
        %add3A_302 = arith.addf %mul3A_284, %mul3A_301 : vector<16xf32>
        %get3A_303 = arith.constant 0 : i32
        %get3A_304 = arith.index_cast %get3A_303 : i32 to index
        %get3A_305 = arith.index_cast %add3A_268 : i32 to index
        %get3A_306 = arith.constant 32 : index
        %get3A_307 = tpu.vector_load %arg11[%get3A_304, %get3A_305, %get3A_306] {strides = array<i32>} : memref<2x64x128xf32, #tpu.memory_space<vmem>>, vector<16xf32>,
        %get3A_308 = arith.constant 0 : i32
        %get3A_309 = arith.index_cast %get3A_308 : i32 to index
        %get3A_310 = arith.index_cast %add3A_268 : i32 to index
        %get3A_311 = arith.constant 32 : index
        %get3A_312 = tpu.vector_load %arg12[%get3A_309, %get3A_310, %get3A_311] {strides = array<i32>} : memref<2x64x128xf32, #tpu.memory_space<vmem>>, vector<16xf32>,
        %mul3A_313 = arith.mulf %get3A_307, %get3A_312 : vector<16xf32>
        %get3A_314 = arith.constant 0 : i32
        %get3A_315 = arith.index_cast %get3A_314 : i32 to index
        %get3A_316 = arith.index_cast %add3A_268 : i32 to index
        %get3A_317 = arith.constant 32 : index
        %get3A_318 = tpu.vector_load %arg13[%get3A_315, %get3A_316, %get3A_317] {strides = array<i32>} : memref<2x64x128xf32, #tpu.memory_space<vmem>>, vector<16xf32>,
        %mul3A_319 = arith.mulf %mul3A_313, %get3A_318 : vector<16xf32>
        %add3A_320 = arith.addf %add3A_302, %mul3A_319 : vector<16xf32>
        %get3A_321 = arith.constant 0 : i32
        %get3A_322 = arith.index_cast %get3A_321 : i32 to index
        %get3A_323 = arith.index_cast %add3A_268 : i32 to index
        %get3A_324 = arith.constant 48 : index
        %get3A_325 = tpu.vector_load %arg11[%get3A_322, %get3A_323, %get3A_324] {strides = array<i32>} : memref<2x64x128xf32, #tpu.memory_space<vmem>>, vector<16xf32>,
        %get3A_326 = arith.constant 0 : i32
        %get3A_327 = arith.index_cast %get3A_326 : i32 to index
        %get3A_328 = arith.index_cast %add3A_268 : i32 to index
        %get3A_329 = arith.constant 48 : index
        %get3A_330 = tpu.vector_load %arg12[%get3A_327, %get3A_328, %get3A_329] {strides = array<i32>} : memref<2x64x128xf32, #tpu.memory_space<vmem>>, vector<16xf32>,
        %mul3A_331 = arith.mulf %get3A_325, %get3A_330 : vector<16xf32>
        %get3A_332 = arith.constant 0 : i32
        %get3A_333 = arith.index_cast %get3A_332 : i32 to index
        %get3A_334 = arith.index_cast %add3A_268 : i32 to index
        %get3A_335 = arith.constant 48 : index
        %get3A_336 = tpu.vector_load %arg13[%get3A_333, %get3A_334, %get3A_335] {strides = array<i32>} : memref<2x64x128xf32, #tpu.memory_space<vmem>>, vector<16xf32>,
        %mul3A_337 = arith.mulf %mul3A_331, %get3A_336 : vector<16xf32>
        %add3A_338 = arith.addf %add3A_320, %mul3A_337 : vector<16xf32>
        %get3A_339 = arith.constant 0 : i32
        %get3A_340 = arith.index_cast %get3A_339 : i32 to index
        %get3A_341 = arith.index_cast %add3A_268 : i32 to index
        %get3A_342 = arith.constant 64 : index
        %get3A_343 = tpu.vector_load %arg11[%get3A_340, %get3A_341, %get3A_342] {strides = array<i32>} : memref<2x64x128xf32, #tpu.memory_space<vmem>>, vector<16xf32>,
        %get3A_344 = arith.constant 0 : i32
        %get3A_345 = arith.index_cast %get3A_344 : i32 to index
        %get3A_346 = arith.index_cast %add3A_268 : i32 to index
        %get3A_347 = arith.constant 64 : index
        %get3A_348 = tpu.vector_load %arg12[%get3A_345, %get3A_346, %get3A_347] {strides = array<i32>} : memref<2x64x128xf32, #tpu.memory_space<vmem>>, vector<16xf32>,
        %mul3A_349 = arith.mulf %get3A_343, %get3A_348 : vector<16xf32>
        %get3A_350 = arith.constant 0 : i32
        %get3A_351 = arith.index_cast %get3A_350 : i32 to index
        %get3A_352 = arith.index_cast %add3A_268 : i32 to index
        %get3A_353 = arith.constant 64 : index
        %get3A_354 = tpu.vector_load %arg13[%get3A_351, %get3A_352, %get3A_353] {strides = array<i32>} : memref<2x64x128xf32, #tpu.memory_space<vmem>>, vector<16xf32>,
        %mul3A_355 = arith.mulf %mul3A_349, %get3A_354 : vector<16xf32>
        %add3A_356 = arith.addf %add3A_338, %mul3A_355 : vector<16xf32>
        %get3A_357 = arith.constant 0 : i32
        %get3A_358 = arith.index_cast %get3A_357 : i32 to index
        %get3A_359 = arith.index_cast %add3A_268 : i32 to index
        %get3A_360 = arith.constant 80 : index
        %get3A_361 = tpu.vector_load %arg11[%get3A_358, %get3A_359, %get3A_360] {strides = array<i32>} : memref<2x64x128xf32, #tpu.memory_space<vmem>>, vector<16xf32>,
        %get3A_362 = arith.constant 0 : i32
        %get3A_363 = arith.index_cast %get3A_362 : i32 to index
        %get3A_364 = arith.index_cast %add3A_268 : i32 to index
        %get3A_365 = arith.constant 80 : index
        %get3A_366 = tpu.vector_load %arg12[%get3A_363, %get3A_364, %get3A_365] {strides = array<i32>} : memref<2x64x128xf32, #tpu.memory_space<vmem>>, vector<16xf32>,
        %mul3A_367 = arith.mulf %get3A_361, %get3A_366 : vector<16xf32>
        %get3A_368 = arith.constant 0 : i32
        %get3A_369 = arith.index_cast %get3A_368 : i32 to index
        %get3A_370 = arith.index_cast %add3A_268 : i32 to index
        %get3A_371 = arith.constant 80 : index
        %get3A_372 = tpu.vector_load %arg13[%get3A_369, %get3A_370, %get3A_371] {strides = array<i32>} : memref<2x64x128xf32, #tpu.memory_space<vmem>>, vector<16xf32>,
        %mul3A_373 = arith.mulf %mul3A_367, %get3A_372 : vector<16xf32>
        %add3A_374 = arith.addf %add3A_356, %mul3A_373 : vector<16xf32>
        %get3A_375 = arith.constant 0 : i32
        %get3A_376 = arith.index_cast %get3A_375 : i32 to index
        %get3A_377 = arith.index_cast %add3A_268 : i32 to index
        %get3A_378 = arith.constant 96 : index
        %get3A_379 = tpu.vector_load %arg11[%get3A_376, %get3A_377, %get3A_378] {strides = array<i32>} : memref<2x64x128xf32, #tpu.memory_space<vmem>>, vector<16xf32>,
        %get3A_380 = arith.constant 0 : i32
        %get3A_381 = arith.index_cast %get3A_380 : i32 to index
        %get3A_382 = arith.index_cast %add3A_268 : i32 to index
        %get3A_383 = arith.constant 96 : index
        %get3A_384 = tpu.vector_load %arg12[%get3A_381, %get3A_382, %get3A_383] {strides = array<i32>} : memref<2x64x128xf32, #tpu.memory_space<vmem>>, vector<16xf32>,
        %mul3A_385 = arith.mulf %get3A_379, %get3A_384 : vector<16xf32>
        %get3A_386 = arith.constant 0 : i32
        %get3A_387 = arith.index_cast %get3A_386 : i32 to index
        %get3A_388 = arith.index_cast %add3A_268 : i32 to index
        %get3A_389 = arith.constant 96 : index
        %get3A_390 = tpu.vector_load %arg13[%get3A_387, %get3A_388, %get3A_389] {strides = array<i32>} : memref<2x64x128xf32, #tpu.memory_space<vmem>>, vector<16xf32>,
        %mul3A_391 = arith.mulf %mul3A_385, %get3A_390 : vector<16xf32>
        %add3A_392 = arith.addf %add3A_374, %mul3A_391 : vector<16xf32>
        %get3A_393 = arith.constant 0 : i32
        %get3A_394 = arith.index_cast %get3A_393 : i32 to index
        %get3A_395 = arith.index_cast %add3A_268 : i32 to index
        %get3A_396 = arith.constant 112 : index
        %get3A_397 = tpu.vector_load %arg11[%get3A_394, %get3A_395, %get3A_396] {strides = array<i32>} : memref<2x64x128xf32, #tpu.memory_space<vmem>>, vector<16xf32>,
        %get3A_398 = arith.constant 0 : i32
        %get3A_399 = arith.index_cast %get3A_398 : i32 to index
        %get3A_400 = arith.index_cast %add3A_268 : i32 to index
        %get3A_401 = arith.constant 112 : index
        %get3A_402 = tpu.vector_load %arg12[%get3A_399, %get3A_400, %get3A_401] {strides = array<i32>} : memref<2x64x128xf32, #tpu.memory_space<vmem>>, vector<16xf32>,
        %mul3A_403 = arith.mulf %get3A_397, %get3A_402 : vector<16xf32>
        %get3A_404 = arith.constant 0 : i32
        %get3A_405 = arith.index_cast %get3A_404 : i32 to index
        %get3A_406 = arith.index_cast %add3A_268 : i32 to index
        %get3A_407 = arith.constant 112 : index
        %get3A_408 = tpu.vector_load %arg13[%get3A_405, %get3A_406, %get3A_407] {strides = array<i32>} : memref<2x64x128xf32, #tpu.memory_space<vmem>>, vector<16xf32>,
        %mul3A_409 = arith.mulf %mul3A_403, %get3A_408 : vector<16xf32>
        %add3A_410 = arith.addf %add3A_392, %mul3A_409 : vector<16xf32>
        %swap3A = arith.constant 0 : index
        %swap3A_411 = tpu.vector_load %arg15[%swap3A] {strides = array<i32>} : memref<256xf32, #tpu.memory_space<vmem>>, vector<16xf32>,
        tpu.vector_store %arg15[%swap3A], %add3A_410 {strides = array<i32>} : memref<256xf32, #tpu.memory_space<vmem>>, vector<16xf32>,
        %mul3A_412 = arith.constant 16 : i32
        %mul3A_413 = arith.muli %scan3A_264, %mul3A_412 : i32
        %add3A_414 = arith.constant 1 : i32
        %add3A_415 = arith.addi %mul3A_413, %add3A_414 : i32
        %get3A_416 = arith.constant 0 : i32
        %get3A_417 = arith.index_cast %get3A_416 : i32 to index
        %get3A_418 = arith.index_cast %add3A_415 : i32 to index
        %get3A_419 = arith.constant 0 : index
        %get3A_420 = tpu.vector_load %arg11[%get3A_417, %get3A_418, %get3A_419] {strides = array<i32>} : memref<2x64x128xf32, #tpu.memory_space<vmem>>, vector<16xf32>,
        %get3A_421 = arith.constant 0 : i32
        %get3A_422 = arith.index_cast %get3A_421 : i32 to index
        %get3A_423 = arith.index_cast %add3A_415 : i32 to index
        %get3A_424 = arith.constant 0 : index
        %get3A_425 = tpu.vector_load %arg12[%get3A_422, %get3A_423, %get3A_424] {strides = array<i32>} : memref<2x64x128xf32, #tpu.memory_space<vmem>>, vector<16xf32>,
        %mul3A_426 = arith.mulf %get3A_420, %get3A_425 : vector<16xf32>
        %get3A_427 = arith.constant 0 : i32
        %get3A_428 = arith.index_cast %get3A_427 : i32 to index
        %get3A_429 = arith.index_cast %add3A_415 : i32 to index
        %get3A_430 = arith.constant 0 : index
        %get3A_431 = tpu.vector_load %arg13[%get3A_428, %get3A_429, %get3A_430] {strides = array<i32>} : memref<2x64x128xf32, #tpu.memory_space<vmem>>, vector<16xf32>,
        %mul3A_432 = arith.mulf %mul3A_426, %get3A_431 : vector<16xf32>
        %get3A_433 = arith.constant 0 : i32
        %get3A_434 = arith.index_cast %get3A_433 : i32 to index
        %get3A_435 = arith.index_cast %add3A_415 : i32 to index
        %get3A_436 = arith.constant 16 : index
        %get3A_437 = tpu.vector_load %arg11[%get3A_434, %get3A_435, %get3A_436] {strides = array<i32>} : memref<2x64x128xf32, #tpu.memory_space<vmem>>, vector<16xf32>,
        %get3A_438 = arith.constant 0 : i32
        %get3A_439 = arith.index_cast %get3A_438 : i32 to index
        %get3A_440 = arith.index_cast %add3A_415 : i32 to index
        %get3A_441 = arith.constant 16 : index
        %get3A_442 = tpu.vector_load %arg12[%get3A_439, %get3A_440, %get3A_441] {strides = array<i32>} : memref<2x64x128xf32, #tpu.memory_space<vmem>>, vector<16xf32>,
        %mul3A_443 = arith.mulf %get3A_437, %get3A_442 : vector<16xf32>
        %get3A_444 = arith.constant 0 : i32
        %get3A_445 = arith.index_cast %get3A_444 : i32 to index
        %get3A_446 = arith.index_cast %add3A_415 : i32 to index
        %get3A_447 = arith.constant 16 : index
        %get3A_448 = tpu.vector_load %arg13[%get3A_445, %get3A_446, %get3A_447] {strides = array<i32>} : memref<2x64x128xf32, #tpu.memory_space<vmem>>, vector<16xf32>,
        %mul3A_449 = arith.mulf %mul3A_443, %get3A_448 : vector<16xf32>
        %add3A_450 = arith.addf %mul3A_432, %mul3A_449 : vector<16xf32>
        %get3A_451 = arith.constant 0 : i32
        %get3A_452 = arith.index_cast %get3A_451 : i32 to index
        %get3A_453 = arith.index_cast %add3A_415 : i32 to index
        %get3A_454 = arith.constant 32 : index
        %get3A_455 = tpu.vector_load %arg11[%get3A_452, %get3A_453, %get3A_454] {strides = array<i32>} : memref<2x64x128xf32, #tpu.memory_space<vmem>>, vector<16xf32>,
        %get3A_456 = arith.constant 0 : i32
        %get3A_457 = arith.index_cast %get3A_456 : i32 to index
        %get3A_458 = arith.index_cast %add3A_415 : i32 to index
        %get3A_459 = arith.constant 32 : index
        %get3A_460 = tpu.vector_load %arg12[%get3A_457, %get3A_458, %get3A_459] {strides = array<i32>} : memref<2x64x128xf32, #tpu.memory_space<vmem>>, vector<16xf32>,
        %mul3A_461 = arith.mulf %get3A_455, %get3A_460 : vector<16xf32>
        %get3A_462 = arith.constant 0 : i32
        %get3A_463 = arith.index_cast %get3A_462 : i32 to index
        %get3A_464 = arith.index_cast %add3A_415 : i32 to index
        %get3A_465 = arith.constant 32 : index
        %get3A_466 = tpu.vector_load %arg13[%get3A_463, %get3A_464, %get3A_465] {strides = array<i32>} : memref<2x64x128xf32, #tpu.memory_space<vmem>>, vector<16xf32>,
        %mul3A_467 = arith.mulf %mul3A_461, %get3A_466 : vector<16xf32>
        %add3A_468 = arith.addf %add3A_450, %mul3A_467 : vector<16xf32>
        %get3A_469 = arith.constant 0 : i32
        %get3A_470 = arith.index_cast %get3A_469 : i32 to index
        %get3A_471 = arith.index_cast %add3A_415 : i32 to index
        %get3A_472 = arith.constant 48 : index
        %get3A_473 = tpu.vector_load %arg11[%get3A_470, %get3A_471, %get3A_472] {strides = array<i32>} : memref<2x64x128xf32, #tpu.memory_space<vmem>>, vector<16xf32>,
        %get3A_474 = arith.constant 0 : i32
        %get3A_475 = arith.index_cast %get3A_474 : i32 to index
        %get3A_476 = arith.index_cast %add3A_415 : i32 to index
        %get3A_477 = arith.constant 48 : index
        %get3A_478 = tpu.vector_load %arg12[%get3A_475, %get3A_476, %get3A_477] {strides = array<i32>} : memref<2x64x128xf32, #tpu.memory_space<vmem>>, vector<16xf32>,
        %mul3A_479 = arith.mulf %get3A_473, %get3A_478 : vector<16xf32>
        %get3A_480 = arith.constant 0 : i32
        %get3A_481 = arith.index_cast %get3A_480 : i32 to index
        %get3A_482 = arith.index_cast %add3A_415 : i32 to index
        %get3A_483 = arith.constant 48 : index
        %get3A_484 = tpu.vector_load %arg13[%get3A_481, %get3A_482, %get3A_483] {strides = array<i32>} : memref<2x64x128xf32, #tpu.memory_space<vmem>>, vector<16xf32>,
        %mul3A_485 = arith.mulf %mul3A_479, %get3A_484 : vector<16xf32>
        %add3A_486 = arith.addf %add3A_468, %mul3A_485 : vector<16xf32>
        %get3A_487 = arith.constant 0 : i32
        %get3A_488 = arith.index_cast %get3A_487 : i32 to index
        %get3A_489 = arith.index_cast %add3A_415 : i32 to index
        %get3A_490 = arith.constant 64 : index
        %get3A_491 = tpu.vector_load %arg11[%get3A_488, %get3A_489, %get3A_490] {strides = array<i32>} : memref<2x64x128xf32, #tpu.memory_space<vmem>>, vector<16xf32>,
        %get3A_492 = arith.constant 0 : i32
        %get3A_493 = arith.index_cast %get3A_492 : i32 to index
        %get3A_494 = arith.index_cast %add3A_415 : i32 to index
        %get3A_495 = arith.constant 64 : index
        %get3A_496 = tpu.vector_load %arg12[%get3A_493, %get3A_494, %get3A_495] {strides = array<i32>} : memref<2x64x128xf32, #tpu.memory_space<vmem>>, vector<16xf32>,
        %mul3A_497 = arith.mulf %get3A_491, %get3A_496 : vector<16xf32>
        %get3A_498 = arith.constant 0 : i32
        %get3A_499 = arith.index_cast %get3A_498 : i32 to index
        %get3A_500 = arith.index_cast %add3A_415 : i32 to index
        %get3A_501 = arith.constant 64 : index
        %get3A_502 = tpu.vector_load %arg13[%get3A_499, %get3A_500, %get3A_501] {strides = array<i32>} : memref<2x64x128xf32, #tpu.memory_space<vmem>>, vector<16xf32>,
        %mul3A_503 = arith.mulf %mul3A_497, %get3A_502 : vector<16xf32>
        %add3A_504 = arith.addf %add3A_486, %mul3A_503 : vector<16xf32>
        %get3A_505 = arith.constant 0 : i32
        %get3A_506 = arith.index_cast %get3A_505 : i32 to index
        %get3A_507 = arith.index_cast %add3A_415 : i32 to index
        %get3A_508 = arith.constant 80 : index
        %get3A_509 = tpu.vector_load %arg11[%get3A_506, %get3A_507, %get3A_508] {strides = array<i32>} : memref<2x64x128xf32, #tpu.memory_space<vmem>>, vector<16xf32>,
        %get3A_510 = arith.constant 0 : i32
        %get3A_511 = arith.index_cast %get3A_510 : i32 to index
        %get3A_512 = arith.index_cast %add3A_415 : i32 to index
        %get3A_513 = arith.constant 80 : index
        %get3A_514 = tpu.vector_load %arg12[%get3A_511, %get3A_512, %get3A_513] {strides = array<i32>} : memref<2x64x128xf32, #tpu.memory_space<vmem>>, vector<16xf32>,
        %mul3A_515 = arith.mulf %get3A_509, %get3A_514 : vector<16xf32>
        %get3A_516 = arith.constant 0 : i32
        %get3A_517 = arith.index_cast %get3A_516 : i32 to index
        %get3A_518 = arith.index_cast %add3A_415 : i32 to index
        %get3A_519 = arith.constant 80 : index
        %get3A_520 = tpu.vector_load %arg13[%get3A_517, %get3A_518, %get3A_519] {strides = array<i32>} : memref<2x64x128xf32, #tpu.memory_space<vmem>>, vector<16xf32>,
        %mul3A_521 = arith.mulf %mul3A_515, %get3A_520 : vector<16xf32>
        %add3A_522 = arith.addf %add3A_504, %mul3A_521 : vector<16xf32>
        %get3A_523 = arith.constant 0 : i32
        %get3A_524 = arith.index_cast %get3A_523 : i32 to index
        %get3A_525 = arith.index_cast %add3A_415 : i32 to index
        %get3A_526 = arith.constant 96 : index
        %get3A_527 = tpu.vector_load %arg11[%get3A_524, %get3A_525, %get3A_526] {strides = array<i32>} : memref<2x64x128xf32, #tpu.memory_space<vmem>>, vector<16xf32>,
        %get3A_528 = arith.constant 0 : i32
        %get3A_529 = arith.index_cast %get3A_528 : i32 to index
        %get3A_530 = arith.index_cast %add3A_415 : i32 to index
        %get3A_531 = arith.constant 96 : index
        %get3A_532 = tpu.vector_load %arg12[%get3A_529, %get3A_530, %get3A_531] {strides = array<i32>} : memref<2x64x128xf32, #tpu.memory_space<vmem>>, vector<16xf32>,
        %mul3A_533 = arith.mulf %get3A_527, %get3A_532 : vector<16xf32>
        %get3A_534 = arith.constant 0 : i32
        %get3A_535 = arith.index_cast %get3A_534 : i32 to index
        %get3A_536 = arith.index_cast %add3A_415 : i32 to index
        %get3A_537 = arith.constant 96 : index
        %get3A_538 = tpu.vector_load %arg13[%get3A_535, %get3A_536, %get3A_537] {strides = array<i32>} : memref<2x64x128xf32, #tpu.memory_space<vmem>>, vector<16xf32>,
        %mul3A_539 = arith.mulf %mul3A_533, %get3A_538 : vector<16xf32>
        %add3A_540 = arith.addf %add3A_522, %mul3A_539 : vector<16xf32>
        %get3A_541 = arith.constant 0 : i32
        %get3A_542 = arith.index_cast %get3A_541 : i32 to index
        %get3A_543 = arith.index_cast %add3A_415 : i32 to index
        %get3A_544 = arith.constant 112 : index
        %get3A_545 = tpu.vector_load %arg11[%get3A_542, %get3A_543, %get3A_544] {strides = array<i32>} : memref<2x64x128xf32, #tpu.memory_space<vmem>>, vector<16xf32>,
        %get3A_546 = arith.constant 0 : i32
        %get3A_547 = arith.index_cast %get3A_546 : i32 to index
        %get3A_548 = arith.index_cast %add3A_415 : i32 to index
        %get3A_549 = arith.constant 112 : index
        %get3A_550 = tpu.vector_load %arg12[%get3A_547, %get3A_548, %get3A_549] {strides = array<i32>} : memref<2x64x128xf32, #tpu.memory_space<vmem>>, vector<16xf32>,
        %mul3A_551 = arith.mulf %get3A_545, %get3A_550 : vector<16xf32>
        %get3A_552 = arith.constant 0 : i32
        %get3A_553 = arith.index_cast %get3A_552 : i32 to index
        %get3A_554 = arith.index_cast %add3A_415 : i32 to index
        %get3A_555 = arith.constant 112 : index
        %get3A_556 = tpu.vector_load %arg13[%get3A_553, %get3A_554, %get3A_555] {strides = array<i32>} : memref<2x64x128xf32, #tpu.memory_space<vmem>>, vector<16xf32>,
        %mul3A_557 = arith.mulf %mul3A_551, %get3A_556 : vector<16xf32>
        %add3A_558 = arith.addf %add3A_540, %mul3A_557 : vector<16xf32>
        %swap3A_559 = arith.constant 16 : index
        %swap3A_560 = tpu.vector_load %arg15[%swap3A_559] {strides = array<i32>} : memref<256xf32, #tpu.memory_space<vmem>>, vector<16xf32>,
        tpu.vector_store %arg15[%swap3A_559], %add3A_558 {strides = array<i32>} : memref<256xf32, #tpu.memory_space<vmem>>, vector<16xf32>,
        %mul3A_561 = arith.constant 16 : i32
        %mul3A_562 = arith.muli %scan3A_264, %mul3A_561 : i32
        %add3A_563 = arith.constant 2 : i32
        %add3A_564 = arith.addi %mul3A_562, %add3A_563 : i32
        %get3A_565 = arith.constant 0 : i32
        %get3A_566 = arith.index_cast %get3A_565 : i32 to index
        %get3A_567 = arith.index_cast %add3A_564 : i32 to index
        %get3A_568 = arith.constant 0 : index
        %get3A_569 = tpu.vector_load %arg11[%get3A_566, %get3A_567, %get3A_568] {strides = array<i32>} : memref<2x64x128xf32, #tpu.memory_space<vmem>>, vector<16xf32>,
        %get3A_570 = arith.constant 0 : i32
        %get3A_571 = arith.index_cast %get3A_570 : i32 to index
        %get3A_572 = arith.index_cast %add3A_564 : i32 to index
        %get3A_573 = arith.constant 0 : index
        %get3A_574 = tpu.vector_load %arg12[%get3A_571, %get3A_572, %get3A_573] {strides = array<i32>} : memref<2x64x128xf32, #tpu.memory_space<vmem>>, vector<16xf32>,
        %mul3A_575 = arith.mulf %get3A_569, %get3A_574 : vector<16xf32>
        %get3A_576 = arith.constant 0 : i32
        %get3A_577 = arith.index_cast %get3A_576 : i32 to index
        %get3A_578 = arith.index_cast %add3A_564 : i32 to index
        %get3A_579 = arith.constant 0 : index
        %get3A_580 = tpu.vector_load %arg13[%get3A_577, %get3A_578, %get3A_579] {strides = array<i32>} : memref<2x64x128xf32, #tpu.memory_space<vmem>>, vector<16xf32>,
        %mul3A_581 = arith.mulf %mul3A_575, %get3A_580 : vector<16xf32>
        %get3A_582 = arith.constant 0 : i32
        %get3A_583 = arith.index_cast %get3A_582 : i32 to index
        %get3A_584 = arith.index_cast %add3A_564 : i32 to index
        %get3A_585 = arith.constant 16 : index
        %get3A_586 = tpu.vector_load %arg11[%get3A_583, %get3A_584, %get3A_585] {strides = array<i32>} : memref<2x64x128xf32, #tpu.memory_space<vmem>>, vector<16xf32>,
        %get3A_587 = arith.constant 0 : i32
        %get3A_588 = arith.index_cast %get3A_587 : i32 to index
        %get3A_589 = arith.index_cast %add3A_564 : i32 to index
        %get3A_590 = arith.constant 16 : index
        %get3A_591 = tpu.vector_load %arg12[%get3A_588, %get3A_589, %get3A_590] {strides = array<i32>} : memref<2x64x128xf32, #tpu.memory_space<vmem>>, vector<16xf32>,
        %mul3A_592 = arith.mulf %get3A_586, %get3A_591 : vector<16xf32>
        %get3A_593 = arith.constant 0 : i32
        %get3A_594 = arith.index_cast %get3A_593 : i32 to index
        %get3A_595 = arith.index_cast %add3A_564 : i32 to index
        %get3A_596 = arith.constant 16 : index
        %get3A_597 = tpu.vector_load %arg13[%get3A_594, %get3A_595, %get3A_596] {strides = array<i32>} : memref<2x64x128xf32, #tpu.memory_space<vmem>>, vector<16xf32>,
        %mul3A_598 = arith.mulf %mul3A_592, %get3A_597 : vector<16xf32>
        %add3A_599 = arith.addf %mul3A_581, %mul3A_598 : vector<16xf32>
        %get3A_600 = arith.constant 0 : i32
        %get3A_601 = arith.index_cast %get3A_600 : i32 to index
        %get3A_602 = arith.index_cast %add3A_564 : i32 to index
        %get3A_603 = arith.constant 32 : index
        %get3A_604 = tpu.vector_load %arg11[%get3A_601, %get3A_602, %get3A_603] {strides = array<i32>} : memref<2x64x128xf32, #tpu.memory_space<vmem>>, vector<16xf32>,
        %get3A_605 = arith.constant 0 : i32
        %get3A_606 = arith.index_cast %get3A_605 : i32 to index
        %get3A_607 = arith.index_cast %add3A_564 : i32 to index
        %get3A_608 = arith.constant 32 : index
        %get3A_609 = tpu.vector_load %arg12[%get3A_606, %get3A_607, %get3A_608] {strides = array<i32>} : memref<2x64x128xf32, #tpu.memory_space<vmem>>, vector<16xf32>,
        %mul3A_610 = arith.mulf %get3A_604, %get3A_609 : vector<16xf32>
        %get3A_611 = arith.constant 0 : i32
        %get3A_612 = arith.index_cast %get3A_611 : i32 to index
        %get3A_613 = arith.index_cast %add3A_564 : i32 to index
        %get3A_614 = arith.constant 32 : index
        %get3A_615 = tpu.vector_load %arg13[%get3A_612, %get3A_613, %get3A_614] {strides = array<i32>} : memref<2x64x128xf32, #tpu.memory_space<vmem>>, vector<16xf32>,
        %mul3A_616 = arith.mulf %mul3A_610, %get3A_615 : vector<16xf32>
        %add3A_617 = arith.addf %add3A_599, %mul3A_616 : vector<16xf32>
        %get3A_618 = arith.constant 0 : i32
        %get3A_619 = arith.index_cast %get3A_618 : i32 to index
        %get3A_620 = arith.index_cast %add3A_564 : i32 to index
        %get3A_621 = arith.constant 48 : index
        %get3A_622 = tpu.vector_load %arg11[%get3A_619, %get3A_620, %get3A_621] {strides = array<i32>} : memref<2x64x128xf32, #tpu.memory_space<vmem>>, vector<16xf32>,
        %get3A_623 = arith.constant 0 : i32
        %get3A_624 = arith.index_cast %get3A_623 : i32 to index
        %get3A_625 = arith.index_cast %add3A_564 : i32 to index
        %get3A_626 = arith.constant 48 : index
        %get3A_627 = tpu.vector_load %arg12[%get3A_624, %get3A_625, %get3A_626] {strides = array<i32>} : memref<2x64x128xf32, #tpu.memory_space<vmem>>, vector<16xf32>,
        %mul3A_628 = arith.mulf %get3A_622, %get3A_627 : vector<16xf32>
        %get3A_629 = arith.constant 0 : i32
        %get3A_630 = arith.index_cast %get3A_629 : i32 to index
        %get3A_631 = arith.index_cast %add3A_564 : i32 to index
        %get3A_632 = arith.constant 48 : index
        %get3A_633 = tpu.vector_load %arg13[%get3A_630, %get3A_631, %get3A_632] {strides = array<i32>} : memref<2x64x128xf32, #tpu.memory_space<vmem>>, vector<16xf32>,
        %mul3A_634 = arith.mulf %mul3A_628, %get3A_633 : vector<16xf32>
        %add3A_635 = arith.addf %add3A_617, %mul3A_634 : vector<16xf32>
        %get3A_636 = arith.constant 0 : i32
        %get3A_637 = arith.index_cast %get3A_636 : i32 to index
        %get3A_638 = arith.index_cast %add3A_564 : i32 to index
        %get3A_639 = arith.constant 64 : index
        %get3A_640 = tpu.vector_load %arg11[%get3A_637, %get3A_638, %get3A_639] {strides = array<i32>} : memref<2x64x128xf32, #tpu.memory_space<vmem>>, vector<16xf32>,
        %get3A_641 = arith.constant 0 : i32
        %get3A_642 = arith.index_cast %get3A_641 : i32 to index
        %get3A_643 = arith.index_cast %add3A_564 : i32 to index
        %get3A_644 = arith.constant 64 : index
        %get3A_645 = tpu.vector_load %arg12[%get3A_642, %get3A_643, %get3A_644] {strides = array<i32>} : memref<2x64x128xf32, #tpu.memory_space<vmem>>, vector<16xf32>,
        %mul3A_646 = arith.mulf %get3A_640, %get3A_645 : vector<16xf32>
        %get3A_647 = arith.constant 0 : i32
        %get3A_648 = arith.index_cast %get3A_647 : i32 to index
        %get3A_649 = arith.index_cast %add3A_564 : i32 to index
        %get3A_650 = arith.constant 64 : index
        %get3A_651 = tpu.vector_load %arg13[%get3A_648, %get3A_649, %get3A_650] {strides = array<i32>} : memref<2x64x128xf32, #tpu.memory_space<vmem>>, vector<16xf32>,
        %mul3A_652 = arith.mulf %mul3A_646, %get3A_651 : vector<16xf32>
        %add3A_653 = arith.addf %add3A_635, %mul3A_652 : vector<16xf32>
        %get3A_654 = arith.constant 0 : i32
        %get3A_655 = arith.index_cast %get3A_654 : i32 to index
        %get3A_656 = arith.index_cast %add3A_564 : i32 to index
        %get3A_657 = arith.constant 80 : index
        %get3A_658 = tpu.vector_load %arg11[%get3A_655, %get3A_656, %get3A_657] {strides = array<i32>} : memref<2x64x128xf32, #tpu.memory_space<vmem>>, vector<16xf32>,
        %get3A_659 = arith.constant 0 : i32
        %get3A_660 = arith.index_cast %get3A_659 : i32 to index
        %get3A_661 = arith.index_cast %add3A_564 : i32 to index
        %get3A_662 = arith.constant 80 : index
        %get3A_663 = tpu.vector_load %arg12[%get3A_660, %get3A_661, %get3A_662] {strides = array<i32>} : memref<2x64x128xf32, #tpu.memory_space<vmem>>, vector<16xf32>,
        %mul3A_664 = arith.mulf %get3A_658, %get3A_663 : vector<16xf32>
        %get3A_665 = arith.constant 0 : i32
        %get3A_666 = arith.index_cast %get3A_665 : i32 to index
        %get3A_667 = arith.index_cast %add3A_564 : i32 to index
        %get3A_668 = arith.constant 80 : index
        %get3A_669 = tpu.vector_load %arg13[%get3A_666, %get3A_667, %get3A_668] {strides = array<i32>} : memref<2x64x128xf32, #tpu.memory_space<vmem>>, vector<16xf32>,
        %mul3A_670 = arith.mulf %mul3A_664, %get3A_669 : vector<16xf32>
        %add3A_671 = arith.addf %add3A_653, %mul3A_670 : vector<16xf32>
        %get3A_672 = arith.constant 0 : i32
        %get3A_673 = arith.index_cast %get3A_672 : i32 to index
        %get3A_674 = arith.index_cast %add3A_564 : i32 to index
        %get3A_675 = arith.constant 96 : index
        %get3A_676 = tpu.vector_load %arg11[%get3A_673, %get3A_674, %get3A_675] {strides = array<i32>} : memref<2x64x128xf32, #tpu.memory_space<vmem>>, vector<16xf32>,
        %get3A_677 = arith.constant 0 : i32
        %get3A_678 = arith.index_cast %get3A_677 : i32 to index
        %get3A_679 = arith.index_cast %add3A_564 : i32 to index
        %get3A_680 = arith.constant 96 : index
        %get3A_681 = tpu.vector_load %arg12[%get3A_678, %get3A_679, %get3A_680] {strides = array<i32>} : memref<2x64x128xf32, #tpu.memory_space<vmem>>, vector<16xf32>,
        %mul3A_682 = arith.mulf %get3A_676, %get3A_681 : vector<16xf32>
        %get3A_683 = arith.constant 0 : i32
        %get3A_684 = arith.index_cast %get3A_683 : i32 to index
        %get3A_685 = arith.index_cast %add3A_564 : i32 to index
        %get3A_686 = arith.constant 96 : index
        %get3A_687 = tpu.vector_load %arg13[%get3A_684, %get3A_685, %get3A_686] {strides = array<i32>} : memref<2x64x128xf32, #tpu.memory_space<vmem>>, vector<16xf32>,
        %mul3A_688 = arith.mulf %mul3A_682, %get3A_687 : vector<16xf32>
        %add3A_689 = arith.addf %add3A_671, %mul3A_688 : vector<16xf32>
        %get3A_690 = arith.constant 0 : i32
        %get3A_691 = arith.index_cast %get3A_690 : i32 to index
        %get3A_692 = arith.index_cast %add3A_564 : i32 to index
        %get3A_693 = arith.constant 112 : index
        %get3A_694 = tpu.vector_load %arg11[%get3A_691, %get3A_692, %get3A_693] {strides = array<i32>} : memref<2x64x128xf32, #tpu.memory_space<vmem>>, vector<16xf32>,
        %get3A_695 = arith.constant 0 : i32
        %get3A_696 = arith.index_cast %get3A_695 : i32 to index
        %get3A_697 = arith.index_cast %add3A_564 : i32 to index
        %get3A_698 = arith.constant 112 : index
        %get3A_699 = tpu.vector_load %arg12[%get3A_696, %get3A_697, %get3A_698] {strides = array<i32>} : memref<2x64x128xf32, #tpu.memory_space<vmem>>, vector<16xf32>,
        %mul3A_700 = arith.mulf %get3A_694, %get3A_699 : vector<16xf32>
        %get3A_701 = arith.constant 0 : i32
        %get3A_702 = arith.index_cast %get3A_701 : i32 to index
        %get3A_703 = arith.index_cast %add3A_564 : i32 to index
        %get3A_704 = arith.constant 112 : index
        %get3A_705 = tpu.vector_load %arg13[%get3A_702, %get3A_703, %get3A_704] {strides = array<i32>} : memref<2x64x128xf32, #tpu.memory_space<vmem>>, vector<16xf32>,
        %mul3A_706 = arith.mulf %mul3A_700, %get3A_705 : vector<16xf32>
        %add3A_707 = arith.addf %add3A_689, %mul3A_706 : vector<16xf32>
        %swap3A_708 = arith.constant 32 : index
        %swap3A_709 = tpu.vector_load %arg15[%swap3A_708] {strides = array<i32>} : memref<256xf32, #tpu.memory_space<vmem>>, vector<16xf32>,
        tpu.vector_store %arg15[%swap3A_708], %add3A_707 {strides = array<i32>} : memref<256xf32, #tpu.memory_space<vmem>>, vector<16xf32>,
        %mul3A_710 = arith.constant 16 : i32
        %mul3A_711 = arith.muli %scan3A_264, %mul3A_710 : i32
        %add3A_712 = arith.constant 3 : i32
        %add3A_713 = arith.addi %mul3A_711, %add3A_712 : i32
        %get3A_714 = arith.constant 0 : i32
        %get3A_715 = arith.index_cast %get3A_714 : i32 to index
        %get3A_716 = arith.index_cast %add3A_713 : i32 to index
        %get3A_717 = arith.constant 0 : index
        %get3A_718 = tpu.vector_load %arg11[%get3A_715, %get3A_716, %get3A_717] {strides = array<i32>} : memref<2x64x128xf32, #tpu.memory_space<vmem>>, vector<16xf32>,
        %get3A_719 = arith.constant 0 : i32
        %get3A_720 = arith.index_cast %get3A_719 : i32 to index
        %get3A_721 = arith.index_cast %add3A_713 : i32 to index
        %get3A_722 = arith.constant 0 : index
        %get3A_723 = tpu.vector_load %arg12[%get3A_720, %get3A_721, %get3A_722] {strides = array<i32>} : memref<2x64x128xf32, #tpu.memory_space<vmem>>, vector<16xf32>,
        %mul3A_724 = arith.mulf %get3A_718, %get3A_723 : vector<16xf32>
        %get3A_725 = arith.constant 0 : i32
        %get3A_726 = arith.index_cast %get3A_725 : i32 to index
        %get3A_727 = arith.index_cast %add3A_713 : i32 to index
        %get3A_728 = arith.constant 0 : index
        %get3A_729 = tpu.vector_load %arg13[%get3A_726, %get3A_727, %get3A_728] {strides = array<i32>} : memref<2x64x128xf32, #tpu.memory_space<vmem>>, vector<16xf32>,
        %mul3A_730 = arith.mulf %mul3A_724, %get3A_729 : vector<16xf32>
        %get3A_731 = arith.constant 0 : i32
        %get3A_732 = arith.index_cast %get3A_731 : i32 to index
        %get3A_733 = arith.index_cast %add3A_713 : i32 to index
        %get3A_734 = arith.constant 16 : index
        %get3A_735 = tpu.vector_load %arg11[%get3A_732, %get3A_733, %get3A_734] {strides = array<i32>} : memref<2x64x128xf32, #tpu.memory_space<vmem>>, vector<16xf32>,
        %get3A_736 = arith.constant 0 : i32
        %get3A_737 = arith.index_cast %get3A_736 : i32 to index
        %get3A_738 = arith.index_cast %add3A_713 : i32 to index
        %get3A_739 = arith.constant 16 : index
        %get3A_740 = tpu.vector_load %arg12[%get3A_737, %get3A_738, %get3A_739] {strides = array<i32>} : memref<2x64x128xf32, #tpu.memory_space<vmem>>, vector<16xf32>,
        %mul3A_741 = arith.mulf %get3A_735, %get3A_740 : vector<16xf32>
        %get3A_742 = arith.constant 0 : i32
        %get3A_743 = arith.index_cast %get3A_742 : i32 to index
        %get3A_744 = arith.index_cast %add3A_713 : i32 to index
        %get3A_745 = arith.constant 16 : index
        %get3A_746 = tpu.vector_load %arg13[%get3A_743, %get3A_744, %get3A_745] {strides = array<i32>} : memref<2x64x128xf32, #tpu.memory_space<vmem>>, vector<16xf32>,
        %mul3A_747 = arith.mulf %mul3A_741, %get3A_746 : vector<16xf32>
        %add3A_748 = arith.addf %mul3A_730, %mul3A_747 : vector<16xf32>
        %get3A_749 = arith.constant 0 : i32
        %get3A_750 = arith.index_cast %get3A_749 : i32 to index
        %get3A_751 = arith.index_cast %add3A_713 : i32 to index
        %get3A_752 = arith.constant 32 : index
        %get3A_753 = tpu.vector_load %arg11[%get3A_750, %get3A_751, %get3A_752] {strides = array<i32>} : memref<2x64x128xf32, #tpu.memory_space<vmem>>, vector<16xf32>,
        %get3A_754 = arith.constant 0 : i32
        %get3A_755 = arith.index_cast %get3A_754 : i32 to index
        %get3A_756 = arith.index_cast %add3A_713 : i32 to index
        %get3A_757 = arith.constant 32 : index
        %get3A_758 = tpu.vector_load %arg12[%get3A_755, %get3A_756, %get3A_757] {strides = array<i32>} : memref<2x64x128xf32, #tpu.memory_space<vmem>>, vector<16xf32>,
        %mul3A_759 = arith.mulf %get3A_753, %get3A_758 : vector<16xf32>
        %get3A_760 = arith.constant 0 : i32
        %get3A_761 = arith.index_cast %get3A_760 : i32 to index
        %get3A_762 = arith.index_cast %add3A_713 : i32 to index
        %get3A_763 = arith.constant 32 : index
        %get3A_764 = tpu.vector_load %arg13[%get3A_761, %get3A_762, %get3A_763] {strides = array<i32>} : memref<2x64x128xf32, #tpu.memory_space<vmem>>, vector<16xf32>,
        %mul3A_765 = arith.mulf %mul3A_759, %get3A_764 : vector<16xf32>
        %add3A_766 = arith.addf %add3A_748, %mul3A_765 : vector<16xf32>
        %get3A_767 = arith.constant 0 : i32
        %get3A_768 = arith.index_cast %get3A_767 : i32 to index
        %get3A_769 = arith.index_cast %add3A_713 : i32 to index
        %get3A_770 = arith.constant 48 : index
        %get3A_771 = tpu.vector_load %arg11[%get3A_768, %get3A_769, %get3A_770] {strides = array<i32>} : memref<2x64x128xf32, #tpu.memory_space<vmem>>, vector<16xf32>,
        %get3A_772 = arith.constant 0 : i32
        %get3A_773 = arith.index_cast %get3A_772 : i32 to index
        %get3A_774 = arith.index_cast %add3A_713 : i32 to index
        %get3A_775 = arith.constant 48 : index
        %get3A_776 = tpu.vector_load %arg12[%get3A_773, %get3A_774, %get3A_775] {strides = array<i32>} : memref<2x64x128xf32, #tpu.memory_space<vmem>>, vector<16xf32>,
        %mul3A_777 = arith.mulf %get3A_771, %get3A_776 : vector<16xf32>
        %get3A_778 = arith.constant 0 : i32
        %get3A_779 = arith.index_cast %get3A_778 : i32 to index
        %get3A_780 = arith.index_cast %add3A_713 : i32 to index
        %get3A_781 = arith.constant 48 : index
        %get3A_782 = tpu.vector_load %arg13[%get3A_779, %get3A_780, %get3A_781] {strides = array<i32>} : memref<2x64x128xf32, #tpu.memory_space<vmem>>, vector<16xf32>,
        %mul3A_783 = arith.mulf %mul3A_777, %get3A_782 : vector<16xf32>
        %add3A_784 = arith.addf %add3A_766, %mul3A_783 : vector<16xf32>
        %get3A_785 = arith.constant 0 : i32
        %get3A_786 = arith.index_cast %get3A_785 : i32 to index
        %get3A_787 = arith.index_cast %add3A_713 : i32 to index
        %get3A_788 = arith.constant 64 : index
        %get3A_789 = tpu.vector_load %arg11[%get3A_786, %get3A_787, %get3A_788] {strides = array<i32>} : memref<2x64x128xf32, #tpu.memory_space<vmem>>, vector<16xf32>,
        %get3A_790 = arith.constant 0 : i32
        %get3A_791 = arith.index_cast %get3A_790 : i32 to index
        %get3A_792 = arith.index_cast %add3A_713 : i32 to index
        %get3A_793 = arith.constant 64 : index
        %get3A_794 = tpu.vector_load %arg12[%get3A_791, %get3A_792, %get3A_793] {strides = array<i32>} : memref<2x64x128xf32, #tpu.memory_space<vmem>>, vector<16xf32>,
        %mul3A_795 = arith.mulf %get3A_789, %get3A_794 : vector<16xf32>
        %get3A_796 = arith.constant 0 : i32
        %get3A_797 = arith.index_cast %get3A_796 : i32 to index
        %get3A_798 = arith.index_cast %add3A_713 : i32 to index
        %get3A_799 = arith.constant 64 : index
        %get3A_800 = tpu.vector_load %arg13[%get3A_797, %get3A_798, %get3A_799] {strides = array<i32>} : memref<2x64x128xf32, #tpu.memory_space<vmem>>, vector<16xf32>,
        %mul3A_801 = arith.mulf %mul3A_795, %get3A_800 : vector<16xf32>
        %add3A_802 = arith.addf %add3A_784, %mul3A_801 : vector<16xf32>
        %get3A_803 = arith.constant 0 : i32
        %get3A_804 = arith.index_cast %get3A_803 : i32 to index
        %get3A_805 = arith.index_cast %add3A_713 : i32 to index
        %get3A_806 = arith.constant 80 : index
        %get3A_807 = tpu.vector_load %arg11[%get3A_804, %get3A_805, %get3A_806] {strides = array<i32>} : memref<2x64x128xf32, #tpu.memory_space<vmem>>, vector<16xf32>,
        %get3A_808 = arith.constant 0 : i32
        %get3A_809 = arith.index_cast %get3A_808 : i32 to index
        %get3A_810 = arith.index_cast %add3A_713 : i32 to index
        %get3A_811 = arith.constant 80 : index
        %get3A_812 = tpu.vector_load %arg12[%get3A_809, %get3A_810, %get3A_811] {strides = array<i32>} : memref<2x64x128xf32, #tpu.memory_space<vmem>>, vector<16xf32>,
        %mul3A_813 = arith.mulf %get3A_807, %get3A_812 : vector<16xf32>
        %get3A_814 = arith.constant 0 : i32
        %get3A_815 = arith.index_cast %get3A_814 : i32 to index
        %get3A_816 = arith.index_cast %add3A_713 : i32 to index
        %get3A_817 = arith.constant 80 : index
        %get3A_818 = tpu.vector_load %arg13[%get3A_815, %get3A_816, %get3A_817] {strides = array<i32>} : memref<2x64x128xf32, #tpu.memory_space<vmem>>, vector<16xf32>,
        %mul3A_819 = arith.mulf %mul3A_813, %get3A_818 : vector<16xf32>
        %add3A_820 = arith.addf %add3A_802, %mul3A_819 : vector<16xf32>
        %get3A_821 = arith.constant 0 : i32
        %get3A_822 = arith.index_cast %get3A_821 : i32 to index
        %get3A_823 = arith.index_cast %add3A_713 : i32 to index
        %get3A_824 = arith.constant 96 : index
        %get3A_825 = tpu.vector_load %arg11[%get3A_822, %get3A_823, %get3A_824] {strides = array<i32>} : memref<2x64x128xf32, #tpu.memory_space<vmem>>, vector<16xf32>,
        %get3A_826 = arith.constant 0 : i32
        %get3A_827 = arith.index_cast %get3A_826 : i32 to index
        %get3A_828 = arith.index_cast %add3A_713 : i32 to index
        %get3A_829 = arith.constant 96 : index
        %get3A_830 = tpu.vector_load %arg12[%get3A_827, %get3A_828, %get3A_829] {strides = array<i32>} : memref<2x64x128xf32, #tpu.memory_space<vmem>>, vector<16xf32>,
        %mul3A_831 = arith.mulf %get3A_825, %get3A_830 : vector<16xf32>
        %get3A_832 = arith.constant 0 : i32
        %get3A_833 = arith.index_cast %get3A_832 : i32 to index
        %get3A_834 = arith.index_cast %add3A_713 : i32 to index
        %get3A_835 = arith.constant 96 : index
        %get3A_836 = tpu.vector_load %arg13[%get3A_833, %get3A_834, %get3A_835] {strides = array<i32>} : memref<2x64x128xf32, #tpu.memory_space<vmem>>, vector<16xf32>,
        %mul3A_837 = arith.mulf %mul3A_831, %get3A_836 : vector<16xf32>
        %add3A_838 = arith.addf %add3A_820, %mul3A_837 : vector<16xf32>
        %get3A_839 = arith.constant 0 : i32
        %get3A_840 = arith.index_cast %get3A_839 : i32 to index
        %get3A_841 = arith.index_cast %add3A_713 : i32 to index
        %get3A_842 = arith.constant 112 : index
        %get3A_843 = tpu.vector_load %arg11[%get3A_840, %get3A_841, %get3A_842] {strides = array<i32>} : memref<2x64x128xf32, #tpu.memory_space<vmem>>, vector<16xf32>,
        %get3A_844 = arith.constant 0 : i32
        %get3A_845 = arith.index_cast %get3A_844 : i32 to index
        %get3A_846 = arith.index_cast %add3A_713 : i32 to index
        %get3A_847 = arith.constant 112 : index
        %get3A_848 = tpu.vector_load %arg12[%get3A_845, %get3A_846, %get3A_847] {strides = array<i32>} : memref<2x64x128xf32, #tpu.memory_space<vmem>>, vector<16xf32>,
        %mul3A_849 = arith.mulf %get3A_843, %get3A_848 : vector<16xf32>
        %get3A_850 = arith.constant 0 : i32
        %get3A_851 = arith.index_cast %get3A_850 : i32 to index
        %get3A_852 = arith.index_cast %add3A_713 : i32 to index
        %get3A_853 = arith.constant 112 : index
        %get3A_854 = tpu.vector_load %arg13[%get3A_851, %get3A_852, %get3A_853] {strides = array<i32>} : memref<2x64x128xf32, #tpu.memory_space<vmem>>, vector<16xf32>,
        %mul3A_855 = arith.mulf %mul3A_849, %get3A_854 : vector<16xf32>
        %add3A_856 = arith.addf %add3A_838, %mul3A_855 : vector<16xf32>
        %swap3A_857 = arith.constant 48 : index
        %swap3A_858 = tpu.vector_load %arg15[%swap3A_857] {strides = array<i32>} : memref<256xf32, #tpu.memory_space<vmem>>, vector<16xf32>,
        tpu.vector_store %arg15[%swap3A_857], %add3A_856 {strides = array<i32>} : memref<256xf32, #tpu.memory_space<vmem>>, vector<16xf32>,
        %mul3A_859 = arith.constant 16 : i32
        %mul3A_860 = arith.muli %scan3A_264, %mul3A_859 : i32
        %add3A_861 = arith.constant 4 : i32
        %add3A_862 = arith.addi %mul3A_860, %add3A_861 : i32
        %get3A_863 = arith.constant 0 : i32
        %get3A_864 = arith.index_cast %get3A_863 : i32 to index
        %get3A_865 = arith.index_cast %add3A_862 : i32 to index
        %get3A_866 = arith.constant 0 : index
        %get3A_867 = tpu.vector_load %arg11[%get3A_864, %get3A_865, %get3A_866] {strides = array<i32>} : memref<2x64x128xf32, #tpu.memory_space<vmem>>, vector<16xf32>,
        %get3A_868 = arith.constant 0 : i32
        %get3A_869 = arith.index_cast %get3A_868 : i32 to index
        %get3A_870 = arith.index_cast %add3A_862 : i32 to index
        %get3A_871 = arith.constant 0 : index
        %get3A_872 = tpu.vector_load %arg12[%get3A_869, %get3A_870, %get3A_871] {strides = array<i32>} : memref<2x64x128xf32, #tpu.memory_space<vmem>>, vector<16xf32>,
        %mul3A_873 = arith.mulf %get3A_867, %get3A_872 : vector<16xf32>
        %get3A_874 = arith.constant 0 : i32
        %get3A_875 = arith.index_cast %get3A_874 : i32 to index
        %get3A_876 = arith.index_cast %add3A_862 : i32 to index
        %get3A_877 = arith.constant 0 : index
        %get3A_878 = tpu.vector_load %arg13[%get3A_875, %get3A_876, %get3A_877] {strides = array<i32>} : memref<2x64x128xf32, #tpu.memory_space<vmem>>, vector<16xf32>,
        %mul3A_879 = arith.mulf %mul3A_873, %get3A_878 : vector<16xf32>
        %get3A_880 = arith.constant 0 : i32
        %get3A_881 = arith.index_cast %get3A_880 : i32 to index
        %get3A_882 = arith.index_cast %add3A_862 : i32 to index
        %get3A_883 = arith.constant 16 : index
        %get3A_884 = tpu.vector_load %arg11[%get3A_881, %get3A_882, %get3A_883] {strides = array<i32>} : memref<2x64x128xf32, #tpu.memory_space<vmem>>, vector<16xf32>,
        %get3A_885 = arith.constant 0 : i32
        %get3A_886 = arith.index_cast %get3A_885 : i32 to index
        %get3A_887 = arith.index_cast %add3A_862 : i32 to index
        %get3A_888 = arith.constant 16 : index
        %get3A_889 = tpu.vector_load %arg12[%get3A_886, %get3A_887, %get3A_888] {strides = array<i32>} : memref<2x64x128xf32, #tpu.memory_space<vmem>>, vector<16xf32>,
        %mul3A_890 = arith.mulf %get3A_884, %get3A_889 : vector<16xf32>
        %get3A_891 = arith.constant 0 : i32
        %get3A_892 = arith.index_cast %get3A_891 : i32 to index
        %get3A_893 = arith.index_cast %add3A_862 : i32 to index
        %get3A_894 = arith.constant 16 : index
        %get3A_895 = tpu.vector_load %arg13[%get3A_892, %get3A_893, %get3A_894] {strides = array<i32>} : memref<2x64x128xf32, #tpu.memory_space<vmem>>, vector<16xf32>,
        %mul3A_896 = arith.mulf %mul3A_890, %get3A_895 : vector<16xf32>
        %add3A_897 = arith.addf %mul3A_879, %mul3A_896 : vector<16xf32>
        %get3A_898 = arith.constant 0 : i32
        %get3A_899 = arith.index_cast %get3A_898 : i32 to index
        %get3A_900 = arith.index_cast %add3A_862 : i32 to index
        %get3A_901 = arith.constant 32 : index
        %get3A_902 = tpu.vector_load %arg11[%get3A_899, %get3A_900, %get3A_901] {strides = array<i32>} : memref<2x64x128xf32, #tpu.memory_space<vmem>>, vector<16xf32>,
        %get3A_903 = arith.constant 0 : i32
        %get3A_904 = arith.index_cast %get3A_903 : i32 to index
        %get3A_905 = arith.index_cast %add3A_862 : i32 to index
        %get3A_906 = arith.constant 32 : index
        %get3A_907 = tpu.vector_load %arg12[%get3A_904, %get3A_905, %get3A_906] {strides = array<i32>} : memref<2x64x128xf32, #tpu.memory_space<vmem>>, vector<16xf32>,
        %mul3A_908 = arith.mulf %get3A_902, %get3A_907 : vector<16xf32>
        %get3A_909 = arith.constant 0 : i32
        %get3A_910 = arith.index_cast %get3A_909 : i32 to index
        %get3A_911 = arith.index_cast %add3A_862 : i32 to index
        %get3A_912 = arith.constant 32 : index
        %get3A_913 = tpu.vector_load %arg13[%get3A_910, %get3A_911, %get3A_912] {strides = array<i32>} : memref<2x64x128xf32, #tpu.memory_space<vmem>>, vector<16xf32>,
        %mul3A_914 = arith.mulf %mul3A_908, %get3A_913 : vector<16xf32>
        %add3A_915 = arith.addf %add3A_897, %mul3A_914 : vector<16xf32>
        %get3A_916 = arith.constant 0 : i32
        %get3A_917 = arith.index_cast %get3A_916 : i32 to index
        %get3A_918 = arith.index_cast %add3A_862 : i32 to index
        %get3A_919 = arith.constant 48 : index
        %get3A_920 = tpu.vector_load %arg11[%get3A_917, %get3A_918, %get3A_919] {strides = array<i32>} : memref<2x64x128xf32, #tpu.memory_space<vmem>>, vector<16xf32>,
        %get3A_921 = arith.constant 0 : i32
        %get3A_922 = arith.index_cast %get3A_921 : i32 to index
        %get3A_923 = arith.index_cast %add3A_862 : i32 to index
        %get3A_924 = arith.constant 48 : index
        %get3A_925 = tpu.vector_load %arg12[%get3A_922, %get3A_923, %get3A_924] {strides = array<i32>} : memref<2x64x128xf32, #tpu.memory_space<vmem>>, vector<16xf32>,
        %mul3A_926 = arith.mulf %get3A_920, %get3A_925 : vector<16xf32>
        %get3A_927 = arith.constant 0 : i32
        %get3A_928 = arith.index_cast %get3A_927 : i32 to index
        %get3A_929 = arith.index_cast %add3A_862 : i32 to index
        %get3A_930 = arith.constant 48 : index
        %get3A_931 = tpu.vector_load %arg13[%get3A_928, %get3A_929, %get3A_930] {strides = array<i32>} : memref<2x64x128xf32, #tpu.memory_space<vmem>>, vector<16xf32>,
        %mul3A_932 = arith.mulf %mul3A_926, %get3A_931 : vector<16xf32>
        %add3A_933 = arith.addf %add3A_915, %mul3A_932 : vector<16xf32>
        %get3A_934 = arith.constant 0 : i32
        %get3A_935 = arith.index_cast %get3A_934 : i32 to index
        %get3A_936 = arith.index_cast %add3A_862 : i32 to index
        %get3A_937 = arith.constant 64 : index
        %get3A_938 = tpu.vector_load %arg11[%get3A_935, %get3A_936, %get3A_937] {strides = array<i32>} : memref<2x64x128xf32, #tpu.memory_space<vmem>>, vector<16xf32>,
        %get3A_939 = arith.constant 0 : i32
        %get3A_940 = arith.index_cast %get3A_939 : i32 to index
        %get3A_941 = arith.index_cast %add3A_862 : i32 to index
        %get3A_942 = arith.constant 64 : index
        %get3A_943 = tpu.vector_load %arg12[%get3A_940, %get3A_941, %get3A_942] {strides = array<i32>} : memref<2x64x128xf32, #tpu.memory_space<vmem>>, vector<16xf32>,
        %mul3A_944 = arith.mulf %get3A_938, %get3A_943 : vector<16xf32>
        %get3A_945 = arith.constant 0 : i32
        %get3A_946 = arith.index_cast %get3A_945 : i32 to index
        %get3A_947 = arith.index_cast %add3A_862 : i32 to index
        %get3A_948 = arith.constant 64 : index
        %get3A_949 = tpu.vector_load %arg13[%get3A_946, %get3A_947, %get3A_948] {strides = array<i32>} : memref<2x64x128xf32, #tpu.memory_space<vmem>>, vector<16xf32>,
        %mul3A_950 = arith.mulf %mul3A_944, %get3A_949 : vector<16xf32>
        %add3A_951 = arith.addf %add3A_933, %mul3A_950 : vector<16xf32>
        %get3A_952 = arith.constant 0 : i32
        %get3A_953 = arith.index_cast %get3A_952 : i32 to index
        %get3A_954 = arith.index_cast %add3A_862 : i32 to index
        %get3A_955 = arith.constant 80 : index
        %get3A_956 = tpu.vector_load %arg11[%get3A_953, %get3A_954, %get3A_955] {strides = array<i32>} : memref<2x64x128xf32, #tpu.memory_space<vmem>>, vector<16xf32>,
        %get3A_957 = arith.constant 0 : i32
        %get3A_958 = arith.index_cast %get3A_957 : i32 to index
        %get3A_959 = arith.index_cast %add3A_862 : i32 to index
        %get3A_960 = arith.constant 80 : index
        %get3A_961 = tpu.vector_load %arg12[%get3A_958, %get3A_959, %get3A_960] {strides = array<i32>} : memref<2x64x128xf32, #tpu.memory_space<vmem>>, vector<16xf32>,
        %mul3A_962 = arith.mulf %get3A_956, %get3A_961 : vector<16xf32>
        %get3A_963 = arith.constant 0 : i32
        %get3A_964 = arith.index_cast %get3A_963 : i32 to index
        %get3A_965 = arith.index_cast %add3A_862 : i32 to index
        %get3A_966 = arith.constant 80 : index
        %get3A_967 = tpu.vector_load %arg13[%get3A_964, %get3A_965, %get3A_966] {strides = array<i32>} : memref<2x64x128xf32, #tpu.memory_space<vmem>>, vector<16xf32>,
        %mul3A_968 = arith.mulf %mul3A_962, %get3A_967 : vector<16xf32>
        %add3A_969 = arith.addf %add3A_951, %mul3A_968 : vector<16xf32>
        %get3A_970 = arith.constant 0 : i32
        %get3A_971 = arith.index_cast %get3A_970 : i32 to index
        %get3A_972 = arith.index_cast %add3A_862 : i32 to index
        %get3A_973 = arith.constant 96 : index
        %get3A_974 = tpu.vector_load %arg11[%get3A_971, %get3A_972, %get3A_973] {strides = array<i32>} : memref<2x64x128xf32, #tpu.memory_space<vmem>>, vector<16xf32>,
        %get3A_975 = arith.constant 0 : i32
        %get3A_976 = arith.index_cast %get3A_975 : i32 to index
        %get3A_977 = arith.index_cast %add3A_862 : i32 to index
        %get3A_978 = arith.constant 96 : index
        %get3A_979 = tpu.vector_load %arg12[%get3A_976, %get3A_977, %get3A_978] {strides = array<i32>} : memref<2x64x128xf32, #tpu.memory_space<vmem>>, vector<16xf32>,
        %mul3A_980 = arith.mulf %get3A_974, %get3A_979 : vector<16xf32>
        %get3A_981 = arith.constant 0 : i32
        %get3A_982 = arith.index_cast %get3A_981 : i32 to index
        %get3A_983 = arith.index_cast %add3A_862 : i32 to index
        %get3A_984 = arith.constant 96 : index
        %get3A_985 = tpu.vector_load %arg13[%get3A_982, %get3A_983, %get3A_984] {strides = array<i32>} : memref<2x64x128xf32, #tpu.memory_space<vmem>>, vector<16xf32>,
        %mul3A_986 = arith.mulf %mul3A_980, %get3A_985 : vector<16xf32>
        %add3A_987 = arith.addf %add3A_969, %mul3A_986 : vector<16xf32>
        %get3A_988 = arith.constant 0 : i32
        %get3A_989 = arith.index_cast %get3A_988 : i32 to index
        %get3A_990 = arith.index_cast %add3A_862 : i32 to index
        %get3A_991 = arith.constant 112 : index
        %get3A_992 = tpu.vector_load %arg11[%get3A_989, %get3A_990, %get3A_991] {strides = array<i32>} : memref<2x64x128xf32, #tpu.memory_space<vmem>>, vector<16xf32>,
        %get3A_993 = arith.constant 0 : i32
        %get3A_994 = arith.index_cast %get3A_993 : i32 to index
        %get3A_995 = arith.index_cast %add3A_862 : i32 to index
        %get3A_996 = arith.constant 112 : index
        %get3A_997 = tpu.vector_load %arg12[%get3A_994, %get3A_995, %get3A_996] {strides = array<i32>} : memref<2x64x128xf32, #tpu.memory_space<vmem>>, vector<16xf32>,
        %mul3A_998 = arith.mulf %get3A_992, %get3A_997 : vector<16xf32>
        %get3A_999 = arith.constant 0 : i32
        %get3A_1000 = arith.index_cast %get3A_999 : i32 to index
        %get3A_1001 = arith.index_cast %add3A_862 : i32 to index
        %get3A_1002 = arith.constant 112 : index
        %get3A_1003 = tpu.vector_load %arg13[%get3A_1000, %get3A_1001, %get3A_1002] {strides = array<i32>} : memref<2x64x128xf32, #tpu.memory_space<vmem>>, vector<16xf32>,
        %mul3A_1004 = arith.mulf %mul3A_998, %get3A_1003 : vector<16xf32>
        %add3A_1005 = arith.addf %add3A_987, %mul3A_1004 : vector<16xf32>
        %swap3A_1006 = arith.constant 64 : index
        %swap3A_1007 = tpu.vector_load %arg15[%swap3A_1006] {strides = array<i32>} : memref<256xf32, #tpu.memory_space<vmem>>, vector<16xf32>,
        tpu.vector_store %arg15[%swap3A_1006], %add3A_1005 {strides = array<i32>} : memref<256xf32, #tpu.memory_space<vmem>>, vector<16xf32>,
        %mul3A_1008 = arith.constant 16 : i32
        %mul3A_1009 = arith.muli %scan3A_264, %mul3A_1008 : i32
        %add3A_1010 = arith.constant 5 : i32
        %add3A_1011 = arith.addi %mul3A_1009, %add3A_1010 : i32
        %get3A_1012 = arith.constant 0 : i32
        %get3A_1013 = arith.index_cast %get3A_1012 : i32 to index
        %get3A_1014 = arith.index_cast %add3A_1011 : i32 to index
        %get3A_1015 = arith.constant 0 : index
        %get3A_1016 = tpu.vector_load %arg11[%get3A_1013, %get3A_1014, %get3A_1015] {strides = array<i32>} : memref<2x64x128xf32, #tpu.memory_space<vmem>>, vector<16xf32>,
        %get3A_1017 = arith.constant 0 : i32
        %get3A_1018 = arith.index_cast %get3A_1017 : i32 to index
        %get3A_1019 = arith.index_cast %add3A_1011 : i32 to index
        %get3A_1020 = arith.constant 0 : index
        %get3A_1021 = tpu.vector_load %arg12[%get3A_1018, %get3A_1019, %get3A_1020] {strides = array<i32>} : memref<2x64x128xf32, #tpu.memory_space<vmem>>, vector<16xf32>,
        %mul3A_1022 = arith.mulf %get3A_1016, %get3A_1021 : vector<16xf32>
        %get3A_1023 = arith.constant 0 : i32
        %get3A_1024 = arith.index_cast %get3A_1023 : i32 to index
        %get3A_1025 = arith.index_cast %add3A_1011 : i32 to index
        %get3A_1026 = arith.constant 0 : index
        %get3A_1027 = tpu.vector_load %arg13[%get3A_1024, %get3A_1025, %get3A_1026] {strides = array<i32>} : memref<2x64x128xf32, #tpu.memory_space<vmem>>, vector<16xf32>,
        %mul3A_1028 = arith.mulf %mul3A_1022, %get3A_1027 : vector<16xf32>
        %get3A_1029 = arith.constant 0 : i32
        %get3A_1030 = arith.index_cast %get3A_1029 : i32 to index
        %get3A_1031 = arith.index_cast %add3A_1011 : i32 to index
        %get3A_1032 = arith.constant 16 : index
        %get3A_1033 = tpu.vector_load %arg11[%get3A_1030, %get3A_1031, %get3A_1032] {strides = array<i32>} : memref<2x64x128xf32, #tpu.memory_space<vmem>>, vector<16xf32>,
        %get3A_1034 = arith.constant 0 : i32
        %get3A_1035 = arith.index_cast %get3A_1034 : i32 to index
        %get3A_1036 = arith.index_cast %add3A_1011 : i32 to index
        %get3A_1037 = arith.constant 16 : index
        %get3A_1038 = tpu.vector_load %arg12[%get3A_1035, %get3A_1036, %get3A_1037] {strides = array<i32>} : memref<2x64x128xf32, #tpu.memory_space<vmem>>, vector<16xf32>,
        %mul3A_1039 = arith.mulf %get3A_1033, %get3A_1038 : vector<16xf32>
        %get3A_1040 = arith.constant 0 : i32
        %get3A_1041 = arith.index_cast %get3A_1040 : i32 to index
        %get3A_1042 = arith.index_cast %add3A_1011 : i32 to index
        %get3A_1043 = arith.constant 16 : index
        %get3A_1044 = tpu.vector_load %arg13[%get3A_1041, %get3A_1042, %get3A_1043] {strides = array<i32>} : memref<2x64x128xf32, #tpu.memory_space<vmem>>, vector<16xf32>,
        %mul3A_1045 = arith.mulf %mul3A_1039, %get3A_1044 : vector<16xf32>
        %add3A_1046 = arith.addf %mul3A_1028, %mul3A_1045 : vector<16xf32>
        %get3A_1047 = arith.constant 0 : i32
        %get3A_1048 = arith.index_cast %get3A_1047 : i32 to index
        %get3A_1049 = arith.index_cast %add3A_1011 : i32 to index
        %get3A_1050 = arith.constant 32 : index
        %get3A_1051 = tpu.vector_load %arg11[%get3A_1048, %get3A_1049, %get3A_1050] {strides = array<i32>} : memref<2x64x128xf32, #tpu.memory_space<vmem>>, vector<16xf32>,
        %get3A_1052 = arith.constant 0 : i32
        %get3A_1053 = arith.index_cast %get3A_1052 : i32 to index
        %get3A_1054 = arith.index_cast %add3A_1011 : i32 to index
        %get3A_1055 = arith.constant 32 : index
        %get3A_1056 = tpu.vector_load %arg12[%get3A_1053, %get3A_1054, %get3A_1055] {strides = array<i32>} : memref<2x64x128xf32, #tpu.memory_space<vmem>>, vector<16xf32>,
        %mul3A_1057 = arith.mulf %get3A_1051, %get3A_1056 : vector<16xf32>
        %get3A_1058 = arith.constant 0 : i32
        %get3A_1059 = arith.index_cast %get3A_1058 : i32 to index
        %get3A_1060 = arith.index_cast %add3A_1011 : i32 to index
        %get3A_1061 = arith.constant 32 : index
        %get3A_1062 = tpu.vector_load %arg13[%get3A_1059, %get3A_1060, %get3A_1061] {strides = array<i32>} : memref<2x64x128xf32, #tpu.memory_space<vmem>>, vector<16xf32>,
        %mul3A_1063 = arith.mulf %mul3A_1057, %get3A_1062 : vector<16xf32>
        %add3A_1064 = arith.addf %add3A_1046, %mul3A_1063 : vector<16xf32>
        %get3A_1065 = arith.constant 0 : i32
        %get3A_1066 = arith.index_cast %get3A_1065 : i32 to index
        %get3A_1067 = arith.index_cast %add3A_1011 : i32 to index
        %get3A_1068 = arith.constant 48 : index
        %get3A_1069 = tpu.vector_load %arg11[%get3A_1066, %get3A_1067, %get3A_1068] {strides = array<i32>} : memref<2x64x128xf32, #tpu.memory_space<vmem>>, vector<16xf32>,
        %get3A_1070 = arith.constant 0 : i32
        %get3A_1071 = arith.index_cast %get3A_1070 : i32 to index
        %get3A_1072 = arith.index_cast %add3A_1011 : i32 to index
        %get3A_1073 = arith.constant 48 : index
        %get3A_1074 = tpu.vector_load %arg12[%get3A_1071, %get3A_1072, %get3A_1073] {strides = array<i32>} : memref<2x64x128xf32, #tpu.memory_space<vmem>>, vector<16xf32>,
        %mul3A_1075 = arith.mulf %get3A_1069, %get3A_1074 : vector<16xf32>
        %get3A_1076 = arith.constant 0 : i32
        %get3A_1077 = arith.index_cast %get3A_1076 : i32 to index
        %get3A_1078 = arith.index_cast %add3A_1011 : i32 to index
        %get3A_1079 = arith.constant 48 : index
        %get3A_1080 = tpu.vector_load %arg13[%get3A_1077, %get3A_1078, %get3A_1079] {strides = array<i32>} : memref<2x64x128xf32, #tpu.memory_space<vmem>>, vector<16xf32>,
        %mul3A_1081 = arith.mulf %mul3A_1075, %get3A_1080 : vector<16xf32>
        %add3A_1082 = arith.addf %add3A_1064, %mul3A_1081 : vector<16xf32>
        %get3A_1083 = arith.constant 0 : i32
        %get3A_1084 = arith.index_cast %get3A_1083 : i32 to index
        %get3A_1085 = arith.index_cast %add3A_1011 : i32 to index
        %get3A_1086 = arith.constant 64 : index
        %get3A_1087 = tpu.vector_load %arg11[%get3A_1084, %get3A_1085, %get3A_1086] {strides = array<i32>} : memref<2x64x128xf32, #tpu.memory_space<vmem>>, vector<16xf32>,
        %get3A_1088 = arith.constant 0 : i32
        %get3A_1089 = arith.index_cast %get3A_1088 : i32 to index
        %get3A_1090 = arith.index_cast %add3A_1011 : i32 to index
        %get3A_1091 = arith.constant 64 : index
        %get3A_1092 = tpu.vector_load %arg12[%get3A_1089, %get3A_1090, %get3A_1091] {strides = array<i32>} : memref<2x64x128xf32, #tpu.memory_space<vmem>>, vector<16xf32>,
        %mul3A_1093 = arith.mulf %get3A_1087, %get3A_1092 : vector<16xf32>
        %get3A_1094 = arith.constant 0 : i32
        %get3A_1095 = arith.index_cast %get3A_1094 : i32 to index
        %get3A_1096 = arith.index_cast %add3A_1011 : i32 to index
        %get3A_1097 = arith.constant 64 : index
        %get3A_1098 = tpu.vector_load %arg13[%get3A_1095, %get3A_1096, %get3A_1097] {strides = array<i32>} : memref<2x64x128xf32, #tpu.memory_space<vmem>>, vector<16xf32>,
        %mul3A_1099 = arith.mulf %mul3A_1093, %get3A_1098 : vector<16xf32>
        %add3A_1100 = arith.addf %add3A_1082, %mul3A_1099 : vector<16xf32>
        %get3A_1101 = arith.constant 0 : i32
        %get3A_1102 = arith.index_cast %get3A_1101 : i32 to index
        %get3A_1103 = arith.index_cast %add3A_1011 : i32 to index
        %get3A_1104 = arith.constant 80 : index
        %get3A_1105 = tpu.vector_load %arg11[%get3A_1102, %get3A_1103, %get3A_1104] {strides = array<i32>} : memref<2x64x128xf32, #tpu.memory_space<vmem>>, vector<16xf32>,
        %get3A_1106 = arith.constant 0 : i32
        %get3A_1107 = arith.index_cast %get3A_1106 : i32 to index
        %get3A_1108 = arith.index_cast %add3A_1011 : i32 to index
        %get3A_1109 = arith.constant 80 : index
        %get3A_1110 = tpu.vector_load %arg12[%get3A_1107, %get3A_1108, %get3A_1109] {strides = array<i32>} : memref<2x64x128xf32, #tpu.memory_space<vmem>>, vector<16xf32>,
        %mul3A_1111 = arith.mulf %get3A_1105, %get3A_1110 : vector<16xf32>
        %get3A_1112 = arith.constant 0 : i32
        %get3A_1113 = arith.index_cast %get3A_1112 : i32 to index
        %get3A_1114 = arith.index_cast %add3A_1011 : i32 to index
        %get3A_1115 = arith.constant 80 : index
        %get3A_1116 = tpu.vector_load %arg13[%get3A_1113, %get3A_1114, %get3A_1115] {strides = array<i32>} : memref<2x64x128xf32, #tpu.memory_space<vmem>>, vector<16xf32>,
        %mul3A_1117 = arith.mulf %mul3A_1111, %get3A_1116 : vector<16xf32>
        %add3A_1118 = arith.addf %add3A_1100, %mul3A_1117 : vector<16xf32>
        %get3A_1119 = arith.constant 0 : i32
        %get3A_1120 = arith.index_cast %get3A_1119 : i32 to index
        %get3A_1121 = arith.index_cast %add3A_1011 : i32 to index
        %get3A_1122 = arith.constant 96 : index
        %get3A_1123 = tpu.vector_load %arg11[%get3A_1120, %get3A_1121, %get3A_1122] {strides = array<i32>} : memref<2x64x128xf32, #tpu.memory_space<vmem>>, vector<16xf32>,
        %get3A_1124 = arith.constant 0 : i32
        %get3A_1125 = arith.index_cast %get3A_1124 : i32 to index
        %get3A_1126 = arith.index_cast %add3A_1011 : i32 to index
        %get3A_1127 = arith.constant 96 : index
        %get3A_1128 = tpu.vector_load %arg12[%get3A_1125, %get3A_1126, %get3A_1127] {strides = array<i32>} : memref<2x64x128xf32, #tpu.memory_space<vmem>>, vector<16xf32>,
        %mul3A_1129 = arith.mulf %get3A_1123, %get3A_1128 : vector<16xf32>
        %get3A_1130 = arith.constant 0 : i32
        %get3A_1131 = arith.index_cast %get3A_1130 : i32 to index
        %get3A_1132 = arith.index_cast %add3A_1011 : i32 to index
        %get3A_1133 = arith.constant 96 : index
        %get3A_1134 = tpu.vector_load %arg13[%get3A_1131, %get3A_1132, %get3A_1133] {strides = array<i32>} : memref<2x64x128xf32, #tpu.memory_space<vmem>>, vector<16xf32>,
        %mul3A_1135 = arith.mulf %mul3A_1129, %get3A_1134 : vector<16xf32>
        %add3A_1136 = arith.addf %add3A_1118, %mul3A_1135 : vector<16xf32>
        %get3A_1137 = arith.constant 0 : i32
        %get3A_1138 = arith.index_cast %get3A_1137 : i32 to index
        %get3A_1139 = arith.index_cast %add3A_1011 : i32 to index
        %get3A_1140 = arith.constant 112 : index
        %get3A_1141 = tpu.vector_load %arg11[%get3A_1138, %get3A_1139, %get3A_1140] {strides = array<i32>} : memref<2x64x128xf32, #tpu.memory_space<vmem>>, vector<16xf32>,
        %get3A_1142 = arith.constant 0 : i32
        %get3A_1143 = arith.index_cast %get3A_1142 : i32 to index
        %get3A_1144 = arith.index_cast %add3A_1011 : i32 to index
        %get3A_1145 = arith.constant 112 : index
        %get3A_1146 = tpu.vector_load %arg12[%get3A_1143, %get3A_1144, %get3A_1145] {strides = array<i32>} : memref<2x64x128xf32, #tpu.memory_space<vmem>>, vector<16xf32>,
        %mul3A_1147 = arith.mulf %get3A_1141, %get3A_1146 : vector<16xf32>
        %get3A_1148 = arith.constant 0 : i32
        %get3A_1149 = arith.index_cast %get3A_1148 : i32 to index
        %get3A_1150 = arith.index_cast %add3A_1011 : i32 to index
        %get3A_1151 = arith.constant 112 : index
        %get3A_1152 = tpu.vector_load %arg13[%get3A_1149, %get3A_1150, %get3A_1151] {strides = array<i32>} : memref<2x64x128xf32, #tpu.memory_space<vmem>>, vector<16xf32>,
        %mul3A_1153 = arith.mulf %mul3A_1147, %get3A_1152 : vector<16xf32>
        %add3A_1154 = arith.addf %add3A_1136, %mul3A_1153 : vector<16xf32>
        %swap3A_1155 = arith.constant 80 : index
        %swap3A_1156 = tpu.vector_load %arg15[%swap3A_1155] {strides = array<i32>} : memref<256xf32, #tpu.memory_space<vmem>>, vector<16xf32>,
        tpu.vector_store %arg15[%swap3A_1155], %add3A_1154 {strides = array<i32>} : memref<256xf32, #tpu.memory_space<vmem>>, vector<16xf32>,
        %mul3A_1157 = arith.constant 16 : i32
        %mul3A_1158 = arith.muli %scan3A_264, %mul3A_1157 : i32
        %add3A_1159 = arith.constant 6 : i32
        %add3A_1160 = arith.addi %mul3A_1158, %add3A_1159 : i32
        %get3A_1161 = arith.constant 0 : i32
        %get3A_1162 = arith.index_cast %get3A_1161 : i32 to index
        %get3A_1163 = arith.index_cast %add3A_1160 : i32 to index
        %get3A_1164 = arith.constant 0 : index
        %get3A_1165 = tpu.vector_load %arg11[%get3A_1162, %get3A_1163, %get3A_1164] {strides = array<i32>} : memref<2x64x128xf32, #tpu.memory_space<vmem>>, vector<16xf32>,
        %get3A_1166 = arith.constant 0 : i32
        %get3A_1167 = arith.index_cast %get3A_1166 : i32 to index
        %get3A_1168 = arith.index_cast %add3A_1160 : i32 to index
        %get3A_1169 = arith.constant 0 : index
        %get3A_1170 = tpu.vector_load %arg12[%get3A_1167, %get3A_1168, %get3A_1169] {strides = array<i32>} : memref<2x64x128xf32, #tpu.memory_space<vmem>>, vector<16xf32>,
        %mul3A_1171 = arith.mulf %get3A_1165, %get3A_1170 : vector<16xf32>
        %get3A_1172 = arith.constant 0 : i32
        %get3A_1173 = arith.index_cast %get3A_1172 : i32 to index
        %get3A_1174 = arith.index_cast %add3A_1160 : i32 to index
        %get3A_1175 = arith.constant 0 : index
        %get3A_1176 = tpu.vector_load %arg13[%get3A_1173, %get3A_1174, %get3A_1175] {strides = array<i32>} : memref<2x64x128xf32, #tpu.memory_space<vmem>>, vector<16xf32>,
        %mul3A_1177 = arith.mulf %mul3A_1171, %get3A_1176 : vector<16xf32>
        %get3A_1178 = arith.constant 0 : i32
        %get3A_1179 = arith.index_cast %get3A_1178 : i32 to index
        %get3A_1180 = arith.index_cast %add3A_1160 : i32 to index
        %get3A_1181 = arith.constant 16 : index
        %get3A_1182 = tpu.vector_load %arg11[%get3A_1179, %get3A_1180, %get3A_1181] {strides = array<i32>} : memref<2x64x128xf32, #tpu.memory_space<vmem>>, vector<16xf32>,
        %get3A_1183 = arith.constant 0 : i32
        %get3A_1184 = arith.index_cast %get3A_1183 : i32 to index
        %get3A_1185 = arith.index_cast %add3A_1160 : i32 to index
        %get3A_1186 = arith.constant 16 : index
        %get3A_1187 = tpu.vector_load %arg12[%get3A_1184, %get3A_1185, %get3A_1186] {strides = array<i32>} : memref<2x64x128xf32, #tpu.memory_space<vmem>>, vector<16xf32>,
        %mul3A_1188 = arith.mulf %get3A_1182, %get3A_1187 : vector<16xf32>
        %get3A_1189 = arith.constant 0 : i32
        %get3A_1190 = arith.index_cast %get3A_1189 : i32 to index
        %get3A_1191 = arith.index_cast %add3A_1160 : i32 to index
        %get3A_1192 = arith.constant 16 : index
        %get3A_1193 = tpu.vector_load %arg13[%get3A_1190, %get3A_1191, %get3A_1192] {strides = array<i32>} : memref<2x64x128xf32, #tpu.memory_space<vmem>>, vector<16xf32>,
        %mul3A_1194 = arith.mulf %mul3A_1188, %get3A_1193 : vector<16xf32>
        %add3A_1195 = arith.addf %mul3A_1177, %mul3A_1194 : vector<16xf32>
        %get3A_1196 = arith.constant 0 : i32
        %get3A_1197 = arith.index_cast %get3A_1196 : i32 to index
        %get3A_1198 = arith.index_cast %add3A_1160 : i32 to index
        %get3A_1199 = arith.constant 32 : index
        %get3A_1200 = tpu.vector_load %arg11[%get3A_1197, %get3A_1198, %get3A_1199] {strides = array<i32>} : memref<2x64x128xf32, #tpu.memory_space<vmem>>, vector<16xf32>,
        %get3A_1201 = arith.constant 0 : i32
        %get3A_1202 = arith.index_cast %get3A_1201 : i32 to index
        %get3A_1203 = arith.index_cast %add3A_1160 : i32 to index
        %get3A_1204 = arith.constant 32 : index
        %get3A_1205 = tpu.vector_load %arg12[%get3A_1202, %get3A_1203, %get3A_1204] {strides = array<i32>} : memref<2x64x128xf32, #tpu.memory_space<vmem>>, vector<16xf32>,
        %mul3A_1206 = arith.mulf %get3A_1200, %get3A_1205 : vector<16xf32>
        %get3A_1207 = arith.constant 0 : i32
        %get3A_1208 = arith.index_cast %get3A_1207 : i32 to index
        %get3A_1209 = arith.index_cast %add3A_1160 : i32 to index
        %get3A_1210 = arith.constant 32 : index
        %get3A_1211 = tpu.vector_load %arg13[%get3A_1208, %get3A_1209, %get3A_1210] {strides = array<i32>} : memref<2x64x128xf32, #tpu.memory_space<vmem>>, vector<16xf32>,
        %mul3A_1212 = arith.mulf %mul3A_1206, %get3A_1211 : vector<16xf32>
        %add3A_1213 = arith.addf %add3A_1195, %mul3A_1212 : vector<16xf32>
        %get3A_1214 = arith.constant 0 : i32
        %get3A_1215 = arith.index_cast %get3A_1214 : i32 to index
        %get3A_1216 = arith.index_cast %add3A_1160 : i32 to index
        %get3A_1217 = arith.constant 48 : index
        %get3A_1218 = tpu.vector_load %arg11[%get3A_1215, %get3A_1216, %get3A_1217] {strides = array<i32>} : memref<2x64x128xf32, #tpu.memory_space<vmem>>, vector<16xf32>,
        %get3A_1219 = arith.constant 0 : i32
        %get3A_1220 = arith.index_cast %get3A_1219 : i32 to index
        %get3A_1221 = arith.index_cast %add3A_1160 : i32 to index
        %get3A_1222 = arith.constant 48 : index
        %get3A_1223 = tpu.vector_load %arg12[%get3A_1220, %get3A_1221, %get3A_1222] {strides = array<i32>} : memref<2x64x128xf32, #tpu.memory_space<vmem>>, vector<16xf32>,
        %mul3A_1224 = arith.mulf %get3A_1218, %get3A_1223 : vector<16xf32>
        %get3A_1225 = arith.constant 0 : i32
        %get3A_1226 = arith.index_cast %get3A_1225 : i32 to index
        %get3A_1227 = arith.index_cast %add3A_1160 : i32 to index
        %get3A_1228 = arith.constant 48 : index
        %get3A_1229 = tpu.vector_load %arg13[%get3A_1226, %get3A_1227, %get3A_1228] {strides = array<i32>} : memref<2x64x128xf32, #tpu.memory_space<vmem>>, vector<16xf32>,
        %mul3A_1230 = arith.mulf %mul3A_1224, %get3A_1229 : vector<16xf32>
        %add3A_1231 = arith.addf %add3A_1213, %mul3A_1230 : vector<16xf32>
        %get3A_1232 = arith.constant 0 : i32
        %get3A_1233 = arith.index_cast %get3A_1232 : i32 to index
        %get3A_1234 = arith.index_cast %add3A_1160 : i32 to index
        %get3A_1235 = arith.constant 64 : index
        %get3A_1236 = tpu.vector_load %arg11[%get3A_1233, %get3A_1234, %get3A_1235] {strides = array<i32>} : memref<2x64x128xf32, #tpu.memory_space<vmem>>, vector<16xf32>,
        %get3A_1237 = arith.constant 0 : i32
        %get3A_1238 = arith.index_cast %get3A_1237 : i32 to index
        %get3A_1239 = arith.index_cast %add3A_1160 : i32 to index
        %get3A_1240 = arith.constant 64 : index
        %get3A_1241 = tpu.vector_load %arg12[%get3A_1238, %get3A_1239, %get3A_1240] {strides = array<i32>} : memref<2x64x128xf32, #tpu.memory_space<vmem>>, vector<16xf32>,
        %mul3A_1242 = arith.mulf %get3A_1236, %get3A_1241 : vector<16xf32>
        %get3A_1243 = arith.constant 0 : i32
        %get3A_1244 = arith.index_cast %get3A_1243 : i32 to index
        %get3A_1245 = arith.index_cast %add3A_1160 : i32 to index
        %get3A_1246 = arith.constant 64 : index
        %get3A_1247 = tpu.vector_load %arg13[%get3A_1244, %get3A_1245, %get3A_1246] {strides = array<i32>} : memref<2x64x128xf32, #tpu.memory_space<vmem>>, vector<16xf32>,
        %mul3A_1248 = arith.mulf %mul3A_1242, %get3A_1247 : vector<16xf32>
        %add3A_1249 = arith.addf %add3A_1231, %mul3A_1248 : vector<16xf32>
        %get3A_1250 = arith.constant 0 : i32
        %get3A_1251 = arith.index_cast %get3A_1250 : i32 to index
        %get3A_1252 = arith.index_cast %add3A_1160 : i32 to index
        %get3A_1253 = arith.constant 80 : index
        %get3A_1254 = tpu.vector_load %arg11[%get3A_1251, %get3A_1252, %get3A_1253] {strides = array<i32>} : memref<2x64x128xf32, #tpu.memory_space<vmem>>, vector<16xf32>,
        %get3A_1255 = arith.constant 0 : i32
        %get3A_1256 = arith.index_cast %get3A_1255 : i32 to index
        %get3A_1257 = arith.index_cast %add3A_1160 : i32 to index
        %get3A_1258 = arith.constant 80 : index
        %get3A_1259 = tpu.vector_load %arg12[%get3A_1256, %get3A_1257, %get3A_1258] {strides = array<i32>} : memref<2x64x128xf32, #tpu.memory_space<vmem>>, vector<16xf32>,
        %mul3A_1260 = arith.mulf %get3A_1254, %get3A_1259 : vector<16xf32>
        %get3A_1261 = arith.constant 0 : i32
        %get3A_1262 = arith.index_cast %get3A_1261 : i32 to index
        %get3A_1263 = arith.index_cast %add3A_1160 : i32 to index
        %get3A_1264 = arith.constant 80 : index
        %get3A_1265 = tpu.vector_load %arg13[%get3A_1262, %get3A_1263, %get3A_1264] {strides = array<i32>} : memref<2x64x128xf32, #tpu.memory_space<vmem>>, vector<16xf32>,
        %mul3A_1266 = arith.mulf %mul3A_1260, %get3A_1265 : vector<16xf32>
        %add3A_1267 = arith.addf %add3A_1249, %mul3A_1266 : vector<16xf32>
        %get3A_1268 = arith.constant 0 : i32
        %get3A_1269 = arith.index_cast %get3A_1268 : i32 to index
        %get3A_1270 = arith.index_cast %add3A_1160 : i32 to index
        %get3A_1271 = arith.constant 96 : index
        %get3A_1272 = tpu.vector_load %arg11[%get3A_1269, %get3A_1270, %get3A_1271] {strides = array<i32>} : memref<2x64x128xf32, #tpu.memory_space<vmem>>, vector<16xf32>,
        %get3A_1273 = arith.constant 0 : i32
        %get3A_1274 = arith.index_cast %get3A_1273 : i32 to index
        %get3A_1275 = arith.index_cast %add3A_1160 : i32 to index
        %get3A_1276 = arith.constant 96 : index
        %get3A_1277 = tpu.vector_load %arg12[%get3A_1274, %get3A_1275, %get3A_1276] {strides = array<i32>} : memref<2x64x128xf32, #tpu.memory_space<vmem>>, vector<16xf32>,
        %mul3A_1278 = arith.mulf %get3A_1272, %get3A_1277 : vector<16xf32>
        %get3A_1279 = arith.constant 0 : i32
        %get3A_1280 = arith.index_cast %get3A_1279 : i32 to index
        %get3A_1281 = arith.index_cast %add3A_1160 : i32 to index
        %get3A_1282 = arith.constant 96 : index
        %get3A_1283 = tpu.vector_load %arg13[%get3A_1280, %get3A_1281, %get3A_1282] {strides = array<i32>} : memref<2x64x128xf32, #tpu.memory_space<vmem>>, vector<16xf32>,
        %mul3A_1284 = arith.mulf %mul3A_1278, %get3A_1283 : vector<16xf32>
        %add3A_1285 = arith.addf %add3A_1267, %mul3A_1284 : vector<16xf32>
        %get3A_1286 = arith.constant 0 : i32
        %get3A_1287 = arith.index_cast %get3A_1286 : i32 to index
        %get3A_1288 = arith.index_cast %add3A_1160 : i32 to index
        %get3A_1289 = arith.constant 112 : index
        %get3A_1290 = tpu.vector_load %arg11[%get3A_1287, %get3A_1288, %get3A_1289] {strides = array<i32>} : memref<2x64x128xf32, #tpu.memory_space<vmem>>, vector<16xf32>,
        %get3A_1291 = arith.constant 0 : i32
        %get3A_1292 = arith.index_cast %get3A_1291 : i32 to index
        %get3A_1293 = arith.index_cast %add3A_1160 : i32 to index
        %get3A_1294 = arith.constant 112 : index
        %get3A_1295 = tpu.vector_load %arg12[%get3A_1292, %get3A_1293, %get3A_1294] {strides = array<i32>} : memref<2x64x128xf32, #tpu.memory_space<vmem>>, vector<16xf32>,
        %mul3A_1296 = arith.mulf %get3A_1290, %get3A_1295 : vector<16xf32>
        %get3A_1297 = arith.constant 0 : i32
        %get3A_1298 = arith.index_cast %get3A_1297 : i32 to index
        %get3A_1299 = arith.index_cast %add3A_1160 : i32 to index
        %get3A_1300 = arith.constant 112 : index
        %get3A_1301 = tpu.vector_load %arg13[%get3A_1298, %get3A_1299, %get3A_1300] {strides = array<i32>} : memref<2x64x128xf32, #tpu.memory_space<vmem>>, vector<16xf32>,
        %mul3A_1302 = arith.mulf %mul3A_1296, %get3A_1301 : vector<16xf32>
        %add3A_1303 = arith.addf %add3A_1285, %mul3A_1302 : vector<16xf32>
        %swap3A_1304 = arith.constant 96 : index
        %swap3A_1305 = tpu.vector_load %arg15[%swap3A_1304] {strides = array<i32>} : memref<256xf32, #tpu.memory_space<vmem>>, vector<16xf32>,
        tpu.vector_store %arg15[%swap3A_1304], %add3A_1303 {strides = array<i32>} : memref<256xf32, #tpu.memory_space<vmem>>, vector<16xf32>,
        %mul3A_1306 = arith.constant 16 : i32
        %mul3A_1307 = arith.muli %scan3A_264, %mul3A_1306 : i32
        %add3A_1308 = arith.constant 7 : i32
        %add3A_1309 = arith.addi %mul3A_1307, %add3A_1308 : i32
        %get3A_1310 = arith.constant 0 : i32
        %get3A_1311 = arith.index_cast %get3A_1310 : i32 to index
        %get3A_1312 = arith.index_cast %add3A_1309 : i32 to index
        %get3A_1313 = arith.constant 0 : index
        %get3A_1314 = tpu.vector_load %arg11[%get3A_1311, %get3A_1312, %get3A_1313] {strides = array<i32>} : memref<2x64x128xf32, #tpu.memory_space<vmem>>, vector<16xf32>,
        %get3A_1315 = arith.constant 0 : i32
        %get3A_1316 = arith.index_cast %get3A_1315 : i32 to index
        %get3A_1317 = arith.index_cast %add3A_1309 : i32 to index
        %get3A_1318 = arith.constant 0 : index
        %get3A_1319 = tpu.vector_load %arg12[%get3A_1316, %get3A_1317, %get3A_1318] {strides = array<i32>} : memref<2x64x128xf32, #tpu.memory_space<vmem>>, vector<16xf32>,
        %mul3A_1320 = arith.mulf %get3A_1314, %get3A_1319 : vector<16xf32>
        %get3A_1321 = arith.constant 0 : i32
        %get3A_1322 = arith.index_cast %get3A_1321 : i32 to index
        %get3A_1323 = arith.index_cast %add3A_1309 : i32 to index
        %get3A_1324 = arith.constant 0 : index
        %get3A_1325 = tpu.vector_load %arg13[%get3A_1322, %get3A_1323, %get3A_1324] {strides = array<i32>} : memref<2x64x128xf32, #tpu.memory_space<vmem>>, vector<16xf32>,
        %mul3A_1326 = arith.mulf %mul3A_1320, %get3A_1325 : vector<16xf32>
        %get3A_1327 = arith.constant 0 : i32
        %get3A_1328 = arith.index_cast %get3A_1327 : i32 to index
        %get3A_1329 = arith.index_cast %add3A_1309 : i32 to index
        %get3A_1330 = arith.constant 16 : index
        %get3A_1331 = tpu.vector_load %arg11[%get3A_1328, %get3A_1329, %get3A_1330] {strides = array<i32>} : memref<2x64x128xf32, #tpu.memory_space<vmem>>, vector<16xf32>,
        %get3A_1332 = arith.constant 0 : i32
        %get3A_1333 = arith.index_cast %get3A_1332 : i32 to index
        %get3A_1334 = arith.index_cast %add3A_1309 : i32 to index
        %get3A_1335 = arith.constant 16 : index
        %get3A_1336 = tpu.vector_load %arg12[%get3A_1333, %get3A_1334, %get3A_1335] {strides = array<i32>} : memref<2x64x128xf32, #tpu.memory_space<vmem>>, vector<16xf32>,
        %mul3A_1337 = arith.mulf %get3A_1331, %get3A_1336 : vector<16xf32>
        %get3A_1338 = arith.constant 0 : i32
        %get3A_1339 = arith.index_cast %get3A_1338 : i32 to index
        %get3A_1340 = arith.index_cast %add3A_1309 : i32 to index
        %get3A_1341 = arith.constant 16 : index
        %get3A_1342 = tpu.vector_load %arg13[%get3A_1339, %get3A_1340, %get3A_1341] {strides = array<i32>} : memref<2x64x128xf32, #tpu.memory_space<vmem>>, vector<16xf32>,
        %mul3A_1343 = arith.mulf %mul3A_1337, %get3A_1342 : vector<16xf32>
        %add3A_1344 = arith.addf %mul3A_1326, %mul3A_1343 : vector<16xf32>
        %get3A_1345 = arith.constant 0 : i32
        %get3A_1346 = arith.index_cast %get3A_1345 : i32 to index
        %get3A_1347 = arith.index_cast %add3A_1309 : i32 to index
        %get3A_1348 = arith.constant 32 : index
        %get3A_1349 = tpu.vector_load %arg11[%get3A_1346, %get3A_1347, %get3A_1348] {strides = array<i32>} : memref<2x64x128xf32, #tpu.memory_space<vmem>>, vector<16xf32>,
        %get3A_1350 = arith.constant 0 : i32
        %get3A_1351 = arith.index_cast %get3A_1350 : i32 to index
        %get3A_1352 = arith.index_cast %add3A_1309 : i32 to index
        %get3A_1353 = arith.constant 32 : index
        %get3A_1354 = tpu.vector_load %arg12[%get3A_1351, %get3A_1352, %get3A_1353] {strides = array<i32>} : memref<2x64x128xf32, #tpu.memory_space<vmem>>, vector<16xf32>,
        %mul3A_1355 = arith.mulf %get3A_1349, %get3A_1354 : vector<16xf32>
        %get3A_1356 = arith.constant 0 : i32
        %get3A_1357 = arith.index_cast %get3A_1356 : i32 to index
        %get3A_1358 = arith.index_cast %add3A_1309 : i32 to index
        %get3A_1359 = arith.constant 32 : index
        %get3A_1360 = tpu.vector_load %arg13[%get3A_1357, %get3A_1358, %get3A_1359] {strides = array<i32>} : memref<2x64x128xf32, #tpu.memory_space<vmem>>, vector<16xf32>,
        %mul3A_1361 = arith.mulf %mul3A_1355, %get3A_1360 : vector<16xf32>
        %add3A_1362 = arith.addf %add3A_1344, %mul3A_1361 : vector<16xf32>
        %get3A_1363 = arith.constant 0 : i32
        %get3A_1364 = arith.index_cast %get3A_1363 : i32 to index
        %get3A_1365 = arith.index_cast %add3A_1309 : i32 to index
        %get3A_1366 = arith.constant 48 : index
        %get3A_1367 = tpu.vector_load %arg11[%get3A_1364, %get3A_1365, %get3A_1366] {strides = array<i32>} : memref<2x64x128xf32, #tpu.memory_space<vmem>>, vector<16xf32>,
        %get3A_1368 = arith.constant 0 : i32
        %get3A_1369 = arith.index_cast %get3A_1368 : i32 to index
        %get3A_1370 = arith.index_cast %add3A_1309 : i32 to index
        %get3A_1371 = arith.constant 48 : index
        %get3A_1372 = tpu.vector_load %arg12[%get3A_1369, %get3A_1370, %get3A_1371] {strides = array<i32>} : memref<2x64x128xf32, #tpu.memory_space<vmem>>, vector<16xf32>,
        %mul3A_1373 = arith.mulf %get3A_1367, %get3A_1372 : vector<16xf32>
        %get3A_1374 = arith.constant 0 : i32
        %get3A_1375 = arith.index_cast %get3A_1374 : i32 to index
        %get3A_1376 = arith.index_cast %add3A_1309 : i32 to index
        %get3A_1377 = arith.constant 48 : index
        %get3A_1378 = tpu.vector_load %arg13[%get3A_1375, %get3A_1376, %get3A_1377] {strides = array<i32>} : memref<2x64x128xf32, #tpu.memory_space<vmem>>, vector<16xf32>,
        %mul3A_1379 = arith.mulf %mul3A_1373, %get3A_1378 : vector<16xf32>
        %add3A_1380 = arith.addf %add3A_1362, %mul3A_1379 : vector<16xf32>
        %get3A_1381 = arith.constant 0 : i32
        %get3A_1382 = arith.index_cast %get3A_1381 : i32 to index
        %get3A_1383 = arith.index_cast %add3A_1309 : i32 to index
        %get3A_1384 = arith.constant 64 : index
        %get3A_1385 = tpu.vector_load %arg11[%get3A_1382, %get3A_1383, %get3A_1384] {strides = array<i32>} : memref<2x64x128xf32, #tpu.memory_space<vmem>>, vector<16xf32>,
        %get3A_1386 = arith.constant 0 : i32
        %get3A_1387 = arith.index_cast %get3A_1386 : i32 to index
        %get3A_1388 = arith.index_cast %add3A_1309 : i32 to index
        %get3A_1389 = arith.constant 64 : index
        %get3A_1390 = tpu.vector_load %arg12[%get3A_1387, %get3A_1388, %get3A_1389] {strides = array<i32>} : memref<2x64x128xf32, #tpu.memory_space<vmem>>, vector<16xf32>,
        %mul3A_1391 = arith.mulf %get3A_1385, %get3A_1390 : vector<16xf32>
        %get3A_1392 = arith.constant 0 : i32
        %get3A_1393 = arith.index_cast %get3A_1392 : i32 to index
        %get3A_1394 = arith.index_cast %add3A_1309 : i32 to index
        %get3A_1395 = arith.constant 64 : index
        %get3A_1396 = tpu.vector_load %arg13[%get3A_1393, %get3A_1394, %get3A_1395] {strides = array<i32>} : memref<2x64x128xf32, #tpu.memory_space<vmem>>, vector<16xf32>,
        %mul3A_1397 = arith.mulf %mul3A_1391, %get3A_1396 : vector<16xf32>
        %add3A_1398 = arith.addf %add3A_1380, %mul3A_1397 : vector<16xf32>
        %get3A_1399 = arith.constant 0 : i32
        %get3A_1400 = arith.index_cast %get3A_1399 : i32 to index
        %get3A_1401 = arith.index_cast %add3A_1309 : i32 to index
        %get3A_1402 = arith.constant 80 : index
        %get3A_1403 = tpu.vector_load %arg11[%get3A_1400, %get3A_1401, %get3A_1402] {strides = array<i32>} : memref<2x64x128xf32, #tpu.memory_space<vmem>>, vector<16xf32>,
        %get3A_1404 = arith.constant 0 : i32
        %get3A_1405 = arith.index_cast %get3A_1404 : i32 to index
        %get3A_1406 = arith.index_cast %add3A_1309 : i32 to index
        %get3A_1407 = arith.constant 80 : index
        %get3A_1408 = tpu.vector_load %arg12[%get3A_1405, %get3A_1406, %get3A_1407] {strides = array<i32>} : memref<2x64x128xf32, #tpu.memory_space<vmem>>, vector<16xf32>,
        %mul3A_1409 = arith.mulf %get3A_1403, %get3A_1408 : vector<16xf32>
        %get3A_1410 = arith.constant 0 : i32
        %get3A_1411 = arith.index_cast %get3A_1410 : i32 to index
        %get3A_1412 = arith.index_cast %add3A_1309 : i32 to index
        %get3A_1413 = arith.constant 80 : index
        %get3A_1414 = tpu.vector_load %arg13[%get3A_1411, %get3A_1412, %get3A_1413] {strides = array<i32>} : memref<2x64x128xf32, #tpu.memory_space<vmem>>, vector<16xf32>,
        %mul3A_1415 = arith.mulf %mul3A_1409, %get3A_1414 : vector<16xf32>
        %add3A_1416 = arith.addf %add3A_1398, %mul3A_1415 : vector<16xf32>
        %get3A_1417 = arith.constant 0 : i32
        %get3A_1418 = arith.index_cast %get3A_1417 : i32 to index
        %get3A_1419 = arith.index_cast %add3A_1309 : i32 to index
        %get3A_1420 = arith.constant 96 : index
        %get3A_1421 = tpu.vector_load %arg11[%get3A_1418, %get3A_1419, %get3A_1420] {strides = array<i32>} : memref<2x64x128xf32, #tpu.memory_space<vmem>>, vector<16xf32>,
        %get3A_1422 = arith.constant 0 : i32
        %get3A_1423 = arith.index_cast %get3A_1422 : i32 to index
        %get3A_1424 = arith.index_cast %add3A_1309 : i32 to index
        %get3A_1425 = arith.constant 96 : index
        %get3A_1426 = tpu.vector_load %arg12[%get3A_1423, %get3A_1424, %get3A_1425] {strides = array<i32>} : memref<2x64x128xf32, #tpu.memory_space<vmem>>, vector<16xf32>,
        %mul3A_1427 = arith.mulf %get3A_1421, %get3A_1426 : vector<16xf32>
        %get3A_1428 = arith.constant 0 : i32
        %get3A_1429 = arith.index_cast %get3A_1428 : i32 to index
        %get3A_1430 = arith.index_cast %add3A_1309 : i32 to index
        %get3A_1431 = arith.constant 96 : index
        %get3A_1432 = tpu.vector_load %arg13[%get3A_1429, %get3A_1430, %get3A_1431] {strides = array<i32>} : memref<2x64x128xf32, #tpu.memory_space<vmem>>, vector<16xf32>,
        %mul3A_1433 = arith.mulf %mul3A_1427, %get3A_1432 : vector<16xf32>
        %add3A_1434 = arith.addf %add3A_1416, %mul3A_1433 : vector<16xf32>
        %get3A_1435 = arith.constant 0 : i32
        %get3A_1436 = arith.index_cast %get3A_1435 : i32 to index
        %get3A_1437 = arith.index_cast %add3A_1309 : i32 to index
        %get3A_1438 = arith.constant 112 : index
        %get3A_1439 = tpu.vector_load %arg11[%get3A_1436, %get3A_1437, %get3A_1438] {strides = array<i32>} : memref<2x64x128xf32, #tpu.memory_space<vmem>>, vector<16xf32>,
        %get3A_1440 = arith.constant 0 : i32
        %get3A_1441 = arith.index_cast %get3A_1440 : i32 to index
        %get3A_1442 = arith.index_cast %add3A_1309 : i32 to index
        %get3A_1443 = arith.constant 112 : index
        %get3A_1444 = tpu.vector_load %arg12[%get3A_1441, %get3A_1442, %get3A_1443] {strides = array<i32>} : memref<2x64x128xf32, #tpu.memory_space<vmem>>, vector<16xf32>,
        %mul3A_1445 = arith.mulf %get3A_1439, %get3A_1444 : vector<16xf32>
        %get3A_1446 = arith.constant 0 : i32
        %get3A_1447 = arith.index_cast %get3A_1446 : i32 to index
        %get3A_1448 = arith.index_cast %add3A_1309 : i32 to index
        %get3A_1449 = arith.constant 112 : index
        %get3A_1450 = tpu.vector_load %arg13[%get3A_1447, %get3A_1448, %get3A_1449] {strides = array<i32>} : memref<2x64x128xf32, #tpu.memory_space<vmem>>, vector<16xf32>,
        %mul3A_1451 = arith.mulf %mul3A_1445, %get3A_1450 : vector<16xf32>
        %add3A_1452 = arith.addf %add3A_1434, %mul3A_1451 : vector<16xf32>
        %swap3A_1453 = arith.constant 112 : index
        %swap3A_1454 = tpu.vector_load %arg15[%swap3A_1453] {strides = array<i32>} : memref<256xf32, #tpu.memory_space<vmem>>, vector<16xf32>,
        tpu.vector_store %arg15[%swap3A_1453], %add3A_1452 {strides = array<i32>} : memref<256xf32, #tpu.memory_space<vmem>>, vector<16xf32>,
        %mul3A_1455 = arith.constant 16 : i32
        %mul3A_1456 = arith.muli %scan3A_264, %mul3A_1455 : i32
        %add3A_1457 = arith.constant 8 : i32
        %add3A_1458 = arith.addi %mul3A_1456, %add3A_1457 : i32
        %get3A_1459 = arith.constant 0 : i32
        %get3A_1460 = arith.index_cast %get3A_1459 : i32 to index
        %get3A_1461 = arith.index_cast %add3A_1458 : i32 to index
        %get3A_1462 = arith.constant 0 : index
        %get3A_1463 = tpu.vector_load %arg11[%get3A_1460, %get3A_1461, %get3A_1462] {strides = array<i32>} : memref<2x64x128xf32, #tpu.memory_space<vmem>>, vector<16xf32>,
        %get3A_1464 = arith.constant 0 : i32
        %get3A_1465 = arith.index_cast %get3A_1464 : i32 to index
        %get3A_1466 = arith.index_cast %add3A_1458 : i32 to index
        %get3A_1467 = arith.constant 0 : index
        %get3A_1468 = tpu.vector_load %arg12[%get3A_1465, %get3A_1466, %get3A_1467] {strides = array<i32>} : memref<2x64x128xf32, #tpu.memory_space<vmem>>, vector<16xf32>,
        %mul3A_1469 = arith.mulf %get3A_1463, %get3A_1468 : vector<16xf32>
        %get3A_1470 = arith.constant 0 : i32
        %get3A_1471 = arith.index_cast %get3A_1470 : i32 to index
        %get3A_1472 = arith.index_cast %add3A_1458 : i32 to index
        %get3A_1473 = arith.constant 0 : index
        %get3A_1474 = tpu.vector_load %arg13[%get3A_1471, %get3A_1472, %get3A_1473] {strides = array<i32>} : memref<2x64x128xf32, #tpu.memory_space<vmem>>, vector<16xf32>,
        %mul3A_1475 = arith.mulf %mul3A_1469, %get3A_1474 : vector<16xf32>
        %get3A_1476 = arith.constant 0 : i32
        %get3A_1477 = arith.index_cast %get3A_1476 : i32 to index
        %get3A_1478 = arith.index_cast %add3A_1458 : i32 to index
        %get3A_1479 = arith.constant 16 : index
        %get3A_1480 = tpu.vector_load %arg11[%get3A_1477, %get3A_1478, %get3A_1479] {strides = array<i32>} : memref<2x64x128xf32, #tpu.memory_space<vmem>>, vector<16xf32>,
        %get3A_1481 = arith.constant 0 : i32
        %get3A_1482 = arith.index_cast %get3A_1481 : i32 to index
        %get3A_1483 = arith.index_cast %add3A_1458 : i32 to index
        %get3A_1484 = arith.constant 16 : index
        %get3A_1485 = tpu.vector_load %arg12[%get3A_1482, %get3A_1483, %get3A_1484] {strides = array<i32>} : memref<2x64x128xf32, #tpu.memory_space<vmem>>, vector<16xf32>,
        %mul3A_1486 = arith.mulf %get3A_1480, %get3A_1485 : vector<16xf32>
        %get3A_1487 = arith.constant 0 : i32
        %get3A_1488 = arith.index_cast %get3A_1487 : i32 to index
        %get3A_1489 = arith.index_cast %add3A_1458 : i32 to index
        %get3A_1490 = arith.constant 16 : index
        %get3A_1491 = tpu.vector_load %arg13[%get3A_1488, %get3A_1489, %get3A_1490] {strides = array<i32>} : memref<2x64x128xf32, #tpu.memory_space<vmem>>, vector<16xf32>,
        %mul3A_1492 = arith.mulf %mul3A_1486, %get3A_1491 : vector<16xf32>
        %add3A_1493 = arith.addf %mul3A_1475, %mul3A_1492 : vector<16xf32>
        %get3A_1494 = arith.constant 0 : i32
        %get3A_1495 = arith.index_cast %get3A_1494 : i32 to index
        %get3A_1496 = arith.index_cast %add3A_1458 : i32 to index
        %get3A_1497 = arith.constant 32 : index
        %get3A_1498 = tpu.vector_load %arg11[%get3A_1495, %get3A_1496, %get3A_1497] {strides = array<i32>} : memref<2x64x128xf32, #tpu.memory_space<vmem>>, vector<16xf32>,
        %get3A_1499 = arith.constant 0 : i32
        %get3A_1500 = arith.index_cast %get3A_1499 : i32 to index
        %get3A_1501 = arith.index_cast %add3A_1458 : i32 to index
        %get3A_1502 = arith.constant 32 : index
        %get3A_1503 = tpu.vector_load %arg12[%get3A_1500, %get3A_1501, %get3A_1502] {strides = array<i32>} : memref<2x64x128xf32, #tpu.memory_space<vmem>>, vector<16xf32>,
        %mul3A_1504 = arith.mulf %get3A_1498, %get3A_1503 : vector<16xf32>
        %get3A_1505 = arith.constant 0 : i32
        %get3A_1506 = arith.index_cast %get3A_1505 : i32 to index
        %get3A_1507 = arith.index_cast %add3A_1458 : i32 to index
        %get3A_1508 = arith.constant 32 : index
        %get3A_1509 = tpu.vector_load %arg13[%get3A_1506, %get3A_1507, %get3A_1508] {strides = array<i32>} : memref<2x64x128xf32, #tpu.memory_space<vmem>>, vector<16xf32>,
        %mul3A_1510 = arith.mulf %mul3A_1504, %get3A_1509 : vector<16xf32>
        %add3A_1511 = arith.addf %add3A_1493, %mul3A_1510 : vector<16xf32>
        %get3A_1512 = arith.constant 0 : i32
        %get3A_1513 = arith.index_cast %get3A_1512 : i32 to index
        %get3A_1514 = arith.index_cast %add3A_1458 : i32 to index
        %get3A_1515 = arith.constant 48 : index
        %get3A_1516 = tpu.vector_load %arg11[%get3A_1513, %get3A_1514, %get3A_1515] {strides = array<i32>} : memref<2x64x128xf32, #tpu.memory_space<vmem>>, vector<16xf32>,
        %get3A_1517 = arith.constant 0 : i32
        %get3A_1518 = arith.index_cast %get3A_1517 : i32 to index
        %get3A_1519 = arith.index_cast %add3A_1458 : i32 to index
        %get3A_1520 = arith.constant 48 : index
        %get3A_1521 = tpu.vector_load %arg12[%get3A_1518, %get3A_1519, %get3A_1520] {strides = array<i32>} : memref<2x64x128xf32, #tpu.memory_space<vmem>>, vector<16xf32>,
        %mul3A_1522 = arith.mulf %get3A_1516, %get3A_1521 : vector<16xf32>
        %get3A_1523 = arith.constant 0 : i32
        %get3A_1524 = arith.index_cast %get3A_1523 : i32 to index
        %get3A_1525 = arith.index_cast %add3A_1458 : i32 to index
        %get3A_1526 = arith.constant 48 : index
        %get3A_1527 = tpu.vector_load %arg13[%get3A_1524, %get3A_1525, %get3A_1526] {strides = array<i32>} : memref<2x64x128xf32, #tpu.memory_space<vmem>>, vector<16xf32>,
        %mul3A_1528 = arith.mulf %mul3A_1522, %get3A_1527 : vector<16xf32>
        %add3A_1529 = arith.addf %add3A_1511, %mul3A_1528 : vector<16xf32>
        %get3A_1530 = arith.constant 0 : i32
        %get3A_1531 = arith.index_cast %get3A_1530 : i32 to index
        %get3A_1532 = arith.index_cast %add3A_1458 : i32 to index
        %get3A_1533 = arith.constant 64 : index
        %get3A_1534 = tpu.vector_load %arg11[%get3A_1531, %get3A_1532, %get3A_1533] {strides = array<i32>} : memref<2x64x128xf32, #tpu.memory_space<vmem>>, vector<16xf32>,
        %get3A_1535 = arith.constant 0 : i32
        %get3A_1536 = arith.index_cast %get3A_1535 : i32 to index
        %get3A_1537 = arith.index_cast %add3A_1458 : i32 to index
        %get3A_1538 = arith.constant 64 : index
        %get3A_1539 = tpu.vector_load %arg12[%get3A_1536, %get3A_1537, %get3A_1538] {strides = array<i32>} : memref<2x64x128xf32, #tpu.memory_space<vmem>>, vector<16xf32>,
        %mul3A_1540 = arith.mulf %get3A_1534, %get3A_1539 : vector<16xf32>
        %get3A_1541 = arith.constant 0 : i32
        %get3A_1542 = arith.index_cast %get3A_1541 : i32 to index
        %get3A_1543 = arith.index_cast %add3A_1458 : i32 to index
        %get3A_1544 = arith.constant 64 : index
        %get3A_1545 = tpu.vector_load %arg13[%get3A_1542, %get3A_1543, %get3A_1544] {strides = array<i32>} : memref<2x64x128xf32, #tpu.memory_space<vmem>>, vector<16xf32>,
        %mul3A_1546 = arith.mulf %mul3A_1540, %get3A_1545 : vector<16xf32>
        %add3A_1547 = arith.addf %add3A_1529, %mul3A_1546 : vector<16xf32>
        %get3A_1548 = arith.constant 0 : i32
        %get3A_1549 = arith.index_cast %get3A_1548 : i32 to index
        %get3A_1550 = arith.index_cast %add3A_1458 : i32 to index
        %get3A_1551 = arith.constant 80 : index
        %get3A_1552 = tpu.vector_load %arg11[%get3A_1549, %get3A_1550, %get3A_1551] {strides = array<i32>} : memref<2x64x128xf32, #tpu.memory_space<vmem>>, vector<16xf32>,
        %get3A_1553 = arith.constant 0 : i32
        %get3A_1554 = arith.index_cast %get3A_1553 : i32 to index
        %get3A_1555 = arith.index_cast %add3A_1458 : i32 to index
        %get3A_1556 = arith.constant 80 : index
        %get3A_1557 = tpu.vector_load %arg12[%get3A_1554, %get3A_1555, %get3A_1556] {strides = array<i32>} : memref<2x64x128xf32, #tpu.memory_space<vmem>>, vector<16xf32>,
        %mul3A_1558 = arith.mulf %get3A_1552, %get3A_1557 : vector<16xf32>
        %get3A_1559 = arith.constant 0 : i32
        %get3A_1560 = arith.index_cast %get3A_1559 : i32 to index
        %get3A_1561 = arith.index_cast %add3A_1458 : i32 to index
        %get3A_1562 = arith.constant 80 : index
        %get3A_1563 = tpu.vector_load %arg13[%get3A_1560, %get3A_1561, %get3A_1562] {strides = array<i32>} : memref<2x64x128xf32, #tpu.memory_space<vmem>>, vector<16xf32>,
        %mul3A_1564 = arith.mulf %mul3A_1558, %get3A_1563 : vector<16xf32>
        %add3A_1565 = arith.addf %add3A_1547, %mul3A_1564 : vector<16xf32>
        %get3A_1566 = arith.constant 0 : i32
        %get3A_1567 = arith.index_cast %get3A_1566 : i32 to index
        %get3A_1568 = arith.index_cast %add3A_1458 : i32 to index
        %get3A_1569 = arith.constant 96 : index
        %get3A_1570 = tpu.vector_load %arg11[%get3A_1567, %get3A_1568, %get3A_1569] {strides = array<i32>} : memref<2x64x128xf32, #tpu.memory_space<vmem>>, vector<16xf32>,
        %get3A_1571 = arith.constant 0 : i32
        %get3A_1572 = arith.index_cast %get3A_1571 : i32 to index
        %get3A_1573 = arith.index_cast %add3A_1458 : i32 to index
        %get3A_1574 = arith.constant 96 : index
        %get3A_1575 = tpu.vector_load %arg12[%get3A_1572, %get3A_1573, %get3A_1574] {strides = array<i32>} : memref<2x64x128xf32, #tpu.memory_space<vmem>>, vector<16xf32>,
        %mul3A_1576 = arith.mulf %get3A_1570, %get3A_1575 : vector<16xf32>
        %get3A_1577 = arith.constant 0 : i32
        %get3A_1578 = arith.index_cast %get3A_1577 : i32 to index
        %get3A_1579 = arith.index_cast %add3A_1458 : i32 to index
        %get3A_1580 = arith.constant 96 : index
        %get3A_1581 = tpu.vector_load %arg13[%get3A_1578, %get3A_1579, %get3A_1580] {strides = array<i32>} : memref<2x64x128xf32, #tpu.memory_space<vmem>>, vector<16xf32>,
        %mul3A_1582 = arith.mulf %mul3A_1576, %get3A_1581 : vector<16xf32>
        %add3A_1583 = arith.addf %add3A_1565, %mul3A_1582 : vector<16xf32>
        %get3A_1584 = arith.constant 0 : i32
        %get3A_1585 = arith.index_cast %get3A_1584 : i32 to index
        %get3A_1586 = arith.index_cast %add3A_1458 : i32 to index
        %get3A_1587 = arith.constant 112 : index
        %get3A_1588 = tpu.vector_load %arg11[%get3A_1585, %get3A_1586, %get3A_1587] {strides = array<i32>} : memref<2x64x128xf32, #tpu.memory_space<vmem>>, vector<16xf32>,
        %get3A_1589 = arith.constant 0 : i32
        %get3A_1590 = arith.index_cast %get3A_1589 : i32 to index
        %get3A_1591 = arith.index_cast %add3A_1458 : i32 to index
        %get3A_1592 = arith.constant 112 : index
        %get3A_1593 = tpu.vector_load %arg12[%get3A_1590, %get3A_1591, %get3A_1592] {strides = array<i32>} : memref<2x64x128xf32, #tpu.memory_space<vmem>>, vector<16xf32>,
        %mul3A_1594 = arith.mulf %get3A_1588, %get3A_1593 : vector<16xf32>
        %get3A_1595 = arith.constant 0 : i32
        %get3A_1596 = arith.index_cast %get3A_1595 : i32 to index
        %get3A_1597 = arith.index_cast %add3A_1458 : i32 to index
        %get3A_1598 = arith.constant 112 : index
        %get3A_1599 = tpu.vector_load %arg13[%get3A_1596, %get3A_1597, %get3A_1598] {strides = array<i32>} : memref<2x64x128xf32, #tpu.memory_space<vmem>>, vector<16xf32>,
        %mul3A_1600 = arith.mulf %mul3A_1594, %get3A_1599 : vector<16xf32>
        %add3A_1601 = arith.addf %add3A_1583, %mul3A_1600 : vector<16xf32>
        %swap3A_1602 = arith.constant 128 : index
        %swap3A_1603 = tpu.vector_load %arg15[%swap3A_1602] {strides = array<i32>} : memref<256xf32, #tpu.memory_space<vmem>>, vector<16xf32>,
        tpu.vector_store %arg15[%swap3A_1602], %add3A_1601 {strides = array<i32>} : memref<256xf32, #tpu.memory_space<vmem>>, vector<16xf32>,
        %mul3A_1604 = arith.constant 16 : i32
        %mul3A_1605 = arith.muli %scan3A_264, %mul3A_1604 : i32
        %add3A_1606 = arith.constant 9 : i32
        %add3A_1607 = arith.addi %mul3A_1605, %add3A_1606 : i32
        %get3A_1608 = arith.constant 0 : i32
        %get3A_1609 = arith.index_cast %get3A_1608 : i32 to index
        %get3A_1610 = arith.index_cast %add3A_1607 : i32 to index
        %get3A_1611 = arith.constant 0 : index
        %get3A_1612 = tpu.vector_load %arg11[%get3A_1609, %get3A_1610, %get3A_1611] {strides = array<i32>} : memref<2x64x128xf32, #tpu.memory_space<vmem>>, vector<16xf32>,
        %get3A_1613 = arith.constant 0 : i32
        %get3A_1614 = arith.index_cast %get3A_1613 : i32 to index
        %get3A_1615 = arith.index_cast %add3A_1607 : i32 to index
        %get3A_1616 = arith.constant 0 : index
        %get3A_1617 = tpu.vector_load %arg12[%get3A_1614, %get3A_1615, %get3A_1616] {strides = array<i32>} : memref<2x64x128xf32, #tpu.memory_space<vmem>>, vector<16xf32>,
        %mul3A_1618 = arith.mulf %get3A_1612, %get3A_1617 : vector<16xf32>
        %get3A_1619 = arith.constant 0 : i32
        %get3A_1620 = arith.index_cast %get3A_1619 : i32 to index
        %get3A_1621 = arith.index_cast %add3A_1607 : i32 to index
        %get3A_1622 = arith.constant 0 : index
        %get3A_1623 = tpu.vector_load %arg13[%get3A_1620, %get3A_1621, %get3A_1622] {strides = array<i32>} : memref<2x64x128xf32, #tpu.memory_space<vmem>>, vector<16xf32>,
        %mul3A_1624 = arith.mulf %mul3A_1618, %get3A_1623 : vector<16xf32>
        %get3A_1625 = arith.constant 0 : i32
        %get3A_1626 = arith.index_cast %get3A_1625 : i32 to index
        %get3A_1627 = arith.index_cast %add3A_1607 : i32 to index
        %get3A_1628 = arith.constant 16 : index
        %get3A_1629 = tpu.vector_load %arg11[%get3A_1626, %get3A_1627, %get3A_1628] {strides = array<i32>} : memref<2x64x128xf32, #tpu.memory_space<vmem>>, vector<16xf32>,
        %get3A_1630 = arith.constant 0 : i32
        %get3A_1631 = arith.index_cast %get3A_1630 : i32 to index
        %get3A_1632 = arith.index_cast %add3A_1607 : i32 to index
        %get3A_1633 = arith.constant 16 : index
        %get3A_1634 = tpu.vector_load %arg12[%get3A_1631, %get3A_1632, %get3A_1633] {strides = array<i32>} : memref<2x64x128xf32, #tpu.memory_space<vmem>>, vector<16xf32>,
        %mul3A_1635 = arith.mulf %get3A_1629, %get3A_1634 : vector<16xf32>
        %get3A_1636 = arith.constant 0 : i32
        %get3A_1637 = arith.index_cast %get3A_1636 : i32 to index
        %get3A_1638 = arith.index_cast %add3A_1607 : i32 to index
        %get3A_1639 = arith.constant 16 : index
        %get3A_1640 = tpu.vector_load %arg13[%get3A_1637, %get3A_1638, %get3A_1639] {strides = array<i32>} : memref<2x64x128xf32, #tpu.memory_space<vmem>>, vector<16xf32>,
        %mul3A_1641 = arith.mulf %mul3A_1635, %get3A_1640 : vector<16xf32>
        %add3A_1642 = arith.addf %mul3A_1624, %mul3A_1641 : vector<16xf32>
        %get3A_1643 = arith.constant 0 : i32
        %get3A_1644 = arith.index_cast %get3A_1643 : i32 to index
        %get3A_1645 = arith.index_cast %add3A_1607 : i32 to index
        %get3A_1646 = arith.constant 32 : index
        %get3A_1647 = tpu.vector_load %arg11[%get3A_1644, %get3A_1645, %get3A_1646] {strides = array<i32>} : memref<2x64x128xf32, #tpu.memory_space<vmem>>, vector<16xf32>,
        %get3A_1648 = arith.constant 0 : i32
        %get3A_1649 = arith.index_cast %get3A_1648 : i32 to index
        %get3A_1650 = arith.index_cast %add3A_1607 : i32 to index
        %get3A_1651 = arith.constant 32 : index
        %get3A_1652 = tpu.vector_load %arg12[%get3A_1649, %get3A_1650, %get3A_1651] {strides = array<i32>} : memref<2x64x128xf32, #tpu.memory_space<vmem>>, vector<16xf32>,
        %mul3A_1653 = arith.mulf %get3A_1647, %get3A_1652 : vector<16xf32>
        %get3A_1654 = arith.constant 0 : i32
        %get3A_1655 = arith.index_cast %get3A_1654 : i32 to index
        %get3A_1656 = arith.index_cast %add3A_1607 : i32 to index
        %get3A_1657 = arith.constant 32 : index
        %get3A_1658 = tpu.vector_load %arg13[%get3A_1655, %get3A_1656, %get3A_1657] {strides = array<i32>} : memref<2x64x128xf32, #tpu.memory_space<vmem>>, vector<16xf32>,
        %mul3A_1659 = arith.mulf %mul3A_1653, %get3A_1658 : vector<16xf32>
        %add3A_1660 = arith.addf %add3A_1642, %mul3A_1659 : vector<16xf32>
        %get3A_1661 = arith.constant 0 : i32
        %get3A_1662 = arith.index_cast %get3A_1661 : i32 to index
        %get3A_1663 = arith.index_cast %add3A_1607 : i32 to index
        %get3A_1664 = arith.constant 48 : index
        %get3A_1665 = tpu.vector_load %arg11[%get3A_1662, %get3A_1663, %get3A_1664] {strides = array<i32>} : memref<2x64x128xf32, #tpu.memory_space<vmem>>, vector<16xf32>,
        %get3A_1666 = arith.constant 0 : i32
        %get3A_1667 = arith.index_cast %get3A_1666 : i32 to index
        %get3A_1668 = arith.index_cast %add3A_1607 : i32 to index
        %get3A_1669 = arith.constant 48 : index
        %get3A_1670 = tpu.vector_load %arg12[%get3A_1667, %get3A_1668, %get3A_1669] {strides = array<i32>} : memref<2x64x128xf32, #tpu.memory_space<vmem>>, vector<16xf32>,
        %mul3A_1671 = arith.mulf %get3A_1665, %get3A_1670 : vector<16xf32>
        %get3A_1672 = arith.constant 0 : i32
        %get3A_1673 = arith.index_cast %get3A_1672 : i32 to index
        %get3A_1674 = arith.index_cast %add3A_1607 : i32 to index
        %get3A_1675 = arith.constant 48 : index
        %get3A_1676 = tpu.vector_load %arg13[%get3A_1673, %get3A_1674, %get3A_1675] {strides = array<i32>} : memref<2x64x128xf32, #tpu.memory_space<vmem>>, vector<16xf32>,
        %mul3A_1677 = arith.mulf %mul3A_1671, %get3A_1676 : vector<16xf32>
        %add3A_1678 = arith.addf %add3A_1660, %mul3A_1677 : vector<16xf32>
        %get3A_1679 = arith.constant 0 : i32
        %get3A_1680 = arith.index_cast %get3A_1679 : i32 to index
        %get3A_1681 = arith.index_cast %add3A_1607 : i32 to index
        %get3A_1682 = arith.constant 64 : index
        %get3A_1683 = tpu.vector_load %arg11[%get3A_1680, %get3A_1681, %get3A_1682] {strides = array<i32>} : memref<2x64x128xf32, #tpu.memory_space<vmem>>, vector<16xf32>,
        %get3A_1684 = arith.constant 0 : i32
        %get3A_1685 = arith.index_cast %get3A_1684 : i32 to index
        %get3A_1686 = arith.index_cast %add3A_1607 : i32 to index
        %get3A_1687 = arith.constant 64 : index
        %get3A_1688 = tpu.vector_load %arg12[%get3A_1685, %get3A_1686, %get3A_1687] {strides = array<i32>} : memref<2x64x128xf32, #tpu.memory_space<vmem>>, vector<16xf32>,
        %mul3A_1689 = arith.mulf %get3A_1683, %get3A_1688 : vector<16xf32>
        %get3A_1690 = arith.constant 0 : i32
        %get3A_1691 = arith.index_cast %get3A_1690 : i32 to index
        %get3A_1692 = arith.index_cast %add3A_1607 : i32 to index
        %get3A_1693 = arith.constant 64 : index
        %get3A_1694 = tpu.vector_load %arg13[%get3A_1691, %get3A_1692, %get3A_1693] {strides = array<i32>} : memref<2x64x128xf32, #tpu.memory_space<vmem>>, vector<16xf32>,
        %mul3A_1695 = arith.mulf %mul3A_1689, %get3A_1694 : vector<16xf32>
        %add3A_1696 = arith.addf %add3A_1678, %mul3A_1695 : vector<16xf32>
        %get3A_1697 = arith.constant 0 : i32
        %get3A_1698 = arith.index_cast %get3A_1697 : i32 to index
        %get3A_1699 = arith.index_cast %add3A_1607 : i32 to index
        %get3A_1700 = arith.constant 80 : index
        %get3A_1701 = tpu.vector_load %arg11[%get3A_1698, %get3A_1699, %get3A_1700] {strides = array<i32>} : memref<2x64x128xf32, #tpu.memory_space<vmem>>, vector<16xf32>,
        %get3A_1702 = arith.constant 0 : i32
        %get3A_1703 = arith.index_cast %get3A_1702 : i32 to index
        %get3A_1704 = arith.index_cast %add3A_1607 : i32 to index
        %get3A_1705 = arith.constant 80 : index
        %get3A_1706 = tpu.vector_load %arg12[%get3A_1703, %get3A_1704, %get3A_1705] {strides = array<i32>} : memref<2x64x128xf32, #tpu.memory_space<vmem>>, vector<16xf32>,
        %mul3A_1707 = arith.mulf %get3A_1701, %get3A_1706 : vector<16xf32>
        %get3A_1708 = arith.constant 0 : i32
        %get3A_1709 = arith.index_cast %get3A_1708 : i32 to index
        %get3A_1710 = arith.index_cast %add3A_1607 : i32 to index
        %get3A_1711 = arith.constant 80 : index
        %get3A_1712 = tpu.vector_load %arg13[%get3A_1709, %get3A_1710, %get3A_1711] {strides = array<i32>} : memref<2x64x128xf32, #tpu.memory_space<vmem>>, vector<16xf32>,
        %mul3A_1713 = arith.mulf %mul3A_1707, %get3A_1712 : vector<16xf32>
        %add3A_1714 = arith.addf %add3A_1696, %mul3A_1713 : vector<16xf32>
        %get3A_1715 = arith.constant 0 : i32
        %get3A_1716 = arith.index_cast %get3A_1715 : i32 to index
        %get3A_1717 = arith.index_cast %add3A_1607 : i32 to index
        %get3A_1718 = arith.constant 96 : index
        %get3A_1719 = tpu.vector_load %arg11[%get3A_1716, %get3A_1717, %get3A_1718] {strides = array<i32>} : memref<2x64x128xf32, #tpu.memory_space<vmem>>, vector<16xf32>,
        %get3A_1720 = arith.constant 0 : i32
        %get3A_1721 = arith.index_cast %get3A_1720 : i32 to index
        %get3A_1722 = arith.index_cast %add3A_1607 : i32 to index
        %get3A_1723 = arith.constant 96 : index
        %get3A_1724 = tpu.vector_load %arg12[%get3A_1721, %get3A_1722, %get3A_1723] {strides = array<i32>} : memref<2x64x128xf32, #tpu.memory_space<vmem>>, vector<16xf32>,
        %mul3A_1725 = arith.mulf %get3A_1719, %get3A_1724 : vector<16xf32>
        %get3A_1726 = arith.constant 0 : i32
        %get3A_1727 = arith.index_cast %get3A_1726 : i32 to index
        %get3A_1728 = arith.index_cast %add3A_1607 : i32 to index
        %get3A_1729 = arith.constant 96 : index
        %get3A_1730 = tpu.vector_load %arg13[%get3A_1727, %get3A_1728, %get3A_1729] {strides = array<i32>} : memref<2x64x128xf32, #tpu.memory_space<vmem>>, vector<16xf32>,
        %mul3A_1731 = arith.mulf %mul3A_1725, %get3A_1730 : vector<16xf32>
        %add3A_1732 = arith.addf %add3A_1714, %mul3A_1731 : vector<16xf32>
        %get3A_1733 = arith.constant 0 : i32
        %get3A_1734 = arith.index_cast %get3A_1733 : i32 to index
        %get3A_1735 = arith.index_cast %add3A_1607 : i32 to index
        %get3A_1736 = arith.constant 112 : index
        %get3A_1737 = tpu.vector_load %arg11[%get3A_1734, %get3A_1735, %get3A_1736] {strides = array<i32>} : memref<2x64x128xf32, #tpu.memory_space<vmem>>, vector<16xf32>,
        %get3A_1738 = arith.constant 0 : i32
        %get3A_1739 = arith.index_cast %get3A_1738 : i32 to index
        %get3A_1740 = arith.index_cast %add3A_1607 : i32 to index
        %get3A_1741 = arith.constant 112 : index
        %get3A_1742 = tpu.vector_load %arg12[%get3A_1739, %get3A_1740, %get3A_1741] {strides = array<i32>} : memref<2x64x128xf32, #tpu.memory_space<vmem>>, vector<16xf32>,
        %mul3A_1743 = arith.mulf %get3A_1737, %get3A_1742 : vector<16xf32>
        %get3A_1744 = arith.constant 0 : i32
        %get3A_1745 = arith.index_cast %get3A_1744 : i32 to index
        %get3A_1746 = arith.index_cast %add3A_1607 : i32 to index
        %get3A_1747 = arith.constant 112 : index
        %get3A_1748 = tpu.vector_load %arg13[%get3A_1745, %get3A_1746, %get3A_1747] {strides = array<i32>} : memref<2x64x128xf32, #tpu.memory_space<vmem>>, vector<16xf32>,
        %mul3A_1749 = arith.mulf %mul3A_1743, %get3A_1748 : vector<16xf32>
        %add3A_1750 = arith.addf %add3A_1732, %mul3A_1749 : vector<16xf32>
        %swap3A_1751 = arith.constant 144 : index
        %swap3A_1752 = tpu.vector_load %arg15[%swap3A_1751] {strides = array<i32>} : memref<256xf32, #tpu.memory_space<vmem>>, vector<16xf32>,
        tpu.vector_store %arg15[%swap3A_1751], %add3A_1750 {strides = array<i32>} : memref<256xf32, #tpu.memory_space<vmem>>, vector<16xf32>,
        %mul3A_1753 = arith.constant 16 : i32
        %mul3A_1754 = arith.muli %scan3A_264, %mul3A_1753 : i32
        %add3A_1755 = arith.constant 10 : i32
        %add3A_1756 = arith.addi %mul3A_1754, %add3A_1755 : i32
        %get3A_1757 = arith.constant 0 : i32
        %get3A_1758 = arith.index_cast %get3A_1757 : i32 to index
        %get3A_1759 = arith.index_cast %add3A_1756 : i32 to index
        %get3A_1760 = arith.constant 0 : index
        %get3A_1761 = tpu.vector_load %arg11[%get3A_1758, %get3A_1759, %get3A_1760] {strides = array<i32>} : memref<2x64x128xf32, #tpu.memory_space<vmem>>, vector<16xf32>,
        %get3A_1762 = arith.constant 0 : i32
        %get3A_1763 = arith.index_cast %get3A_1762 : i32 to index
        %get3A_1764 = arith.index_cast %add3A_1756 : i32 to index
        %get3A_1765 = arith.constant 0 : index
        %get3A_1766 = tpu.vector_load %arg12[%get3A_1763, %get3A_1764, %get3A_1765] {strides = array<i32>} : memref<2x64x128xf32, #tpu.memory_space<vmem>>, vector<16xf32>,
        %mul3A_1767 = arith.mulf %get3A_1761, %get3A_1766 : vector<16xf32>
        %get3A_1768 = arith.constant 0 : i32
        %get3A_1769 = arith.index_cast %get3A_1768 : i32 to index
        %get3A_1770 = arith.index_cast %add3A_1756 : i32 to index
        %get3A_1771 = arith.constant 0 : index
        %get3A_1772 = tpu.vector_load %arg13[%get3A_1769, %get3A_1770, %get3A_1771] {strides = array<i32>} : memref<2x64x128xf32, #tpu.memory_space<vmem>>, vector<16xf32>,
        %mul3A_1773 = arith.mulf %mul3A_1767, %get3A_1772 : vector<16xf32>
        %get3A_1774 = arith.constant 0 : i32
        %get3A_1775 = arith.index_cast %get3A_1774 : i32 to index
        %get3A_1776 = arith.index_cast %add3A_1756 : i32 to index
        %get3A_1777 = arith.constant 16 : index
        %get3A_1778 = tpu.vector_load %arg11[%get3A_1775, %get3A_1776, %get3A_1777] {strides = array<i32>} : memref<2x64x128xf32, #tpu.memory_space<vmem>>, vector<16xf32>,
        %get3A_1779 = arith.constant 0 : i32
        %get3A_1780 = arith.index_cast %get3A_1779 : i32 to index
        %get3A_1781 = arith.index_cast %add3A_1756 : i32 to index
        %get3A_1782 = arith.constant 16 : index
        %get3A_1783 = tpu.vector_load %arg12[%get3A_1780, %get3A_1781, %get3A_1782] {strides = array<i32>} : memref<2x64x128xf32, #tpu.memory_space<vmem>>, vector<16xf32>,
        %mul3A_1784 = arith.mulf %get3A_1778, %get3A_1783 : vector<16xf32>
        %get3A_1785 = arith.constant 0 : i32
        %get3A_1786 = arith.index_cast %get3A_1785 : i32 to index
        %get3A_1787 = arith.index_cast %add3A_1756 : i32 to index
        %get3A_1788 = arith.constant 16 : index
        %get3A_1789 = tpu.vector_load %arg13[%get3A_1786, %get3A_1787, %get3A_1788] {strides = array<i32>} : memref<2x64x128xf32, #tpu.memory_space<vmem>>, vector<16xf32>,
        %mul3A_1790 = arith.mulf %mul3A_1784, %get3A_1789 : vector<16xf32>
        %add3A_1791 = arith.addf %mul3A_1773, %mul3A_1790 : vector<16xf32>
        %get3A_1792 = arith.constant 0 : i32
        %get3A_1793 = arith.index_cast %get3A_1792 : i32 to index
        %get3A_1794 = arith.index_cast %add3A_1756 : i32 to index
        %get3A_1795 = arith.constant 32 : index
        %get3A_1796 = tpu.vector_load %arg11[%get3A_1793, %get3A_1794, %get3A_1795] {strides = array<i32>} : memref<2x64x128xf32, #tpu.memory_space<vmem>>, vector<16xf32>,
        %get3A_1797 = arith.constant 0 : i32
        %get3A_1798 = arith.index_cast %get3A_1797 : i32 to index
        %get3A_1799 = arith.index_cast %add3A_1756 : i32 to index
        %get3A_1800 = arith.constant 32 : index
        %get3A_1801 = tpu.vector_load %arg12[%get3A_1798, %get3A_1799, %get3A_1800] {strides = array<i32>} : memref<2x64x128xf32, #tpu.memory_space<vmem>>, vector<16xf32>,
        %mul3A_1802 = arith.mulf %get3A_1796, %get3A_1801 : vector<16xf32>
        %get3A_1803 = arith.constant 0 : i32
        %get3A_1804 = arith.index_cast %get3A_1803 : i32 to index
        %get3A_1805 = arith.index_cast %add3A_1756 : i32 to index
        %get3A_1806 = arith.constant 32 : index
        %get3A_1807 = tpu.vector_load %arg13[%get3A_1804, %get3A_1805, %get3A_1806] {strides = array<i32>} : memref<2x64x128xf32, #tpu.memory_space<vmem>>, vector<16xf32>,
        %mul3A_1808 = arith.mulf %mul3A_1802, %get3A_1807 : vector<16xf32>
        %add3A_1809 = arith.addf %add3A_1791, %mul3A_1808 : vector<16xf32>
        %get3A_1810 = arith.constant 0 : i32
        %get3A_1811 = arith.index_cast %get3A_1810 : i32 to index
        %get3A_1812 = arith.index_cast %add3A_1756 : i32 to index
        %get3A_1813 = arith.constant 48 : index
        %get3A_1814 = tpu.vector_load %arg11[%get3A_1811, %get3A_1812, %get3A_1813] {strides = array<i32>} : memref<2x64x128xf32, #tpu.memory_space<vmem>>, vector<16xf32>,
        %get3A_1815 = arith.constant 0 : i32
        %get3A_1816 = arith.index_cast %get3A_1815 : i32 to index
        %get3A_1817 = arith.index_cast %add3A_1756 : i32 to index
        %get3A_1818 = arith.constant 48 : index
        %get3A_1819 = tpu.vector_load %arg12[%get3A_1816, %get3A_1817, %get3A_1818] {strides = array<i32>} : memref<2x64x128xf32, #tpu.memory_space<vmem>>, vector<16xf32>,
        %mul3A_1820 = arith.mulf %get3A_1814, %get3A_1819 : vector<16xf32>
        %get3A_1821 = arith.constant 0 : i32
        %get3A_1822 = arith.index_cast %get3A_1821 : i32 to index
        %get3A_1823 = arith.index_cast %add3A_1756 : i32 to index
        %get3A_1824 = arith.constant 48 : index
        %get3A_1825 = tpu.vector_load %arg13[%get3A_1822, %get3A_1823, %get3A_1824] {strides = array<i32>} : memref<2x64x128xf32, #tpu.memory_space<vmem>>, vector<16xf32>,
        %mul3A_1826 = arith.mulf %mul3A_1820, %get3A_1825 : vector<16xf32>
        %add3A_1827 = arith.addf %add3A_1809, %mul3A_1826 : vector<16xf32>
        %get3A_1828 = arith.constant 0 : i32
        %get3A_1829 = arith.index_cast %get3A_1828 : i32 to index
        %get3A_1830 = arith.index_cast %add3A_1756 : i32 to index
        %get3A_1831 = arith.constant 64 : index
        %get3A_1832 = tpu.vector_load %arg11[%get3A_1829, %get3A_1830, %get3A_1831] {strides = array<i32>} : memref<2x64x128xf32, #tpu.memory_space<vmem>>, vector<16xf32>,
        %get3A_1833 = arith.constant 0 : i32
        %get3A_1834 = arith.index_cast %get3A_1833 : i32 to index
        %get3A_1835 = arith.index_cast %add3A_1756 : i32 to index
        %get3A_1836 = arith.constant 64 : index
        %get3A_1837 = tpu.vector_load %arg12[%get3A_1834, %get3A_1835, %get3A_1836] {strides = array<i32>} : memref<2x64x128xf32, #tpu.memory_space<vmem>>, vector<16xf32>,
        %mul3A_1838 = arith.mulf %get3A_1832, %get3A_1837 : vector<16xf32>
        %get3A_1839 = arith.constant 0 : i32
        %get3A_1840 = arith.index_cast %get3A_1839 : i32 to index
        %get3A_1841 = arith.index_cast %add3A_1756 : i32 to index
        %get3A_1842 = arith.constant 64 : index
        %get3A_1843 = tpu.vector_load %arg13[%get3A_1840, %get3A_1841, %get3A_1842] {strides = array<i32>} : memref<2x64x128xf32, #tpu.memory_space<vmem>>, vector<16xf32>,
        %mul3A_1844 = arith.mulf %mul3A_1838, %get3A_1843 : vector<16xf32>
        %add3A_1845 = arith.addf %add3A_1827, %mul3A_1844 : vector<16xf32>
        %get3A_1846 = arith.constant 0 : i32
        %get3A_1847 = arith.index_cast %get3A_1846 : i32 to index
        %get3A_1848 = arith.index_cast %add3A_1756 : i32 to index
        %get3A_1849 = arith.constant 80 : index
        %get3A_1850 = tpu.vector_load %arg11[%get3A_1847, %get3A_1848, %get3A_1849] {strides = array<i32>} : memref<2x64x128xf32, #tpu.memory_space<vmem>>, vector<16xf32>,
        %get3A_1851 = arith.constant 0 : i32
        %get3A_1852 = arith.index_cast %get3A_1851 : i32 to index
        %get3A_1853 = arith.index_cast %add3A_1756 : i32 to index
        %get3A_1854 = arith.constant 80 : index
        %get3A_1855 = tpu.vector_load %arg12[%get3A_1852, %get3A_1853, %get3A_1854] {strides = array<i32>} : memref<2x64x128xf32, #tpu.memory_space<vmem>>, vector<16xf32>,
        %mul3A_1856 = arith.mulf %get3A_1850, %get3A_1855 : vector<16xf32>
        %get3A_1857 = arith.constant 0 : i32
        %get3A_1858 = arith.index_cast %get3A_1857 : i32 to index
        %get3A_1859 = arith.index_cast %add3A_1756 : i32 to index
        %get3A_1860 = arith.constant 80 : index
        %get3A_1861 = tpu.vector_load %arg13[%get3A_1858, %get3A_1859, %get3A_1860] {strides = array<i32>} : memref<2x64x128xf32, #tpu.memory_space<vmem>>, vector<16xf32>,
        %mul3A_1862 = arith.mulf %mul3A_1856, %get3A_1861 : vector<16xf32>
        %add3A_1863 = arith.addf %add3A_1845, %mul3A_1862 : vector<16xf32>
        %get3A_1864 = arith.constant 0 : i32
        %get3A_1865 = arith.index_cast %get3A_1864 : i32 to index
        %get3A_1866 = arith.index_cast %add3A_1756 : i32 to index
        %get3A_1867 = arith.constant 96 : index
        %get3A_1868 = tpu.vector_load %arg11[%get3A_1865, %get3A_1866, %get3A_1867] {strides = array<i32>} : memref<2x64x128xf32, #tpu.memory_space<vmem>>, vector<16xf32>,
        %get3A_1869 = arith.constant 0 : i32
        %get3A_1870 = arith.index_cast %get3A_1869 : i32 to index
        %get3A_1871 = arith.index_cast %add3A_1756 : i32 to index
        %get3A_1872 = arith.constant 96 : index
        %get3A_1873 = tpu.vector_load %arg12[%get3A_1870, %get3A_1871, %get3A_1872] {strides = array<i32>} : memref<2x64x128xf32, #tpu.memory_space<vmem>>, vector<16xf32>,
        %mul3A_1874 = arith.mulf %get3A_1868, %get3A_1873 : vector<16xf32>
        %get3A_1875 = arith.constant 0 : i32
        %get3A_1876 = arith.index_cast %get3A_1875 : i32 to index
        %get3A_1877 = arith.index_cast %add3A_1756 : i32 to index
        %get3A_1878 = arith.constant 96 : index
        %get3A_1879 = tpu.vector_load %arg13[%get3A_1876, %get3A_1877, %get3A_1878] {strides = array<i32>} : memref<2x64x128xf32, #tpu.memory_space<vmem>>, vector<16xf32>,
        %mul3A_1880 = arith.mulf %mul3A_1874, %get3A_1879 : vector<16xf32>
        %add3A_1881 = arith.addf %add3A_1863, %mul3A_1880 : vector<16xf32>
        %get3A_1882 = arith.constant 0 : i32
        %get3A_1883 = arith.index_cast %get3A_1882 : i32 to index
        %get3A_1884 = arith.index_cast %add3A_1756 : i32 to index
        %get3A_1885 = arith.constant 112 : index
        %get3A_1886 = tpu.vector_load %arg11[%get3A_1883, %get3A_1884, %get3A_1885] {strides = array<i32>} : memref<2x64x128xf32, #tpu.memory_space<vmem>>, vector<16xf32>,
        %get3A_1887 = arith.constant 0 : i32
        %get3A_1888 = arith.index_cast %get3A_1887 : i32 to index
        %get3A_1889 = arith.index_cast %add3A_1756 : i32 to index
        %get3A_1890 = arith.constant 112 : index
        %get3A_1891 = tpu.vector_load %arg12[%get3A_1888, %get3A_1889, %get3A_1890] {strides = array<i32>} : memref<2x64x128xf32, #tpu.memory_space<vmem>>, vector<16xf32>,
        %mul3A_1892 = arith.mulf %get3A_1886, %get3A_1891 : vector<16xf32>
        %get3A_1893 = arith.constant 0 : i32
        %get3A_1894 = arith.index_cast %get3A_1893 : i32 to index
        %get3A_1895 = arith.index_cast %add3A_1756 : i32 to index
        %get3A_1896 = arith.constant 112 : index
        %get3A_1897 = tpu.vector_load %arg13[%get3A_1894, %get3A_1895, %get3A_1896] {strides = array<i32>} : memref<2x64x128xf32, #tpu.memory_space<vmem>>, vector<16xf32>,
        %mul3A_1898 = arith.mulf %mul3A_1892, %get3A_1897 : vector<16xf32>
        %add3A_1899 = arith.addf %add3A_1881, %mul3A_1898 : vector<16xf32>
        %swap3A_1900 = arith.constant 160 : index
        %swap3A_1901 = tpu.vector_load %arg15[%swap3A_1900] {strides = array<i32>} : memref<256xf32, #tpu.memory_space<vmem>>, vector<16xf32>,
        tpu.vector_store %arg15[%swap3A_1900], %add3A_1899 {strides = array<i32>} : memref<256xf32, #tpu.memory_space<vmem>>, vector<16xf32>,
        %mul3A_1902 = arith.constant 16 : i32
        %mul3A_1903 = arith.muli %scan3A_264, %mul3A_1902 : i32
        %add3A_1904 = arith.constant 11 : i32
        %add3A_1905 = arith.addi %mul3A_1903, %add3A_1904 : i32
        %get3A_1906 = arith.constant 0 : i32
        %get3A_1907 = arith.index_cast %get3A_1906 : i32 to index
        %get3A_1908 = arith.index_cast %add3A_1905 : i32 to index
        %get3A_1909 = arith.constant 0 : index
        %get3A_1910 = tpu.vector_load %arg11[%get3A_1907, %get3A_1908, %get3A_1909] {strides = array<i32>} : memref<2x64x128xf32, #tpu.memory_space<vmem>>, vector<16xf32>,
        %get3A_1911 = arith.constant 0 : i32
        %get3A_1912 = arith.index_cast %get3A_1911 : i32 to index
        %get3A_1913 = arith.index_cast %add3A_1905 : i32 to index
        %get3A_1914 = arith.constant 0 : index
        %get3A_1915 = tpu.vector_load %arg12[%get3A_1912, %get3A_1913, %get3A_1914] {strides = array<i32>} : memref<2x64x128xf32, #tpu.memory_space<vmem>>, vector<16xf32>,
        %mul3A_1916 = arith.mulf %get3A_1910, %get3A_1915 : vector<16xf32>
        %get3A_1917 = arith.constant 0 : i32
        %get3A_1918 = arith.index_cast %get3A_1917 : i32 to index
        %get3A_1919 = arith.index_cast %add3A_1905 : i32 to index
        %get3A_1920 = arith.constant 0 : index
        %get3A_1921 = tpu.vector_load %arg13[%get3A_1918, %get3A_1919, %get3A_1920] {strides = array<i32>} : memref<2x64x128xf32, #tpu.memory_space<vmem>>, vector<16xf32>,
        %mul3A_1922 = arith.mulf %mul3A_1916, %get3A_1921 : vector<16xf32>
        %get3A_1923 = arith.constant 0 : i32
        %get3A_1924 = arith.index_cast %get3A_1923 : i32 to index
        %get3A_1925 = arith.index_cast %add3A_1905 : i32 to index
        %get3A_1926 = arith.constant 16 : index
        %get3A_1927 = tpu.vector_load %arg11[%get3A_1924, %get3A_1925, %get3A_1926] {strides = array<i32>} : memref<2x64x128xf32, #tpu.memory_space<vmem>>, vector<16xf32>,
        %get3A_1928 = arith.constant 0 : i32
        %get3A_1929 = arith.index_cast %get3A_1928 : i32 to index
        %get3A_1930 = arith.index_cast %add3A_1905 : i32 to index
        %get3A_1931 = arith.constant 16 : index
        %get3A_1932 = tpu.vector_load %arg12[%get3A_1929, %get3A_1930, %get3A_1931] {strides = array<i32>} : memref<2x64x128xf32, #tpu.memory_space<vmem>>, vector<16xf32>,
        %mul3A_1933 = arith.mulf %get3A_1927, %get3A_1932 : vector<16xf32>
        %get3A_1934 = arith.constant 0 : i32
        %get3A_1935 = arith.index_cast %get3A_1934 : i32 to index
        %get3A_1936 = arith.index_cast %add3A_1905 : i32 to index
        %get3A_1937 = arith.constant 16 : index
        %get3A_1938 = tpu.vector_load %arg13[%get3A_1935, %get3A_1936, %get3A_1937] {strides = array<i32>} : memref<2x64x128xf32, #tpu.memory_space<vmem>>, vector<16xf32>,
        %mul3A_1939 = arith.mulf %mul3A_1933, %get3A_1938 : vector<16xf32>
        %add3A_1940 = arith.addf %mul3A_1922, %mul3A_1939 : vector<16xf32>
        %get3A_1941 = arith.constant 0 : i32
        %get3A_1942 = arith.index_cast %get3A_1941 : i32 to index
        %get3A_1943 = arith.index_cast %add3A_1905 : i32 to index
        %get3A_1944 = arith.constant 32 : index
        %get3A_1945 = tpu.vector_load %arg11[%get3A_1942, %get3A_1943, %get3A_1944] {strides = array<i32>} : memref<2x64x128xf32, #tpu.memory_space<vmem>>, vector<16xf32>,
        %get3A_1946 = arith.constant 0 : i32
        %get3A_1947 = arith.index_cast %get3A_1946 : i32 to index
        %get3A_1948 = arith.index_cast %add3A_1905 : i32 to index
        %get3A_1949 = arith.constant 32 : index
        %get3A_1950 = tpu.vector_load %arg12[%get3A_1947, %get3A_1948, %get3A_1949] {strides = array<i32>} : memref<2x64x128xf32, #tpu.memory_space<vmem>>, vector<16xf32>,
        %mul3A_1951 = arith.mulf %get3A_1945, %get3A_1950 : vector<16xf32>
        %get3A_1952 = arith.constant 0 : i32
        %get3A_1953 = arith.index_cast %get3A_1952 : i32 to index
        %get3A_1954 = arith.index_cast %add3A_1905 : i32 to index
        %get3A_1955 = arith.constant 32 : index
        %get3A_1956 = tpu.vector_load %arg13[%get3A_1953, %get3A_1954, %get3A_1955] {strides = array<i32>} : memref<2x64x128xf32, #tpu.memory_space<vmem>>, vector<16xf32>,
        %mul3A_1957 = arith.mulf %mul3A_1951, %get3A_1956 : vector<16xf32>
        %add3A_1958 = arith.addf %add3A_1940, %mul3A_1957 : vector<16xf32>
        %get3A_1959 = arith.constant 0 : i32
        %get3A_1960 = arith.index_cast %get3A_1959 : i32 to index
        %get3A_1961 = arith.index_cast %add3A_1905 : i32 to index
        %get3A_1962 = arith.constant 48 : index
        %get3A_1963 = tpu.vector_load %arg11[%get3A_1960, %get3A_1961, %get3A_1962] {strides = array<i32>} : memref<2x64x128xf32, #tpu.memory_space<vmem>>, vector<16xf32>,
        %get3A_1964 = arith.constant 0 : i32
        %get3A_1965 = arith.index_cast %get3A_1964 : i32 to index
        %get3A_1966 = arith.index_cast %add3A_1905 : i32 to index
        %get3A_1967 = arith.constant 48 : index
        %get3A_1968 = tpu.vector_load %arg12[%get3A_1965, %get3A_1966, %get3A_1967] {strides = array<i32>} : memref<2x64x128xf32, #tpu.memory_space<vmem>>, vector<16xf32>,
        %mul3A_1969 = arith.mulf %get3A_1963, %get3A_1968 : vector<16xf32>
        %get3A_1970 = arith.constant 0 : i32
        %get3A_1971 = arith.index_cast %get3A_1970 : i32 to index
        %get3A_1972 = arith.index_cast %add3A_1905 : i32 to index
        %get3A_1973 = arith.constant 48 : index
        %get3A_1974 = tpu.vector_load %arg13[%get3A_1971, %get3A_1972, %get3A_1973] {strides = array<i32>} : memref<2x64x128xf32, #tpu.memory_space<vmem>>, vector<16xf32>,
        %mul3A_1975 = arith.mulf %mul3A_1969, %get3A_1974 : vector<16xf32>
        %add3A_1976 = arith.addf %add3A_1958, %mul3A_1975 : vector<16xf32>
        %get3A_1977 = arith.constant 0 : i32
        %get3A_1978 = arith.index_cast %get3A_1977 : i32 to index
        %get3A_1979 = arith.index_cast %add3A_1905 : i32 to index
        %get3A_1980 = arith.constant 64 : index
        %get3A_1981 = tpu.vector_load %arg11[%get3A_1978, %get3A_1979, %get3A_1980] {strides = array<i32>} : memref<2x64x128xf32, #tpu.memory_space<vmem>>, vector<16xf32>,
        %get3A_1982 = arith.constant 0 : i32
        %get3A_1983 = arith.index_cast %get3A_1982 : i32 to index
        %get3A_1984 = arith.index_cast %add3A_1905 : i32 to index
        %get3A_1985 = arith.constant 64 : index
        %get3A_1986 = tpu.vector_load %arg12[%get3A_1983, %get3A_1984, %get3A_1985] {strides = array<i32>} : memref<2x64x128xf32, #tpu.memory_space<vmem>>, vector<16xf32>,
        %mul3A_1987 = arith.mulf %get3A_1981, %get3A_1986 : vector<16xf32>
        %get3A_1988 = arith.constant 0 : i32
        %get3A_1989 = arith.index_cast %get3A_1988 : i32 to index
        %get3A_1990 = arith.index_cast %add3A_1905 : i32 to index
        %get3A_1991 = arith.constant 64 : index
        %get3A_1992 = tpu.vector_load %arg13[%get3A_1989, %get3A_1990, %get3A_1991] {strides = array<i32>} : memref<2x64x128xf32, #tpu.memory_space<vmem>>, vector<16xf32>,
        %mul3A_1993 = arith.mulf %mul3A_1987, %get3A_1992 : vector<16xf32>
        %add3A_1994 = arith.addf %add3A_1976, %mul3A_1993 : vector<16xf32>
        %get3A_1995 = arith.constant 0 : i32
        %get3A_1996 = arith.index_cast %get3A_1995 : i32 to index
        %get3A_1997 = arith.index_cast %add3A_1905 : i32 to index
        %get3A_1998 = arith.constant 80 : index
        %get3A_1999 = tpu.vector_load %arg11[%get3A_1996, %get3A_1997, %get3A_1998] {strides = array<i32>} : memref<2x64x128xf32, #tpu.memory_space<vmem>>, vector<16xf32>,
        %get3A_2000 = arith.constant 0 : i32
        %get3A_2001 = arith.index_cast %get3A_2000 : i32 to index
        %get3A_2002 = arith.index_cast %add3A_1905 : i32 to index
        %get3A_2003 = arith.constant 80 : index
        %get3A_2004 = tpu.vector_load %arg12[%get3A_2001, %get3A_2002, %get3A_2003] {strides = array<i32>} : memref<2x64x128xf32, #tpu.memory_space<vmem>>, vector<16xf32>,
        %mul3A_2005 = arith.mulf %get3A_1999, %get3A_2004 : vector<16xf32>
        %get3A_2006 = arith.constant 0 : i32
        %get3A_2007 = arith.index_cast %get3A_2006 : i32 to index
        %get3A_2008 = arith.index_cast %add3A_1905 : i32 to index
        %get3A_2009 = arith.constant 80 : index
        %get3A_2010 = tpu.vector_load %arg13[%get3A_2007, %get3A_2008, %get3A_2009] {strides = array<i32>} : memref<2x64x128xf32, #tpu.memory_space<vmem>>, vector<16xf32>,
        %mul3A_2011 = arith.mulf %mul3A_2005, %get3A_2010 : vector<16xf32>
        %add3A_2012 = arith.addf %add3A_1994, %mul3A_2011 : vector<16xf32>
        %get3A_2013 = arith.constant 0 : i32
        %get3A_2014 = arith.index_cast %get3A_2013 : i32 to index
        %get3A_2015 = arith.index_cast %add3A_1905 : i32 to index
        %get3A_2016 = arith.constant 96 : index
        %get3A_2017 = tpu.vector_load %arg11[%get3A_2014, %get3A_2015, %get3A_2016] {strides = array<i32>} : memref<2x64x128xf32, #tpu.memory_space<vmem>>, vector<16xf32>,
        %get3A_2018 = arith.constant 0 : i32
        %get3A_2019 = arith.index_cast %get3A_2018 : i32 to index
        %get3A_2020 = arith.index_cast %add3A_1905 : i32 to index
        %get3A_2021 = arith.constant 96 : index
        %get3A_2022 = tpu.vector_load %arg12[%get3A_2019, %get3A_2020, %get3A_2021] {strides = array<i32>} : memref<2x64x128xf32, #tpu.memory_space<vmem>>, vector<16xf32>,
        %mul3A_2023 = arith.mulf %get3A_2017, %get3A_2022 : vector<16xf32>
        %get3A_2024 = arith.constant 0 : i32
        %get3A_2025 = arith.index_cast %get3A_2024 : i32 to index
        %get3A_2026 = arith.index_cast %add3A_1905 : i32 to index
        %get3A_2027 = arith.constant 96 : index
        %get3A_2028 = tpu.vector_load %arg13[%get3A_2025, %get3A_2026, %get3A_2027] {strides = array<i32>} : memref<2x64x128xf32, #tpu.memory_space<vmem>>, vector<16xf32>,
        %mul3A_2029 = arith.mulf %mul3A_2023, %get3A_2028 : vector<16xf32>
        %add3A_2030 = arith.addf %add3A_2012, %mul3A_2029 : vector<16xf32>
        %get3A_2031 = arith.constant 0 : i32
        %get3A_2032 = arith.index_cast %get3A_2031 : i32 to index
        %get3A_2033 = arith.index_cast %add3A_1905 : i32 to index
        %get3A_2034 = arith.constant 112 : index
        %get3A_2035 = tpu.vector_load %arg11[%get3A_2032, %get3A_2033, %get3A_2034] {strides = array<i32>} : memref<2x64x128xf32, #tpu.memory_space<vmem>>, vector<16xf32>,
        %get3A_2036 = arith.constant 0 : i32
        %get3A_2037 = arith.index_cast %get3A_2036 : i32 to index
        %get3A_2038 = arith.index_cast %add3A_1905 : i32 to index
        %get3A_2039 = arith.constant 112 : index
        %get3A_2040 = tpu.vector_load %arg12[%get3A_2037, %get3A_2038, %get3A_2039] {strides = array<i32>} : memref<2x64x128xf32, #tpu.memory_space<vmem>>, vector<16xf32>,
        %mul3A_2041 = arith.mulf %get3A_2035, %get3A_2040 : vector<16xf32>
        %get3A_2042 = arith.constant 0 : i32
        %get3A_2043 = arith.index_cast %get3A_2042 : i32 to index
        %get3A_2044 = arith.index_cast %add3A_1905 : i32 to index
        %get3A_2045 = arith.constant 112 : index
        %get3A_2046 = tpu.vector_load %arg13[%get3A_2043, %get3A_2044, %get3A_2045] {strides = array<i32>} : memref<2x64x128xf32, #tpu.memory_space<vmem>>, vector<16xf32>,
        %mul3A_2047 = arith.mulf %mul3A_2041, %get3A_2046 : vector<16xf32>
        %add3A_2048 = arith.addf %add3A_2030, %mul3A_2047 : vector<16xf32>
        %swap3A_2049 = arith.constant 176 : index
        %swap3A_2050 = tpu.vector_load %arg15[%swap3A_2049] {strides = array<i32>} : memref<256xf32, #tpu.memory_space<vmem>>, vector<16xf32>,
        tpu.vector_store %arg15[%swap3A_2049], %add3A_2048 {strides = array<i32>} : memref<256xf32, #tpu.memory_space<vmem>>, vector<16xf32>,
        %mul3A_2051 = arith.constant 16 : i32
        %mul3A_2052 = arith.muli %scan3A_264, %mul3A_2051 : i32
        %add3A_2053 = arith.constant 12 : i32
        %add3A_2054 = arith.addi %mul3A_2052, %add3A_2053 : i32
        %get3A_2055 = arith.constant 0 : i32
        %get3A_2056 = arith.index_cast %get3A_2055 : i32 to index
        %get3A_2057 = arith.index_cast %add3A_2054 : i32 to index
        %get3A_2058 = arith.constant 0 : index
        %get3A_2059 = tpu.vector_load %arg11[%get3A_2056, %get3A_2057, %get3A_2058] {strides = array<i32>} : memref<2x64x128xf32, #tpu.memory_space<vmem>>, vector<16xf32>,
        %get3A_2060 = arith.constant 0 : i32
        %get3A_2061 = arith.index_cast %get3A_2060 : i32 to index
        %get3A_2062 = arith.index_cast %add3A_2054 : i32 to index
        %get3A_2063 = arith.constant 0 : index
        %get3A_2064 = tpu.vector_load %arg12[%get3A_2061, %get3A_2062, %get3A_2063] {strides = array<i32>} : memref<2x64x128xf32, #tpu.memory_space<vmem>>, vector<16xf32>,
        %mul3A_2065 = arith.mulf %get3A_2059, %get3A_2064 : vector<16xf32>
        %get3A_2066 = arith.constant 0 : i32
        %get3A_2067 = arith.index_cast %get3A_2066 : i32 to index
        %get3A_2068 = arith.index_cast %add3A_2054 : i32 to index
        %get3A_2069 = arith.constant 0 : index
        %get3A_2070 = tpu.vector_load %arg13[%get3A_2067, %get3A_2068, %get3A_2069] {strides = array<i32>} : memref<2x64x128xf32, #tpu.memory_space<vmem>>, vector<16xf32>,
        %mul3A_2071 = arith.mulf %mul3A_2065, %get3A_2070 : vector<16xf32>
        %get3A_2072 = arith.constant 0 : i32
        %get3A_2073 = arith.index_cast %get3A_2072 : i32 to index
        %get3A_2074 = arith.index_cast %add3A_2054 : i32 to index
        %get3A_2075 = arith.constant 16 : index
        %get3A_2076 = tpu.vector_load %arg11[%get3A_2073, %get3A_2074, %get3A_2075] {strides = array<i32>} : memref<2x64x128xf32, #tpu.memory_space<vmem>>, vector<16xf32>,
        %get3A_2077 = arith.constant 0 : i32
        %get3A_2078 = arith.index_cast %get3A_2077 : i32 to index
        %get3A_2079 = arith.index_cast %add3A_2054 : i32 to index
        %get3A_2080 = arith.constant 16 : index
        %get3A_2081 = tpu.vector_load %arg12[%get3A_2078, %get3A_2079, %get3A_2080] {strides = array<i32>} : memref<2x64x128xf32, #tpu.memory_space<vmem>>, vector<16xf32>,
        %mul3A_2082 = arith.mulf %get3A_2076, %get3A_2081 : vector<16xf32>
        %get3A_2083 = arith.constant 0 : i32
        %get3A_2084 = arith.index_cast %get3A_2083 : i32 to index
        %get3A_2085 = arith.index_cast %add3A_2054 : i32 to index
        %get3A_2086 = arith.constant 16 : index
        %get3A_2087 = tpu.vector_load %arg13[%get3A_2084, %get3A_2085, %get3A_2086] {strides = array<i32>} : memref<2x64x128xf32, #tpu.memory_space<vmem>>, vector<16xf32>,
        %mul3A_2088 = arith.mulf %mul3A_2082, %get3A_2087 : vector<16xf32>
        %add3A_2089 = arith.addf %mul3A_2071, %mul3A_2088 : vector<16xf32>
        %get3A_2090 = arith.constant 0 : i32
        %get3A_2091 = arith.index_cast %get3A_2090 : i32 to index
        %get3A_2092 = arith.index_cast %add3A_2054 : i32 to index
        %get3A_2093 = arith.constant 32 : index
        %get3A_2094 = tpu.vector_load %arg11[%get3A_2091, %get3A_2092, %get3A_2093] {strides = array<i32>} : memref<2x64x128xf32, #tpu.memory_space<vmem>>, vector<16xf32>,
        %get3A_2095 = arith.constant 0 : i32
        %get3A_2096 = arith.index_cast %get3A_2095 : i32 to index
        %get3A_2097 = arith.index_cast %add3A_2054 : i32 to index
        %get3A_2098 = arith.constant 32 : index
        %get3A_2099 = tpu.vector_load %arg12[%get3A_2096, %get3A_2097, %get3A_2098] {strides = array<i32>} : memref<2x64x128xf32, #tpu.memory_space<vmem>>, vector<16xf32>,
        %mul3A_2100 = arith.mulf %get3A_2094, %get3A_2099 : vector<16xf32>
        %get3A_2101 = arith.constant 0 : i32
        %get3A_2102 = arith.index_cast %get3A_2101 : i32 to index
        %get3A_2103 = arith.index_cast %add3A_2054 : i32 to index
        %get3A_2104 = arith.constant 32 : index
        %get3A_2105 = tpu.vector_load %arg13[%get3A_2102, %get3A_2103, %get3A_2104] {strides = array<i32>} : memref<2x64x128xf32, #tpu.memory_space<vmem>>, vector<16xf32>,
        %mul3A_2106 = arith.mulf %mul3A_2100, %get3A_2105 : vector<16xf32>
        %add3A_2107 = arith.addf %add3A_2089, %mul3A_2106 : vector<16xf32>
        %get3A_2108 = arith.constant 0 : i32
        %get3A_2109 = arith.index_cast %get3A_2108 : i32 to index
        %get3A_2110 = arith.index_cast %add3A_2054 : i32 to index
        %get3A_2111 = arith.constant 48 : index
        %get3A_2112 = tpu.vector_load %arg11[%get3A_2109, %get3A_2110, %get3A_2111] {strides = array<i32>} : memref<2x64x128xf32, #tpu.memory_space<vmem>>, vector<16xf32>,
        %get3A_2113 = arith.constant 0 : i32
        %get3A_2114 = arith.index_cast %get3A_2113 : i32 to index
        %get3A_2115 = arith.index_cast %add3A_2054 : i32 to index
        %get3A_2116 = arith.constant 48 : index
        %get3A_2117 = tpu.vector_load %arg12[%get3A_2114, %get3A_2115, %get3A_2116] {strides = array<i32>} : memref<2x64x128xf32, #tpu.memory_space<vmem>>, vector<16xf32>,
        %mul3A_2118 = arith.mulf %get3A_2112, %get3A_2117 : vector<16xf32>
        %get3A_2119 = arith.constant 0 : i32
        %get3A_2120 = arith.index_cast %get3A_2119 : i32 to index
        %get3A_2121 = arith.index_cast %add3A_2054 : i32 to index
        %get3A_2122 = arith.constant 48 : index
        %get3A_2123 = tpu.vector_load %arg13[%get3A_2120, %get3A_2121, %get3A_2122] {strides = array<i32>} : memref<2x64x128xf32, #tpu.memory_space<vmem>>, vector<16xf32>,
        %mul3A_2124 = arith.mulf %mul3A_2118, %get3A_2123 : vector<16xf32>
        %add3A_2125 = arith.addf %add3A_2107, %mul3A_2124 : vector<16xf32>
        %get3A_2126 = arith.constant 0 : i32
        %get3A_2127 = arith.index_cast %get3A_2126 : i32 to index
        %get3A_2128 = arith.index_cast %add3A_2054 : i32 to index
        %get3A_2129 = arith.constant 64 : index
        %get3A_2130 = tpu.vector_load %arg11[%get3A_2127, %get3A_2128, %get3A_2129] {strides = array<i32>} : memref<2x64x128xf32, #tpu.memory_space<vmem>>, vector<16xf32>,
        %get3A_2131 = arith.constant 0 : i32
        %get3A_2132 = arith.index_cast %get3A_2131 : i32 to index
        %get3A_2133 = arith.index_cast %add3A_2054 : i32 to index
        %get3A_2134 = arith.constant 64 : index
        %get3A_2135 = tpu.vector_load %arg12[%get3A_2132, %get3A_2133, %get3A_2134] {strides = array<i32>} : memref<2x64x128xf32, #tpu.memory_space<vmem>>, vector<16xf32>,
        %mul3A_2136 = arith.mulf %get3A_2130, %get3A_2135 : vector<16xf32>
        %get3A_2137 = arith.constant 0 : i32
        %get3A_2138 = arith.index_cast %get3A_2137 : i32 to index
        %get3A_2139 = arith.index_cast %add3A_2054 : i32 to index
        %get3A_2140 = arith.constant 64 : index
        %get3A_2141 = tpu.vector_load %arg13[%get3A_2138, %get3A_2139, %get3A_2140] {strides = array<i32>} : memref<2x64x128xf32, #tpu.memory_space<vmem>>, vector<16xf32>,
        %mul3A_2142 = arith.mulf %mul3A_2136, %get3A_2141 : vector<16xf32>
        %add3A_2143 = arith.addf %add3A_2125, %mul3A_2142 : vector<16xf32>
        %get3A_2144 = arith.constant 0 : i32
        %get3A_2145 = arith.index_cast %get3A_2144 : i32 to index
        %get3A_2146 = arith.index_cast %add3A_2054 : i32 to index
        %get3A_2147 = arith.constant 80 : index
        %get3A_2148 = tpu.vector_load %arg11[%get3A_2145, %get3A_2146, %get3A_2147] {strides = array<i32>} : memref<2x64x128xf32, #tpu.memory_space<vmem>>, vector<16xf32>,
        %get3A_2149 = arith.constant 0 : i32
        %get3A_2150 = arith.index_cast %get3A_2149 : i32 to index
        %get3A_2151 = arith.index_cast %add3A_2054 : i32 to index
        %get3A_2152 = arith.constant 80 : index
        %get3A_2153 = tpu.vector_load %arg12[%get3A_2150, %get3A_2151, %get3A_2152] {strides = array<i32>} : memref<2x64x128xf32, #tpu.memory_space<vmem>>, vector<16xf32>,
        %mul3A_2154 = arith.mulf %get3A_2148, %get3A_2153 : vector<16xf32>
        %get3A_2155 = arith.constant 0 : i32
        %get3A_2156 = arith.index_cast %get3A_2155 : i32 to index
        %get3A_2157 = arith.index_cast %add3A_2054 : i32 to index
        %get3A_2158 = arith.constant 80 : index
        %get3A_2159 = tpu.vector_load %arg13[%get3A_2156, %get3A_2157, %get3A_2158] {strides = array<i32>} : memref<2x64x128xf32, #tpu.memory_space<vmem>>, vector<16xf32>,
        %mul3A_2160 = arith.mulf %mul3A_2154, %get3A_2159 : vector<16xf32>
        %add3A_2161 = arith.addf %add3A_2143, %mul3A_2160 : vector<16xf32>
        %get3A_2162 = arith.constant 0 : i32
        %get3A_2163 = arith.index_cast %get3A_2162 : i32 to index
        %get3A_2164 = arith.index_cast %add3A_2054 : i32 to index
        %get3A_2165 = arith.constant 96 : index
        %get3A_2166 = tpu.vector_load %arg11[%get3A_2163, %get3A_2164, %get3A_2165] {strides = array<i32>} : memref<2x64x128xf32, #tpu.memory_space<vmem>>, vector<16xf32>,
        %get3A_2167 = arith.constant 0 : i32
        %get3A_2168 = arith.index_cast %get3A_2167 : i32 to index
        %get3A_2169 = arith.index_cast %add3A_2054 : i32 to index
        %get3A_2170 = arith.constant 96 : index
        %get3A_2171 = tpu.vector_load %arg12[%get3A_2168, %get3A_2169, %get3A_2170] {strides = array<i32>} : memref<2x64x128xf32, #tpu.memory_space<vmem>>, vector<16xf32>,
        %mul3A_2172 = arith.mulf %get3A_2166, %get3A_2171 : vector<16xf32>
        %get3A_2173 = arith.constant 0 : i32
        %get3A_2174 = arith.index_cast %get3A_2173 : i32 to index
        %get3A_2175 = arith.index_cast %add3A_2054 : i32 to index
        %get3A_2176 = arith.constant 96 : index
        %get3A_2177 = tpu.vector_load %arg13[%get3A_2174, %get3A_2175, %get3A_2176] {strides = array<i32>} : memref<2x64x128xf32, #tpu.memory_space<vmem>>, vector<16xf32>,
        %mul3A_2178 = arith.mulf %mul3A_2172, %get3A_2177 : vector<16xf32>
        %add3A_2179 = arith.addf %add3A_2161, %mul3A_2178 : vector<16xf32>
        %get3A_2180 = arith.constant 0 : i32
        %get3A_2181 = arith.index_cast %get3A_2180 : i32 to index
        %get3A_2182 = arith.index_cast %add3A_2054 : i32 to index
        %get3A_2183 = arith.constant 112 : index
        %get3A_2184 = tpu.vector_load %arg11[%get3A_2181, %get3A_2182, %get3A_2183] {strides = array<i32>} : memref<2x64x128xf32, #tpu.memory_space<vmem>>, vector<16xf32>,
        %get3A_2185 = arith.constant 0 : i32
        %get3A_2186 = arith.index_cast %get3A_2185 : i32 to index
        %get3A_2187 = arith.index_cast %add3A_2054 : i32 to index
        %get3A_2188 = arith.constant 112 : index
        %get3A_2189 = tpu.vector_load %arg12[%get3A_2186, %get3A_2187, %get3A_2188] {strides = array<i32>} : memref<2x64x128xf32, #tpu.memory_space<vmem>>, vector<16xf32>,
        %mul3A_2190 = arith.mulf %get3A_2184, %get3A_2189 : vector<16xf32>
        %get3A_2191 = arith.constant 0 : i32
        %get3A_2192 = arith.index_cast %get3A_2191 : i32 to index
        %get3A_2193 = arith.index_cast %add3A_2054 : i32 to index
        %get3A_2194 = arith.constant 112 : index
        %get3A_2195 = tpu.vector_load %arg13[%get3A_2192, %get3A_2193, %get3A_2194] {strides = array<i32>} : memref<2x64x128xf32, #tpu.memory_space<vmem>>, vector<16xf32>,
        %mul3A_2196 = arith.mulf %mul3A_2190, %get3A_2195 : vector<16xf32>
        %add3A_2197 = arith.addf %add3A_2179, %mul3A_2196 : vector<16xf32>
        %swap3A_2198 = arith.constant 192 : index
        %swap3A_2199 = tpu.vector_load %arg15[%swap3A_2198] {strides = array<i32>} : memref<256xf32, #tpu.memory_space<vmem>>, vector<16xf32>,
        tpu.vector_store %arg15[%swap3A_2198], %add3A_2197 {strides = array<i32>} : memref<256xf32, #tpu.memory_space<vmem>>, vector<16xf32>,
        %mul3A_2200 = arith.constant 16 : i32
        %mul3A_2201 = arith.muli %scan3A_264, %mul3A_2200 : i32
        %add3A_2202 = arith.constant 13 : i32
        %add3A_2203 = arith.addi %mul3A_2201, %add3A_2202 : i32
        %get3A_2204 = arith.constant 0 : i32
        %get3A_2205 = arith.index_cast %get3A_2204 : i32 to index
        %get3A_2206 = arith.index_cast %add3A_2203 : i32 to index
        %get3A_2207 = arith.constant 0 : index
        %get3A_2208 = tpu.vector_load %arg11[%get3A_2205, %get3A_2206, %get3A_2207] {strides = array<i32>} : memref<2x64x128xf32, #tpu.memory_space<vmem>>, vector<16xf32>,
        %get3A_2209 = arith.constant 0 : i32
        %get3A_2210 = arith.index_cast %get3A_2209 : i32 to index
        %get3A_2211 = arith.index_cast %add3A_2203 : i32 to index
        %get3A_2212 = arith.constant 0 : index
        %get3A_2213 = tpu.vector_load %arg12[%get3A_2210, %get3A_2211, %get3A_2212] {strides = array<i32>} : memref<2x64x128xf32, #tpu.memory_space<vmem>>, vector<16xf32>,
        %mul3A_2214 = arith.mulf %get3A_2208, %get3A_2213 : vector<16xf32>
        %get3A_2215 = arith.constant 0 : i32
        %get3A_2216 = arith.index_cast %get3A_2215 : i32 to index
        %get3A_2217 = arith.index_cast %add3A_2203 : i32 to index
        %get3A_2218 = arith.constant 0 : index
        %get3A_2219 = tpu.vector_load %arg13[%get3A_2216, %get3A_2217, %get3A_2218] {strides = array<i32>} : memref<2x64x128xf32, #tpu.memory_space<vmem>>, vector<16xf32>,
        %mul3A_2220 = arith.mulf %mul3A_2214, %get3A_2219 : vector<16xf32>
        %get3A_2221 = arith.constant 0 : i32
        %get3A_2222 = arith.index_cast %get3A_2221 : i32 to index
        %get3A_2223 = arith.index_cast %add3A_2203 : i32 to index
        %get3A_2224 = arith.constant 16 : index
        %get3A_2225 = tpu.vector_load %arg11[%get3A_2222, %get3A_2223, %get3A_2224] {strides = array<i32>} : memref<2x64x128xf32, #tpu.memory_space<vmem>>, vector<16xf32>,
        %get3A_2226 = arith.constant 0 : i32
        %get3A_2227 = arith.index_cast %get3A_2226 : i32 to index
        %get3A_2228 = arith.index_cast %add3A_2203 : i32 to index
        %get3A_2229 = arith.constant 16 : index
        %get3A_2230 = tpu.vector_load %arg12[%get3A_2227, %get3A_2228, %get3A_2229] {strides = array<i32>} : memref<2x64x128xf32, #tpu.memory_space<vmem>>, vector<16xf32>,
        %mul3A_2231 = arith.mulf %get3A_2225, %get3A_2230 : vector<16xf32>
        %get3A_2232 = arith.constant 0 : i32
        %get3A_2233 = arith.index_cast %get3A_2232 : i32 to index
        %get3A_2234 = arith.index_cast %add3A_2203 : i32 to index
        %get3A_2235 = arith.constant 16 : index
        %get3A_2236 = tpu.vector_load %arg13[%get3A_2233, %get3A_2234, %get3A_2235] {strides = array<i32>} : memref<2x64x128xf32, #tpu.memory_space<vmem>>, vector<16xf32>,
        %mul3A_2237 = arith.mulf %mul3A_2231, %get3A_2236 : vector<16xf32>
        %add3A_2238 = arith.addf %mul3A_2220, %mul3A_2237 : vector<16xf32>
        %get3A_2239 = arith.constant 0 : i32
        %get3A_2240 = arith.index_cast %get3A_2239 : i32 to index
        %get3A_2241 = arith.index_cast %add3A_2203 : i32 to index
        %get3A_2242 = arith.constant 32 : index
        %get3A_2243 = tpu.vector_load %arg11[%get3A_2240, %get3A_2241, %get3A_2242] {strides = array<i32>} : memref<2x64x128xf32, #tpu.memory_space<vmem>>, vector<16xf32>,
        %get3A_2244 = arith.constant 0 : i32
        %get3A_2245 = arith.index_cast %get3A_2244 : i32 to index
        %get3A_2246 = arith.index_cast %add3A_2203 : i32 to index
        %get3A_2247 = arith.constant 32 : index
        %get3A_2248 = tpu.vector_load %arg12[%get3A_2245, %get3A_2246, %get3A_2247] {strides = array<i32>} : memref<2x64x128xf32, #tpu.memory_space<vmem>>, vector<16xf32>,
        %mul3A_2249 = arith.mulf %get3A_2243, %get3A_2248 : vector<16xf32>
        %get3A_2250 = arith.constant 0 : i32
        %get3A_2251 = arith.index_cast %get3A_2250 : i32 to index
        %get3A_2252 = arith.index_cast %add3A_2203 : i32 to index
        %get3A_2253 = arith.constant 32 : index
        %get3A_2254 = tpu.vector_load %arg13[%get3A_2251, %get3A_2252, %get3A_2253] {strides = array<i32>} : memref<2x64x128xf32, #tpu.memory_space<vmem>>, vector<16xf32>,
        %mul3A_2255 = arith.mulf %mul3A_2249, %get3A_2254 : vector<16xf32>
        %add3A_2256 = arith.addf %add3A_2238, %mul3A_2255 : vector<16xf32>
        %get3A_2257 = arith.constant 0 : i32
        %get3A_2258 = arith.index_cast %get3A_2257 : i32 to index
        %get3A_2259 = arith.index_cast %add3A_2203 : i32 to index
        %get3A_2260 = arith.constant 48 : index
        %get3A_2261 = tpu.vector_load %arg11[%get3A_2258, %get3A_2259, %get3A_2260] {strides = array<i32>} : memref<2x64x128xf32, #tpu.memory_space<vmem>>, vector<16xf32>,
        %get3A_2262 = arith.constant 0 : i32
        %get3A_2263 = arith.index_cast %get3A_2262 : i32 to index
        %get3A_2264 = arith.index_cast %add3A_2203 : i32 to index
        %get3A_2265 = arith.constant 48 : index
        %get3A_2266 = tpu.vector_load %arg12[%get3A_2263, %get3A_2264, %get3A_2265] {strides = array<i32>} : memref<2x64x128xf32, #tpu.memory_space<vmem>>, vector<16xf32>,
        %mul3A_2267 = arith.mulf %get3A_2261, %get3A_2266 : vector<16xf32>
        %get3A_2268 = arith.constant 0 : i32
        %get3A_2269 = arith.index_cast %get3A_2268 : i32 to index
        %get3A_2270 = arith.index_cast %add3A_2203 : i32 to index
        %get3A_2271 = arith.constant 48 : index
        %get3A_2272 = tpu.vector_load %arg13[%get3A_2269, %get3A_2270, %get3A_2271] {strides = array<i32>} : memref<2x64x128xf32, #tpu.memory_space<vmem>>, vector<16xf32>,
        %mul3A_2273 = arith.mulf %mul3A_2267, %get3A_2272 : vector<16xf32>
        %add3A_2274 = arith.addf %add3A_2256, %mul3A_2273 : vector<16xf32>
        %get3A_2275 = arith.constant 0 : i32
        %get3A_2276 = arith.index_cast %get3A_2275 : i32 to index
        %get3A_2277 = arith.index_cast %add3A_2203 : i32 to index
        %get3A_2278 = arith.constant 64 : index
        %get3A_2279 = tpu.vector_load %arg11[%get3A_2276, %get3A_2277, %get3A_2278] {strides = array<i32>} : memref<2x64x128xf32, #tpu.memory_space<vmem>>, vector<16xf32>,
        %get3A_2280 = arith.constant 0 : i32
        %get3A_2281 = arith.index_cast %get3A_2280 : i32 to index
        %get3A_2282 = arith.index_cast %add3A_2203 : i32 to index
        %get3A_2283 = arith.constant 64 : index
        %get3A_2284 = tpu.vector_load %arg12[%get3A_2281, %get3A_2282, %get3A_2283] {strides = array<i32>} : memref<2x64x128xf32, #tpu.memory_space<vmem>>, vector<16xf32>,
        %mul3A_2285 = arith.mulf %get3A_2279, %get3A_2284 : vector<16xf32>
        %get3A_2286 = arith.constant 0 : i32
        %get3A_2287 = arith.index_cast %get3A_2286 : i32 to index
        %get3A_2288 = arith.index_cast %add3A_2203 : i32 to index
        %get3A_2289 = arith.constant 64 : index
        %get3A_2290 = tpu.vector_load %arg13[%get3A_2287, %get3A_2288, %get3A_2289] {strides = array<i32>} : memref<2x64x128xf32, #tpu.memory_space<vmem>>, vector<16xf32>,
        %mul3A_2291 = arith.mulf %mul3A_2285, %get3A_2290 : vector<16xf32>
        %add3A_2292 = arith.addf %add3A_2274, %mul3A_2291 : vector<16xf32>
        %get3A_2293 = arith.constant 0 : i32
        %get3A_2294 = arith.index_cast %get3A_2293 : i32 to index
        %get3A_2295 = arith.index_cast %add3A_2203 : i32 to index
        %get3A_2296 = arith.constant 80 : index
        %get3A_2297 = tpu.vector_load %arg11[%get3A_2294, %get3A_2295, %get3A_2296] {strides = array<i32>} : memref<2x64x128xf32, #tpu.memory_space<vmem>>, vector<16xf32>,
        %get3A_2298 = arith.constant 0 : i32
        %get3A_2299 = arith.index_cast %get3A_2298 : i32 to index
        %get3A_2300 = arith.index_cast %add3A_2203 : i32 to index
        %get3A_2301 = arith.constant 80 : index
        %get3A_2302 = tpu.vector_load %arg12[%get3A_2299, %get3A_2300, %get3A_2301] {strides = array<i32>} : memref<2x64x128xf32, #tpu.memory_space<vmem>>, vector<16xf32>,
        %mul3A_2303 = arith.mulf %get3A_2297, %get3A_2302 : vector<16xf32>
        %get3A_2304 = arith.constant 0 : i32
        %get3A_2305 = arith.index_cast %get3A_2304 : i32 to index
        %get3A_2306 = arith.index_cast %add3A_2203 : i32 to index
        %get3A_2307 = arith.constant 80 : index
        %get3A_2308 = tpu.vector_load %arg13[%get3A_2305, %get3A_2306, %get3A_2307] {strides = array<i32>} : memref<2x64x128xf32, #tpu.memory_space<vmem>>, vector<16xf32>,
        %mul3A_2309 = arith.mulf %mul3A_2303, %get3A_2308 : vector<16xf32>
        %add3A_2310 = arith.addf %add3A_2292, %mul3A_2309 : vector<16xf32>
        %get3A_2311 = arith.constant 0 : i32
        %get3A_2312 = arith.index_cast %get3A_2311 : i32 to index
        %get3A_2313 = arith.index_cast %add3A_2203 : i32 to index
        %get3A_2314 = arith.constant 96 : index
        %get3A_2315 = tpu.vector_load %arg11[%get3A_2312, %get3A_2313, %get3A_2314] {strides = array<i32>} : memref<2x64x128xf32, #tpu.memory_space<vmem>>, vector<16xf32>,
        %get3A_2316 = arith.constant 0 : i32
        %get3A_2317 = arith.index_cast %get3A_2316 : i32 to index
        %get3A_2318 = arith.index_cast %add3A_2203 : i32 to index
        %get3A_2319 = arith.constant 96 : index
        %get3A_2320 = tpu.vector_load %arg12[%get3A_2317, %get3A_2318, %get3A_2319] {strides = array<i32>} : memref<2x64x128xf32, #tpu.memory_space<vmem>>, vector<16xf32>,
        %mul3A_2321 = arith.mulf %get3A_2315, %get3A_2320 : vector<16xf32>
        %get3A_2322 = arith.constant 0 : i32
        %get3A_2323 = arith.index_cast %get3A_2322 : i32 to index
        %get3A_2324 = arith.index_cast %add3A_2203 : i32 to index
        %get3A_2325 = arith.constant 96 : index
        %get3A_2326 = tpu.vector_load %arg13[%get3A_2323, %get3A_2324, %get3A_2325] {strides = array<i32>} : memref<2x64x128xf32, #tpu.memory_space<vmem>>, vector<16xf32>,
        %mul3A_2327 = arith.mulf %mul3A_2321, %get3A_2326 : vector<16xf32>
        %add3A_2328 = arith.addf %add3A_2310, %mul3A_2327 : vector<16xf32>
        %get3A_2329 = arith.constant 0 : i32
        %get3A_2330 = arith.index_cast %get3A_2329 : i32 to index
        %get3A_2331 = arith.index_cast %add3A_2203 : i32 to index
        %get3A_2332 = arith.constant 112 : index
        %get3A_2333 = tpu.vector_load %arg11[%get3A_2330, %get3A_2331, %get3A_2332] {strides = array<i32>} : memref<2x64x128xf32, #tpu.memory_space<vmem>>, vector<16xf32>,
        %get3A_2334 = arith.constant 0 : i32
        %get3A_2335 = arith.index_cast %get3A_2334 : i32 to index
        %get3A_2336 = arith.index_cast %add3A_2203 : i32 to index
        %get3A_2337 = arith.constant 112 : index
        %get3A_2338 = tpu.vector_load %arg12[%get3A_2335, %get3A_2336, %get3A_2337] {strides = array<i32>} : memref<2x64x128xf32, #tpu.memory_space<vmem>>, vector<16xf32>,
        %mul3A_2339 = arith.mulf %get3A_2333, %get3A_2338 : vector<16xf32>
        %get3A_2340 = arith.constant 0 : i32
        %get3A_2341 = arith.index_cast %get3A_2340 : i32 to index
        %get3A_2342 = arith.index_cast %add3A_2203 : i32 to index
        %get3A_2343 = arith.constant 112 : index
        %get3A_2344 = tpu.vector_load %arg13[%get3A_2341, %get3A_2342, %get3A_2343] {strides = array<i32>} : memref<2x64x128xf32, #tpu.memory_space<vmem>>, vector<16xf32>,
        %mul3A_2345 = arith.mulf %mul3A_2339, %get3A_2344 : vector<16xf32>
        %add3A_2346 = arith.addf %add3A_2328, %mul3A_2345 : vector<16xf32>
        %swap3A_2347 = arith.constant 208 : index
        %swap3A_2348 = tpu.vector_load %arg15[%swap3A_2347] {strides = array<i32>} : memref<256xf32, #tpu.memory_space<vmem>>, vector<16xf32>,
        tpu.vector_store %arg15[%swap3A_2347], %add3A_2346 {strides = array<i32>} : memref<256xf32, #tpu.memory_space<vmem>>, vector<16xf32>,
        %mul3A_2349 = arith.constant 16 : i32
        %mul3A_2350 = arith.muli %scan3A_264, %mul3A_2349 : i32
        %add3A_2351 = arith.constant 14 : i32
        %add3A_2352 = arith.addi %mul3A_2350, %add3A_2351 : i32
        %get3A_2353 = arith.constant 0 : i32
        %get3A_2354 = arith.index_cast %get3A_2353 : i32 to index
        %get3A_2355 = arith.index_cast %add3A_2352 : i32 to index
        %get3A_2356 = arith.constant 0 : index
        %get3A_2357 = tpu.vector_load %arg11[%get3A_2354, %get3A_2355, %get3A_2356] {strides = array<i32>} : memref<2x64x128xf32, #tpu.memory_space<vmem>>, vector<16xf32>,
        %get3A_2358 = arith.constant 0 : i32
        %get3A_2359 = arith.index_cast %get3A_2358 : i32 to index
        %get3A_2360 = arith.index_cast %add3A_2352 : i32 to index
        %get3A_2361 = arith.constant 0 : index
        %get3A_2362 = tpu.vector_load %arg12[%get3A_2359, %get3A_2360, %get3A_2361] {strides = array<i32>} : memref<2x64x128xf32, #tpu.memory_space<vmem>>, vector<16xf32>,
        %mul3A_2363 = arith.mulf %get3A_2357, %get3A_2362 : vector<16xf32>
        %get3A_2364 = arith.constant 0 : i32
        %get3A_2365 = arith.index_cast %get3A_2364 : i32 to index
        %get3A_2366 = arith.index_cast %add3A_2352 : i32 to index
        %get3A_2367 = arith.constant 0 : index
        %get3A_2368 = tpu.vector_load %arg13[%get3A_2365, %get3A_2366, %get3A_2367] {strides = array<i32>} : memref<2x64x128xf32, #tpu.memory_space<vmem>>, vector<16xf32>,
        %mul3A_2369 = arith.mulf %mul3A_2363, %get3A_2368 : vector<16xf32>
        %get3A_2370 = arith.constant 0 : i32
        %get3A_2371 = arith.index_cast %get3A_2370 : i32 to index
        %get3A_2372 = arith.index_cast %add3A_2352 : i32 to index
        %get3A_2373 = arith.constant 16 : index
        %get3A_2374 = tpu.vector_load %arg11[%get3A_2371, %get3A_2372, %get3A_2373] {strides = array<i32>} : memref<2x64x128xf32, #tpu.memory_space<vmem>>, vector<16xf32>,
        %get3A_2375 = arith.constant 0 : i32
        %get3A_2376 = arith.index_cast %get3A_2375 : i32 to index
        %get3A_2377 = arith.index_cast %add3A_2352 : i32 to index
        %get3A_2378 = arith.constant 16 : index
        %get3A_2379 = tpu.vector_load %arg12[%get3A_2376, %get3A_2377, %get3A_2378] {strides = array<i32>} : memref<2x64x128xf32, #tpu.memory_space<vmem>>, vector<16xf32>,
        %mul3A_2380 = arith.mulf %get3A_2374, %get3A_2379 : vector<16xf32>
        %get3A_2381 = arith.constant 0 : i32
        %get3A_2382 = arith.index_cast %get3A_2381 : i32 to index
        %get3A_2383 = arith.index_cast %add3A_2352 : i32 to index
        %get3A_2384 = arith.constant 16 : index
        %get3A_2385 = tpu.vector_load %arg13[%get3A_2382, %get3A_2383, %get3A_2384] {strides = array<i32>} : memref<2x64x128xf32, #tpu.memory_space<vmem>>, vector<16xf32>,
        %mul3A_2386 = arith.mulf %mul3A_2380, %get3A_2385 : vector<16xf32>
        %add3A_2387 = arith.addf %mul3A_2369, %mul3A_2386 : vector<16xf32>
        %get3A_2388 = arith.constant 0 : i32
        %get3A_2389 = arith.index_cast %get3A_2388 : i32 to index
        %get3A_2390 = arith.index_cast %add3A_2352 : i32 to index
        %get3A_2391 = arith.constant 32 : index
        %get3A_2392 = tpu.vector_load %arg11[%get3A_2389, %get3A_2390, %get3A_2391] {strides = array<i32>} : memref<2x64x128xf32, #tpu.memory_space<vmem>>, vector<16xf32>,
        %get3A_2393 = arith.constant 0 : i32
        %get3A_2394 = arith.index_cast %get3A_2393 : i32 to index
        %get3A_2395 = arith.index_cast %add3A_2352 : i32 to index
        %get3A_2396 = arith.constant 32 : index
        %get3A_2397 = tpu.vector_load %arg12[%get3A_2394, %get3A_2395, %get3A_2396] {strides = array<i32>} : memref<2x64x128xf32, #tpu.memory_space<vmem>>, vector<16xf32>,
        %mul3A_2398 = arith.mulf %get3A_2392, %get3A_2397 : vector<16xf32>
        %get3A_2399 = arith.constant 0 : i32
        %get3A_2400 = arith.index_cast %get3A_2399 : i32 to index
        %get3A_2401 = arith.index_cast %add3A_2352 : i32 to index
        %get3A_2402 = arith.constant 32 : index
        %get3A_2403 = tpu.vector_load %arg13[%get3A_2400, %get3A_2401, %get3A_2402] {strides = array<i32>} : memref<2x64x128xf32, #tpu.memory_space<vmem>>, vector<16xf32>,
        %mul3A_2404 = arith.mulf %mul3A_2398, %get3A_2403 : vector<16xf32>
        %add3A_2405 = arith.addf %add3A_2387, %mul3A_2404 : vector<16xf32>
        %get3A_2406 = arith.constant 0 : i32
        %get3A_2407 = arith.index_cast %get3A_2406 : i32 to index
        %get3A_2408 = arith.index_cast %add3A_2352 : i32 to index
        %get3A_2409 = arith.constant 48 : index
        %get3A_2410 = tpu.vector_load %arg11[%get3A_2407, %get3A_2408, %get3A_2409] {strides = array<i32>} : memref<2x64x128xf32, #tpu.memory_space<vmem>>, vector<16xf32>,
        %get3A_2411 = arith.constant 0 : i32
        %get3A_2412 = arith.index_cast %get3A_2411 : i32 to index
        %get3A_2413 = arith.index_cast %add3A_2352 : i32 to index
        %get3A_2414 = arith.constant 48 : index
        %get3A_2415 = tpu.vector_load %arg12[%get3A_2412, %get3A_2413, %get3A_2414] {strides = array<i32>} : memref<2x64x128xf32, #tpu.memory_space<vmem>>, vector<16xf32>,
        %mul3A_2416 = arith.mulf %get3A_2410, %get3A_2415 : vector<16xf32>
        %get3A_2417 = arith.constant 0 : i32
        %get3A_2418 = arith.index_cast %get3A_2417 : i32 to index
        %get3A_2419 = arith.index_cast %add3A_2352 : i32 to index
        %get3A_2420 = arith.constant 48 : index
        %get3A_2421 = tpu.vector_load %arg13[%get3A_2418, %get3A_2419, %get3A_2420] {strides = array<i32>} : memref<2x64x128xf32, #tpu.memory_space<vmem>>, vector<16xf32>,
        %mul3A_2422 = arith.mulf %mul3A_2416, %get3A_2421 : vector<16xf32>
        %add3A_2423 = arith.addf %add3A_2405, %mul3A_2422 : vector<16xf32>
        %get3A_2424 = arith.constant 0 : i32
        %get3A_2425 = arith.index_cast %get3A_2424 : i32 to index
        %get3A_2426 = arith.index_cast %add3A_2352 : i32 to index
        %get3A_2427 = arith.constant 64 : index
        %get3A_2428 = tpu.vector_load %arg11[%get3A_2425, %get3A_2426, %get3A_2427] {strides = array<i32>} : memref<2x64x128xf32, #tpu.memory_space<vmem>>, vector<16xf32>,
        %get3A_2429 = arith.constant 0 : i32
        %get3A_2430 = arith.index_cast %get3A_2429 : i32 to index
        %get3A_2431 = arith.index_cast %add3A_2352 : i32 to index
        %get3A_2432 = arith.constant 64 : index
        %get3A_2433 = tpu.vector_load %arg12[%get3A_2430, %get3A_2431, %get3A_2432] {strides = array<i32>} : memref<2x64x128xf32, #tpu.memory_space<vmem>>, vector<16xf32>,
        %mul3A_2434 = arith.mulf %get3A_2428, %get3A_2433 : vector<16xf32>
        %get3A_2435 = arith.constant 0 : i32
        %get3A_2436 = arith.index_cast %get3A_2435 : i32 to index
        %get3A_2437 = arith.index_cast %add3A_2352 : i32 to index
        %get3A_2438 = arith.constant 64 : index
        %get3A_2439 = tpu.vector_load %arg13[%get3A_2436, %get3A_2437, %get3A_2438] {strides = array<i32>} : memref<2x64x128xf32, #tpu.memory_space<vmem>>, vector<16xf32>,
        %mul3A_2440 = arith.mulf %mul3A_2434, %get3A_2439 : vector<16xf32>
        %add3A_2441 = arith.addf %add3A_2423, %mul3A_2440 : vector<16xf32>
        %get3A_2442 = arith.constant 0 : i32
        %get3A_2443 = arith.index_cast %get3A_2442 : i32 to index
        %get3A_2444 = arith.index_cast %add3A_2352 : i32 to index
        %get3A_2445 = arith.constant 80 : index
        %get3A_2446 = tpu.vector_load %arg11[%get3A_2443, %get3A_2444, %get3A_2445] {strides = array<i32>} : memref<2x64x128xf32, #tpu.memory_space<vmem>>, vector<16xf32>,
        %get3A_2447 = arith.constant 0 : i32
        %get3A_2448 = arith.index_cast %get3A_2447 : i32 to index
        %get3A_2449 = arith.index_cast %add3A_2352 : i32 to index
        %get3A_2450 = arith.constant 80 : index
        %get3A_2451 = tpu.vector_load %arg12[%get3A_2448, %get3A_2449, %get3A_2450] {strides = array<i32>} : memref<2x64x128xf32, #tpu.memory_space<vmem>>, vector<16xf32>,
        %mul3A_2452 = arith.mulf %get3A_2446, %get3A_2451 : vector<16xf32>
        %get3A_2453 = arith.constant 0 : i32
        %get3A_2454 = arith.index_cast %get3A_2453 : i32 to index
        %get3A_2455 = arith.index_cast %add3A_2352 : i32 to index
        %get3A_2456 = arith.constant 80 : index
        %get3A_2457 = tpu.vector_load %arg13[%get3A_2454, %get3A_2455, %get3A_2456] {strides = array<i32>} : memref<2x64x128xf32, #tpu.memory_space<vmem>>, vector<16xf32>,
        %mul3A_2458 = arith.mulf %mul3A_2452, %get3A_2457 : vector<16xf32>
        %add3A_2459 = arith.addf %add3A_2441, %mul3A_2458 : vector<16xf32>
        %get3A_2460 = arith.constant 0 : i32
        %get3A_2461 = arith.index_cast %get3A_2460 : i32 to index
        %get3A_2462 = arith.index_cast %add3A_2352 : i32 to index
        %get3A_2463 = arith.constant 96 : index
        %get3A_2464 = tpu.vector_load %arg11[%get3A_2461, %get3A_2462, %get3A_2463] {strides = array<i32>} : memref<2x64x128xf32, #tpu.memory_space<vmem>>, vector<16xf32>,
        %get3A_2465 = arith.constant 0 : i32
        %get3A_2466 = arith.index_cast %get3A_2465 : i32 to index
        %get3A_2467 = arith.index_cast %add3A_2352 : i32 to index
        %get3A_2468 = arith.constant 96 : index
        %get3A_2469 = tpu.vector_load %arg12[%get3A_2466, %get3A_2467, %get3A_2468] {strides = array<i32>} : memref<2x64x128xf32, #tpu.memory_space<vmem>>, vector<16xf32>,
        %mul3A_2470 = arith.mulf %get3A_2464, %get3A_2469 : vector<16xf32>
        %get3A_2471 = arith.constant 0 : i32
        %get3A_2472 = arith.index_cast %get3A_2471 : i32 to index
        %get3A_2473 = arith.index_cast %add3A_2352 : i32 to index
        %get3A_2474 = arith.constant 96 : index
        %get3A_2475 = tpu.vector_load %arg13[%get3A_2472, %get3A_2473, %get3A_2474] {strides = array<i32>} : memref<2x64x128xf32, #tpu.memory_space<vmem>>, vector<16xf32>,
        %mul3A_2476 = arith.mulf %mul3A_2470, %get3A_2475 : vector<16xf32>
        %add3A_2477 = arith.addf %add3A_2459, %mul3A_2476 : vector<16xf32>
        %get3A_2478 = arith.constant 0 : i32
        %get3A_2479 = arith.index_cast %get3A_2478 : i32 to index
        %get3A_2480 = arith.index_cast %add3A_2352 : i32 to index
        %get3A_2481 = arith.constant 112 : index
        %get3A_2482 = tpu.vector_load %arg11[%get3A_2479, %get3A_2480, %get3A_2481] {strides = array<i32>} : memref<2x64x128xf32, #tpu.memory_space<vmem>>, vector<16xf32>,
        %get3A_2483 = arith.constant 0 : i32
        %get3A_2484 = arith.index_cast %get3A_2483 : i32 to index
        %get3A_2485 = arith.index_cast %add3A_2352 : i32 to index
        %get3A_2486 = arith.constant 112 : index
        %get3A_2487 = tpu.vector_load %arg12[%get3A_2484, %get3A_2485, %get3A_2486] {strides = array<i32>} : memref<2x64x128xf32, #tpu.memory_space<vmem>>, vector<16xf32>,
        %mul3A_2488 = arith.mulf %get3A_2482, %get3A_2487 : vector<16xf32>
        %get3A_2489 = arith.constant 0 : i32
        %get3A_2490 = arith.index_cast %get3A_2489 : i32 to index
        %get3A_2491 = arith.index_cast %add3A_2352 : i32 to index
        %get3A_2492 = arith.constant 112 : index
        %get3A_2493 = tpu.vector_load %arg13[%get3A_2490, %get3A_2491, %get3A_2492] {strides = array<i32>} : memref<2x64x128xf32, #tpu.memory_space<vmem>>, vector<16xf32>,
        %mul3A_2494 = arith.mulf %mul3A_2488, %get3A_2493 : vector<16xf32>
        %add3A_2495 = arith.addf %add3A_2477, %mul3A_2494 : vector<16xf32>
        %swap3A_2496 = arith.constant 224 : index
        %swap3A_2497 = tpu.vector_load %arg15[%swap3A_2496] {strides = array<i32>} : memref<256xf32, #tpu.memory_space<vmem>>, vector<16xf32>,
        tpu.vector_store %arg15[%swap3A_2496], %add3A_2495 {strides = array<i32>} : memref<256xf32, #tpu.memory_space<vmem>>, vector<16xf32>,
        %mul3A_2498 = arith.constant 16 : i32
        %mul3A_2499 = arith.muli %scan3A_264, %mul3A_2498 : i32
        %add3A_2500 = arith.constant 15 : i32
        %add3A_2501 = arith.addi %mul3A_2499, %add3A_2500 : i32
        %get3A_2502 = arith.constant 0 : i32
        %get3A_2503 = arith.index_cast %get3A_2502 : i32 to index
        %get3A_2504 = arith.index_cast %add3A_2501 : i32 to index
        %get3A_2505 = arith.constant 0 : index
        %get3A_2506 = tpu.vector_load %arg11[%get3A_2503, %get3A_2504, %get3A_2505] {strides = array<i32>} : memref<2x64x128xf32, #tpu.memory_space<vmem>>, vector<16xf32>,
        %get3A_2507 = arith.constant 0 : i32
        %get3A_2508 = arith.index_cast %get3A_2507 : i32 to index
        %get3A_2509 = arith.index_cast %add3A_2501 : i32 to index
        %get3A_2510 = arith.constant 0 : index
        %get3A_2511 = tpu.vector_load %arg12[%get3A_2508, %get3A_2509, %get3A_2510] {strides = array<i32>} : memref<2x64x128xf32, #tpu.memory_space<vmem>>, vector<16xf32>,
        %mul3A_2512 = arith.mulf %get3A_2506, %get3A_2511 : vector<16xf32>
        %get3A_2513 = arith.constant 0 : i32
        %get3A_2514 = arith.index_cast %get3A_2513 : i32 to index
        %get3A_2515 = arith.index_cast %add3A_2501 : i32 to index
        %get3A_2516 = arith.constant 0 : index
        %get3A_2517 = tpu.vector_load %arg13[%get3A_2514, %get3A_2515, %get3A_2516] {strides = array<i32>} : memref<2x64x128xf32, #tpu.memory_space<vmem>>, vector<16xf32>,
        %mul3A_2518 = arith.mulf %mul3A_2512, %get3A_2517 : vector<16xf32>
        %get3A_2519 = arith.constant 0 : i32
        %get3A_2520 = arith.index_cast %get3A_2519 : i32 to index
        %get3A_2521 = arith.index_cast %add3A_2501 : i32 to index
        %get3A_2522 = arith.constant 16 : index
        %get3A_2523 = tpu.vector_load %arg11[%get3A_2520, %get3A_2521, %get3A_2522] {strides = array<i32>} : memref<2x64x128xf32, #tpu.memory_space<vmem>>, vector<16xf32>,
        %get3A_2524 = arith.constant 0 : i32
        %get3A_2525 = arith.index_cast %get3A_2524 : i32 to index
        %get3A_2526 = arith.index_cast %add3A_2501 : i32 to index
        %get3A_2527 = arith.constant 16 : index
        %get3A_2528 = tpu.vector_load %arg12[%get3A_2525, %get3A_2526, %get3A_2527] {strides = array<i32>} : memref<2x64x128xf32, #tpu.memory_space<vmem>>, vector<16xf32>,
        %mul3A_2529 = arith.mulf %get3A_2523, %get3A_2528 : vector<16xf32>
        %get3A_2530 = arith.constant 0 : i32
        %get3A_2531 = arith.index_cast %get3A_2530 : i32 to index
        %get3A_2532 = arith.index_cast %add3A_2501 : i32 to index
        %get3A_2533 = arith.constant 16 : index
        %get3A_2534 = tpu.vector_load %arg13[%get3A_2531, %get3A_2532, %get3A_2533] {strides = array<i32>} : memref<2x64x128xf32, #tpu.memory_space<vmem>>, vector<16xf32>,
        %mul3A_2535 = arith.mulf %mul3A_2529, %get3A_2534 : vector<16xf32>
        %add3A_2536 = arith.addf %mul3A_2518, %mul3A_2535 : vector<16xf32>
        %get3A_2537 = arith.constant 0 : i32
        %get3A_2538 = arith.index_cast %get3A_2537 : i32 to index
        %get3A_2539 = arith.index_cast %add3A_2501 : i32 to index
        %get3A_2540 = arith.constant 32 : index
        %get3A_2541 = tpu.vector_load %arg11[%get3A_2538, %get3A_2539, %get3A_2540] {strides = array<i32>} : memref<2x64x128xf32, #tpu.memory_space<vmem>>, vector<16xf32>,
        %get3A_2542 = arith.constant 0 : i32
        %get3A_2543 = arith.index_cast %get3A_2542 : i32 to index
        %get3A_2544 = arith.index_cast %add3A_2501 : i32 to index
        %get3A_2545 = arith.constant 32 : index
        %get3A_2546 = tpu.vector_load %arg12[%get3A_2543, %get3A_2544, %get3A_2545] {strides = array<i32>} : memref<2x64x128xf32, #tpu.memory_space<vmem>>, vector<16xf32>,
        %mul3A_2547 = arith.mulf %get3A_2541, %get3A_2546 : vector<16xf32>
        %get3A_2548 = arith.constant 0 : i32
        %get3A_2549 = arith.index_cast %get3A_2548 : i32 to index
        %get3A_2550 = arith.index_cast %add3A_2501 : i32 to index
        %get3A_2551 = arith.constant 32 : index
        %get3A_2552 = tpu.vector_load %arg13[%get3A_2549, %get3A_2550, %get3A_2551] {strides = array<i32>} : memref<2x64x128xf32, #tpu.memory_space<vmem>>, vector<16xf32>,
        %mul3A_2553 = arith.mulf %mul3A_2547, %get3A_2552 : vector<16xf32>
        %add3A_2554 = arith.addf %add3A_2536, %mul3A_2553 : vector<16xf32>
        %get3A_2555 = arith.constant 0 : i32
        %get3A_2556 = arith.index_cast %get3A_2555 : i32 to index
        %get3A_2557 = arith.index_cast %add3A_2501 : i32 to index
        %get3A_2558 = arith.constant 48 : index
        %get3A_2559 = tpu.vector_load %arg11[%get3A_2556, %get3A_2557, %get3A_2558] {strides = array<i32>} : memref<2x64x128xf32, #tpu.memory_space<vmem>>, vector<16xf32>,
        %get3A_2560 = arith.constant 0 : i32
        %get3A_2561 = arith.index_cast %get3A_2560 : i32 to index
        %get3A_2562 = arith.index_cast %add3A_2501 : i32 to index
        %get3A_2563 = arith.constant 48 : index
        %get3A_2564 = tpu.vector_load %arg12[%get3A_2561, %get3A_2562, %get3A_2563] {strides = array<i32>} : memref<2x64x128xf32, #tpu.memory_space<vmem>>, vector<16xf32>,
        %mul3A_2565 = arith.mulf %get3A_2559, %get3A_2564 : vector<16xf32>
        %get3A_2566 = arith.constant 0 : i32
        %get3A_2567 = arith.index_cast %get3A_2566 : i32 to index
        %get3A_2568 = arith.index_cast %add3A_2501 : i32 to index
        %get3A_2569 = arith.constant 48 : index
        %get3A_2570 = tpu.vector_load %arg13[%get3A_2567, %get3A_2568, %get3A_2569] {strides = array<i32>} : memref<2x64x128xf32, #tpu.memory_space<vmem>>, vector<16xf32>,
        %mul3A_2571 = arith.mulf %mul3A_2565, %get3A_2570 : vector<16xf32>
        %add3A_2572 = arith.addf %add3A_2554, %mul3A_2571 : vector<16xf32>
        %get3A_2573 = arith.constant 0 : i32
        %get3A_2574 = arith.index_cast %get3A_2573 : i32 to index
        %get3A_2575 = arith.index_cast %add3A_2501 : i32 to index
        %get3A_2576 = arith.constant 64 : index
        %get3A_2577 = tpu.vector_load %arg11[%get3A_2574, %get3A_2575, %get3A_2576] {strides = array<i32>} : memref<2x64x128xf32, #tpu.memory_space<vmem>>, vector<16xf32>,
        %get3A_2578 = arith.constant 0 : i32
        %get3A_2579 = arith.index_cast %get3A_2578 : i32 to index
        %get3A_2580 = arith.index_cast %add3A_2501 : i32 to index
        %get3A_2581 = arith.constant 64 : index
        %get3A_2582 = tpu.vector_load %arg12[%get3A_2579, %get3A_2580, %get3A_2581] {strides = array<i32>} : memref<2x64x128xf32, #tpu.memory_space<vmem>>, vector<16xf32>,
        %mul3A_2583 = arith.mulf %get3A_2577, %get3A_2582 : vector<16xf32>
        %get3A_2584 = arith.constant 0 : i32
        %get3A_2585 = arith.index_cast %get3A_2584 : i32 to index
        %get3A_2586 = arith.index_cast %add3A_2501 : i32 to index
        %get3A_2587 = arith.constant 64 : index
        %get3A_2588 = tpu.vector_load %arg13[%get3A_2585, %get3A_2586, %get3A_2587] {strides = array<i32>} : memref<2x64x128xf32, #tpu.memory_space<vmem>>, vector<16xf32>,
        %mul3A_2589 = arith.mulf %mul3A_2583, %get3A_2588 : vector<16xf32>
        %add3A_2590 = arith.addf %add3A_2572, %mul3A_2589 : vector<16xf32>
        %get3A_2591 = arith.constant 0 : i32
        %get3A_2592 = arith.index_cast %get3A_2591 : i32 to index
        %get3A_2593 = arith.index_cast %add3A_2501 : i32 to index
        %get3A_2594 = arith.constant 80 : index
        %get3A_2595 = tpu.vector_load %arg11[%get3A_2592, %get3A_2593, %get3A_2594] {strides = array<i32>} : memref<2x64x128xf32, #tpu.memory_space<vmem>>, vector<16xf32>,
        %get3A_2596 = arith.constant 0 : i32
        %get3A_2597 = arith.index_cast %get3A_2596 : i32 to index
        %get3A_2598 = arith.index_cast %add3A_2501 : i32 to index
        %get3A_2599 = arith.constant 80 : index
        %get3A_2600 = tpu.vector_load %arg12[%get3A_2597, %get3A_2598, %get3A_2599] {strides = array<i32>} : memref<2x64x128xf32, #tpu.memory_space<vmem>>, vector<16xf32>,
        %mul3A_2601 = arith.mulf %get3A_2595, %get3A_2600 : vector<16xf32>
        %get3A_2602 = arith.constant 0 : i32
        %get3A_2603 = arith.index_cast %get3A_2602 : i32 to index
        %get3A_2604 = arith.index_cast %add3A_2501 : i32 to index
        %get3A_2605 = arith.constant 80 : index
        %get3A_2606 = tpu.vector_load %arg13[%get3A_2603, %get3A_2604, %get3A_2605] {strides = array<i32>} : memref<2x64x128xf32, #tpu.memory_space<vmem>>, vector<16xf32>,
        %mul3A_2607 = arith.mulf %mul3A_2601, %get3A_2606 : vector<16xf32>
        %add3A_2608 = arith.addf %add3A_2590, %mul3A_2607 : vector<16xf32>
        %get3A_2609 = arith.constant 0 : i32
        %get3A_2610 = arith.index_cast %get3A_2609 : i32 to index
        %get3A_2611 = arith.index_cast %add3A_2501 : i32 to index
        %get3A_2612 = arith.constant 96 : index
        %get3A_2613 = tpu.vector_load %arg11[%get3A_2610, %get3A_2611, %get3A_2612] {strides = array<i32>} : memref<2x64x128xf32, #tpu.memory_space<vmem>>, vector<16xf32>,
        %get3A_2614 = arith.constant 0 : i32
        %get3A_2615 = arith.index_cast %get3A_2614 : i32 to index
        %get3A_2616 = arith.index_cast %add3A_2501 : i32 to index
        %get3A_2617 = arith.constant 96 : index
        %get3A_2618 = tpu.vector_load %arg12[%get3A_2615, %get3A_2616, %get3A_2617] {strides = array<i32>} : memref<2x64x128xf32, #tpu.memory_space<vmem>>, vector<16xf32>,
        %mul3A_2619 = arith.mulf %get3A_2613, %get3A_2618 : vector<16xf32>
        %get3A_2620 = arith.constant 0 : i32
        %get3A_2621 = arith.index_cast %get3A_2620 : i32 to index
        %get3A_2622 = arith.index_cast %add3A_2501 : i32 to index
        %get3A_2623 = arith.constant 96 : index
        %get3A_2624 = tpu.vector_load %arg13[%get3A_2621, %get3A_2622, %get3A_2623] {strides = array<i32>} : memref<2x64x128xf32, #tpu.memory_space<vmem>>, vector<16xf32>,
        %mul3A_2625 = arith.mulf %mul3A_2619, %get3A_2624 : vector<16xf32>
        %add3A_2626 = arith.addf %add3A_2608, %mul3A_2625 : vector<16xf32>
        %get3A_2627 = arith.constant 0 : i32
        %get3A_2628 = arith.index_cast %get3A_2627 : i32 to index
        %get3A_2629 = arith.index_cast %add3A_2501 : i32 to index
        %get3A_2630 = arith.constant 112 : index
        %get3A_2631 = tpu.vector_load %arg11[%get3A_2628, %get3A_2629, %get3A_2630] {strides = array<i32>} : memref<2x64x128xf32, #tpu.memory_space<vmem>>, vector<16xf32>,
        %get3A_2632 = arith.constant 0 : i32
        %get3A_2633 = arith.index_cast %get3A_2632 : i32 to index
        %get3A_2634 = arith.index_cast %add3A_2501 : i32 to index
        %get3A_2635 = arith.constant 112 : index
        %get3A_2636 = tpu.vector_load %arg12[%get3A_2633, %get3A_2634, %get3A_2635] {strides = array<i32>} : memref<2x64x128xf32, #tpu.memory_space<vmem>>, vector<16xf32>,
        %mul3A_2637 = arith.mulf %get3A_2631, %get3A_2636 : vector<16xf32>
        %get3A_2638 = arith.constant 0 : i32
        %get3A_2639 = arith.index_cast %get3A_2638 : i32 to index
        %get3A_2640 = arith.index_cast %add3A_2501 : i32 to index
        %get3A_2641 = arith.constant 112 : index
        %get3A_2642 = tpu.vector_load %arg13[%get3A_2639, %get3A_2640, %get3A_2641] {strides = array<i32>} : memref<2x64x128xf32, #tpu.memory_space<vmem>>, vector<16xf32>,
        %mul3A_2643 = arith.mulf %mul3A_2637, %get3A_2642 : vector<16xf32>
        %add3A_2644 = arith.addf %add3A_2626, %mul3A_2643 : vector<16xf32>
        %swap3A_2645 = arith.constant 240 : index
        %swap3A_2646 = tpu.vector_load %arg15[%swap3A_2645] {strides = array<i32>} : memref<256xf32, #tpu.memory_space<vmem>>, vector<16xf32>,
        tpu.vector_store %arg15[%swap3A_2645], %add3A_2644 {strides = array<i32>} : memref<256xf32, #tpu.memory_space<vmem>>, vector<16xf32>,
        %mul3A_2647 = arith.constant 16 : i32
        %mul3A_2648 = vector.broadcast %mul3A_2647 : i32 to vector<16xi32>
        %mul3A_2649 = arith.muli %iota3A, %mul3A_2648 : vector<16xi32>
        %add3A_2650 = arith.constant 0 : i32
        %add3A_2651 = vector.broadcast %add3A_2650 : i32 to vector<16xi32>
        %add3A_2652 = arith.addi %mul3A_2649, %add3A_2651 : vector<16xi32>
        %gather3A = tpu.vector_load_idx %arg15[%add3A_2652] : memref<256xf32, #tpu.memory_space<vmem>>[vector<16xi32>], vector<16xf32>,
        %mul3A_2653 = arith.constant 16 : i32
        %mul3A_2654 = vector.broadcast %mul3A_2653 : i32 to vector<16xi32>
        %mul3A_2655 = arith.muli %iota3A, %mul3A_2654 : vector<16xi32>
        %add3A_2656 = arith.constant 1 : i32
        %add3A_2657 = vector.broadcast %add3A_2656 : i32 to vector<16xi32>
        %add3A_2658 = arith.addi %mul3A_2655, %add3A_2657 : vector<16xi32>
        %gather3A_2659 = tpu.vector_load_idx %arg15[%add3A_2658] : memref<256xf32, #tpu.memory_space<vmem>>[vector<16xi32>], vector<16xf32>,
        %add3A_2660 = arith.addf %gather3A, %gather3A_2659 : vector<16xf32>
        %mul3A_2661 = arith.constant 16 : i32
        %mul3A_2662 = vector.broadcast %mul3A_2661 : i32 to vector<16xi32>
        %mul3A_2663 = arith.muli %iota3A, %mul3A_2662 : vector<16xi32>
        %add3A_2664 = arith.constant 2 : i32
        %add3A_2665 = vector.broadcast %add3A_2664 : i32 to vector<16xi32>
        %add3A_2666 = arith.addi %mul3A_2663, %add3A_2665 : vector<16xi32>
        %gather3A_2667 = tpu.vector_load_idx %arg15[%add3A_2666] : memref<256xf32, #tpu.memory_space<vmem>>[vector<16xi32>], vector<16xf32>,
        %add3A_2668 = arith.addf %add3A_2660, %gather3A_2667 : vector<16xf32>
        %mul3A_2669 = arith.constant 16 : i32
        %mul3A_2670 = vector.broadcast %mul3A_2669 : i32 to vector<16xi32>
        %mul3A_2671 = arith.muli %iota3A, %mul3A_2670 : vector<16xi32>
        %add3A_2672 = arith.constant 3 : i32
        %add3A_2673 = vector.broadcast %add3A_2672 : i32 to vector<16xi32>
        %add3A_2674 = arith.addi %mul3A_2671, %add3A_2673 : vector<16xi32>
        %gather3A_2675 = tpu.vector_load_idx %arg15[%add3A_2674] : memref<256xf32, #tpu.memory_space<vmem>>[vector<16xi32>], vector<16xf32>,
        %add3A_2676 = arith.addf %add3A_2668, %gather3A_2675 : vector<16xf32>
        %mul3A_2677 = arith.constant 16 : i32
        %mul3A_2678 = vector.broadcast %mul3A_2677 : i32 to vector<16xi32>
        %mul3A_2679 = arith.muli %iota3A, %mul3A_2678 : vector<16xi32>
        %add3A_2680 = arith.constant 4 : i32
        %add3A_2681 = vector.broadcast %add3A_2680 : i32 to vector<16xi32>
        %add3A_2682 = arith.addi %mul3A_2679, %add3A_2681 : vector<16xi32>
        %gather3A_2683 = tpu.vector_load_idx %arg15[%add3A_2682] : memref<256xf32, #tpu.memory_space<vmem>>[vector<16xi32>], vector<16xf32>,
        %add3A_2684 = arith.addf %add3A_2676, %gather3A_2683 : vector<16xf32>
        %mul3A_2685 = arith.constant 16 : i32
        %mul3A_2686 = vector.broadcast %mul3A_2685 : i32 to vector<16xi32>
        %mul3A_2687 = arith.muli %iota3A, %mul3A_2686 : vector<16xi32>
        %add3A_2688 = arith.constant 5 : i32
        %add3A_2689 = vector.broadcast %add3A_2688 : i32 to vector<16xi32>
        %add3A_2690 = arith.addi %mul3A_2687, %add3A_2689 : vector<16xi32>
        %gather3A_2691 = tpu.vector_load_idx %arg15[%add3A_2690] : memref<256xf32, #tpu.memory_space<vmem>>[vector<16xi32>], vector<16xf32>,
        %add3A_2692 = arith.addf %add3A_2684, %gather3A_2691 : vector<16xf32>
        %mul3A_2693 = arith.constant 16 : i32
        %mul3A_2694 = vector.broadcast %mul3A_2693 : i32 to vector<16xi32>
        %mul3A_2695 = arith.muli %iota3A, %mul3A_2694 : vector<16xi32>
        %add3A_2696 = arith.constant 6 : i32
        %add3A_2697 = vector.broadcast %add3A_2696 : i32 to vector<16xi32>
        %add3A_2698 = arith.addi %mul3A_2695, %add3A_2697 : vector<16xi32>
        %gather3A_2699 = tpu.vector_load_idx %arg15[%add3A_2698] : memref<256xf32, #tpu.memory_space<vmem>>[vector<16xi32>], vector<16xf32>,
        %add3A_2700 = arith.addf %add3A_2692, %gather3A_2699 : vector<16xf32>
        %mul3A_2701 = arith.constant 16 : i32
        %mul3A_2702 = vector.broadcast %mul3A_2701 : i32 to vector<16xi32>
        %mul3A_2703 = arith.muli %iota3A, %mul3A_2702 : vector<16xi32>
        %add3A_2704 = arith.constant 7 : i32
        %add3A_2705 = vector.broadcast %add3A_2704 : i32 to vector<16xi32>
        %add3A_2706 = arith.addi %mul3A_2703, %add3A_2705 : vector<16xi32>
        %gather3A_2707 = tpu.vector_load_idx %arg15[%add3A_2706] : memref<256xf32, #tpu.memory_space<vmem>>[vector<16xi32>], vector<16xf32>,
        %add3A_2708 = arith.addf %add3A_2700, %gather3A_2707 : vector<16xf32>
        %mul3A_2709 = arith.constant 16 : i32
        %mul3A_2710 = vector.broadcast %mul3A_2709 : i32 to vector<16xi32>
        %mul3A_2711 = arith.muli %iota3A, %mul3A_2710 : vector<16xi32>
        %add3A_2712 = arith.constant 8 : i32
        %add3A_2713 = vector.broadcast %add3A_2712 : i32 to vector<16xi32>
        %add3A_2714 = arith.addi %mul3A_2711, %add3A_2713 : vector<16xi32>
        %gather3A_2715 = tpu.vector_load_idx %arg15[%add3A_2714] : memref<256xf32, #tpu.memory_space<vmem>>[vector<16xi32>], vector<16xf32>,
        %add3A_2716 = arith.addf %add3A_2708, %gather3A_2715 : vector<16xf32>
        %mul3A_2717 = arith.constant 16 : i32
        %mul3A_2718 = vector.broadcast %mul3A_2717 : i32 to vector<16xi32>
        %mul3A_2719 = arith.muli %iota3A, %mul3A_2718 : vector<16xi32>
        %add3A_2720 = arith.constant 9 : i32
        %add3A_2721 = vector.broadcast %add3A_2720 : i32 to vector<16xi32>
        %add3A_2722 = arith.addi %mul3A_2719, %add3A_2721 : vector<16xi32>
        %gather3A_2723 = tpu.vector_load_idx %arg15[%add3A_2722] : memref<256xf32, #tpu.memory_space<vmem>>[vector<16xi32>], vector<16xf32>,
        %add3A_2724 = arith.addf %add3A_2716, %gather3A_2723 : vector<16xf32>
        %mul3A_2725 = arith.constant 16 : i32
        %mul3A_2726 = vector.broadcast %mul3A_2725 : i32 to vector<16xi32>
        %mul3A_2727 = arith.muli %iota3A, %mul3A_2726 : vector<16xi32>
        %add3A_2728 = arith.constant 10 : i32
        %add3A_2729 = vector.broadcast %add3A_2728 : i32 to vector<16xi32>
        %add3A_2730 = arith.addi %mul3A_2727, %add3A_2729 : vector<16xi32>
        %gather3A_2731 = tpu.vector_load_idx %arg15[%add3A_2730] : memref<256xf32, #tpu.memory_space<vmem>>[vector<16xi32>], vector<16xf32>,
        %add3A_2732 = arith.addf %add3A_2724, %gather3A_2731 : vector<16xf32>
        %mul3A_2733 = arith.constant 16 : i32
        %mul3A_2734 = vector.broadcast %mul3A_2733 : i32 to vector<16xi32>
        %mul3A_2735 = arith.muli %iota3A, %mul3A_2734 : vector<16xi32>
        %add3A_2736 = arith.constant 11 : i32
        %add3A_2737 = vector.broadcast %add3A_2736 : i32 to vector<16xi32>
        %add3A_2738 = arith.addi %mul3A_2735, %add3A_2737 : vector<16xi32>
        %gather3A_2739 = tpu.vector_load_idx %arg15[%add3A_2738] : memref<256xf32, #tpu.memory_space<vmem>>[vector<16xi32>], vector<16xf32>,
        %add3A_2740 = arith.addf %add3A_2732, %gather3A_2739 : vector<16xf32>
        %mul3A_2741 = arith.constant 16 : i32
        %mul3A_2742 = vector.broadcast %mul3A_2741 : i32 to vector<16xi32>
        %mul3A_2743 = arith.muli %iota3A, %mul3A_2742 : vector<16xi32>
        %add3A_2744 = arith.constant 12 : i32
        %add3A_2745 = vector.broadcast %add3A_2744 : i32 to vector<16xi32>
        %add3A_2746 = arith.addi %mul3A_2743, %add3A_2745 : vector<16xi32>
        %gather3A_2747 = tpu.vector_load_idx %arg15[%add3A_2746] : memref<256xf32, #tpu.memory_space<vmem>>[vector<16xi32>], vector<16xf32>,
        %add3A_2748 = arith.addf %add3A_2740, %gather3A_2747 : vector<16xf32>
        %mul3A_2749 = arith.constant 16 : i32
        %mul3A_2750 = vector.broadcast %mul3A_2749 : i32 to vector<16xi32>
        %mul3A_2751 = arith.muli %iota3A, %mul3A_2750 : vector<16xi32>
        %add3A_2752 = arith.constant 13 : i32
        %add3A_2753 = vector.broadcast %add3A_2752 : i32 to vector<16xi32>
        %add3A_2754 = arith.addi %mul3A_2751, %add3A_2753 : vector<16xi32>
        %gather3A_2755 = tpu.vector_load_idx %arg15[%add3A_2754] : memref<256xf32, #tpu.memory_space<vmem>>[vector<16xi32>], vector<16xf32>,
        %add3A_2756 = arith.addf %add3A_2748, %gather3A_2755 : vector<16xf32>
        %mul3A_2757 = arith.constant 16 : i32
        %mul3A_2758 = vector.broadcast %mul3A_2757 : i32 to vector<16xi32>
        %mul3A_2759 = arith.muli %iota3A, %mul3A_2758 : vector<16xi32>
        %add3A_2760 = arith.constant 14 : i32
        %add3A_2761 = vector.broadcast %add3A_2760 : i32 to vector<16xi32>
        %add3A_2762 = arith.addi %mul3A_2759, %add3A_2761 : vector<16xi32>
        %gather3A_2763 = tpu.vector_load_idx %arg15[%add3A_2762] : memref<256xf32, #tpu.memory_space<vmem>>[vector<16xi32>], vector<16xf32>,
        %add3A_2764 = arith.addf %add3A_2756, %gather3A_2763 : vector<16xf32>
        %mul3A_2765 = arith.constant 16 : i32
        %mul3A_2766 = vector.broadcast %mul3A_2765 : i32 to vector<16xi32>
        %mul3A_2767 = arith.muli %iota3A, %mul3A_2766 : vector<16xi32>
        %add3A_2768 = arith.constant 15 : i32
        %add3A_2769 = vector.broadcast %add3A_2768 : i32 to vector<16xi32>
        %add3A_2770 = arith.addi %mul3A_2767, %add3A_2769 : vector<16xi32>
        %gather3A_2771 = tpu.vector_load_idx %arg15[%add3A_2770] : memref<256xf32, #tpu.memory_space<vmem>>[vector<16xi32>], vector<16xf32>,
        %add3A_2772 = arith.addf %add3A_2764, %gather3A_2771 : vector<16xf32>
        %mul3A_2773 = arith.constant 64 : i32
        %mul3A_2774 = arith.muli %mul3A_160, %mul3A_2773 : i32
        %mul3A_2775 = arith.constant 16 : i32
        %mul3A_2776 = arith.muli %scan3A_264, %mul3A_2775 : i32
        %add3A_2777 = arith.addi %mul3A_2774, %mul3A_2776 : i32
        %swap3A_2778 = arith.index_cast %add3A_2777 : i32 to index
        %swap3A_2779 = tpu.vector_load %arg14[%swap3A_2778] {strides = array<i32>} : memref<512xf32, #tpu.memory_space<vmem>>, vector<16xf32>,
        tpu.vector_store %arg14[%swap3A_2778], %add3A_2772 {strides = array<i32>} : memref<512xf32, #tpu.memory_space<vmem>>, vector<16xf32>,
      }
      %scan3A_205 = arith.constant 4 : i32
      %add3A_206 = arith.constant 1 : i32
      %add3A_207 = arith.addi %scan3A_158, %add3A_206 : i32
      %lt3A = arith.constant 4 : i32
      %lt3A_208 = arith.cmpi slt, %add3A_207, %lt3A : i32
      %convert_element_type3A = arith.extui %lt3A_208 : i1 to i32
      %cond3A = arith.constant 0 : i32
      %cond3A_209 = arith.cmpi ne, %convert_element_type3A, %cond3A : i32
      scf.if %cond3A_209 {
        %add3A_264 = arith.constant 2 : i32
        %add3A_265 = arith.addi %mul3A_160, %add3A_264 : i32
        %mul3A_266 = arith.constant 64 : i32
        %mul3A_267 = arith.muli %add3A_265, %mul3A_266 : i32
        %add3A_268 = arith.constant 0 : i32
        %add3A_269 = arith.addi %mul3A_267, %add3A_268 : i32
        %dma_start3A_270 = arith.constant 0 : i32
        %dma_start3A_271 = arith.constant 0 : i32
        %dma_start3A_272 = arith.constant 0 : i32
        %dma_start3A_273 = tpu.memref_slice %arg11[%dma_start3A_270, %dma_start3A_271, %dma_start3A_272] : memref<2x64x128xf32, #tpu.memory_space<vmem>> -> memref<1x64x128xf32, #tpu.memory_space<vmem>>
        %dma_start3A_274 = tpu.memref_squeeze %dma_start3A_273 : memref<1x64x128xf32, #tpu.memory_space<vmem>> -> memref<64x128xf32, #tpu.memory_space<vmem>>
        %dma_start3A_275 = arith.constant 0 : i32
        %dma_start3A_276 = arith.constant 0 : i32
        %dma_start3A_277 = tpu.memref_slice %dma_start3A_274[%dma_start3A_275, %dma_start3A_276] : memref<64x128xf32, #tpu.memory_space<vmem>> -> memref<64x128xf32, #tpu.memory_space<vmem>>
        %dma_start3A_278 = tpu.memref_slice %arg8[%add3A_269] : memref<512xi32, #tpu.memory_space<vmem>> -> memref<64xi32, #tpu.memory_space<vmem>>
        %dma_start3A_279 = arith.constant 0 : i32
        %dma_start3A_280 = arith.constant 0 : i32
        %dma_start3A_281 = tpu.memref_slice %arg2[%dma_start3A_279, %dma_start3A_280] : memref<100000x128xf32, #tpu.memory_space<hbm>> -> memref<100000x128xf32, #tpu.memory_space<hbm>>
        tpu.enqueue_indirect_dma source(%dma_start3A_281 : memref<100000x128xf32, #tpu.memory_space<hbm>>) target(%dma_start3A_277 : memref<64x128xf32, #tpu.memory_space<vmem>>) offsets(%dma_start3A_278 : memref<64xi32, #tpu.memory_space<vmem>>) semaphore(%arg16 : memref<!tpu.dma_semaphore, #tpu.memory_space<semaphore_mem>>)
        %dma_start3A_282 = arith.constant 0 : i32
        %dma_start3A_283 = arith.constant 0 : i32
        %dma_start3A_284 = arith.constant 0 : i32
        %dma_start3A_285 = tpu.memref_slice %arg12[%dma_start3A_282, %dma_start3A_283, %dma_start3A_284] : memref<2x64x128xf32, #tpu.memory_space<vmem>> -> memref<1x64x128xf32, #tpu.memory_space<vmem>>
        %dma_start3A_286 = tpu.memref_squeeze %dma_start3A_285 : memref<1x64x128xf32, #tpu.memory_space<vmem>> -> memref<64x128xf32, #tpu.memory_space<vmem>>
        %dma_start3A_287 = arith.constant 0 : i32
        %dma_start3A_288 = arith.constant 0 : i32
        %dma_start3A_289 = tpu.memref_slice %dma_start3A_286[%dma_start3A_287, %dma_start3A_288] : memref<64x128xf32, #tpu.memory_space<vmem>> -> memref<64x128xf32, #tpu.memory_space<vmem>>
        %dma_start3A_290 = tpu.memref_slice %arg9[%add3A_269] : memref<512xi32, #tpu.memory_space<vmem>> -> memref<64xi32, #tpu.memory_space<vmem>>
        %dma_start3A_291 = arith.constant 0 : i32
        %dma_start3A_292 = arith.constant 0 : i32
        %dma_start3A_293 = tpu.memref_slice %arg3[%dma_start3A_291, %dma_start3A_292] : memref<1000x128xf32, #tpu.memory_space<hbm>> -> memref<1000x128xf32, #tpu.memory_space<hbm>>
        tpu.enqueue_indirect_dma source(%dma_start3A_293 : memref<1000x128xf32, #tpu.memory_space<hbm>>) target(%dma_start3A_289 : memref<64x128xf32, #tpu.memory_space<vmem>>) offsets(%dma_start3A_290 : memref<64xi32, #tpu.memory_space<vmem>>) semaphore(%arg16 : memref<!tpu.dma_semaphore, #tpu.memory_space<semaphore_mem>>)
        %dma_start3A_294 = arith.constant 0 : i32
        %dma_start3A_295 = arith.constant 0 : i32
        %dma_start3A_296 = arith.constant 0 : i32
        %dma_start3A_297 = tpu.memref_slice %arg13[%dma_start3A_294, %dma_start3A_295, %dma_start3A_296] : memref<2x64x128xf32, #tpu.memory_space<vmem>> -> memref<1x64x128xf32, #tpu.memory_space<vmem>>
        %dma_start3A_298 = tpu.memref_squeeze %dma_start3A_297 : memref<1x64x128xf32, #tpu.memory_space<vmem>> -> memref<64x128xf32, #tpu.memory_space<vmem>>
        %dma_start3A_299 = arith.constant 0 : i32
        %dma_start3A_300 = arith.constant 0 : i32
        %dma_start3A_301 = tpu.memref_slice %dma_start3A_298[%dma_start3A_299, %dma_start3A_300] : memref<64x128xf32, #tpu.memory_space<vmem>> -> memref<64x128xf32, #tpu.memory_space<vmem>>
        %dma_start3A_302 = tpu.memref_slice %arg10[%add3A_269] : memref<512xi32, #tpu.memory_space<vmem>> -> memref<64xi32, #tpu.memory_space<vmem>>
        %dma_start3A_303 = arith.constant 0 : i32
        %dma_start3A_304 = arith.constant 0 : i32
        %dma_start3A_305 = tpu.memref_slice %arg2[%dma_start3A_303, %dma_start3A_304] : memref<100000x128xf32, #tpu.memory_space<hbm>> -> memref<100000x128xf32, #tpu.memory_space<hbm>>
        tpu.enqueue_indirect_dma source(%dma_start3A_305 : memref<100000x128xf32, #tpu.memory_space<hbm>>) target(%dma_start3A_301 : memref<64x128xf32, #tpu.memory_space<vmem>>) offsets(%dma_start3A_302 : memref<64xi32, #tpu.memory_space<vmem>>) semaphore(%arg16 : memref<!tpu.dma_semaphore, #tpu.memory_space<semaphore_mem>>)
      } else {
      }
      %dma_wait3A_210 = arith.constant 1 : i32
      %dma_wait3A_211 = arith.constant 0 : i32
      %dma_wait3A_212 = arith.constant 0 : i32
      %dma_wait3A_213 = tpu.memref_slice %arg11[%dma_wait3A_210, %dma_wait3A_211, %dma_wait3A_212] : memref<2x64x128xf32, #tpu.memory_space<vmem>> -> memref<1x64x128xf32, #tpu.memory_space<vmem>>
      %dma_wait3A_214 = tpu.memref_squeeze %dma_wait3A_213 : memref<1x64x128xf32, #tpu.memory_space<vmem>> -> memref<64x128xf32, #tpu.memory_space<vmem>>
      %dma_wait3A_215 = arith.constant 0 : i32
      %dma_wait3A_216 = arith.constant 0 : i32
      %dma_wait3A_217 = tpu.memref_slice %dma_wait3A_214[%dma_wait3A_215, %dma_wait3A_216] : memref<64x128xf32, #tpu.memory_space<vmem>> -> memref<64x128xf32, #tpu.memory_space<vmem>>
      %dma_wait3A_218 = arith.constant 0 : i32
      %dma_wait3A_219 = tpu.memref_slice %arg8[%dma_wait3A_218] : memref<512xi32, #tpu.memory_space<vmem>> -> memref<64xi32, #tpu.memory_space<vmem>>
      %dma_wait3A_220 = arith.constant 0 : i32
      %dma_wait3A_221 = arith.constant 0 : i32
      %dma_wait3A_222 = tpu.memref_slice %arg2[%dma_wait3A_220, %dma_wait3A_221] : memref<100000x128xf32, #tpu.memory_space<hbm>> -> memref<100000x128xf32, #tpu.memory_space<hbm>>
      tpu.wait_indirect_dma semaphore(%arg17 : memref<!tpu.dma_semaphore, #tpu.memory_space<semaphore_mem>>) src(%dma_wait3A_222 : memref<100000x128xf32, #tpu.memory_space<hbm>>) dst(%dma_wait3A_217 : memref<64x128xf32, #tpu.memory_space<vmem>>)
      %dma_wait3A_223 = arith.constant 1 : i32
      %dma_wait3A_224 = arith.constant 0 : i32
      %dma_wait3A_225 = arith.constant 0 : i32
      %dma_wait3A_226 = tpu.memref_slice %arg12[%dma_wait3A_223, %dma_wait3A_224, %dma_wait3A_225] : memref<2x64x128xf32, #tpu.memory_space<vmem>> -> memref<1x64x128xf32, #tpu.memory_space<vmem>>
      %dma_wait3A_227 = tpu.memref_squeeze %dma_wait3A_226 : memref<1x64x128xf32, #tpu.memory_space<vmem>> -> memref<64x128xf32, #tpu.memory_space<vmem>>
      %dma_wait3A_228 = arith.constant 0 : i32
      %dma_wait3A_229 = arith.constant 0 : i32
      %dma_wait3A_230 = tpu.memref_slice %dma_wait3A_227[%dma_wait3A_228, %dma_wait3A_229] : memref<64x128xf32, #tpu.memory_space<vmem>> -> memref<64x128xf32, #tpu.memory_space<vmem>>
      %dma_wait3A_231 = arith.constant 0 : i32
      %dma_wait3A_232 = tpu.memref_slice %arg9[%dma_wait3A_231] : memref<512xi32, #tpu.memory_space<vmem>> -> memref<64xi32, #tpu.memory_space<vmem>>
      %dma_wait3A_233 = arith.constant 0 : i32
      %dma_wait3A_234 = arith.constant 0 : i32
      %dma_wait3A_235 = tpu.memref_slice %arg3[%dma_wait3A_233, %dma_wait3A_234] : memref<1000x128xf32, #tpu.memory_space<hbm>> -> memref<1000x128xf32, #tpu.memory_space<hbm>>
      tpu.wait_indirect_dma semaphore(%arg17 : memref<!tpu.dma_semaphore, #tpu.memory_space<semaphore_mem>>) src(%dma_wait3A_235 : memref<1000x128xf32, #tpu.memory_space<hbm>>) dst(%dma_wait3A_230 : memref<64x128xf32, #tpu.memory_space<vmem>>)
      %dma_wait3A_236 = arith.constant 1 : i32
      %dma_wait3A_237 = arith.constant 0 : i32
      %dma_wait3A_238 = arith.constant 0 : i32
      %dma_wait3A_239 = tpu.memref_slice %arg13[%dma_wait3A_236, %dma_wait3A_237, %dma_wait3A_238] : memref<2x64x128xf32, #tpu.memory_space<vmem>> -> memref<1x64x128xf32, #tpu.memory_space<vmem>>
      %dma_wait3A_240 = tpu.memref_squeeze %dma_wait3A_239 : memref<1x64x128xf32, #tpu.memory_space<vmem>> -> memref<64x128xf32, #tpu.memory_space<vmem>>
      %dma_wait3A_241 = arith.constant 0 : i32
      %dma_wait3A_242 = arith.constant 0 : i32
      %dma_wait3A_243 = tpu.memref_slice %dma_wait3A_240[%dma_wait3A_241, %dma_wait3A_242] : memref<64x128xf32, #tpu.memory_space<vmem>> -> memref<64x128xf32, #tpu.memory_space<vmem>>
      %dma_wait3A_244 = arith.constant 0 : i32
      %dma_wait3A_245 = tpu.memref_slice %arg10[%dma_wait3A_244] : memref<512xi32, #tpu.memory_space<vmem>> -> memref<64xi32, #tpu.memory_space<vmem>>
      %dma_wait3A_246 = arith.constant 0 : i32
      %dma_wait3A_247 = arith.constant 0 : i32
      %dma_wait3A_248 = tpu.memref_slice %arg2[%dma_wait3A_246, %dma_wait3A_247] : memref<100000x128xf32, #tpu.memory_space<hbm>> -> memref<100000x128xf32, #tpu.memory_space<hbm>>
      tpu.wait_indirect_dma semaphore(%arg17 : memref<!tpu.dma_semaphore, #tpu.memory_space<semaphore_mem>>) src(%dma_wait3A_248 : memref<100000x128xf32, #tpu.memory_space<hbm>>) dst(%dma_wait3A_243 : memref<64x128xf32, #tpu.memory_space<vmem>>)
      %add3A_249 = arith.constant 1 : i32
      %add3A_250 = arith.addi %mul3A_160, %add3A_249 : i32
      %scan3A_251 = arith.constant 0 : i32
      %scan3A_252 = arith.constant 0 : i32
      %scan3A_253 = arith.constant 4 : i32
      %scan3A_254 = arith.addi %scan3A_252, %scan3A_253 : i32
      %scan3A_255 = arith.constant 1 : i32
      scf.for %scan3A_264 = %scan3A_252 to %scan3A_254 step %scan3A_255  : i32 {
        %mul3A_265 = arith.constant 16 : i32
        %mul3A_266 = arith.muli %scan3A_264, %mul3A_265 : i32
        %add3A_267 = arith.constant 0 : i32
        %add3A_268 = arith.addi %mul3A_266, %add3A_267 : i32
        %get3A = arith.constant 1 : i32
        %get3A_269 = arith.index_cast %get3A : i32 to index
        %get3A_270 = arith.index_cast %add3A_268 : i32 to index
        %get3A_271 = arith.constant 0 : index
        %get3A_272 = tpu.vector_load %arg11[%get3A_269, %get3A_270, %get3A_271] {strides = array<i32>} : memref<2x64x128xf32, #tpu.memory_space<vmem>>, vector<16xf32>,
        %get3A_273 = arith.constant 1 : i32
        %get3A_274 = arith.index_cast %get3A_273 : i32 to index
        %get3A_275 = arith.index_cast %add3A_268 : i32 to index
        %get3A_276 = arith.constant 0 : index
        %get3A_277 = tpu.vector_load %arg12[%get3A_274, %get3A_275, %get3A_276] {strides = array<i32>} : memref<2x64x128xf32, #tpu.memory_space<vmem>>, vector<16xf32>,
        %mul3A_278 = arith.mulf %get3A_272, %get3A_277 : vector<16xf32>
        %get3A_279 = arith.constant 1 : i32
        %get3A_280 = arith.index_cast %get3A_279 : i32 to index
        %get3A_281 = arith.index_cast %add3A_268 : i32 to index
        %get3A_282 = arith.constant 0 : index
        %get3A_283 = tpu.vector_load %arg13[%get3A_280, %get3A_281, %get3A_282] {strides = array<i32>} : memref<2x64x128xf32, #tpu.memory_space<vmem>>, vector<16xf32>,
        %mul3A_284 = arith.mulf %mul3A_278, %get3A_283 : vector<16xf32>
        %get3A_285 = arith.constant 1 : i32
        %get3A_286 = arith.index_cast %get3A_285 : i32 to index
        %get3A_287 = arith.index_cast %add3A_268 : i32 to index
        %get3A_288 = arith.constant 16 : index
        %get3A_289 = tpu.vector_load %arg11[%get3A_286, %get3A_287, %get3A_288] {strides = array<i32>} : memref<2x64x128xf32, #tpu.memory_space<vmem>>, vector<16xf32>,
        %get3A_290 = arith.constant 1 : i32
        %get3A_291 = arith.index_cast %get3A_290 : i32 to index
        %get3A_292 = arith.index_cast %add3A_268 : i32 to index
        %get3A_293 = arith.constant 16 : index
        %get3A_294 = tpu.vector_load %arg12[%get3A_291, %get3A_292, %get3A_293] {strides = array<i32>} : memref<2x64x128xf32, #tpu.memory_space<vmem>>, vector<16xf32>,
        %mul3A_295 = arith.mulf %get3A_289, %get3A_294 : vector<16xf32>
        %get3A_296 = arith.constant 1 : i32
        %get3A_297 = arith.index_cast %get3A_296 : i32 to index
        %get3A_298 = arith.index_cast %add3A_268 : i32 to index
        %get3A_299 = arith.constant 16 : index
        %get3A_300 = tpu.vector_load %arg13[%get3A_297, %get3A_298, %get3A_299] {strides = array<i32>} : memref<2x64x128xf32, #tpu.memory_space<vmem>>, vector<16xf32>,
        %mul3A_301 = arith.mulf %mul3A_295, %get3A_300 : vector<16xf32>
        %add3A_302 = arith.addf %mul3A_284, %mul3A_301 : vector<16xf32>
        %get3A_303 = arith.constant 1 : i32
        %get3A_304 = arith.index_cast %get3A_303 : i32 to index
        %get3A_305 = arith.index_cast %add3A_268 : i32 to index
        %get3A_306 = arith.constant 32 : index
        %get3A_307 = tpu.vector_load %arg11[%get3A_304, %get3A_305, %get3A_306] {strides = array<i32>} : memref<2x64x128xf32, #tpu.memory_space<vmem>>, vector<16xf32>,
        %get3A_308 = arith.constant 1 : i32
        %get3A_309 = arith.index_cast %get3A_308 : i32 to index
        %get3A_310 = arith.index_cast %add3A_268 : i32 to index
        %get3A_311 = arith.constant 32 : index
        %get3A_312 = tpu.vector_load %arg12[%get3A_309, %get3A_310, %get3A_311] {strides = array<i32>} : memref<2x64x128xf32, #tpu.memory_space<vmem>>, vector<16xf32>,
        %mul3A_313 = arith.mulf %get3A_307, %get3A_312 : vector<16xf32>
        %get3A_314 = arith.constant 1 : i32
        %get3A_315 = arith.index_cast %get3A_314 : i32 to index
        %get3A_316 = arith.index_cast %add3A_268 : i32 to index
        %get3A_317 = arith.constant 32 : index
        %get3A_318 = tpu.vector_load %arg13[%get3A_315, %get3A_316, %get3A_317] {strides = array<i32>} : memref<2x64x128xf32, #tpu.memory_space<vmem>>, vector<16xf32>,
        %mul3A_319 = arith.mulf %mul3A_313, %get3A_318 : vector<16xf32>
        %add3A_320 = arith.addf %add3A_302, %mul3A_319 : vector<16xf32>
        %get3A_321 = arith.constant 1 : i32
        %get3A_322 = arith.index_cast %get3A_321 : i32 to index
        %get3A_323 = arith.index_cast %add3A_268 : i32 to index
        %get3A_324 = arith.constant 48 : index
        %get3A_325 = tpu.vector_load %arg11[%get3A_322, %get3A_323, %get3A_324] {strides = array<i32>} : memref<2x64x128xf32, #tpu.memory_space<vmem>>, vector<16xf32>,
        %get3A_326 = arith.constant 1 : i32
        %get3A_327 = arith.index_cast %get3A_326 : i32 to index
        %get3A_328 = arith.index_cast %add3A_268 : i32 to index
        %get3A_329 = arith.constant 48 : index
        %get3A_330 = tpu.vector_load %arg12[%get3A_327, %get3A_328, %get3A_329] {strides = array<i32>} : memref<2x64x128xf32, #tpu.memory_space<vmem>>, vector<16xf32>,
        %mul3A_331 = arith.mulf %get3A_325, %get3A_330 : vector<16xf32>
        %get3A_332 = arith.constant 1 : i32
        %get3A_333 = arith.index_cast %get3A_332 : i32 to index
        %get3A_334 = arith.index_cast %add3A_268 : i32 to index
        %get3A_335 = arith.constant 48 : index
        %get3A_336 = tpu.vector_load %arg13[%get3A_333, %get3A_334, %get3A_335] {strides = array<i32>} : memref<2x64x128xf32, #tpu.memory_space<vmem>>, vector<16xf32>,
        %mul3A_337 = arith.mulf %mul3A_331, %get3A_336 : vector<16xf32>
        %add3A_338 = arith.addf %add3A_320, %mul3A_337 : vector<16xf32>
        %get3A_339 = arith.constant 1 : i32
        %get3A_340 = arith.index_cast %get3A_339 : i32 to index
        %get3A_341 = arith.index_cast %add3A_268 : i32 to index
        %get3A_342 = arith.constant 64 : index
        %get3A_343 = tpu.vector_load %arg11[%get3A_340, %get3A_341, %get3A_342] {strides = array<i32>} : memref<2x64x128xf32, #tpu.memory_space<vmem>>, vector<16xf32>,
        %get3A_344 = arith.constant 1 : i32
        %get3A_345 = arith.index_cast %get3A_344 : i32 to index
        %get3A_346 = arith.index_cast %add3A_268 : i32 to index
        %get3A_347 = arith.constant 64 : index
        %get3A_348 = tpu.vector_load %arg12[%get3A_345, %get3A_346, %get3A_347] {strides = array<i32>} : memref<2x64x128xf32, #tpu.memory_space<vmem>>, vector<16xf32>,
        %mul3A_349 = arith.mulf %get3A_343, %get3A_348 : vector<16xf32>
        %get3A_350 = arith.constant 1 : i32
        %get3A_351 = arith.index_cast %get3A_350 : i32 to index
        %get3A_352 = arith.index_cast %add3A_268 : i32 to index
        %get3A_353 = arith.constant 64 : index
        %get3A_354 = tpu.vector_load %arg13[%get3A_351, %get3A_352, %get3A_353] {strides = array<i32>} : memref<2x64x128xf32, #tpu.memory_space<vmem>>, vector<16xf32>,
        %mul3A_355 = arith.mulf %mul3A_349, %get3A_354 : vector<16xf32>
        %add3A_356 = arith.addf %add3A_338, %mul3A_355 : vector<16xf32>
        %get3A_357 = arith.constant 1 : i32
        %get3A_358 = arith.index_cast %get3A_357 : i32 to index
        %get3A_359 = arith.index_cast %add3A_268 : i32 to index
        %get3A_360 = arith.constant 80 : index
        %get3A_361 = tpu.vector_load %arg11[%get3A_358, %get3A_359, %get3A_360] {strides = array<i32>} : memref<2x64x128xf32, #tpu.memory_space<vmem>>, vector<16xf32>,
        %get3A_362 = arith.constant 1 : i32
        %get3A_363 = arith.index_cast %get3A_362 : i32 to index
        %get3A_364 = arith.index_cast %add3A_268 : i32 to index
        %get3A_365 = arith.constant 80 : index
        %get3A_366 = tpu.vector_load %arg12[%get3A_363, %get3A_364, %get3A_365] {strides = array<i32>} : memref<2x64x128xf32, #tpu.memory_space<vmem>>, vector<16xf32>,
        %mul3A_367 = arith.mulf %get3A_361, %get3A_366 : vector<16xf32>
        %get3A_368 = arith.constant 1 : i32
        %get3A_369 = arith.index_cast %get3A_368 : i32 to index
        %get3A_370 = arith.index_cast %add3A_268 : i32 to index
        %get3A_371 = arith.constant 80 : index
        %get3A_372 = tpu.vector_load %arg13[%get3A_369, %get3A_370, %get3A_371] {strides = array<i32>} : memref<2x64x128xf32, #tpu.memory_space<vmem>>, vector<16xf32>,
        %mul3A_373 = arith.mulf %mul3A_367, %get3A_372 : vector<16xf32>
        %add3A_374 = arith.addf %add3A_356, %mul3A_373 : vector<16xf32>
        %get3A_375 = arith.constant 1 : i32
        %get3A_376 = arith.index_cast %get3A_375 : i32 to index
        %get3A_377 = arith.index_cast %add3A_268 : i32 to index
        %get3A_378 = arith.constant 96 : index
        %get3A_379 = tpu.vector_load %arg11[%get3A_376, %get3A_377, %get3A_378] {strides = array<i32>} : memref<2x64x128xf32, #tpu.memory_space<vmem>>, vector<16xf32>,
        %get3A_380 = arith.constant 1 : i32
        %get3A_381 = arith.index_cast %get3A_380 : i32 to index
        %get3A_382 = arith.index_cast %add3A_268 : i32 to index
        %get3A_383 = arith.constant 96 : index
        %get3A_384 = tpu.vector_load %arg12[%get3A_381, %get3A_382, %get3A_383] {strides = array<i32>} : memref<2x64x128xf32, #tpu.memory_space<vmem>>, vector<16xf32>,
        %mul3A_385 = arith.mulf %get3A_379, %get3A_384 : vector<16xf32>
        %get3A_386 = arith.constant 1 : i32
        %get3A_387 = arith.index_cast %get3A_386 : i32 to index
        %get3A_388 = arith.index_cast %add3A_268 : i32 to index
        %get3A_389 = arith.constant 96 : index
        %get3A_390 = tpu.vector_load %arg13[%get3A_387, %get3A_388, %get3A_389] {strides = array<i32>} : memref<2x64x128xf32, #tpu.memory_space<vmem>>, vector<16xf32>,
        %mul3A_391 = arith.mulf %mul3A_385, %get3A_390 : vector<16xf32>
        %add3A_392 = arith.addf %add3A_374, %mul3A_391 : vector<16xf32>
        %get3A_393 = arith.constant 1 : i32
        %get3A_394 = arith.index_cast %get3A_393 : i32 to index
        %get3A_395 = arith.index_cast %add3A_268 : i32 to index
        %get3A_396 = arith.constant 112 : index
        %get3A_397 = tpu.vector_load %arg11[%get3A_394, %get3A_395, %get3A_396] {strides = array<i32>} : memref<2x64x128xf32, #tpu.memory_space<vmem>>, vector<16xf32>,
        %get3A_398 = arith.constant 1 : i32
        %get3A_399 = arith.index_cast %get3A_398 : i32 to index
        %get3A_400 = arith.index_cast %add3A_268 : i32 to index
        %get3A_401 = arith.constant 112 : index
        %get3A_402 = tpu.vector_load %arg12[%get3A_399, %get3A_400, %get3A_401] {strides = array<i32>} : memref<2x64x128xf32, #tpu.memory_space<vmem>>, vector<16xf32>,
        %mul3A_403 = arith.mulf %get3A_397, %get3A_402 : vector<16xf32>
        %get3A_404 = arith.constant 1 : i32
        %get3A_405 = arith.index_cast %get3A_404 : i32 to index
        %get3A_406 = arith.index_cast %add3A_268 : i32 to index
        %get3A_407 = arith.constant 112 : index
        %get3A_408 = tpu.vector_load %arg13[%get3A_405, %get3A_406, %get3A_407] {strides = array<i32>} : memref<2x64x128xf32, #tpu.memory_space<vmem>>, vector<16xf32>,
        %mul3A_409 = arith.mulf %mul3A_403, %get3A_408 : vector<16xf32>
        %add3A_410 = arith.addf %add3A_392, %mul3A_409 : vector<16xf32>
        %swap3A = arith.constant 0 : index
        %swap3A_411 = tpu.vector_load %arg15[%swap3A] {strides = array<i32>} : memref<256xf32, #tpu.memory_space<vmem>>, vector<16xf32>,
        tpu.vector_store %arg15[%swap3A], %add3A_410 {strides = array<i32>} : memref<256xf32, #tpu.memory_space<vmem>>, vector<16xf32>,
        %mul3A_412 = arith.constant 16 : i32
        %mul3A_413 = arith.muli %scan3A_264, %mul3A_412 : i32
        %add3A_414 = arith.constant 1 : i32
        %add3A_415 = arith.addi %mul3A_413, %add3A_414 : i32
        %get3A_416 = arith.constant 1 : i32
        %get3A_417 = arith.index_cast %get3A_416 : i32 to index
        %get3A_418 = arith.index_cast %add3A_415 : i32 to index
        %get3A_419 = arith.constant 0 : index
        %get3A_420 = tpu.vector_load %arg11[%get3A_417, %get3A_418, %get3A_419] {strides = array<i32>} : memref<2x64x128xf32, #tpu.memory_space<vmem>>, vector<16xf32>,
        %get3A_421 = arith.constant 1 : i32
        %get3A_422 = arith.index_cast %get3A_421 : i32 to index
        %get3A_423 = arith.index_cast %add3A_415 : i32 to index
        %get3A_424 = arith.constant 0 : index
        %get3A_425 = tpu.vector_load %arg12[%get3A_422, %get3A_423, %get3A_424] {strides = array<i32>} : memref<2x64x128xf32, #tpu.memory_space<vmem>>, vector<16xf32>,
        %mul3A_426 = arith.mulf %get3A_420, %get3A_425 : vector<16xf32>
        %get3A_427 = arith.constant 1 : i32
        %get3A_428 = arith.index_cast %get3A_427 : i32 to index
        %get3A_429 = arith.index_cast %add3A_415 : i32 to index
        %get3A_430 = arith.constant 0 : index
        %get3A_431 = tpu.vector_load %arg13[%get3A_428, %get3A_429, %get3A_430] {strides = array<i32>} : memref<2x64x128xf32, #tpu.memory_space<vmem>>, vector<16xf32>,
        %mul3A_432 = arith.mulf %mul3A_426, %get3A_431 : vector<16xf32>
        %get3A_433 = arith.constant 1 : i32
        %get3A_434 = arith.index_cast %get3A_433 : i32 to index
        %get3A_435 = arith.index_cast %add3A_415 : i32 to index
        %get3A_436 = arith.constant 16 : index
        %get3A_437 = tpu.vector_load %arg11[%get3A_434, %get3A_435, %get3A_436] {strides = array<i32>} : memref<2x64x128xf32, #tpu.memory_space<vmem>>, vector<16xf32>,
        %get3A_438 = arith.constant 1 : i32
        %get3A_439 = arith.index_cast %get3A_438 : i32 to index
        %get3A_440 = arith.index_cast %add3A_415 : i32 to index
        %get3A_441 = arith.constant 16 : index
        %get3A_442 = tpu.vector_load %arg12[%get3A_439, %get3A_440, %get3A_441] {strides = array<i32>} : memref<2x64x128xf32, #tpu.memory_space<vmem>>, vector<16xf32>,
        %mul3A_443 = arith.mulf %get3A_437, %get3A_442 : vector<16xf32>
        %get3A_444 = arith.constant 1 : i32
        %get3A_445 = arith.index_cast %get3A_444 : i32 to index
        %get3A_446 = arith.index_cast %add3A_415 : i32 to index
        %get3A_447 = arith.constant 16 : index
        %get3A_448 = tpu.vector_load %arg13[%get3A_445, %get3A_446, %get3A_447] {strides = array<i32>} : memref<2x64x128xf32, #tpu.memory_space<vmem>>, vector<16xf32>,
        %mul3A_449 = arith.mulf %mul3A_443, %get3A_448 : vector<16xf32>
        %add3A_450 = arith.addf %mul3A_432, %mul3A_449 : vector<16xf32>
        %get3A_451 = arith.constant 1 : i32
        %get3A_452 = arith.index_cast %get3A_451 : i32 to index
        %get3A_453 = arith.index_cast %add3A_415 : i32 to index
        %get3A_454 = arith.constant 32 : index
        %get3A_455 = tpu.vector_load %arg11[%get3A_452, %get3A_453, %get3A_454] {strides = array<i32>} : memref<2x64x128xf32, #tpu.memory_space<vmem>>, vector<16xf32>,
        %get3A_456 = arith.constant 1 : i32
        %get3A_457 = arith.index_cast %get3A_456 : i32 to index
        %get3A_458 = arith.index_cast %add3A_415 : i32 to index
        %get3A_459 = arith.constant 32 : index
        %get3A_460 = tpu.vector_load %arg12[%get3A_457, %get3A_458, %get3A_459] {strides = array<i32>} : memref<2x64x128xf32, #tpu.memory_space<vmem>>, vector<16xf32>,
        %mul3A_461 = arith.mulf %get3A_455, %get3A_460 : vector<16xf32>
        %get3A_462 = arith.constant 1 : i32
        %get3A_463 = arith.index_cast %get3A_462 : i32 to index
        %get3A_464 = arith.index_cast %add3A_415 : i32 to index
        %get3A_465 = arith.constant 32 : index
        %get3A_466 = tpu.vector_load %arg13[%get3A_463, %get3A_464, %get3A_465] {strides = array<i32>} : memref<2x64x128xf32, #tpu.memory_space<vmem>>, vector<16xf32>,
        %mul3A_467 = arith.mulf %mul3A_461, %get3A_466 : vector<16xf32>
        %add3A_468 = arith.addf %add3A_450, %mul3A_467 : vector<16xf32>
        %get3A_469 = arith.constant 1 : i32
        %get3A_470 = arith.index_cast %get3A_469 : i32 to index
        %get3A_471 = arith.index_cast %add3A_415 : i32 to index
        %get3A_472 = arith.constant 48 : index
        %get3A_473 = tpu.vector_load %arg11[%get3A_470, %get3A_471, %get3A_472] {strides = array<i32>} : memref<2x64x128xf32, #tpu.memory_space<vmem>>, vector<16xf32>,
        %get3A_474 = arith.constant 1 : i32
        %get3A_475 = arith.index_cast %get3A_474 : i32 to index
        %get3A_476 = arith.index_cast %add3A_415 : i32 to index
        %get3A_477 = arith.constant 48 : index
        %get3A_478 = tpu.vector_load %arg12[%get3A_475, %get3A_476, %get3A_477] {strides = array<i32>} : memref<2x64x128xf32, #tpu.memory_space<vmem>>, vector<16xf32>,
        %mul3A_479 = arith.mulf %get3A_473, %get3A_478 : vector<16xf32>
        %get3A_480 = arith.constant 1 : i32
        %get3A_481 = arith.index_cast %get3A_480 : i32 to index
        %get3A_482 = arith.index_cast %add3A_415 : i32 to index
        %get3A_483 = arith.constant 48 : index
        %get3A_484 = tpu.vector_load %arg13[%get3A_481, %get3A_482, %get3A_483] {strides = array<i32>} : memref<2x64x128xf32, #tpu.memory_space<vmem>>, vector<16xf32>,
        %mul3A_485 = arith.mulf %mul3A_479, %get3A_484 : vector<16xf32>
        %add3A_486 = arith.addf %add3A_468, %mul3A_485 : vector<16xf32>
        %get3A_487 = arith.constant 1 : i32
        %get3A_488 = arith.index_cast %get3A_487 : i32 to index
        %get3A_489 = arith.index_cast %add3A_415 : i32 to index
        %get3A_490 = arith.constant 64 : index
        %get3A_491 = tpu.vector_load %arg11[%get3A_488, %get3A_489, %get3A_490] {strides = array<i32>} : memref<2x64x128xf32, #tpu.memory_space<vmem>>, vector<16xf32>,
        %get3A_492 = arith.constant 1 : i32
        %get3A_493 = arith.index_cast %get3A_492 : i32 to index
        %get3A_494 = arith.index_cast %add3A_415 : i32 to index
        %get3A_495 = arith.constant 64 : index
        %get3A_496 = tpu.vector_load %arg12[%get3A_493, %get3A_494, %get3A_495] {strides = array<i32>} : memref<2x64x128xf32, #tpu.memory_space<vmem>>, vector<16xf32>,
        %mul3A_497 = arith.mulf %get3A_491, %get3A_496 : vector<16xf32>
        %get3A_498 = arith.constant 1 : i32
        %get3A_499 = arith.index_cast %get3A_498 : i32 to index
        %get3A_500 = arith.index_cast %add3A_415 : i32 to index
        %get3A_501 = arith.constant 64 : index
        %get3A_502 = tpu.vector_load %arg13[%get3A_499, %get3A_500, %get3A_501] {strides = array<i32>} : memref<2x64x128xf32, #tpu.memory_space<vmem>>, vector<16xf32>,
        %mul3A_503 = arith.mulf %mul3A_497, %get3A_502 : vector<16xf32>
        %add3A_504 = arith.addf %add3A_486, %mul3A_503 : vector<16xf32>
        %get3A_505 = arith.constant 1 : i32
        %get3A_506 = arith.index_cast %get3A_505 : i32 to index
        %get3A_507 = arith.index_cast %add3A_415 : i32 to index
        %get3A_508 = arith.constant 80 : index
        %get3A_509 = tpu.vector_load %arg11[%get3A_506, %get3A_507, %get3A_508] {strides = array<i32>} : memref<2x64x128xf32, #tpu.memory_space<vmem>>, vector<16xf32>,
        %get3A_510 = arith.constant 1 : i32
        %get3A_511 = arith.index_cast %get3A_510 : i32 to index
        %get3A_512 = arith.index_cast %add3A_415 : i32 to index
        %get3A_513 = arith.constant 80 : index
        %get3A_514 = tpu.vector_load %arg12[%get3A_511, %get3A_512, %get3A_513] {strides = array<i32>} : memref<2x64x128xf32, #tpu.memory_space<vmem>>, vector<16xf32>,
        %mul3A_515 = arith.mulf %get3A_509, %get3A_514 : vector<16xf32>
        %get3A_516 = arith.constant 1 : i32
        %get3A_517 = arith.index_cast %get3A_516 : i32 to index
        %get3A_518 = arith.index_cast %add3A_415 : i32 to index
        %get3A_519 = arith.constant 80 : index
        %get3A_520 = tpu.vector_load %arg13[%get3A_517, %get3A_518, %get3A_519] {strides = array<i32>} : memref<2x64x128xf32, #tpu.memory_space<vmem>>, vector<16xf32>,
        %mul3A_521 = arith.mulf %mul3A_515, %get3A_520 : vector<16xf32>
        %add3A_522 = arith.addf %add3A_504, %mul3A_521 : vector<16xf32>
        %get3A_523 = arith.constant 1 : i32
        %get3A_524 = arith.index_cast %get3A_523 : i32 to index
        %get3A_525 = arith.index_cast %add3A_415 : i32 to index
        %get3A_526 = arith.constant 96 : index
        %get3A_527 = tpu.vector_load %arg11[%get3A_524, %get3A_525, %get3A_526] {strides = array<i32>} : memref<2x64x128xf32, #tpu.memory_space<vmem>>, vector<16xf32>,
        %get3A_528 = arith.constant 1 : i32
        %get3A_529 = arith.index_cast %get3A_528 : i32 to index
        %get3A_530 = arith.index_cast %add3A_415 : i32 to index
        %get3A_531 = arith.constant 96 : index
        %get3A_532 = tpu.vector_load %arg12[%get3A_529, %get3A_530, %get3A_531] {strides = array<i32>} : memref<2x64x128xf32, #tpu.memory_space<vmem>>, vector<16xf32>,
        %mul3A_533 = arith.mulf %get3A_527, %get3A_532 : vector<16xf32>
        %get3A_534 = arith.constant 1 : i32
        %get3A_535 = arith.index_cast %get3A_534 : i32 to index
        %get3A_536 = arith.index_cast %add3A_415 : i32 to index
        %get3A_537 = arith.constant 96 : index
        %get3A_538 = tpu.vector_load %arg13[%get3A_535, %get3A_536, %get3A_537] {strides = array<i32>} : memref<2x64x128xf32, #tpu.memory_space<vmem>>, vector<16xf32>,
        %mul3A_539 = arith.mulf %mul3A_533, %get3A_538 : vector<16xf32>
        %add3A_540 = arith.addf %add3A_522, %mul3A_539 : vector<16xf32>
        %get3A_541 = arith.constant 1 : i32
        %get3A_542 = arith.index_cast %get3A_541 : i32 to index
        %get3A_543 = arith.index_cast %add3A_415 : i32 to index
        %get3A_544 = arith.constant 112 : index
        %get3A_545 = tpu.vector_load %arg11[%get3A_542, %get3A_543, %get3A_544] {strides = array<i32>} : memref<2x64x128xf32, #tpu.memory_space<vmem>>, vector<16xf32>,
        %get3A_546 = arith.constant 1 : i32
        %get3A_547 = arith.index_cast %get3A_546 : i32 to index
        %get3A_548 = arith.index_cast %add3A_415 : i32 to index
        %get3A_549 = arith.constant 112 : index
        %get3A_550 = tpu.vector_load %arg12[%get3A_547, %get3A_548, %get3A_549] {strides = array<i32>} : memref<2x64x128xf32, #tpu.memory_space<vmem>>, vector<16xf32>,
        %mul3A_551 = arith.mulf %get3A_545, %get3A_550 : vector<16xf32>
        %get3A_552 = arith.constant 1 : i32
        %get3A_553 = arith.index_cast %get3A_552 : i32 to index
        %get3A_554 = arith.index_cast %add3A_415 : i32 to index
        %get3A_555 = arith.constant 112 : index
        %get3A_556 = tpu.vector_load %arg13[%get3A_553, %get3A_554, %get3A_555] {strides = array<i32>} : memref<2x64x128xf32, #tpu.memory_space<vmem>>, vector<16xf32>,
        %mul3A_557 = arith.mulf %mul3A_551, %get3A_556 : vector<16xf32>
        %add3A_558 = arith.addf %add3A_540, %mul3A_557 : vector<16xf32>
        %swap3A_559 = arith.constant 16 : index
        %swap3A_560 = tpu.vector_load %arg15[%swap3A_559] {strides = array<i32>} : memref<256xf32, #tpu.memory_space<vmem>>, vector<16xf32>,
        tpu.vector_store %arg15[%swap3A_559], %add3A_558 {strides = array<i32>} : memref<256xf32, #tpu.memory_space<vmem>>, vector<16xf32>,
        %mul3A_561 = arith.constant 16 : i32
        %mul3A_562 = arith.muli %scan3A_264, %mul3A_561 : i32
        %add3A_563 = arith.constant 2 : i32
        %add3A_564 = arith.addi %mul3A_562, %add3A_563 : i32
        %get3A_565 = arith.constant 1 : i32
        %get3A_566 = arith.index_cast %get3A_565 : i32 to index
        %get3A_567 = arith.index_cast %add3A_564 : i32 to index
        %get3A_568 = arith.constant 0 : index
        %get3A_569 = tpu.vector_load %arg11[%get3A_566, %get3A_567, %get3A_568] {strides = array<i32>} : memref<2x64x128xf32, #tpu.memory_space<vmem>>, vector<16xf32>,
        %get3A_570 = arith.constant 1 : i32
        %get3A_571 = arith.index_cast %get3A_570 : i32 to index
        %get3A_572 = arith.index_cast %add3A_564 : i32 to index
        %get3A_573 = arith.constant 0 : index
        %get3A_574 = tpu.vector_load %arg12[%get3A_571, %get3A_572, %get3A_573] {strides = array<i32>} : memref<2x64x128xf32, #tpu.memory_space<vmem>>, vector<16xf32>,
        %mul3A_575 = arith.mulf %get3A_569, %get3A_574 : vector<16xf32>
        %get3A_576 = arith.constant 1 : i32
        %get3A_577 = arith.index_cast %get3A_576 : i32 to index
        %get3A_578 = arith.index_cast %add3A_564 : i32 to index
        %get3A_579 = arith.constant 0 : index
        %get3A_580 = tpu.vector_load %arg13[%get3A_577, %get3A_578, %get3A_579] {strides = array<i32>} : memref<2x64x128xf32, #tpu.memory_space<vmem>>, vector<16xf32>,
        %mul3A_581 = arith.mulf %mul3A_575, %get3A_580 : vector<16xf32>
        %get3A_582 = arith.constant 1 : i32
        %get3A_583 = arith.index_cast %get3A_582 : i32 to index
        %get3A_584 = arith.index_cast %add3A_564 : i32 to index
        %get3A_585 = arith.constant 16 : index
        %get3A_586 = tpu.vector_load %arg11[%get3A_583, %get3A_584, %get3A_585] {strides = array<i32>} : memref<2x64x128xf32, #tpu.memory_space<vmem>>, vector<16xf32>,
        %get3A_587 = arith.constant 1 : i32
        %get3A_588 = arith.index_cast %get3A_587 : i32 to index
        %get3A_589 = arith.index_cast %add3A_564 : i32 to index
        %get3A_590 = arith.constant 16 : index
        %get3A_591 = tpu.vector_load %arg12[%get3A_588, %get3A_589, %get3A_590] {strides = array<i32>} : memref<2x64x128xf32, #tpu.memory_space<vmem>>, vector<16xf32>,
        %mul3A_592 = arith.mulf %get3A_586, %get3A_591 : vector<16xf32>
        %get3A_593 = arith.constant 1 : i32
        %get3A_594 = arith.index_cast %get3A_593 : i32 to index
        %get3A_595 = arith.index_cast %add3A_564 : i32 to index
        %get3A_596 = arith.constant 16 : index
        %get3A_597 = tpu.vector_load %arg13[%get3A_594, %get3A_595, %get3A_596] {strides = array<i32>} : memref<2x64x128xf32, #tpu.memory_space<vmem>>, vector<16xf32>,
        %mul3A_598 = arith.mulf %mul3A_592, %get3A_597 : vector<16xf32>
        %add3A_599 = arith.addf %mul3A_581, %mul3A_598 : vector<16xf32>
        %get3A_600 = arith.constant 1 : i32
        %get3A_601 = arith.index_cast %get3A_600 : i32 to index
        %get3A_602 = arith.index_cast %add3A_564 : i32 to index
        %get3A_603 = arith.constant 32 : index
        %get3A_604 = tpu.vector_load %arg11[%get3A_601, %get3A_602, %get3A_603] {strides = array<i32>} : memref<2x64x128xf32, #tpu.memory_space<vmem>>, vector<16xf32>,
        %get3A_605 = arith.constant 1 : i32
        %get3A_606 = arith.index_cast %get3A_605 : i32 to index
        %get3A_607 = arith.index_cast %add3A_564 : i32 to index
        %get3A_608 = arith.constant 32 : index
        %get3A_609 = tpu.vector_load %arg12[%get3A_606, %get3A_607, %get3A_608] {strides = array<i32>} : memref<2x64x128xf32, #tpu.memory_space<vmem>>, vector<16xf32>,
        %mul3A_610 = arith.mulf %get3A_604, %get3A_609 : vector<16xf32>
        %get3A_611 = arith.constant 1 : i32
        %get3A_612 = arith.index_cast %get3A_611 : i32 to index
        %get3A_613 = arith.index_cast %add3A_564 : i32 to index
        %get3A_614 = arith.constant 32 : index
        %get3A_615 = tpu.vector_load %arg13[%get3A_612, %get3A_613, %get3A_614] {strides = array<i32>} : memref<2x64x128xf32, #tpu.memory_space<vmem>>, vector<16xf32>,
        %mul3A_616 = arith.mulf %mul3A_610, %get3A_615 : vector<16xf32>
        %add3A_617 = arith.addf %add3A_599, %mul3A_616 : vector<16xf32>
        %get3A_618 = arith.constant 1 : i32
        %get3A_619 = arith.index_cast %get3A_618 : i32 to index
        %get3A_620 = arith.index_cast %add3A_564 : i32 to index
        %get3A_621 = arith.constant 48 : index
        %get3A_622 = tpu.vector_load %arg11[%get3A_619, %get3A_620, %get3A_621] {strides = array<i32>} : memref<2x64x128xf32, #tpu.memory_space<vmem>>, vector<16xf32>,
        %get3A_623 = arith.constant 1 : i32
        %get3A_624 = arith.index_cast %get3A_623 : i32 to index
        %get3A_625 = arith.index_cast %add3A_564 : i32 to index
        %get3A_626 = arith.constant 48 : index
        %get3A_627 = tpu.vector_load %arg12[%get3A_624, %get3A_625, %get3A_626] {strides = array<i32>} : memref<2x64x128xf32, #tpu.memory_space<vmem>>, vector<16xf32>,
        %mul3A_628 = arith.mulf %get3A_622, %get3A_627 : vector<16xf32>
        %get3A_629 = arith.constant 1 : i32
        %get3A_630 = arith.index_cast %get3A_629 : i32 to index
        %get3A_631 = arith.index_cast %add3A_564 : i32 to index
        %get3A_632 = arith.constant 48 : index
        %get3A_633 = tpu.vector_load %arg13[%get3A_630, %get3A_631, %get3A_632] {strides = array<i32>} : memref<2x64x128xf32, #tpu.memory_space<vmem>>, vector<16xf32>,
        %mul3A_634 = arith.mulf %mul3A_628, %get3A_633 : vector<16xf32>
        %add3A_635 = arith.addf %add3A_617, %mul3A_634 : vector<16xf32>
        %get3A_636 = arith.constant 1 : i32
        %get3A_637 = arith.index_cast %get3A_636 : i32 to index
        %get3A_638 = arith.index_cast %add3A_564 : i32 to index
        %get3A_639 = arith.constant 64 : index
        %get3A_640 = tpu.vector_load %arg11[%get3A_637, %get3A_638, %get3A_639] {strides = array<i32>} : memref<2x64x128xf32, #tpu.memory_space<vmem>>, vector<16xf32>,
        %get3A_641 = arith.constant 1 : i32
        %get3A_642 = arith.index_cast %get3A_641 : i32 to index
        %get3A_643 = arith.index_cast %add3A_564 : i32 to index
        %get3A_644 = arith.constant 64 : index
        %get3A_645 = tpu.vector_load %arg12[%get3A_642, %get3A_643, %get3A_644] {strides = array<i32>} : memref<2x64x128xf32, #tpu.memory_space<vmem>>, vector<16xf32>,
        %mul3A_646 = arith.mulf %get3A_640, %get3A_645 : vector<16xf32>
        %get3A_647 = arith.constant 1 : i32
        %get3A_648 = arith.index_cast %get3A_647 : i32 to index
        %get3A_649 = arith.index_cast %add3A_564 : i32 to index
        %get3A_650 = arith.constant 64 : index
        %get3A_651 = tpu.vector_load %arg13[%get3A_648, %get3A_649, %get3A_650] {strides = array<i32>} : memref<2x64x128xf32, #tpu.memory_space<vmem>>, vector<16xf32>,
        %mul3A_652 = arith.mulf %mul3A_646, %get3A_651 : vector<16xf32>
        %add3A_653 = arith.addf %add3A_635, %mul3A_652 : vector<16xf32>
        %get3A_654 = arith.constant 1 : i32
        %get3A_655 = arith.index_cast %get3A_654 : i32 to index
        %get3A_656 = arith.index_cast %add3A_564 : i32 to index
        %get3A_657 = arith.constant 80 : index
        %get3A_658 = tpu.vector_load %arg11[%get3A_655, %get3A_656, %get3A_657] {strides = array<i32>} : memref<2x64x128xf32, #tpu.memory_space<vmem>>, vector<16xf32>,
        %get3A_659 = arith.constant 1 : i32
        %get3A_660 = arith.index_cast %get3A_659 : i32 to index
        %get3A_661 = arith.index_cast %add3A_564 : i32 to index
        %get3A_662 = arith.constant 80 : index
        %get3A_663 = tpu.vector_load %arg12[%get3A_660, %get3A_661, %get3A_662] {strides = array<i32>} : memref<2x64x128xf32, #tpu.memory_space<vmem>>, vector<16xf32>,
        %mul3A_664 = arith.mulf %get3A_658, %get3A_663 : vector<16xf32>
        %get3A_665 = arith.constant 1 : i32
        %get3A_666 = arith.index_cast %get3A_665 : i32 to index
        %get3A_667 = arith.index_cast %add3A_564 : i32 to index
        %get3A_668 = arith.constant 80 : index
        %get3A_669 = tpu.vector_load %arg13[%get3A_666, %get3A_667, %get3A_668] {strides = array<i32>} : memref<2x64x128xf32, #tpu.memory_space<vmem>>, vector<16xf32>,
        %mul3A_670 = arith.mulf %mul3A_664, %get3A_669 : vector<16xf32>
        %add3A_671 = arith.addf %add3A_653, %mul3A_670 : vector<16xf32>
        %get3A_672 = arith.constant 1 : i32
        %get3A_673 = arith.index_cast %get3A_672 : i32 to index
        %get3A_674 = arith.index_cast %add3A_564 : i32 to index
        %get3A_675 = arith.constant 96 : index
        %get3A_676 = tpu.vector_load %arg11[%get3A_673, %get3A_674, %get3A_675] {strides = array<i32>} : memref<2x64x128xf32, #tpu.memory_space<vmem>>, vector<16xf32>,
        %get3A_677 = arith.constant 1 : i32
        %get3A_678 = arith.index_cast %get3A_677 : i32 to index
        %get3A_679 = arith.index_cast %add3A_564 : i32 to index
        %get3A_680 = arith.constant 96 : index
        %get3A_681 = tpu.vector_load %arg12[%get3A_678, %get3A_679, %get3A_680] {strides = array<i32>} : memref<2x64x128xf32, #tpu.memory_space<vmem>>, vector<16xf32>,
        %mul3A_682 = arith.mulf %get3A_676, %get3A_681 : vector<16xf32>
        %get3A_683 = arith.constant 1 : i32
        %get3A_684 = arith.index_cast %get3A_683 : i32 to index
        %get3A_685 = arith.index_cast %add3A_564 : i32 to index
        %get3A_686 = arith.constant 96 : index
        %get3A_687 = tpu.vector_load %arg13[%get3A_684, %get3A_685, %get3A_686] {strides = array<i32>} : memref<2x64x128xf32, #tpu.memory_space<vmem>>, vector<16xf32>,
        %mul3A_688 = arith.mulf %mul3A_682, %get3A_687 : vector<16xf32>
        %add3A_689 = arith.addf %add3A_671, %mul3A_688 : vector<16xf32>
        %get3A_690 = arith.constant 1 : i32
        %get3A_691 = arith.index_cast %get3A_690 : i32 to index
        %get3A_692 = arith.index_cast %add3A_564 : i32 to index
        %get3A_693 = arith.constant 112 : index
        %get3A_694 = tpu.vector_load %arg11[%get3A_691, %get3A_692, %get3A_693] {strides = array<i32>} : memref<2x64x128xf32, #tpu.memory_space<vmem>>, vector<16xf32>,
        %get3A_695 = arith.constant 1 : i32
        %get3A_696 = arith.index_cast %get3A_695 : i32 to index
        %get3A_697 = arith.index_cast %add3A_564 : i32 to index
        %get3A_698 = arith.constant 112 : index
        %get3A_699 = tpu.vector_load %arg12[%get3A_696, %get3A_697, %get3A_698] {strides = array<i32>} : memref<2x64x128xf32, #tpu.memory_space<vmem>>, vector<16xf32>,
        %mul3A_700 = arith.mulf %get3A_694, %get3A_699 : vector<16xf32>
        %get3A_701 = arith.constant 1 : i32
        %get3A_702 = arith.index_cast %get3A_701 : i32 to index
        %get3A_703 = arith.index_cast %add3A_564 : i32 to index
        %get3A_704 = arith.constant 112 : index
        %get3A_705 = tpu.vector_load %arg13[%get3A_702, %get3A_703, %get3A_704] {strides = array<i32>} : memref<2x64x128xf32, #tpu.memory_space<vmem>>, vector<16xf32>,
        %mul3A_706 = arith.mulf %mul3A_700, %get3A_705 : vector<16xf32>
        %add3A_707 = arith.addf %add3A_689, %mul3A_706 : vector<16xf32>
        %swap3A_708 = arith.constant 32 : index
        %swap3A_709 = tpu.vector_load %arg15[%swap3A_708] {strides = array<i32>} : memref<256xf32, #tpu.memory_space<vmem>>, vector<16xf32>,
        tpu.vector_store %arg15[%swap3A_708], %add3A_707 {strides = array<i32>} : memref<256xf32, #tpu.memory_space<vmem>>, vector<16xf32>,
        %mul3A_710 = arith.constant 16 : i32
        %mul3A_711 = arith.muli %scan3A_264, %mul3A_710 : i32
        %add3A_712 = arith.constant 3 : i32
        %add3A_713 = arith.addi %mul3A_711, %add3A_712 : i32
        %get3A_714 = arith.constant 1 : i32
        %get3A_715 = arith.index_cast %get3A_714 : i32 to index
        %get3A_716 = arith.index_cast %add3A_713 : i32 to index
        %get3A_717 = arith.constant 0 : index
        %get3A_718 = tpu.vector_load %arg11[%get3A_715, %get3A_716, %get3A_717] {strides = array<i32>} : memref<2x64x128xf32, #tpu.memory_space<vmem>>, vector<16xf32>,
        %get3A_719 = arith.constant 1 : i32
        %get3A_720 = arith.index_cast %get3A_719 : i32 to index
        %get3A_721 = arith.index_cast %add3A_713 : i32 to index
        %get3A_722 = arith.constant 0 : index
        %get3A_723 = tpu.vector_load %arg12[%get3A_720, %get3A_721, %get3A_722] {strides = array<i32>} : memref<2x64x128xf32, #tpu.memory_space<vmem>>, vector<16xf32>,
        %mul3A_724 = arith.mulf %get3A_718, %get3A_723 : vector<16xf32>
        %get3A_725 = arith.constant 1 : i32
        %get3A_726 = arith.index_cast %get3A_725 : i32 to index
        %get3A_727 = arith.index_cast %add3A_713 : i32 to index
        %get3A_728 = arith.constant 0 : index
        %get3A_729 = tpu.vector_load %arg13[%get3A_726, %get3A_727, %get3A_728] {strides = array<i32>} : memref<2x64x128xf32, #tpu.memory_space<vmem>>, vector<16xf32>,
        %mul3A_730 = arith.mulf %mul3A_724, %get3A_729 : vector<16xf32>
        %get3A_731 = arith.constant 1 : i32
        %get3A_732 = arith.index_cast %get3A_731 : i32 to index
        %get3A_733 = arith.index_cast %add3A_713 : i32 to index
        %get3A_734 = arith.constant 16 : index
        %get3A_735 = tpu.vector_load %arg11[%get3A_732, %get3A_733, %get3A_734] {strides = array<i32>} : memref<2x64x128xf32, #tpu.memory_space<vmem>>, vector<16xf32>,
        %get3A_736 = arith.constant 1 : i32
        %get3A_737 = arith.index_cast %get3A_736 : i32 to index
        %get3A_738 = arith.index_cast %add3A_713 : i32 to index
        %get3A_739 = arith.constant 16 : index
        %get3A_740 = tpu.vector_load %arg12[%get3A_737, %get3A_738, %get3A_739] {strides = array<i32>} : memref<2x64x128xf32, #tpu.memory_space<vmem>>, vector<16xf32>,
        %mul3A_741 = arith.mulf %get3A_735, %get3A_740 : vector<16xf32>
        %get3A_742 = arith.constant 1 : i32
        %get3A_743 = arith.index_cast %get3A_742 : i32 to index
        %get3A_744 = arith.index_cast %add3A_713 : i32 to index
        %get3A_745 = arith.constant 16 : index
        %get3A_746 = tpu.vector_load %arg13[%get3A_743, %get3A_744, %get3A_745] {strides = array<i32>} : memref<2x64x128xf32, #tpu.memory_space<vmem>>, vector<16xf32>,
        %mul3A_747 = arith.mulf %mul3A_741, %get3A_746 : vector<16xf32>
        %add3A_748 = arith.addf %mul3A_730, %mul3A_747 : vector<16xf32>
        %get3A_749 = arith.constant 1 : i32
        %get3A_750 = arith.index_cast %get3A_749 : i32 to index
        %get3A_751 = arith.index_cast %add3A_713 : i32 to index
        %get3A_752 = arith.constant 32 : index
        %get3A_753 = tpu.vector_load %arg11[%get3A_750, %get3A_751, %get3A_752] {strides = array<i32>} : memref<2x64x128xf32, #tpu.memory_space<vmem>>, vector<16xf32>,
        %get3A_754 = arith.constant 1 : i32
        %get3A_755 = arith.index_cast %get3A_754 : i32 to index
        %get3A_756 = arith.index_cast %add3A_713 : i32 to index
        %get3A_757 = arith.constant 32 : index
        %get3A_758 = tpu.vector_load %arg12[%get3A_755, %get3A_756, %get3A_757] {strides = array<i32>} : memref<2x64x128xf32, #tpu.memory_space<vmem>>, vector<16xf32>,
        %mul3A_759 = arith.mulf %get3A_753, %get3A_758 : vector<16xf32>
        %get3A_760 = arith.constant 1 : i32
        %get3A_761 = arith.index_cast %get3A_760 : i32 to index
        %get3A_762 = arith.index_cast %add3A_713 : i32 to index
        %get3A_763 = arith.constant 32 : index
        %get3A_764 = tpu.vector_load %arg13[%get3A_761, %get3A_762, %get3A_763] {strides = array<i32>} : memref<2x64x128xf32, #tpu.memory_space<vmem>>, vector<16xf32>,
        %mul3A_765 = arith.mulf %mul3A_759, %get3A_764 : vector<16xf32>
        %add3A_766 = arith.addf %add3A_748, %mul3A_765 : vector<16xf32>
        %get3A_767 = arith.constant 1 : i32
        %get3A_768 = arith.index_cast %get3A_767 : i32 to index
        %get3A_769 = arith.index_cast %add3A_713 : i32 to index
        %get3A_770 = arith.constant 48 : index
        %get3A_771 = tpu.vector_load %arg11[%get3A_768, %get3A_769, %get3A_770] {strides = array<i32>} : memref<2x64x128xf32, #tpu.memory_space<vmem>>, vector<16xf32>,
        %get3A_772 = arith.constant 1 : i32
        %get3A_773 = arith.index_cast %get3A_772 : i32 to index
        %get3A_774 = arith.index_cast %add3A_713 : i32 to index
        %get3A_775 = arith.constant 48 : index
        %get3A_776 = tpu.vector_load %arg12[%get3A_773, %get3A_774, %get3A_775] {strides = array<i32>} : memref<2x64x128xf32, #tpu.memory_space<vmem>>, vector<16xf32>,
        %mul3A_777 = arith.mulf %get3A_771, %get3A_776 : vector<16xf32>
        %get3A_778 = arith.constant 1 : i32
        %get3A_779 = arith.index_cast %get3A_778 : i32 to index
        %get3A_780 = arith.index_cast %add3A_713 : i32 to index
        %get3A_781 = arith.constant 48 : index
        %get3A_782 = tpu.vector_load %arg13[%get3A_779, %get3A_780, %get3A_781] {strides = array<i32>} : memref<2x64x128xf32, #tpu.memory_space<vmem>>, vector<16xf32>,
        %mul3A_783 = arith.mulf %mul3A_777, %get3A_782 : vector<16xf32>
        %add3A_784 = arith.addf %add3A_766, %mul3A_783 : vector<16xf32>
        %get3A_785 = arith.constant 1 : i32
        %get3A_786 = arith.index_cast %get3A_785 : i32 to index
        %get3A_787 = arith.index_cast %add3A_713 : i32 to index
        %get3A_788 = arith.constant 64 : index
        %get3A_789 = tpu.vector_load %arg11[%get3A_786, %get3A_787, %get3A_788] {strides = array<i32>} : memref<2x64x128xf32, #tpu.memory_space<vmem>>, vector<16xf32>,
        %get3A_790 = arith.constant 1 : i32
        %get3A_791 = arith.index_cast %get3A_790 : i32 to index
        %get3A_792 = arith.index_cast %add3A_713 : i32 to index
        %get3A_793 = arith.constant 64 : index
        %get3A_794 = tpu.vector_load %arg12[%get3A_791, %get3A_792, %get3A_793] {strides = array<i32>} : memref<2x64x128xf32, #tpu.memory_space<vmem>>, vector<16xf32>,
        %mul3A_795 = arith.mulf %get3A_789, %get3A_794 : vector<16xf32>
        %get3A_796 = arith.constant 1 : i32
        %get3A_797 = arith.index_cast %get3A_796 : i32 to index
        %get3A_798 = arith.index_cast %add3A_713 : i32 to index
        %get3A_799 = arith.constant 64 : index
        %get3A_800 = tpu.vector_load %arg13[%get3A_797, %get3A_798, %get3A_799] {strides = array<i32>} : memref<2x64x128xf32, #tpu.memory_space<vmem>>, vector<16xf32>,
        %mul3A_801 = arith.mulf %mul3A_795, %get3A_800 : vector<16xf32>
        %add3A_802 = arith.addf %add3A_784, %mul3A_801 : vector<16xf32>
        %get3A_803 = arith.constant 1 : i32
        %get3A_804 = arith.index_cast %get3A_803 : i32 to index
        %get3A_805 = arith.index_cast %add3A_713 : i32 to index
        %get3A_806 = arith.constant 80 : index
        %get3A_807 = tpu.vector_load %arg11[%get3A_804, %get3A_805, %get3A_806] {strides = array<i32>} : memref<2x64x128xf32, #tpu.memory_space<vmem>>, vector<16xf32>,
        %get3A_808 = arith.constant 1 : i32
        %get3A_809 = arith.index_cast %get3A_808 : i32 to index
        %get3A_810 = arith.index_cast %add3A_713 : i32 to index
        %get3A_811 = arith.constant 80 : index
        %get3A_812 = tpu.vector_load %arg12[%get3A_809, %get3A_810, %get3A_811] {strides = array<i32>} : memref<2x64x128xf32, #tpu.memory_space<vmem>>, vector<16xf32>,
        %mul3A_813 = arith.mulf %get3A_807, %get3A_812 : vector<16xf32>
        %get3A_814 = arith.constant 1 : i32
        %get3A_815 = arith.index_cast %get3A_814 : i32 to index
        %get3A_816 = arith.index_cast %add3A_713 : i32 to index
        %get3A_817 = arith.constant 80 : index
        %get3A_818 = tpu.vector_load %arg13[%get3A_815, %get3A_816, %get3A_817] {strides = array<i32>} : memref<2x64x128xf32, #tpu.memory_space<vmem>>, vector<16xf32>,
        %mul3A_819 = arith.mulf %mul3A_813, %get3A_818 : vector<16xf32>
        %add3A_820 = arith.addf %add3A_802, %mul3A_819 : vector<16xf32>
        %get3A_821 = arith.constant 1 : i32
        %get3A_822 = arith.index_cast %get3A_821 : i32 to index
        %get3A_823 = arith.index_cast %add3A_713 : i32 to index
        %get3A_824 = arith.constant 96 : index
        %get3A_825 = tpu.vector_load %arg11[%get3A_822, %get3A_823, %get3A_824] {strides = array<i32>} : memref<2x64x128xf32, #tpu.memory_space<vmem>>, vector<16xf32>,
        %get3A_826 = arith.constant 1 : i32
        %get3A_827 = arith.index_cast %get3A_826 : i32 to index
        %get3A_828 = arith.index_cast %add3A_713 : i32 to index
        %get3A_829 = arith.constant 96 : index
        %get3A_830 = tpu.vector_load %arg12[%get3A_827, %get3A_828, %get3A_829] {strides = array<i32>} : memref<2x64x128xf32, #tpu.memory_space<vmem>>, vector<16xf32>,
        %mul3A_831 = arith.mulf %get3A_825, %get3A_830 : vector<16xf32>
        %get3A_832 = arith.constant 1 : i32
        %get3A_833 = arith.index_cast %get3A_832 : i32 to index
        %get3A_834 = arith.index_cast %add3A_713 : i32 to index
        %get3A_835 = arith.constant 96 : index
        %get3A_836 = tpu.vector_load %arg13[%get3A_833, %get3A_834, %get3A_835] {strides = array<i32>} : memref<2x64x128xf32, #tpu.memory_space<vmem>>, vector<16xf32>,
        %mul3A_837 = arith.mulf %mul3A_831, %get3A_836 : vector<16xf32>
        %add3A_838 = arith.addf %add3A_820, %mul3A_837 : vector<16xf32>
        %get3A_839 = arith.constant 1 : i32
        %get3A_840 = arith.index_cast %get3A_839 : i32 to index
        %get3A_841 = arith.index_cast %add3A_713 : i32 to index
        %get3A_842 = arith.constant 112 : index
        %get3A_843 = tpu.vector_load %arg11[%get3A_840, %get3A_841, %get3A_842] {strides = array<i32>} : memref<2x64x128xf32, #tpu.memory_space<vmem>>, vector<16xf32>,
        %get3A_844 = arith.constant 1 : i32
        %get3A_845 = arith.index_cast %get3A_844 : i32 to index
        %get3A_846 = arith.index_cast %add3A_713 : i32 to index
        %get3A_847 = arith.constant 112 : index
        %get3A_848 = tpu.vector_load %arg12[%get3A_845, %get3A_846, %get3A_847] {strides = array<i32>} : memref<2x64x128xf32, #tpu.memory_space<vmem>>, vector<16xf32>,
        %mul3A_849 = arith.mulf %get3A_843, %get3A_848 : vector<16xf32>
        %get3A_850 = arith.constant 1 : i32
        %get3A_851 = arith.index_cast %get3A_850 : i32 to index
        %get3A_852 = arith.index_cast %add3A_713 : i32 to index
        %get3A_853 = arith.constant 112 : index
        %get3A_854 = tpu.vector_load %arg13[%get3A_851, %get3A_852, %get3A_853] {strides = array<i32>} : memref<2x64x128xf32, #tpu.memory_space<vmem>>, vector<16xf32>,
        %mul3A_855 = arith.mulf %mul3A_849, %get3A_854 : vector<16xf32>
        %add3A_856 = arith.addf %add3A_838, %mul3A_855 : vector<16xf32>
        %swap3A_857 = arith.constant 48 : index
        %swap3A_858 = tpu.vector_load %arg15[%swap3A_857] {strides = array<i32>} : memref<256xf32, #tpu.memory_space<vmem>>, vector<16xf32>,
        tpu.vector_store %arg15[%swap3A_857], %add3A_856 {strides = array<i32>} : memref<256xf32, #tpu.memory_space<vmem>>, vector<16xf32>,
        %mul3A_859 = arith.constant 16 : i32
        %mul3A_860 = arith.muli %scan3A_264, %mul3A_859 : i32
        %add3A_861 = arith.constant 4 : i32
        %add3A_862 = arith.addi %mul3A_860, %add3A_861 : i32
        %get3A_863 = arith.constant 1 : i32
        %get3A_864 = arith.index_cast %get3A_863 : i32 to index
        %get3A_865 = arith.index_cast %add3A_862 : i32 to index
        %get3A_866 = arith.constant 0 : index
        %get3A_867 = tpu.vector_load %arg11[%get3A_864, %get3A_865, %get3A_866] {strides = array<i32>} : memref<2x64x128xf32, #tpu.memory_space<vmem>>, vector<16xf32>,
        %get3A_868 = arith.constant 1 : i32
        %get3A_869 = arith.index_cast %get3A_868 : i32 to index
        %get3A_870 = arith.index_cast %add3A_862 : i32 to index
        %get3A_871 = arith.constant 0 : index
        %get3A_872 = tpu.vector_load %arg12[%get3A_869, %get3A_870, %get3A_871] {strides = array<i32>} : memref<2x64x128xf32, #tpu.memory_space<vmem>>, vector<16xf32>,
        %mul3A_873 = arith.mulf %get3A_867, %get3A_872 : vector<16xf32>
        %get3A_874 = arith.constant 1 : i32
        %get3A_875 = arith.index_cast %get3A_874 : i32 to index
        %get3A_876 = arith.index_cast %add3A_862 : i32 to index
        %get3A_877 = arith.constant 0 : index
        %get3A_878 = tpu.vector_load %arg13[%get3A_875, %get3A_876, %get3A_877] {strides = array<i32>} : memref<2x64x128xf32, #tpu.memory_space<vmem>>, vector<16xf32>,
        %mul3A_879 = arith.mulf %mul3A_873, %get3A_878 : vector<16xf32>
        %get3A_880 = arith.constant 1 : i32
        %get3A_881 = arith.index_cast %get3A_880 : i32 to index
        %get3A_882 = arith.index_cast %add3A_862 : i32 to index
        %get3A_883 = arith.constant 16 : index
        %get3A_884 = tpu.vector_load %arg11[%get3A_881, %get3A_882, %get3A_883] {strides = array<i32>} : memref<2x64x128xf32, #tpu.memory_space<vmem>>, vector<16xf32>,
        %get3A_885 = arith.constant 1 : i32
        %get3A_886 = arith.index_cast %get3A_885 : i32 to index
        %get3A_887 = arith.index_cast %add3A_862 : i32 to index
        %get3A_888 = arith.constant 16 : index
        %get3A_889 = tpu.vector_load %arg12[%get3A_886, %get3A_887, %get3A_888] {strides = array<i32>} : memref<2x64x128xf32, #tpu.memory_space<vmem>>, vector<16xf32>,
        %mul3A_890 = arith.mulf %get3A_884, %get3A_889 : vector<16xf32>
        %get3A_891 = arith.constant 1 : i32
        %get3A_892 = arith.index_cast %get3A_891 : i32 to index
        %get3A_893 = arith.index_cast %add3A_862 : i32 to index
        %get3A_894 = arith.constant 16 : index
        %get3A_895 = tpu.vector_load %arg13[%get3A_892, %get3A_893, %get3A_894] {strides = array<i32>} : memref<2x64x128xf32, #tpu.memory_space<vmem>>, vector<16xf32>,
        %mul3A_896 = arith.mulf %mul3A_890, %get3A_895 : vector<16xf32>
        %add3A_897 = arith.addf %mul3A_879, %mul3A_896 : vector<16xf32>
        %get3A_898 = arith.constant 1 : i32
        %get3A_899 = arith.index_cast %get3A_898 : i32 to index
        %get3A_900 = arith.index_cast %add3A_862 : i32 to index
        %get3A_901 = arith.constant 32 : index
        %get3A_902 = tpu.vector_load %arg11[%get3A_899, %get3A_900, %get3A_901] {strides = array<i32>} : memref<2x64x128xf32, #tpu.memory_space<vmem>>, vector<16xf32>,
        %get3A_903 = arith.constant 1 : i32
        %get3A_904 = arith.index_cast %get3A_903 : i32 to index
        %get3A_905 = arith.index_cast %add3A_862 : i32 to index
        %get3A_906 = arith.constant 32 : index
        %get3A_907 = tpu.vector_load %arg12[%get3A_904, %get3A_905, %get3A_906] {strides = array<i32>} : memref<2x64x128xf32, #tpu.memory_space<vmem>>, vector<16xf32>,
        %mul3A_908 = arith.mulf %get3A_902, %get3A_907 : vector<16xf32>
        %get3A_909 = arith.constant 1 : i32
        %get3A_910 = arith.index_cast %get3A_909 : i32 to index
        %get3A_911 = arith.index_cast %add3A_862 : i32 to index
        %get3A_912 = arith.constant 32 : index
        %get3A_913 = tpu.vector_load %arg13[%get3A_910, %get3A_911, %get3A_912] {strides = array<i32>} : memref<2x64x128xf32, #tpu.memory_space<vmem>>, vector<16xf32>,
        %mul3A_914 = arith.mulf %mul3A_908, %get3A_913 : vector<16xf32>
        %add3A_915 = arith.addf %add3A_897, %mul3A_914 : vector<16xf32>
        %get3A_916 = arith.constant 1 : i32
        %get3A_917 = arith.index_cast %get3A_916 : i32 to index
        %get3A_918 = arith.index_cast %add3A_862 : i32 to index
        %get3A_919 = arith.constant 48 : index
        %get3A_920 = tpu.vector_load %arg11[%get3A_917, %get3A_918, %get3A_919] {strides = array<i32>} : memref<2x64x128xf32, #tpu.memory_space<vmem>>, vector<16xf32>,
        %get3A_921 = arith.constant 1 : i32
        %get3A_922 = arith.index_cast %get3A_921 : i32 to index
        %get3A_923 = arith.index_cast %add3A_862 : i32 to index
        %get3A_924 = arith.constant 48 : index
        %get3A_925 = tpu.vector_load %arg12[%get3A_922, %get3A_923, %get3A_924] {strides = array<i32>} : memref<2x64x128xf32, #tpu.memory_space<vmem>>, vector<16xf32>,
        %mul3A_926 = arith.mulf %get3A_920, %get3A_925 : vector<16xf32>
        %get3A_927 = arith.constant 1 : i32
        %get3A_928 = arith.index_cast %get3A_927 : i32 to index
        %get3A_929 = arith.index_cast %add3A_862 : i32 to index
        %get3A_930 = arith.constant 48 : index
        %get3A_931 = tpu.vector_load %arg13[%get3A_928, %get3A_929, %get3A_930] {strides = array<i32>} : memref<2x64x128xf32, #tpu.memory_space<vmem>>, vector<16xf32>,
        %mul3A_932 = arith.mulf %mul3A_926, %get3A_931 : vector<16xf32>
        %add3A_933 = arith.addf %add3A_915, %mul3A_932 : vector<16xf32>
        %get3A_934 = arith.constant 1 : i32
        %get3A_935 = arith.index_cast %get3A_934 : i32 to index
        %get3A_936 = arith.index_cast %add3A_862 : i32 to index
        %get3A_937 = arith.constant 64 : index
        %get3A_938 = tpu.vector_load %arg11[%get3A_935, %get3A_936, %get3A_937] {strides = array<i32>} : memref<2x64x128xf32, #tpu.memory_space<vmem>>, vector<16xf32>,
        %get3A_939 = arith.constant 1 : i32
        %get3A_940 = arith.index_cast %get3A_939 : i32 to index
        %get3A_941 = arith.index_cast %add3A_862 : i32 to index
        %get3A_942 = arith.constant 64 : index
        %get3A_943 = tpu.vector_load %arg12[%get3A_940, %get3A_941, %get3A_942] {strides = array<i32>} : memref<2x64x128xf32, #tpu.memory_space<vmem>>, vector<16xf32>,
        %mul3A_944 = arith.mulf %get3A_938, %get3A_943 : vector<16xf32>
        %get3A_945 = arith.constant 1 : i32
        %get3A_946 = arith.index_cast %get3A_945 : i32 to index
        %get3A_947 = arith.index_cast %add3A_862 : i32 to index
        %get3A_948 = arith.constant 64 : index
        %get3A_949 = tpu.vector_load %arg13[%get3A_946, %get3A_947, %get3A_948] {strides = array<i32>} : memref<2x64x128xf32, #tpu.memory_space<vmem>>, vector<16xf32>,
        %mul3A_950 = arith.mulf %mul3A_944, %get3A_949 : vector<16xf32>
        %add3A_951 = arith.addf %add3A_933, %mul3A_950 : vector<16xf32>
        %get3A_952 = arith.constant 1 : i32
        %get3A_953 = arith.index_cast %get3A_952 : i32 to index
        %get3A_954 = arith.index_cast %add3A_862 : i32 to index
        %get3A_955 = arith.constant 80 : index
        %get3A_956 = tpu.vector_load %arg11[%get3A_953, %get3A_954, %get3A_955] {strides = array<i32>} : memref<2x64x128xf32, #tpu.memory_space<vmem>>, vector<16xf32>,
        %get3A_957 = arith.constant 1 : i32
        %get3A_958 = arith.index_cast %get3A_957 : i32 to index
        %get3A_959 = arith.index_cast %add3A_862 : i32 to index
        %get3A_960 = arith.constant 80 : index
        %get3A_961 = tpu.vector_load %arg12[%get3A_958, %get3A_959, %get3A_960] {strides = array<i32>} : memref<2x64x128xf32, #tpu.memory_space<vmem>>, vector<16xf32>,
        %mul3A_962 = arith.mulf %get3A_956, %get3A_961 : vector<16xf32>
        %get3A_963 = arith.constant 1 : i32
        %get3A_964 = arith.index_cast %get3A_963 : i32 to index
        %get3A_965 = arith.index_cast %add3A_862 : i32 to index
        %get3A_966 = arith.constant 80 : index
        %get3A_967 = tpu.vector_load %arg13[%get3A_964, %get3A_965, %get3A_966] {strides = array<i32>} : memref<2x64x128xf32, #tpu.memory_space<vmem>>, vector<16xf32>,
        %mul3A_968 = arith.mulf %mul3A_962, %get3A_967 : vector<16xf32>
        %add3A_969 = arith.addf %add3A_951, %mul3A_968 : vector<16xf32>
        %get3A_970 = arith.constant 1 : i32
        %get3A_971 = arith.index_cast %get3A_970 : i32 to index
        %get3A_972 = arith.index_cast %add3A_862 : i32 to index
        %get3A_973 = arith.constant 96 : index
        %get3A_974 = tpu.vector_load %arg11[%get3A_971, %get3A_972, %get3A_973] {strides = array<i32>} : memref<2x64x128xf32, #tpu.memory_space<vmem>>, vector<16xf32>,
        %get3A_975 = arith.constant 1 : i32
        %get3A_976 = arith.index_cast %get3A_975 : i32 to index
        %get3A_977 = arith.index_cast %add3A_862 : i32 to index
        %get3A_978 = arith.constant 96 : index
        %get3A_979 = tpu.vector_load %arg12[%get3A_976, %get3A_977, %get3A_978] {strides = array<i32>} : memref<2x64x128xf32, #tpu.memory_space<vmem>>, vector<16xf32>,
        %mul3A_980 = arith.mulf %get3A_974, %get3A_979 : vector<16xf32>
        %get3A_981 = arith.constant 1 : i32
        %get3A_982 = arith.index_cast %get3A_981 : i32 to index
        %get3A_983 = arith.index_cast %add3A_862 : i32 to index
        %get3A_984 = arith.constant 96 : index
        %get3A_985 = tpu.vector_load %arg13[%get3A_982, %get3A_983, %get3A_984] {strides = array<i32>} : memref<2x64x128xf32, #tpu.memory_space<vmem>>, vector<16xf32>,
        %mul3A_986 = arith.mulf %mul3A_980, %get3A_985 : vector<16xf32>
        %add3A_987 = arith.addf %add3A_969, %mul3A_986 : vector<16xf32>
        %get3A_988 = arith.constant 1 : i32
        %get3A_989 = arith.index_cast %get3A_988 : i32 to index
        %get3A_990 = arith.index_cast %add3A_862 : i32 to index
        %get3A_991 = arith.constant 112 : index
        %get3A_992 = tpu.vector_load %arg11[%get3A_989, %get3A_990, %get3A_991] {strides = array<i32>} : memref<2x64x128xf32, #tpu.memory_space<vmem>>, vector<16xf32>,
        %get3A_993 = arith.constant 1 : i32
        %get3A_994 = arith.index_cast %get3A_993 : i32 to index
        %get3A_995 = arith.index_cast %add3A_862 : i32 to index
        %get3A_996 = arith.constant 112 : index
        %get3A_997 = tpu.vector_load %arg12[%get3A_994, %get3A_995, %get3A_996] {strides = array<i32>} : memref<2x64x128xf32, #tpu.memory_space<vmem>>, vector<16xf32>,
        %mul3A_998 = arith.mulf %get3A_992, %get3A_997 : vector<16xf32>
        %get3A_999 = arith.constant 1 : i32
        %get3A_1000 = arith.index_cast %get3A_999 : i32 to index
        %get3A_1001 = arith.index_cast %add3A_862 : i32 to index
        %get3A_1002 = arith.constant 112 : index
        %get3A_1003 = tpu.vector_load %arg13[%get3A_1000, %get3A_1001, %get3A_1002] {strides = array<i32>} : memref<2x64x128xf32, #tpu.memory_space<vmem>>, vector<16xf32>,
        %mul3A_1004 = arith.mulf %mul3A_998, %get3A_1003 : vector<16xf32>
        %add3A_1005 = arith.addf %add3A_987, %mul3A_1004 : vector<16xf32>
        %swap3A_1006 = arith.constant 64 : index
        %swap3A_1007 = tpu.vector_load %arg15[%swap3A_1006] {strides = array<i32>} : memref<256xf32, #tpu.memory_space<vmem>>, vector<16xf32>,
        tpu.vector_store %arg15[%swap3A_1006], %add3A_1005 {strides = array<i32>} : memref<256xf32, #tpu.memory_space<vmem>>, vector<16xf32>,
        %mul3A_1008 = arith.constant 16 : i32
        %mul3A_1009 = arith.muli %scan3A_264, %mul3A_1008 : i32
        %add3A_1010 = arith.constant 5 : i32
        %add3A_1011 = arith.addi %mul3A_1009, %add3A_1010 : i32
        %get3A_1012 = arith.constant 1 : i32
        %get3A_1013 = arith.index_cast %get3A_1012 : i32 to index
        %get3A_1014 = arith.index_cast %add3A_1011 : i32 to index
        %get3A_1015 = arith.constant 0 : index
        %get3A_1016 = tpu.vector_load %arg11[%get3A_1013, %get3A_1014, %get3A_1015] {strides = array<i32>} : memref<2x64x128xf32, #tpu.memory_space<vmem>>, vector<16xf32>,
        %get3A_1017 = arith.constant 1 : i32
        %get3A_1018 = arith.index_cast %get3A_1017 : i32 to index
        %get3A_1019 = arith.index_cast %add3A_1011 : i32 to index
        %get3A_1020 = arith.constant 0 : index
        %get3A_1021 = tpu.vector_load %arg12[%get3A_1018, %get3A_1019, %get3A_1020] {strides = array<i32>} : memref<2x64x128xf32, #tpu.memory_space<vmem>>, vector<16xf32>,
        %mul3A_1022 = arith.mulf %get3A_1016, %get3A_1021 : vector<16xf32>
        %get3A_1023 = arith.constant 1 : i32
        %get3A_1024 = arith.index_cast %get3A_1023 : i32 to index
        %get3A_1025 = arith.index_cast %add3A_1011 : i32 to index
        %get3A_1026 = arith.constant 0 : index
        %get3A_1027 = tpu.vector_load %arg13[%get3A_1024, %get3A_1025, %get3A_1026] {strides = array<i32>} : memref<2x64x128xf32, #tpu.memory_space<vmem>>, vector<16xf32>,
        %mul3A_1028 = arith.mulf %mul3A_1022, %get3A_1027 : vector<16xf32>
        %get3A_1029 = arith.constant 1 : i32
        %get3A_1030 = arith.index_cast %get3A_1029 : i32 to index
        %get3A_1031 = arith.index_cast %add3A_1011 : i32 to index
        %get3A_1032 = arith.constant 16 : index
        %get3A_1033 = tpu.vector_load %arg11[%get3A_1030, %get3A_1031, %get3A_1032] {strides = array<i32>} : memref<2x64x128xf32, #tpu.memory_space<vmem>>, vector<16xf32>,
        %get3A_1034 = arith.constant 1 : i32
        %get3A_1035 = arith.index_cast %get3A_1034 : i32 to index
        %get3A_1036 = arith.index_cast %add3A_1011 : i32 to index
        %get3A_1037 = arith.constant 16 : index
        %get3A_1038 = tpu.vector_load %arg12[%get3A_1035, %get3A_1036, %get3A_1037] {strides = array<i32>} : memref<2x64x128xf32, #tpu.memory_space<vmem>>, vector<16xf32>,
        %mul3A_1039 = arith.mulf %get3A_1033, %get3A_1038 : vector<16xf32>
        %get3A_1040 = arith.constant 1 : i32
        %get3A_1041 = arith.index_cast %get3A_1040 : i32 to index
        %get3A_1042 = arith.index_cast %add3A_1011 : i32 to index
        %get3A_1043 = arith.constant 16 : index
        %get3A_1044 = tpu.vector_load %arg13[%get3A_1041, %get3A_1042, %get3A_1043] {strides = array<i32>} : memref<2x64x128xf32, #tpu.memory_space<vmem>>, vector<16xf32>,
        %mul3A_1045 = arith.mulf %mul3A_1039, %get3A_1044 : vector<16xf32>
        %add3A_1046 = arith.addf %mul3A_1028, %mul3A_1045 : vector<16xf32>
        %get3A_1047 = arith.constant 1 : i32
        %get3A_1048 = arith.index_cast %get3A_1047 : i32 to index
        %get3A_1049 = arith.index_cast %add3A_1011 : i32 to index
        %get3A_1050 = arith.constant 32 : index
        %get3A_1051 = tpu.vector_load %arg11[%get3A_1048, %get3A_1049, %get3A_1050] {strides = array<i32>} : memref<2x64x128xf32, #tpu.memory_space<vmem>>, vector<16xf32>,
        %get3A_1052 = arith.constant 1 : i32
        %get3A_1053 = arith.index_cast %get3A_1052 : i32 to index
        %get3A_1054 = arith.index_cast %add3A_1011 : i32 to index
        %get3A_1055 = arith.constant 32 : index
        %get3A_1056 = tpu.vector_load %arg12[%get3A_1053, %get3A_1054, %get3A_1055] {strides = array<i32>} : memref<2x64x128xf32, #tpu.memory_space<vmem>>, vector<16xf32>,
        %mul3A_1057 = arith.mulf %get3A_1051, %get3A_1056 : vector<16xf32>
        %get3A_1058 = arith.constant 1 : i32
        %get3A_1059 = arith.index_cast %get3A_1058 : i32 to index
        %get3A_1060 = arith.index_cast %add3A_1011 : i32 to index
        %get3A_1061 = arith.constant 32 : index
        %get3A_1062 = tpu.vector_load %arg13[%get3A_1059, %get3A_1060, %get3A_1061] {strides = array<i32>} : memref<2x64x128xf32, #tpu.memory_space<vmem>>, vector<16xf32>,
        %mul3A_1063 = arith.mulf %mul3A_1057, %get3A_1062 : vector<16xf32>
        %add3A_1064 = arith.addf %add3A_1046, %mul3A_1063 : vector<16xf32>
        %get3A_1065 = arith.constant 1 : i32
        %get3A_1066 = arith.index_cast %get3A_1065 : i32 to index
        %get3A_1067 = arith.index_cast %add3A_1011 : i32 to index
        %get3A_1068 = arith.constant 48 : index
        %get3A_1069 = tpu.vector_load %arg11[%get3A_1066, %get3A_1067, %get3A_1068] {strides = array<i32>} : memref<2x64x128xf32, #tpu.memory_space<vmem>>, vector<16xf32>,
        %get3A_1070 = arith.constant 1 : i32
        %get3A_1071 = arith.index_cast %get3A_1070 : i32 to index
        %get3A_1072 = arith.index_cast %add3A_1011 : i32 to index
        %get3A_1073 = arith.constant 48 : index
        %get3A_1074 = tpu.vector_load %arg12[%get3A_1071, %get3A_1072, %get3A_1073] {strides = array<i32>} : memref<2x64x128xf32, #tpu.memory_space<vmem>>, vector<16xf32>,
        %mul3A_1075 = arith.mulf %get3A_1069, %get3A_1074 : vector<16xf32>
        %get3A_1076 = arith.constant 1 : i32
        %get3A_1077 = arith.index_cast %get3A_1076 : i32 to index
        %get3A_1078 = arith.index_cast %add3A_1011 : i32 to index
        %get3A_1079 = arith.constant 48 : index
        %get3A_1080 = tpu.vector_load %arg13[%get3A_1077, %get3A_1078, %get3A_1079] {strides = array<i32>} : memref<2x64x128xf32, #tpu.memory_space<vmem>>, vector<16xf32>,
        %mul3A_1081 = arith.mulf %mul3A_1075, %get3A_1080 : vector<16xf32>
        %add3A_1082 = arith.addf %add3A_1064, %mul3A_1081 : vector<16xf32>
        %get3A_1083 = arith.constant 1 : i32
        %get3A_1084 = arith.index_cast %get3A_1083 : i32 to index
        %get3A_1085 = arith.index_cast %add3A_1011 : i32 to index
        %get3A_1086 = arith.constant 64 : index
        %get3A_1087 = tpu.vector_load %arg11[%get3A_1084, %get3A_1085, %get3A_1086] {strides = array<i32>} : memref<2x64x128xf32, #tpu.memory_space<vmem>>, vector<16xf32>,
        %get3A_1088 = arith.constant 1 : i32
        %get3A_1089 = arith.index_cast %get3A_1088 : i32 to index
        %get3A_1090 = arith.index_cast %add3A_1011 : i32 to index
        %get3A_1091 = arith.constant 64 : index
        %get3A_1092 = tpu.vector_load %arg12[%get3A_1089, %get3A_1090, %get3A_1091] {strides = array<i32>} : memref<2x64x128xf32, #tpu.memory_space<vmem>>, vector<16xf32>,
        %mul3A_1093 = arith.mulf %get3A_1087, %get3A_1092 : vector<16xf32>
        %get3A_1094 = arith.constant 1 : i32
        %get3A_1095 = arith.index_cast %get3A_1094 : i32 to index
        %get3A_1096 = arith.index_cast %add3A_1011 : i32 to index
        %get3A_1097 = arith.constant 64 : index
        %get3A_1098 = tpu.vector_load %arg13[%get3A_1095, %get3A_1096, %get3A_1097] {strides = array<i32>} : memref<2x64x128xf32, #tpu.memory_space<vmem>>, vector<16xf32>,
        %mul3A_1099 = arith.mulf %mul3A_1093, %get3A_1098 : vector<16xf32>
        %add3A_1100 = arith.addf %add3A_1082, %mul3A_1099 : vector<16xf32>
        %get3A_1101 = arith.constant 1 : i32
        %get3A_1102 = arith.index_cast %get3A_1101 : i32 to index
        %get3A_1103 = arith.index_cast %add3A_1011 : i32 to index
        %get3A_1104 = arith.constant 80 : index
        %get3A_1105 = tpu.vector_load %arg11[%get3A_1102, %get3A_1103, %get3A_1104] {strides = array<i32>} : memref<2x64x128xf32, #tpu.memory_space<vmem>>, vector<16xf32>,
        %get3A_1106 = arith.constant 1 : i32
        %get3A_1107 = arith.index_cast %get3A_1106 : i32 to index
        %get3A_1108 = arith.index_cast %add3A_1011 : i32 to index
        %get3A_1109 = arith.constant 80 : index
        %get3A_1110 = tpu.vector_load %arg12[%get3A_1107, %get3A_1108, %get3A_1109] {strides = array<i32>} : memref<2x64x128xf32, #tpu.memory_space<vmem>>, vector<16xf32>,
        %mul3A_1111 = arith.mulf %get3A_1105, %get3A_1110 : vector<16xf32>
        %get3A_1112 = arith.constant 1 : i32
        %get3A_1113 = arith.index_cast %get3A_1112 : i32 to index
        %get3A_1114 = arith.index_cast %add3A_1011 : i32 to index
        %get3A_1115 = arith.constant 80 : index
        %get3A_1116 = tpu.vector_load %arg13[%get3A_1113, %get3A_1114, %get3A_1115] {strides = array<i32>} : memref<2x64x128xf32, #tpu.memory_space<vmem>>, vector<16xf32>,
        %mul3A_1117 = arith.mulf %mul3A_1111, %get3A_1116 : vector<16xf32>
        %add3A_1118 = arith.addf %add3A_1100, %mul3A_1117 : vector<16xf32>
        %get3A_1119 = arith.constant 1 : i32
        %get3A_1120 = arith.index_cast %get3A_1119 : i32 to index
        %get3A_1121 = arith.index_cast %add3A_1011 : i32 to index
        %get3A_1122 = arith.constant 96 : index
        %get3A_1123 = tpu.vector_load %arg11[%get3A_1120, %get3A_1121, %get3A_1122] {strides = array<i32>} : memref<2x64x128xf32, #tpu.memory_space<vmem>>, vector<16xf32>,
        %get3A_1124 = arith.constant 1 : i32
        %get3A_1125 = arith.index_cast %get3A_1124 : i32 to index
        %get3A_1126 = arith.index_cast %add3A_1011 : i32 to index
        %get3A_1127 = arith.constant 96 : index
        %get3A_1128 = tpu.vector_load %arg12[%get3A_1125, %get3A_1126, %get3A_1127] {strides = array<i32>} : memref<2x64x128xf32, #tpu.memory_space<vmem>>, vector<16xf32>,
        %mul3A_1129 = arith.mulf %get3A_1123, %get3A_1128 : vector<16xf32>
        %get3A_1130 = arith.constant 1 : i32
        %get3A_1131 = arith.index_cast %get3A_1130 : i32 to index
        %get3A_1132 = arith.index_cast %add3A_1011 : i32 to index
        %get3A_1133 = arith.constant 96 : index
        %get3A_1134 = tpu.vector_load %arg13[%get3A_1131, %get3A_1132, %get3A_1133] {strides = array<i32>} : memref<2x64x128xf32, #tpu.memory_space<vmem>>, vector<16xf32>,
        %mul3A_1135 = arith.mulf %mul3A_1129, %get3A_1134 : vector<16xf32>
        %add3A_1136 = arith.addf %add3A_1118, %mul3A_1135 : vector<16xf32>
        %get3A_1137 = arith.constant 1 : i32
        %get3A_1138 = arith.index_cast %get3A_1137 : i32 to index
        %get3A_1139 = arith.index_cast %add3A_1011 : i32 to index
        %get3A_1140 = arith.constant 112 : index
        %get3A_1141 = tpu.vector_load %arg11[%get3A_1138, %get3A_1139, %get3A_1140] {strides = array<i32>} : memref<2x64x128xf32, #tpu.memory_space<vmem>>, vector<16xf32>,
        %get3A_1142 = arith.constant 1 : i32
        %get3A_1143 = arith.index_cast %get3A_1142 : i32 to index
        %get3A_1144 = arith.index_cast %add3A_1011 : i32 to index
        %get3A_1145 = arith.constant 112 : index
        %get3A_1146 = tpu.vector_load %arg12[%get3A_1143, %get3A_1144, %get3A_1145] {strides = array<i32>} : memref<2x64x128xf32, #tpu.memory_space<vmem>>, vector<16xf32>,
        %mul3A_1147 = arith.mulf %get3A_1141, %get3A_1146 : vector<16xf32>
        %get3A_1148 = arith.constant 1 : i32
        %get3A_1149 = arith.index_cast %get3A_1148 : i32 to index
        %get3A_1150 = arith.index_cast %add3A_1011 : i32 to index
        %get3A_1151 = arith.constant 112 : index
        %get3A_1152 = tpu.vector_load %arg13[%get3A_1149, %get3A_1150, %get3A_1151] {strides = array<i32>} : memref<2x64x128xf32, #tpu.memory_space<vmem>>, vector<16xf32>,
        %mul3A_1153 = arith.mulf %mul3A_1147, %get3A_1152 : vector<16xf32>
        %add3A_1154 = arith.addf %add3A_1136, %mul3A_1153 : vector<16xf32>
        %swap3A_1155 = arith.constant 80 : index
        %swap3A_1156 = tpu.vector_load %arg15[%swap3A_1155] {strides = array<i32>} : memref<256xf32, #tpu.memory_space<vmem>>, vector<16xf32>,
        tpu.vector_store %arg15[%swap3A_1155], %add3A_1154 {strides = array<i32>} : memref<256xf32, #tpu.memory_space<vmem>>, vector<16xf32>,
        %mul3A_1157 = arith.constant 16 : i32
        %mul3A_1158 = arith.muli %scan3A_264, %mul3A_1157 : i32
        %add3A_1159 = arith.constant 6 : i32
        %add3A_1160 = arith.addi %mul3A_1158, %add3A_1159 : i32
        %get3A_1161 = arith.constant 1 : i32
        %get3A_1162 = arith.index_cast %get3A_1161 : i32 to index
        %get3A_1163 = arith.index_cast %add3A_1160 : i32 to index
        %get3A_1164 = arith.constant 0 : index
        %get3A_1165 = tpu.vector_load %arg11[%get3A_1162, %get3A_1163, %get3A_1164] {strides = array<i32>} : memref<2x64x128xf32, #tpu.memory_space<vmem>>, vector<16xf32>,
        %get3A_1166 = arith.constant 1 : i32
        %get3A_1167 = arith.index_cast %get3A_1166 : i32 to index
        %get3A_1168 = arith.index_cast %add3A_1160 : i32 to index
        %get3A_1169 = arith.constant 0 : index
        %get3A_1170 = tpu.vector_load %arg12[%get3A_1167, %get3A_1168, %get3A_1169] {strides = array<i32>} : memref<2x64x128xf32, #tpu.memory_space<vmem>>, vector<16xf32>,
        %mul3A_1171 = arith.mulf %get3A_1165, %get3A_1170 : vector<16xf32>
        %get3A_1172 = arith.constant 1 : i32
        %get3A_1173 = arith.index_cast %get3A_1172 : i32 to index
        %get3A_1174 = arith.index_cast %add3A_1160 : i32 to index
        %get3A_1175 = arith.constant 0 : index
        %get3A_1176 = tpu.vector_load %arg13[%get3A_1173, %get3A_1174, %get3A_1175] {strides = array<i32>} : memref<2x64x128xf32, #tpu.memory_space<vmem>>, vector<16xf32>,
        %mul3A_1177 = arith.mulf %mul3A_1171, %get3A_1176 : vector<16xf32>
        %get3A_1178 = arith.constant 1 : i32
        %get3A_1179 = arith.index_cast %get3A_1178 : i32 to index
        %get3A_1180 = arith.index_cast %add3A_1160 : i32 to index
        %get3A_1181 = arith.constant 16 : index
        %get3A_1182 = tpu.vector_load %arg11[%get3A_1179, %get3A_1180, %get3A_1181] {strides = array<i32>} : memref<2x64x128xf32, #tpu.memory_space<vmem>>, vector<16xf32>,
        %get3A_1183 = arith.constant 1 : i32
        %get3A_1184 = arith.index_cast %get3A_1183 : i32 to index
        %get3A_1185 = arith.index_cast %add3A_1160 : i32 to index
        %get3A_1186 = arith.constant 16 : index
        %get3A_1187 = tpu.vector_load %arg12[%get3A_1184, %get3A_1185, %get3A_1186] {strides = array<i32>} : memref<2x64x128xf32, #tpu.memory_space<vmem>>, vector<16xf32>,
        %mul3A_1188 = arith.mulf %get3A_1182, %get3A_1187 : vector<16xf32>
        %get3A_1189 = arith.constant 1 : i32
        %get3A_1190 = arith.index_cast %get3A_1189 : i32 to index
        %get3A_1191 = arith.index_cast %add3A_1160 : i32 to index
        %get3A_1192 = arith.constant 16 : index
        %get3A_1193 = tpu.vector_load %arg13[%get3A_1190, %get3A_1191, %get3A_1192] {strides = array<i32>} : memref<2x64x128xf32, #tpu.memory_space<vmem>>, vector<16xf32>,
        %mul3A_1194 = arith.mulf %mul3A_1188, %get3A_1193 : vector<16xf32>
        %add3A_1195 = arith.addf %mul3A_1177, %mul3A_1194 : vector<16xf32>
        %get3A_1196 = arith.constant 1 : i32
        %get3A_1197 = arith.index_cast %get3A_1196 : i32 to index
        %get3A_1198 = arith.index_cast %add3A_1160 : i32 to index
        %get3A_1199 = arith.constant 32 : index
        %get3A_1200 = tpu.vector_load %arg11[%get3A_1197, %get3A_1198, %get3A_1199] {strides = array<i32>} : memref<2x64x128xf32, #tpu.memory_space<vmem>>, vector<16xf32>,
        %get3A_1201 = arith.constant 1 : i32
        %get3A_1202 = arith.index_cast %get3A_1201 : i32 to index
        %get3A_1203 = arith.index_cast %add3A_1160 : i32 to index
        %get3A_1204 = arith.constant 32 : index
        %get3A_1205 = tpu.vector_load %arg12[%get3A_1202, %get3A_1203, %get3A_1204] {strides = array<i32>} : memref<2x64x128xf32, #tpu.memory_space<vmem>>, vector<16xf32>,
        %mul3A_1206 = arith.mulf %get3A_1200, %get3A_1205 : vector<16xf32>
        %get3A_1207 = arith.constant 1 : i32
        %get3A_1208 = arith.index_cast %get3A_1207 : i32 to index
        %get3A_1209 = arith.index_cast %add3A_1160 : i32 to index
        %get3A_1210 = arith.constant 32 : index
        %get3A_1211 = tpu.vector_load %arg13[%get3A_1208, %get3A_1209, %get3A_1210] {strides = array<i32>} : memref<2x64x128xf32, #tpu.memory_space<vmem>>, vector<16xf32>,
        %mul3A_1212 = arith.mulf %mul3A_1206, %get3A_1211 : vector<16xf32>
        %add3A_1213 = arith.addf %add3A_1195, %mul3A_1212 : vector<16xf32>
        %get3A_1214 = arith.constant 1 : i32
        %get3A_1215 = arith.index_cast %get3A_1214 : i32 to index
        %get3A_1216 = arith.index_cast %add3A_1160 : i32 to index
        %get3A_1217 = arith.constant 48 : index
        %get3A_1218 = tpu.vector_load %arg11[%get3A_1215, %get3A_1216, %get3A_1217] {strides = array<i32>} : memref<2x64x128xf32, #tpu.memory_space<vmem>>, vector<16xf32>,
        %get3A_1219 = arith.constant 1 : i32
        %get3A_1220 = arith.index_cast %get3A_1219 : i32 to index
        %get3A_1221 = arith.index_cast %add3A_1160 : i32 to index
        %get3A_1222 = arith.constant 48 : index
        %get3A_1223 = tpu.vector_load %arg12[%get3A_1220, %get3A_1221, %get3A_1222] {strides = array<i32>} : memref<2x64x128xf32, #tpu.memory_space<vmem>>, vector<16xf32>,
        %mul3A_1224 = arith.mulf %get3A_1218, %get3A_1223 : vector<16xf32>
        %get3A_1225 = arith.constant 1 : i32
        %get3A_1226 = arith.index_cast %get3A_1225 : i32 to index
        %get3A_1227 = arith.index_cast %add3A_1160 : i32 to index
        %get3A_1228 = arith.constant 48 : index
        %get3A_1229 = tpu.vector_load %arg13[%get3A_1226, %get3A_1227, %get3A_1228] {strides = array<i32>} : memref<2x64x128xf32, #tpu.memory_space<vmem>>, vector<16xf32>,
        %mul3A_1230 = arith.mulf %mul3A_1224, %get3A_1229 : vector<16xf32>
        %add3A_1231 = arith.addf %add3A_1213, %mul3A_1230 : vector<16xf32>
        %get3A_1232 = arith.constant 1 : i32
        %get3A_1233 = arith.index_cast %get3A_1232 : i32 to index
        %get3A_1234 = arith.index_cast %add3A_1160 : i32 to index
        %get3A_1235 = arith.constant 64 : index
        %get3A_1236 = tpu.vector_load %arg11[%get3A_1233, %get3A_1234, %get3A_1235] {strides = array<i32>} : memref<2x64x128xf32, #tpu.memory_space<vmem>>, vector<16xf32>,
        %get3A_1237 = arith.constant 1 : i32
        %get3A_1238 = arith.index_cast %get3A_1237 : i32 to index
        %get3A_1239 = arith.index_cast %add3A_1160 : i32 to index
        %get3A_1240 = arith.constant 64 : index
        %get3A_1241 = tpu.vector_load %arg12[%get3A_1238, %get3A_1239, %get3A_1240] {strides = array<i32>} : memref<2x64x128xf32, #tpu.memory_space<vmem>>, vector<16xf32>,
        %mul3A_1242 = arith.mulf %get3A_1236, %get3A_1241 : vector<16xf32>
        %get3A_1243 = arith.constant 1 : i32
        %get3A_1244 = arith.index_cast %get3A_1243 : i32 to index
        %get3A_1245 = arith.index_cast %add3A_1160 : i32 to index
        %get3A_1246 = arith.constant 64 : index
        %get3A_1247 = tpu.vector_load %arg13[%get3A_1244, %get3A_1245, %get3A_1246] {strides = array<i32>} : memref<2x64x128xf32, #tpu.memory_space<vmem>>, vector<16xf32>,
        %mul3A_1248 = arith.mulf %mul3A_1242, %get3A_1247 : vector<16xf32>
        %add3A_1249 = arith.addf %add3A_1231, %mul3A_1248 : vector<16xf32>
        %get3A_1250 = arith.constant 1 : i32
        %get3A_1251 = arith.index_cast %get3A_1250 : i32 to index
        %get3A_1252 = arith.index_cast %add3A_1160 : i32 to index
        %get3A_1253 = arith.constant 80 : index
        %get3A_1254 = tpu.vector_load %arg11[%get3A_1251, %get3A_1252, %get3A_1253] {strides = array<i32>} : memref<2x64x128xf32, #tpu.memory_space<vmem>>, vector<16xf32>,
        %get3A_1255 = arith.constant 1 : i32
        %get3A_1256 = arith.index_cast %get3A_1255 : i32 to index
        %get3A_1257 = arith.index_cast %add3A_1160 : i32 to index
        %get3A_1258 = arith.constant 80 : index
        %get3A_1259 = tpu.vector_load %arg12[%get3A_1256, %get3A_1257, %get3A_1258] {strides = array<i32>} : memref<2x64x128xf32, #tpu.memory_space<vmem>>, vector<16xf32>,
        %mul3A_1260 = arith.mulf %get3A_1254, %get3A_1259 : vector<16xf32>
        %get3A_1261 = arith.constant 1 : i32
        %get3A_1262 = arith.index_cast %get3A_1261 : i32 to index
        %get3A_1263 = arith.index_cast %add3A_1160 : i32 to index
        %get3A_1264 = arith.constant 80 : index
        %get3A_1265 = tpu.vector_load %arg13[%get3A_1262, %get3A_1263, %get3A_1264] {strides = array<i32>} : memref<2x64x128xf32, #tpu.memory_space<vmem>>, vector<16xf32>,
        %mul3A_1266 = arith.mulf %mul3A_1260, %get3A_1265 : vector<16xf32>
        %add3A_1267 = arith.addf %add3A_1249, %mul3A_1266 : vector<16xf32>
        %get3A_1268 = arith.constant 1 : i32
        %get3A_1269 = arith.index_cast %get3A_1268 : i32 to index
        %get3A_1270 = arith.index_cast %add3A_1160 : i32 to index
        %get3A_1271 = arith.constant 96 : index
        %get3A_1272 = tpu.vector_load %arg11[%get3A_1269, %get3A_1270, %get3A_1271] {strides = array<i32>} : memref<2x64x128xf32, #tpu.memory_space<vmem>>, vector<16xf32>,
        %get3A_1273 = arith.constant 1 : i32
        %get3A_1274 = arith.index_cast %get3A_1273 : i32 to index
        %get3A_1275 = arith.index_cast %add3A_1160 : i32 to index
        %get3A_1276 = arith.constant 96 : index
        %get3A_1277 = tpu.vector_load %arg12[%get3A_1274, %get3A_1275, %get3A_1276] {strides = array<i32>} : memref<2x64x128xf32, #tpu.memory_space<vmem>>, vector<16xf32>,
        %mul3A_1278 = arith.mulf %get3A_1272, %get3A_1277 : vector<16xf32>
        %get3A_1279 = arith.constant 1 : i32
        %get3A_1280 = arith.index_cast %get3A_1279 : i32 to index
        %get3A_1281 = arith.index_cast %add3A_1160 : i32 to index
        %get3A_1282 = arith.constant 96 : index
        %get3A_1283 = tpu.vector_load %arg13[%get3A_1280, %get3A_1281, %get3A_1282] {strides = array<i32>} : memref<2x64x128xf32, #tpu.memory_space<vmem>>, vector<16xf32>,
        %mul3A_1284 = arith.mulf %mul3A_1278, %get3A_1283 : vector<16xf32>
        %add3A_1285 = arith.addf %add3A_1267, %mul3A_1284 : vector<16xf32>
        %get3A_1286 = arith.constant 1 : i32
        %get3A_1287 = arith.index_cast %get3A_1286 : i32 to index
        %get3A_1288 = arith.index_cast %add3A_1160 : i32 to index
        %get3A_1289 = arith.constant 112 : index
        %get3A_1290 = tpu.vector_load %arg11[%get3A_1287, %get3A_1288, %get3A_1289] {strides = array<i32>} : memref<2x64x128xf32, #tpu.memory_space<vmem>>, vector<16xf32>,
        %get3A_1291 = arith.constant 1 : i32
        %get3A_1292 = arith.index_cast %get3A_1291 : i32 to index
        %get3A_1293 = arith.index_cast %add3A_1160 : i32 to index
        %get3A_1294 = arith.constant 112 : index
        %get3A_1295 = tpu.vector_load %arg12[%get3A_1292, %get3A_1293, %get3A_1294] {strides = array<i32>} : memref<2x64x128xf32, #tpu.memory_space<vmem>>, vector<16xf32>,
        %mul3A_1296 = arith.mulf %get3A_1290, %get3A_1295 : vector<16xf32>
        %get3A_1297 = arith.constant 1 : i32
        %get3A_1298 = arith.index_cast %get3A_1297 : i32 to index
        %get3A_1299 = arith.index_cast %add3A_1160 : i32 to index
        %get3A_1300 = arith.constant 112 : index
        %get3A_1301 = tpu.vector_load %arg13[%get3A_1298, %get3A_1299, %get3A_1300] {strides = array<i32>} : memref<2x64x128xf32, #tpu.memory_space<vmem>>, vector<16xf32>,
        %mul3A_1302 = arith.mulf %mul3A_1296, %get3A_1301 : vector<16xf32>
        %add3A_1303 = arith.addf %add3A_1285, %mul3A_1302 : vector<16xf32>
        %swap3A_1304 = arith.constant 96 : index
        %swap3A_1305 = tpu.vector_load %arg15[%swap3A_1304] {strides = array<i32>} : memref<256xf32, #tpu.memory_space<vmem>>, vector<16xf32>,
        tpu.vector_store %arg15[%swap3A_1304], %add3A_1303 {strides = array<i32>} : memref<256xf32, #tpu.memory_space<vmem>>, vector<16xf32>,
        %mul3A_1306 = arith.constant 16 : i32
        %mul3A_1307 = arith.muli %scan3A_264, %mul3A_1306 : i32
        %add3A_1308 = arith.constant 7 : i32
        %add3A_1309 = arith.addi %mul3A_1307, %add3A_1308 : i32
        %get3A_1310 = arith.constant 1 : i32
        %get3A_1311 = arith.index_cast %get3A_1310 : i32 to index
        %get3A_1312 = arith.index_cast %add3A_1309 : i32 to index
        %get3A_1313 = arith.constant 0 : index
        %get3A_1314 = tpu.vector_load %arg11[%get3A_1311, %get3A_1312, %get3A_1313] {strides = array<i32>} : memref<2x64x128xf32, #tpu.memory_space<vmem>>, vector<16xf32>,
        %get3A_1315 = arith.constant 1 : i32
        %get3A_1316 = arith.index_cast %get3A_1315 : i32 to index
        %get3A_1317 = arith.index_cast %add3A_1309 : i32 to index
        %get3A_1318 = arith.constant 0 : index
        %get3A_1319 = tpu.vector_load %arg12[%get3A_1316, %get3A_1317, %get3A_1318] {strides = array<i32>} : memref<2x64x128xf32, #tpu.memory_space<vmem>>, vector<16xf32>,
        %mul3A_1320 = arith.mulf %get3A_1314, %get3A_1319 : vector<16xf32>
        %get3A_1321 = arith.constant 1 : i32
        %get3A_1322 = arith.index_cast %get3A_1321 : i32 to index
        %get3A_1323 = arith.index_cast %add3A_1309 : i32 to index
        %get3A_1324 = arith.constant 0 : index
        %get3A_1325 = tpu.vector_load %arg13[%get3A_1322, %get3A_1323, %get3A_1324] {strides = array<i32>} : memref<2x64x128xf32, #tpu.memory_space<vmem>>, vector<16xf32>,
        %mul3A_1326 = arith.mulf %mul3A_1320, %get3A_1325 : vector<16xf32>
        %get3A_1327 = arith.constant 1 : i32
        %get3A_1328 = arith.index_cast %get3A_1327 : i32 to index
        %get3A_1329 = arith.index_cast %add3A_1309 : i32 to index
        %get3A_1330 = arith.constant 16 : index
        %get3A_1331 = tpu.vector_load %arg11[%get3A_1328, %get3A_1329, %get3A_1330] {strides = array<i32>} : memref<2x64x128xf32, #tpu.memory_space<vmem>>, vector<16xf32>,
        %get3A_1332 = arith.constant 1 : i32
        %get3A_1333 = arith.index_cast %get3A_1332 : i32 to index
        %get3A_1334 = arith.index_cast %add3A_1309 : i32 to index
        %get3A_1335 = arith.constant 16 : index
        %get3A_1336 = tpu.vector_load %arg12[%get3A_1333, %get3A_1334, %get3A_1335] {strides = array<i32>} : memref<2x64x128xf32, #tpu.memory_space<vmem>>, vector<16xf32>,
        %mul3A_1337 = arith.mulf %get3A_1331, %get3A_1336 : vector<16xf32>
        %get3A_1338 = arith.constant 1 : i32
        %get3A_1339 = arith.index_cast %get3A_1338 : i32 to index
        %get3A_1340 = arith.index_cast %add3A_1309 : i32 to index
        %get3A_1341 = arith.constant 16 : index
        %get3A_1342 = tpu.vector_load %arg13[%get3A_1339, %get3A_1340, %get3A_1341] {strides = array<i32>} : memref<2x64x128xf32, #tpu.memory_space<vmem>>, vector<16xf32>,
        %mul3A_1343 = arith.mulf %mul3A_1337, %get3A_1342 : vector<16xf32>
        %add3A_1344 = arith.addf %mul3A_1326, %mul3A_1343 : vector<16xf32>
        %get3A_1345 = arith.constant 1 : i32
        %get3A_1346 = arith.index_cast %get3A_1345 : i32 to index
        %get3A_1347 = arith.index_cast %add3A_1309 : i32 to index
        %get3A_1348 = arith.constant 32 : index
        %get3A_1349 = tpu.vector_load %arg11[%get3A_1346, %get3A_1347, %get3A_1348] {strides = array<i32>} : memref<2x64x128xf32, #tpu.memory_space<vmem>>, vector<16xf32>,
        %get3A_1350 = arith.constant 1 : i32
        %get3A_1351 = arith.index_cast %get3A_1350 : i32 to index
        %get3A_1352 = arith.index_cast %add3A_1309 : i32 to index
        %get3A_1353 = arith.constant 32 : index
        %get3A_1354 = tpu.vector_load %arg12[%get3A_1351, %get3A_1352, %get3A_1353] {strides = array<i32>} : memref<2x64x128xf32, #tpu.memory_space<vmem>>, vector<16xf32>,
        %mul3A_1355 = arith.mulf %get3A_1349, %get3A_1354 : vector<16xf32>
        %get3A_1356 = arith.constant 1 : i32
        %get3A_1357 = arith.index_cast %get3A_1356 : i32 to index
        %get3A_1358 = arith.index_cast %add3A_1309 : i32 to index
        %get3A_1359 = arith.constant 32 : index
        %get3A_1360 = tpu.vector_load %arg13[%get3A_1357, %get3A_1358, %get3A_1359] {strides = array<i32>} : memref<2x64x128xf32, #tpu.memory_space<vmem>>, vector<16xf32>,
        %mul3A_1361 = arith.mulf %mul3A_1355, %get3A_1360 : vector<16xf32>
        %add3A_1362 = arith.addf %add3A_1344, %mul3A_1361 : vector<16xf32>
        %get3A_1363 = arith.constant 1 : i32
        %get3A_1364 = arith.index_cast %get3A_1363 : i32 to index
        %get3A_1365 = arith.index_cast %add3A_1309 : i32 to index
        %get3A_1366 = arith.constant 48 : index
        %get3A_1367 = tpu.vector_load %arg11[%get3A_1364, %get3A_1365, %get3A_1366] {strides = array<i32>} : memref<2x64x128xf32, #tpu.memory_space<vmem>>, vector<16xf32>,
        %get3A_1368 = arith.constant 1 : i32
        %get3A_1369 = arith.index_cast %get3A_1368 : i32 to index
        %get3A_1370 = arith.index_cast %add3A_1309 : i32 to index
        %get3A_1371 = arith.constant 48 : index
        %get3A_1372 = tpu.vector_load %arg12[%get3A_1369, %get3A_1370, %get3A_1371] {strides = array<i32>} : memref<2x64x128xf32, #tpu.memory_space<vmem>>, vector<16xf32>,
        %mul3A_1373 = arith.mulf %get3A_1367, %get3A_1372 : vector<16xf32>
        %get3A_1374 = arith.constant 1 : i32
        %get3A_1375 = arith.index_cast %get3A_1374 : i32 to index
        %get3A_1376 = arith.index_cast %add3A_1309 : i32 to index
        %get3A_1377 = arith.constant 48 : index
        %get3A_1378 = tpu.vector_load %arg13[%get3A_1375, %get3A_1376, %get3A_1377] {strides = array<i32>} : memref<2x64x128xf32, #tpu.memory_space<vmem>>, vector<16xf32>,
        %mul3A_1379 = arith.mulf %mul3A_1373, %get3A_1378 : vector<16xf32>
        %add3A_1380 = arith.addf %add3A_1362, %mul3A_1379 : vector<16xf32>
        %get3A_1381 = arith.constant 1 : i32
        %get3A_1382 = arith.index_cast %get3A_1381 : i32 to index
        %get3A_1383 = arith.index_cast %add3A_1309 : i32 to index
        %get3A_1384 = arith.constant 64 : index
        %get3A_1385 = tpu.vector_load %arg11[%get3A_1382, %get3A_1383, %get3A_1384] {strides = array<i32>} : memref<2x64x128xf32, #tpu.memory_space<vmem>>, vector<16xf32>,
        %get3A_1386 = arith.constant 1 : i32
        %get3A_1387 = arith.index_cast %get3A_1386 : i32 to index
        %get3A_1388 = arith.index_cast %add3A_1309 : i32 to index
        %get3A_1389 = arith.constant 64 : index
        %get3A_1390 = tpu.vector_load %arg12[%get3A_1387, %get3A_1388, %get3A_1389] {strides = array<i32>} : memref<2x64x128xf32, #tpu.memory_space<vmem>>, vector<16xf32>,
        %mul3A_1391 = arith.mulf %get3A_1385, %get3A_1390 : vector<16xf32>
        %get3A_1392 = arith.constant 1 : i32
        %get3A_1393 = arith.index_cast %get3A_1392 : i32 to index
        %get3A_1394 = arith.index_cast %add3A_1309 : i32 to index
        %get3A_1395 = arith.constant 64 : index
        %get3A_1396 = tpu.vector_load %arg13[%get3A_1393, %get3A_1394, %get3A_1395] {strides = array<i32>} : memref<2x64x128xf32, #tpu.memory_space<vmem>>, vector<16xf32>,
        %mul3A_1397 = arith.mulf %mul3A_1391, %get3A_1396 : vector<16xf32>
        %add3A_1398 = arith.addf %add3A_1380, %mul3A_1397 : vector<16xf32>
        %get3A_1399 = arith.constant 1 : i32
        %get3A_1400 = arith.index_cast %get3A_1399 : i32 to index
        %get3A_1401 = arith.index_cast %add3A_1309 : i32 to index
        %get3A_1402 = arith.constant 80 : index
        %get3A_1403 = tpu.vector_load %arg11[%get3A_1400, %get3A_1401, %get3A_1402] {strides = array<i32>} : memref<2x64x128xf32, #tpu.memory_space<vmem>>, vector<16xf32>,
        %get3A_1404 = arith.constant 1 : i32
        %get3A_1405 = arith.index_cast %get3A_1404 : i32 to index
        %get3A_1406 = arith.index_cast %add3A_1309 : i32 to index
        %get3A_1407 = arith.constant 80 : index
        %get3A_1408 = tpu.vector_load %arg12[%get3A_1405, %get3A_1406, %get3A_1407] {strides = array<i32>} : memref<2x64x128xf32, #tpu.memory_space<vmem>>, vector<16xf32>,
        %mul3A_1409 = arith.mulf %get3A_1403, %get3A_1408 : vector<16xf32>
        %get3A_1410 = arith.constant 1 : i32
        %get3A_1411 = arith.index_cast %get3A_1410 : i32 to index
        %get3A_1412 = arith.index_cast %add3A_1309 : i32 to index
        %get3A_1413 = arith.constant 80 : index
        %get3A_1414 = tpu.vector_load %arg13[%get3A_1411, %get3A_1412, %get3A_1413] {strides = array<i32>} : memref<2x64x128xf32, #tpu.memory_space<vmem>>, vector<16xf32>,
        %mul3A_1415 = arith.mulf %mul3A_1409, %get3A_1414 : vector<16xf32>
        %add3A_1416 = arith.addf %add3A_1398, %mul3A_1415 : vector<16xf32>
        %get3A_1417 = arith.constant 1 : i32
        %get3A_1418 = arith.index_cast %get3A_1417 : i32 to index
        %get3A_1419 = arith.index_cast %add3A_1309 : i32 to index
        %get3A_1420 = arith.constant 96 : index
        %get3A_1421 = tpu.vector_load %arg11[%get3A_1418, %get3A_1419, %get3A_1420] {strides = array<i32>} : memref<2x64x128xf32, #tpu.memory_space<vmem>>, vector<16xf32>,
        %get3A_1422 = arith.constant 1 : i32
        %get3A_1423 = arith.index_cast %get3A_1422 : i32 to index
        %get3A_1424 = arith.index_cast %add3A_1309 : i32 to index
        %get3A_1425 = arith.constant 96 : index
        %get3A_1426 = tpu.vector_load %arg12[%get3A_1423, %get3A_1424, %get3A_1425] {strides = array<i32>} : memref<2x64x128xf32, #tpu.memory_space<vmem>>, vector<16xf32>,
        %mul3A_1427 = arith.mulf %get3A_1421, %get3A_1426 : vector<16xf32>
        %get3A_1428 = arith.constant 1 : i32
        %get3A_1429 = arith.index_cast %get3A_1428 : i32 to index
        %get3A_1430 = arith.index_cast %add3A_1309 : i32 to index
        %get3A_1431 = arith.constant 96 : index
        %get3A_1432 = tpu.vector_load %arg13[%get3A_1429, %get3A_1430, %get3A_1431] {strides = array<i32>} : memref<2x64x128xf32, #tpu.memory_space<vmem>>, vector<16xf32>,
        %mul3A_1433 = arith.mulf %mul3A_1427, %get3A_1432 : vector<16xf32>
        %add3A_1434 = arith.addf %add3A_1416, %mul3A_1433 : vector<16xf32>
        %get3A_1435 = arith.constant 1 : i32
        %get3A_1436 = arith.index_cast %get3A_1435 : i32 to index
        %get3A_1437 = arith.index_cast %add3A_1309 : i32 to index
        %get3A_1438 = arith.constant 112 : index
        %get3A_1439 = tpu.vector_load %arg11[%get3A_1436, %get3A_1437, %get3A_1438] {strides = array<i32>} : memref<2x64x128xf32, #tpu.memory_space<vmem>>, vector<16xf32>,
        %get3A_1440 = arith.constant 1 : i32
        %get3A_1441 = arith.index_cast %get3A_1440 : i32 to index
        %get3A_1442 = arith.index_cast %add3A_1309 : i32 to index
        %get3A_1443 = arith.constant 112 : index
        %get3A_1444 = tpu.vector_load %arg12[%get3A_1441, %get3A_1442, %get3A_1443] {strides = array<i32>} : memref<2x64x128xf32, #tpu.memory_space<vmem>>, vector<16xf32>,
        %mul3A_1445 = arith.mulf %get3A_1439, %get3A_1444 : vector<16xf32>
        %get3A_1446 = arith.constant 1 : i32
        %get3A_1447 = arith.index_cast %get3A_1446 : i32 to index
        %get3A_1448 = arith.index_cast %add3A_1309 : i32 to index
        %get3A_1449 = arith.constant 112 : index
        %get3A_1450 = tpu.vector_load %arg13[%get3A_1447, %get3A_1448, %get3A_1449] {strides = array<i32>} : memref<2x64x128xf32, #tpu.memory_space<vmem>>, vector<16xf32>,
        %mul3A_1451 = arith.mulf %mul3A_1445, %get3A_1450 : vector<16xf32>
        %add3A_1452 = arith.addf %add3A_1434, %mul3A_1451 : vector<16xf32>
        %swap3A_1453 = arith.constant 112 : index
        %swap3A_1454 = tpu.vector_load %arg15[%swap3A_1453] {strides = array<i32>} : memref<256xf32, #tpu.memory_space<vmem>>, vector<16xf32>,
        tpu.vector_store %arg15[%swap3A_1453], %add3A_1452 {strides = array<i32>} : memref<256xf32, #tpu.memory_space<vmem>>, vector<16xf32>,
        %mul3A_1455 = arith.constant 16 : i32
        %mul3A_1456 = arith.muli %scan3A_264, %mul3A_1455 : i32
        %add3A_1457 = arith.constant 8 : i32
        %add3A_1458 = arith.addi %mul3A_1456, %add3A_1457 : i32
        %get3A_1459 = arith.constant 1 : i32
        %get3A_1460 = arith.index_cast %get3A_1459 : i32 to index
        %get3A_1461 = arith.index_cast %add3A_1458 : i32 to index
        %get3A_1462 = arith.constant 0 : index
        %get3A_1463 = tpu.vector_load %arg11[%get3A_1460, %get3A_1461, %get3A_1462] {strides = array<i32>} : memref<2x64x128xf32, #tpu.memory_space<vmem>>, vector<16xf32>,
        %get3A_1464 = arith.constant 1 : i32
        %get3A_1465 = arith.index_cast %get3A_1464 : i32 to index
        %get3A_1466 = arith.index_cast %add3A_1458 : i32 to index
        %get3A_1467 = arith.constant 0 : index
        %get3A_1468 = tpu.vector_load %arg12[%get3A_1465, %get3A_1466, %get3A_1467] {strides = array<i32>} : memref<2x64x128xf32, #tpu.memory_space<vmem>>, vector<16xf32>,
        %mul3A_1469 = arith.mulf %get3A_1463, %get3A_1468 : vector<16xf32>
        %get3A_1470 = arith.constant 1 : i32
        %get3A_1471 = arith.index_cast %get3A_1470 : i32 to index
        %get3A_1472 = arith.index_cast %add3A_1458 : i32 to index
        %get3A_1473 = arith.constant 0 : index
        %get3A_1474 = tpu.vector_load %arg13[%get3A_1471, %get3A_1472, %get3A_1473] {strides = array<i32>} : memref<2x64x128xf32, #tpu.memory_space<vmem>>, vector<16xf32>,
        %mul3A_1475 = arith.mulf %mul3A_1469, %get3A_1474 : vector<16xf32>
        %get3A_1476 = arith.constant 1 : i32
        %get3A_1477 = arith.index_cast %get3A_1476 : i32 to index
        %get3A_1478 = arith.index_cast %add3A_1458 : i32 to index
        %get3A_1479 = arith.constant 16 : index
        %get3A_1480 = tpu.vector_load %arg11[%get3A_1477, %get3A_1478, %get3A_1479] {strides = array<i32>} : memref<2x64x128xf32, #tpu.memory_space<vmem>>, vector<16xf32>,
        %get3A_1481 = arith.constant 1 : i32
        %get3A_1482 = arith.index_cast %get3A_1481 : i32 to index
        %get3A_1483 = arith.index_cast %add3A_1458 : i32 to index
        %get3A_1484 = arith.constant 16 : index
        %get3A_1485 = tpu.vector_load %arg12[%get3A_1482, %get3A_1483, %get3A_1484] {strides = array<i32>} : memref<2x64x128xf32, #tpu.memory_space<vmem>>, vector<16xf32>,
        %mul3A_1486 = arith.mulf %get3A_1480, %get3A_1485 : vector<16xf32>
        %get3A_1487 = arith.constant 1 : i32
        %get3A_1488 = arith.index_cast %get3A_1487 : i32 to index
        %get3A_1489 = arith.index_cast %add3A_1458 : i32 to index
        %get3A_1490 = arith.constant 16 : index
        %get3A_1491 = tpu.vector_load %arg13[%get3A_1488, %get3A_1489, %get3A_1490] {strides = array<i32>} : memref<2x64x128xf32, #tpu.memory_space<vmem>>, vector<16xf32>,
        %mul3A_1492 = arith.mulf %mul3A_1486, %get3A_1491 : vector<16xf32>
        %add3A_1493 = arith.addf %mul3A_1475, %mul3A_1492 : vector<16xf32>
        %get3A_1494 = arith.constant 1 : i32
        %get3A_1495 = arith.index_cast %get3A_1494 : i32 to index
        %get3A_1496 = arith.index_cast %add3A_1458 : i32 to index
        %get3A_1497 = arith.constant 32 : index
        %get3A_1498 = tpu.vector_load %arg11[%get3A_1495, %get3A_1496, %get3A_1497] {strides = array<i32>} : memref<2x64x128xf32, #tpu.memory_space<vmem>>, vector<16xf32>,
        %get3A_1499 = arith.constant 1 : i32
        %get3A_1500 = arith.index_cast %get3A_1499 : i32 to index
        %get3A_1501 = arith.index_cast %add3A_1458 : i32 to index
        %get3A_1502 = arith.constant 32 : index
        %get3A_1503 = tpu.vector_load %arg12[%get3A_1500, %get3A_1501, %get3A_1502] {strides = array<i32>} : memref<2x64x128xf32, #tpu.memory_space<vmem>>, vector<16xf32>,
        %mul3A_1504 = arith.mulf %get3A_1498, %get3A_1503 : vector<16xf32>
        %get3A_1505 = arith.constant 1 : i32
        %get3A_1506 = arith.index_cast %get3A_1505 : i32 to index
        %get3A_1507 = arith.index_cast %add3A_1458 : i32 to index
        %get3A_1508 = arith.constant 32 : index
        %get3A_1509 = tpu.vector_load %arg13[%get3A_1506, %get3A_1507, %get3A_1508] {strides = array<i32>} : memref<2x64x128xf32, #tpu.memory_space<vmem>>, vector<16xf32>,
        %mul3A_1510 = arith.mulf %mul3A_1504, %get3A_1509 : vector<16xf32>
        %add3A_1511 = arith.addf %add3A_1493, %mul3A_1510 : vector<16xf32>
        %get3A_1512 = arith.constant 1 : i32
        %get3A_1513 = arith.index_cast %get3A_1512 : i32 to index
        %get3A_1514 = arith.index_cast %add3A_1458 : i32 to index
        %get3A_1515 = arith.constant 48 : index
        %get3A_1516 = tpu.vector_load %arg11[%get3A_1513, %get3A_1514, %get3A_1515] {strides = array<i32>} : memref<2x64x128xf32, #tpu.memory_space<vmem>>, vector<16xf32>,
        %get3A_1517 = arith.constant 1 : i32
        %get3A_1518 = arith.index_cast %get3A_1517 : i32 to index
        %get3A_1519 = arith.index_cast %add3A_1458 : i32 to index
        %get3A_1520 = arith.constant 48 : index
        %get3A_1521 = tpu.vector_load %arg12[%get3A_1518, %get3A_1519, %get3A_1520] {strides = array<i32>} : memref<2x64x128xf32, #tpu.memory_space<vmem>>, vector<16xf32>,
        %mul3A_1522 = arith.mulf %get3A_1516, %get3A_1521 : vector<16xf32>
        %get3A_1523 = arith.constant 1 : i32
        %get3A_1524 = arith.index_cast %get3A_1523 : i32 to index
        %get3A_1525 = arith.index_cast %add3A_1458 : i32 to index
        %get3A_1526 = arith.constant 48 : index
        %get3A_1527 = tpu.vector_load %arg13[%get3A_1524, %get3A_1525, %get3A_1526] {strides = array<i32>} : memref<2x64x128xf32, #tpu.memory_space<vmem>>, vector<16xf32>,
        %mul3A_1528 = arith.mulf %mul3A_1522, %get3A_1527 : vector<16xf32>
        %add3A_1529 = arith.addf %add3A_1511, %mul3A_1528 : vector<16xf32>
        %get3A_1530 = arith.constant 1 : i32
        %get3A_1531 = arith.index_cast %get3A_1530 : i32 to index
        %get3A_1532 = arith.index_cast %add3A_1458 : i32 to index
        %get3A_1533 = arith.constant 64 : index
        %get3A_1534 = tpu.vector_load %arg11[%get3A_1531, %get3A_1532, %get3A_1533] {strides = array<i32>} : memref<2x64x128xf32, #tpu.memory_space<vmem>>, vector<16xf32>,
        %get3A_1535 = arith.constant 1 : i32
        %get3A_1536 = arith.index_cast %get3A_1535 : i32 to index
        %get3A_1537 = arith.index_cast %add3A_1458 : i32 to index
        %get3A_1538 = arith.constant 64 : index
        %get3A_1539 = tpu.vector_load %arg12[%get3A_1536, %get3A_1537, %get3A_1538] {strides = array<i32>} : memref<2x64x128xf32, #tpu.memory_space<vmem>>, vector<16xf32>,
        %mul3A_1540 = arith.mulf %get3A_1534, %get3A_1539 : vector<16xf32>
        %get3A_1541 = arith.constant 1 : i32
        %get3A_1542 = arith.index_cast %get3A_1541 : i32 to index
        %get3A_1543 = arith.index_cast %add3A_1458 : i32 to index
        %get3A_1544 = arith.constant 64 : index
        %get3A_1545 = tpu.vector_load %arg13[%get3A_1542, %get3A_1543, %get3A_1544] {strides = array<i32>} : memref<2x64x128xf32, #tpu.memory_space<vmem>>, vector<16xf32>,
        %mul3A_1546 = arith.mulf %mul3A_1540, %get3A_1545 : vector<16xf32>
        %add3A_1547 = arith.addf %add3A_1529, %mul3A_1546 : vector<16xf32>
        %get3A_1548 = arith.constant 1 : i32
        %get3A_1549 = arith.index_cast %get3A_1548 : i32 to index
        %get3A_1550 = arith.index_cast %add3A_1458 : i32 to index
        %get3A_1551 = arith.constant 80 : index
        %get3A_1552 = tpu.vector_load %arg11[%get3A_1549, %get3A_1550, %get3A_1551] {strides = array<i32>} : memref<2x64x128xf32, #tpu.memory_space<vmem>>, vector<16xf32>,
        %get3A_1553 = arith.constant 1 : i32
        %get3A_1554 = arith.index_cast %get3A_1553 : i32 to index
        %get3A_1555 = arith.index_cast %add3A_1458 : i32 to index
        %get3A_1556 = arith.constant 80 : index
        %get3A_1557 = tpu.vector_load %arg12[%get3A_1554, %get3A_1555, %get3A_1556] {strides = array<i32>} : memref<2x64x128xf32, #tpu.memory_space<vmem>>, vector<16xf32>,
        %mul3A_1558 = arith.mulf %get3A_1552, %get3A_1557 : vector<16xf32>
        %get3A_1559 = arith.constant 1 : i32
        %get3A_1560 = arith.index_cast %get3A_1559 : i32 to index
        %get3A_1561 = arith.index_cast %add3A_1458 : i32 to index
        %get3A_1562 = arith.constant 80 : index
        %get3A_1563 = tpu.vector_load %arg13[%get3A_1560, %get3A_1561, %get3A_1562] {strides = array<i32>} : memref<2x64x128xf32, #tpu.memory_space<vmem>>, vector<16xf32>,
        %mul3A_1564 = arith.mulf %mul3A_1558, %get3A_1563 : vector<16xf32>
        %add3A_1565 = arith.addf %add3A_1547, %mul3A_1564 : vector<16xf32>
        %get3A_1566 = arith.constant 1 : i32
        %get3A_1567 = arith.index_cast %get3A_1566 : i32 to index
        %get3A_1568 = arith.index_cast %add3A_1458 : i32 to index
        %get3A_1569 = arith.constant 96 : index
        %get3A_1570 = tpu.vector_load %arg11[%get3A_1567, %get3A_1568, %get3A_1569] {strides = array<i32>} : memref<2x64x128xf32, #tpu.memory_space<vmem>>, vector<16xf32>,
        %get3A_1571 = arith.constant 1 : i32
        %get3A_1572 = arith.index_cast %get3A_1571 : i32 to index
        %get3A_1573 = arith.index_cast %add3A_1458 : i32 to index
        %get3A_1574 = arith.constant 96 : index
        %get3A_1575 = tpu.vector_load %arg12[%get3A_1572, %get3A_1573, %get3A_1574] {strides = array<i32>} : memref<2x64x128xf32, #tpu.memory_space<vmem>>, vector<16xf32>,
        %mul3A_1576 = arith.mulf %get3A_1570, %get3A_1575 : vector<16xf32>
        %get3A_1577 = arith.constant 1 : i32
        %get3A_1578 = arith.index_cast %get3A_1577 : i32 to index
        %get3A_1579 = arith.index_cast %add3A_1458 : i32 to index
        %get3A_1580 = arith.constant 96 : index
        %get3A_1581 = tpu.vector_load %arg13[%get3A_1578, %get3A_1579, %get3A_1580] {strides = array<i32>} : memref<2x64x128xf32, #tpu.memory_space<vmem>>, vector<16xf32>,
        %mul3A_1582 = arith.mulf %mul3A_1576, %get3A_1581 : vector<16xf32>
        %add3A_1583 = arith.addf %add3A_1565, %mul3A_1582 : vector<16xf32>
        %get3A_1584 = arith.constant 1 : i32
        %get3A_1585 = arith.index_cast %get3A_1584 : i32 to index
        %get3A_1586 = arith.index_cast %add3A_1458 : i32 to index
        %get3A_1587 = arith.constant 112 : index
        %get3A_1588 = tpu.vector_load %arg11[%get3A_1585, %get3A_1586, %get3A_1587] {strides = array<i32>} : memref<2x64x128xf32, #tpu.memory_space<vmem>>, vector<16xf32>,
        %get3A_1589 = arith.constant 1 : i32
        %get3A_1590 = arith.index_cast %get3A_1589 : i32 to index
        %get3A_1591 = arith.index_cast %add3A_1458 : i32 to index
        %get3A_1592 = arith.constant 112 : index
        %get3A_1593 = tpu.vector_load %arg12[%get3A_1590, %get3A_1591, %get3A_1592] {strides = array<i32>} : memref<2x64x128xf32, #tpu.memory_space<vmem>>, vector<16xf32>,
        %mul3A_1594 = arith.mulf %get3A_1588, %get3A_1593 : vector<16xf32>
        %get3A_1595 = arith.constant 1 : i32
        %get3A_1596 = arith.index_cast %get3A_1595 : i32 to index
        %get3A_1597 = arith.index_cast %add3A_1458 : i32 to index
        %get3A_1598 = arith.constant 112 : index
        %get3A_1599 = tpu.vector_load %arg13[%get3A_1596, %get3A_1597, %get3A_1598] {strides = array<i32>} : memref<2x64x128xf32, #tpu.memory_space<vmem>>, vector<16xf32>,
        %mul3A_1600 = arith.mulf %mul3A_1594, %get3A_1599 : vector<16xf32>
        %add3A_1601 = arith.addf %add3A_1583, %mul3A_1600 : vector<16xf32>
        %swap3A_1602 = arith.constant 128 : index
        %swap3A_1603 = tpu.vector_load %arg15[%swap3A_1602] {strides = array<i32>} : memref<256xf32, #tpu.memory_space<vmem>>, vector<16xf32>,
        tpu.vector_store %arg15[%swap3A_1602], %add3A_1601 {strides = array<i32>} : memref<256xf32, #tpu.memory_space<vmem>>, vector<16xf32>,
        %mul3A_1604 = arith.constant 16 : i32
        %mul3A_1605 = arith.muli %scan3A_264, %mul3A_1604 : i32
        %add3A_1606 = arith.constant 9 : i32
        %add3A_1607 = arith.addi %mul3A_1605, %add3A_1606 : i32
        %get3A_1608 = arith.constant 1 : i32
        %get3A_1609 = arith.index_cast %get3A_1608 : i32 to index
        %get3A_1610 = arith.index_cast %add3A_1607 : i32 to index
        %get3A_1611 = arith.constant 0 : index
        %get3A_1612 = tpu.vector_load %arg11[%get3A_1609, %get3A_1610, %get3A_1611] {strides = array<i32>} : memref<2x64x128xf32, #tpu.memory_space<vmem>>, vector<16xf32>,
        %get3A_1613 = arith.constant 1 : i32
        %get3A_1614 = arith.index_cast %get3A_1613 : i32 to index
        %get3A_1615 = arith.index_cast %add3A_1607 : i32 to index
        %get3A_1616 = arith.constant 0 : index
        %get3A_1617 = tpu.vector_load %arg12[%get3A_1614, %get3A_1615, %get3A_1616] {strides = array<i32>} : memref<2x64x128xf32, #tpu.memory_space<vmem>>, vector<16xf32>,
        %mul3A_1618 = arith.mulf %get3A_1612, %get3A_1617 : vector<16xf32>
        %get3A_1619 = arith.constant 1 : i32
        %get3A_1620 = arith.index_cast %get3A_1619 : i32 to index
        %get3A_1621 = arith.index_cast %add3A_1607 : i32 to index
        %get3A_1622 = arith.constant 0 : index
        %get3A_1623 = tpu.vector_load %arg13[%get3A_1620, %get3A_1621, %get3A_1622] {strides = array<i32>} : memref<2x64x128xf32, #tpu.memory_space<vmem>>, vector<16xf32>,
        %mul3A_1624 = arith.mulf %mul3A_1618, %get3A_1623 : vector<16xf32>
        %get3A_1625 = arith.constant 1 : i32
        %get3A_1626 = arith.index_cast %get3A_1625 : i32 to index
        %get3A_1627 = arith.index_cast %add3A_1607 : i32 to index
        %get3A_1628 = arith.constant 16 : index
        %get3A_1629 = tpu.vector_load %arg11[%get3A_1626, %get3A_1627, %get3A_1628] {strides = array<i32>} : memref<2x64x128xf32, #tpu.memory_space<vmem>>, vector<16xf32>,
        %get3A_1630 = arith.constant 1 : i32
        %get3A_1631 = arith.index_cast %get3A_1630 : i32 to index
        %get3A_1632 = arith.index_cast %add3A_1607 : i32 to index
        %get3A_1633 = arith.constant 16 : index
        %get3A_1634 = tpu.vector_load %arg12[%get3A_1631, %get3A_1632, %get3A_1633] {strides = array<i32>} : memref<2x64x128xf32, #tpu.memory_space<vmem>>, vector<16xf32>,
        %mul3A_1635 = arith.mulf %get3A_1629, %get3A_1634 : vector<16xf32>
        %get3A_1636 = arith.constant 1 : i32
        %get3A_1637 = arith.index_cast %get3A_1636 : i32 to index
        %get3A_1638 = arith.index_cast %add3A_1607 : i32 to index
        %get3A_1639 = arith.constant 16 : index
        %get3A_1640 = tpu.vector_load %arg13[%get3A_1637, %get3A_1638, %get3A_1639] {strides = array<i32>} : memref<2x64x128xf32, #tpu.memory_space<vmem>>, vector<16xf32>,
        %mul3A_1641 = arith.mulf %mul3A_1635, %get3A_1640 : vector<16xf32>
        %add3A_1642 = arith.addf %mul3A_1624, %mul3A_1641 : vector<16xf32>
        %get3A_1643 = arith.constant 1 : i32
        %get3A_1644 = arith.index_cast %get3A_1643 : i32 to index
        %get3A_1645 = arith.index_cast %add3A_1607 : i32 to index
        %get3A_1646 = arith.constant 32 : index
        %get3A_1647 = tpu.vector_load %arg11[%get3A_1644, %get3A_1645, %get3A_1646] {strides = array<i32>} : memref<2x64x128xf32, #tpu.memory_space<vmem>>, vector<16xf32>,
        %get3A_1648 = arith.constant 1 : i32
        %get3A_1649 = arith.index_cast %get3A_1648 : i32 to index
        %get3A_1650 = arith.index_cast %add3A_1607 : i32 to index
        %get3A_1651 = arith.constant 32 : index
        %get3A_1652 = tpu.vector_load %arg12[%get3A_1649, %get3A_1650, %get3A_1651] {strides = array<i32>} : memref<2x64x128xf32, #tpu.memory_space<vmem>>, vector<16xf32>,
        %mul3A_1653 = arith.mulf %get3A_1647, %get3A_1652 : vector<16xf32>
        %get3A_1654 = arith.constant 1 : i32
        %get3A_1655 = arith.index_cast %get3A_1654 : i32 to index
        %get3A_1656 = arith.index_cast %add3A_1607 : i32 to index
        %get3A_1657 = arith.constant 32 : index
        %get3A_1658 = tpu.vector_load %arg13[%get3A_1655, %get3A_1656, %get3A_1657] {strides = array<i32>} : memref<2x64x128xf32, #tpu.memory_space<vmem>>, vector<16xf32>,
        %mul3A_1659 = arith.mulf %mul3A_1653, %get3A_1658 : vector<16xf32>
        %add3A_1660 = arith.addf %add3A_1642, %mul3A_1659 : vector<16xf32>
        %get3A_1661 = arith.constant 1 : i32
        %get3A_1662 = arith.index_cast %get3A_1661 : i32 to index
        %get3A_1663 = arith.index_cast %add3A_1607 : i32 to index
        %get3A_1664 = arith.constant 48 : index
        %get3A_1665 = tpu.vector_load %arg11[%get3A_1662, %get3A_1663, %get3A_1664] {strides = array<i32>} : memref<2x64x128xf32, #tpu.memory_space<vmem>>, vector<16xf32>,
        %get3A_1666 = arith.constant 1 : i32
        %get3A_1667 = arith.index_cast %get3A_1666 : i32 to index
        %get3A_1668 = arith.index_cast %add3A_1607 : i32 to index
        %get3A_1669 = arith.constant 48 : index
        %get3A_1670 = tpu.vector_load %arg12[%get3A_1667, %get3A_1668, %get3A_1669] {strides = array<i32>} : memref<2x64x128xf32, #tpu.memory_space<vmem>>, vector<16xf32>,
        %mul3A_1671 = arith.mulf %get3A_1665, %get3A_1670 : vector<16xf32>
        %get3A_1672 = arith.constant 1 : i32
        %get3A_1673 = arith.index_cast %get3A_1672 : i32 to index
        %get3A_1674 = arith.index_cast %add3A_1607 : i32 to index
        %get3A_1675 = arith.constant 48 : index
        %get3A_1676 = tpu.vector_load %arg13[%get3A_1673, %get3A_1674, %get3A_1675] {strides = array<i32>} : memref<2x64x128xf32, #tpu.memory_space<vmem>>, vector<16xf32>,
        %mul3A_1677 = arith.mulf %mul3A_1671, %get3A_1676 : vector<16xf32>
        %add3A_1678 = arith.addf %add3A_1660, %mul3A_1677 : vector<16xf32>
        %get3A_1679 = arith.constant 1 : i32
        %get3A_1680 = arith.index_cast %get3A_1679 : i32 to index
        %get3A_1681 = arith.index_cast %add3A_1607 : i32 to index
        %get3A_1682 = arith.constant 64 : index
        %get3A_1683 = tpu.vector_load %arg11[%get3A_1680, %get3A_1681, %get3A_1682] {strides = array<i32>} : memref<2x64x128xf32, #tpu.memory_space<vmem>>, vector<16xf32>,
        %get3A_1684 = arith.constant 1 : i32
        %get3A_1685 = arith.index_cast %get3A_1684 : i32 to index
        %get3A_1686 = arith.index_cast %add3A_1607 : i32 to index
        %get3A_1687 = arith.constant 64 : index
        %get3A_1688 = tpu.vector_load %arg12[%get3A_1685, %get3A_1686, %get3A_1687] {strides = array<i32>} : memref<2x64x128xf32, #tpu.memory_space<vmem>>, vector<16xf32>,
        %mul3A_1689 = arith.mulf %get3A_1683, %get3A_1688 : vector<16xf32>
        %get3A_1690 = arith.constant 1 : i32
        %get3A_1691 = arith.index_cast %get3A_1690 : i32 to index
        %get3A_1692 = arith.index_cast %add3A_1607 : i32 to index
        %get3A_1693 = arith.constant 64 : index
        %get3A_1694 = tpu.vector_load %arg13[%get3A_1691, %get3A_1692, %get3A_1693] {strides = array<i32>} : memref<2x64x128xf32, #tpu.memory_space<vmem>>, vector<16xf32>,
        %mul3A_1695 = arith.mulf %mul3A_1689, %get3A_1694 : vector<16xf32>
        %add3A_1696 = arith.addf %add3A_1678, %mul3A_1695 : vector<16xf32>
        %get3A_1697 = arith.constant 1 : i32
        %get3A_1698 = arith.index_cast %get3A_1697 : i32 to index
        %get3A_1699 = arith.index_cast %add3A_1607 : i32 to index
        %get3A_1700 = arith.constant 80 : index
        %get3A_1701 = tpu.vector_load %arg11[%get3A_1698, %get3A_1699, %get3A_1700] {strides = array<i32>} : memref<2x64x128xf32, #tpu.memory_space<vmem>>, vector<16xf32>,
        %get3A_1702 = arith.constant 1 : i32
        %get3A_1703 = arith.index_cast %get3A_1702 : i32 to index
        %get3A_1704 = arith.index_cast %add3A_1607 : i32 to index
        %get3A_1705 = arith.constant 80 : index
        %get3A_1706 = tpu.vector_load %arg12[%get3A_1703, %get3A_1704, %get3A_1705] {strides = array<i32>} : memref<2x64x128xf32, #tpu.memory_space<vmem>>, vector<16xf32>,
        %mul3A_1707 = arith.mulf %get3A_1701, %get3A_1706 : vector<16xf32>
        %get3A_1708 = arith.constant 1 : i32
        %get3A_1709 = arith.index_cast %get3A_1708 : i32 to index
        %get3A_1710 = arith.index_cast %add3A_1607 : i32 to index
        %get3A_1711 = arith.constant 80 : index
        %get3A_1712 = tpu.vector_load %arg13[%get3A_1709, %get3A_1710, %get3A_1711] {strides = array<i32>} : memref<2x64x128xf32, #tpu.memory_space<vmem>>, vector<16xf32>,
        %mul3A_1713 = arith.mulf %mul3A_1707, %get3A_1712 : vector<16xf32>
        %add3A_1714 = arith.addf %add3A_1696, %mul3A_1713 : vector<16xf32>
        %get3A_1715 = arith.constant 1 : i32
        %get3A_1716 = arith.index_cast %get3A_1715 : i32 to index
        %get3A_1717 = arith.index_cast %add3A_1607 : i32 to index
        %get3A_1718 = arith.constant 96 : index
        %get3A_1719 = tpu.vector_load %arg11[%get3A_1716, %get3A_1717, %get3A_1718] {strides = array<i32>} : memref<2x64x128xf32, #tpu.memory_space<vmem>>, vector<16xf32>,
        %get3A_1720 = arith.constant 1 : i32
        %get3A_1721 = arith.index_cast %get3A_1720 : i32 to index
        %get3A_1722 = arith.index_cast %add3A_1607 : i32 to index
        %get3A_1723 = arith.constant 96 : index
        %get3A_1724 = tpu.vector_load %arg12[%get3A_1721, %get3A_1722, %get3A_1723] {strides = array<i32>} : memref<2x64x128xf32, #tpu.memory_space<vmem>>, vector<16xf32>,
        %mul3A_1725 = arith.mulf %get3A_1719, %get3A_1724 : vector<16xf32>
        %get3A_1726 = arith.constant 1 : i32
        %get3A_1727 = arith.index_cast %get3A_1726 : i32 to index
        %get3A_1728 = arith.index_cast %add3A_1607 : i32 to index
        %get3A_1729 = arith.constant 96 : index
        %get3A_1730 = tpu.vector_load %arg13[%get3A_1727, %get3A_1728, %get3A_1729] {strides = array<i32>} : memref<2x64x128xf32, #tpu.memory_space<vmem>>, vector<16xf32>,
        %mul3A_1731 = arith.mulf %mul3A_1725, %get3A_1730 : vector<16xf32>
        %add3A_1732 = arith.addf %add3A_1714, %mul3A_1731 : vector<16xf32>
        %get3A_1733 = arith.constant 1 : i32
        %get3A_1734 = arith.index_cast %get3A_1733 : i32 to index
        %get3A_1735 = arith.index_cast %add3A_1607 : i32 to index
        %get3A_1736 = arith.constant 112 : index
        %get3A_1737 = tpu.vector_load %arg11[%get3A_1734, %get3A_1735, %get3A_1736] {strides = array<i32>} : memref<2x64x128xf32, #tpu.memory_space<vmem>>, vector<16xf32>,
        %get3A_1738 = arith.constant 1 : i32
        %get3A_1739 = arith.index_cast %get3A_1738 : i32 to index
        %get3A_1740 = arith.index_cast %add3A_1607 : i32 to index
        %get3A_1741 = arith.constant 112 : index
        %get3A_1742 = tpu.vector_load %arg12[%get3A_1739, %get3A_1740, %get3A_1741] {strides = array<i32>} : memref<2x64x128xf32, #tpu.memory_space<vmem>>, vector<16xf32>,
        %mul3A_1743 = arith.mulf %get3A_1737, %get3A_1742 : vector<16xf32>
        %get3A_1744 = arith.constant 1 : i32
        %get3A_1745 = arith.index_cast %get3A_1744 : i32 to index
        %get3A_1746 = arith.index_cast %add3A_1607 : i32 to index
        %get3A_1747 = arith.constant 112 : index
        %get3A_1748 = tpu.vector_load %arg13[%get3A_1745, %get3A_1746, %get3A_1747] {strides = array<i32>} : memref<2x64x128xf32, #tpu.memory_space<vmem>>, vector<16xf32>,
        %mul3A_1749 = arith.mulf %mul3A_1743, %get3A_1748 : vector<16xf32>
        %add3A_1750 = arith.addf %add3A_1732, %mul3A_1749 : vector<16xf32>
        %swap3A_1751 = arith.constant 144 : index
        %swap3A_1752 = tpu.vector_load %arg15[%swap3A_1751] {strides = array<i32>} : memref<256xf32, #tpu.memory_space<vmem>>, vector<16xf32>,
        tpu.vector_store %arg15[%swap3A_1751], %add3A_1750 {strides = array<i32>} : memref<256xf32, #tpu.memory_space<vmem>>, vector<16xf32>,
        %mul3A_1753 = arith.constant 16 : i32
        %mul3A_1754 = arith.muli %scan3A_264, %mul3A_1753 : i32
        %add3A_1755 = arith.constant 10 : i32
        %add3A_1756 = arith.addi %mul3A_1754, %add3A_1755 : i32
        %get3A_1757 = arith.constant 1 : i32
        %get3A_1758 = arith.index_cast %get3A_1757 : i32 to index
        %get3A_1759 = arith.index_cast %add3A_1756 : i32 to index
        %get3A_1760 = arith.constant 0 : index
        %get3A_1761 = tpu.vector_load %arg11[%get3A_1758, %get3A_1759, %get3A_1760] {strides = array<i32>} : memref<2x64x128xf32, #tpu.memory_space<vmem>>, vector<16xf32>,
        %get3A_1762 = arith.constant 1 : i32
        %get3A_1763 = arith.index_cast %get3A_1762 : i32 to index
        %get3A_1764 = arith.index_cast %add3A_1756 : i32 to index
        %get3A_1765 = arith.constant 0 : index
        %get3A_1766 = tpu.vector_load %arg12[%get3A_1763, %get3A_1764, %get3A_1765] {strides = array<i32>} : memref<2x64x128xf32, #tpu.memory_space<vmem>>, vector<16xf32>,
        %mul3A_1767 = arith.mulf %get3A_1761, %get3A_1766 : vector<16xf32>
        %get3A_1768 = arith.constant 1 : i32
        %get3A_1769 = arith.index_cast %get3A_1768 : i32 to index
        %get3A_1770 = arith.index_cast %add3A_1756 : i32 to index
        %get3A_1771 = arith.constant 0 : index
        %get3A_1772 = tpu.vector_load %arg13[%get3A_1769, %get3A_1770, %get3A_1771] {strides = array<i32>} : memref<2x64x128xf32, #tpu.memory_space<vmem>>, vector<16xf32>,
        %mul3A_1773 = arith.mulf %mul3A_1767, %get3A_1772 : vector<16xf32>
        %get3A_1774 = arith.constant 1 : i32
        %get3A_1775 = arith.index_cast %get3A_1774 : i32 to index
        %get3A_1776 = arith.index_cast %add3A_1756 : i32 to index
        %get3A_1777 = arith.constant 16 : index
        %get3A_1778 = tpu.vector_load %arg11[%get3A_1775, %get3A_1776, %get3A_1777] {strides = array<i32>} : memref<2x64x128xf32, #tpu.memory_space<vmem>>, vector<16xf32>,
        %get3A_1779 = arith.constant 1 : i32
        %get3A_1780 = arith.index_cast %get3A_1779 : i32 to index
        %get3A_1781 = arith.index_cast %add3A_1756 : i32 to index
        %get3A_1782 = arith.constant 16 : index
        %get3A_1783 = tpu.vector_load %arg12[%get3A_1780, %get3A_1781, %get3A_1782] {strides = array<i32>} : memref<2x64x128xf32, #tpu.memory_space<vmem>>, vector<16xf32>,
        %mul3A_1784 = arith.mulf %get3A_1778, %get3A_1783 : vector<16xf32>
        %get3A_1785 = arith.constant 1 : i32
        %get3A_1786 = arith.index_cast %get3A_1785 : i32 to index
        %get3A_1787 = arith.index_cast %add3A_1756 : i32 to index
        %get3A_1788 = arith.constant 16 : index
        %get3A_1789 = tpu.vector_load %arg13[%get3A_1786, %get3A_1787, %get3A_1788] {strides = array<i32>} : memref<2x64x128xf32, #tpu.memory_space<vmem>>, vector<16xf32>,
        %mul3A_1790 = arith.mulf %mul3A_1784, %get3A_1789 : vector<16xf32>
        %add3A_1791 = arith.addf %mul3A_1773, %mul3A_1790 : vector<16xf32>
        %get3A_1792 = arith.constant 1 : i32
        %get3A_1793 = arith.index_cast %get3A_1792 : i32 to index
        %get3A_1794 = arith.index_cast %add3A_1756 : i32 to index
        %get3A_1795 = arith.constant 32 : index
        %get3A_1796 = tpu.vector_load %arg11[%get3A_1793, %get3A_1794, %get3A_1795] {strides = array<i32>} : memref<2x64x128xf32, #tpu.memory_space<vmem>>, vector<16xf32>,
        %get3A_1797 = arith.constant 1 : i32
        %get3A_1798 = arith.index_cast %get3A_1797 : i32 to index
        %get3A_1799 = arith.index_cast %add3A_1756 : i32 to index
        %get3A_1800 = arith.constant 32 : index
        %get3A_1801 = tpu.vector_load %arg12[%get3A_1798, %get3A_1799, %get3A_1800] {strides = array<i32>} : memref<2x64x128xf32, #tpu.memory_space<vmem>>, vector<16xf32>,
        %mul3A_1802 = arith.mulf %get3A_1796, %get3A_1801 : vector<16xf32>
        %get3A_1803 = arith.constant 1 : i32
        %get3A_1804 = arith.index_cast %get3A_1803 : i32 to index
        %get3A_1805 = arith.index_cast %add3A_1756 : i32 to index
        %get3A_1806 = arith.constant 32 : index
        %get3A_1807 = tpu.vector_load %arg13[%get3A_1804, %get3A_1805, %get3A_1806] {strides = array<i32>} : memref<2x64x128xf32, #tpu.memory_space<vmem>>, vector<16xf32>,
        %mul3A_1808 = arith.mulf %mul3A_1802, %get3A_1807 : vector<16xf32>
        %add3A_1809 = arith.addf %add3A_1791, %mul3A_1808 : vector<16xf32>
        %get3A_1810 = arith.constant 1 : i32
        %get3A_1811 = arith.index_cast %get3A_1810 : i32 to index
        %get3A_1812 = arith.index_cast %add3A_1756 : i32 to index
        %get3A_1813 = arith.constant 48 : index
        %get3A_1814 = tpu.vector_load %arg11[%get3A_1811, %get3A_1812, %get3A_1813] {strides = array<i32>} : memref<2x64x128xf32, #tpu.memory_space<vmem>>, vector<16xf32>,
        %get3A_1815 = arith.constant 1 : i32
        %get3A_1816 = arith.index_cast %get3A_1815 : i32 to index
        %get3A_1817 = arith.index_cast %add3A_1756 : i32 to index
        %get3A_1818 = arith.constant 48 : index
        %get3A_1819 = tpu.vector_load %arg12[%get3A_1816, %get3A_1817, %get3A_1818] {strides = array<i32>} : memref<2x64x128xf32, #tpu.memory_space<vmem>>, vector<16xf32>,
        %mul3A_1820 = arith.mulf %get3A_1814, %get3A_1819 : vector<16xf32>
        %get3A_1821 = arith.constant 1 : i32
        %get3A_1822 = arith.index_cast %get3A_1821 : i32 to index
        %get3A_1823 = arith.index_cast %add3A_1756 : i32 to index
        %get3A_1824 = arith.constant 48 : index
        %get3A_1825 = tpu.vector_load %arg13[%get3A_1822, %get3A_1823, %get3A_1824] {strides = array<i32>} : memref<2x64x128xf32, #tpu.memory_space<vmem>>, vector<16xf32>,
        %mul3A_1826 = arith.mulf %mul3A_1820, %get3A_1825 : vector<16xf32>
        %add3A_1827 = arith.addf %add3A_1809, %mul3A_1826 : vector<16xf32>
        %get3A_1828 = arith.constant 1 : i32
        %get3A_1829 = arith.index_cast %get3A_1828 : i32 to index
        %get3A_1830 = arith.index_cast %add3A_1756 : i32 to index
        %get3A_1831 = arith.constant 64 : index
        %get3A_1832 = tpu.vector_load %arg11[%get3A_1829, %get3A_1830, %get3A_1831] {strides = array<i32>} : memref<2x64x128xf32, #tpu.memory_space<vmem>>, vector<16xf32>,
        %get3A_1833 = arith.constant 1 : i32
        %get3A_1834 = arith.index_cast %get3A_1833 : i32 to index
        %get3A_1835 = arith.index_cast %add3A_1756 : i32 to index
        %get3A_1836 = arith.constant 64 : index
        %get3A_1837 = tpu.vector_load %arg12[%get3A_1834, %get3A_1835, %get3A_1836] {strides = array<i32>} : memref<2x64x128xf32, #tpu.memory_space<vmem>>, vector<16xf32>,
        %mul3A_1838 = arith.mulf %get3A_1832, %get3A_1837 : vector<16xf32>
        %get3A_1839 = arith.constant 1 : i32
        %get3A_1840 = arith.index_cast %get3A_1839 : i32 to index
        %get3A_1841 = arith.index_cast %add3A_1756 : i32 to index
        %get3A_1842 = arith.constant 64 : index
        %get3A_1843 = tpu.vector_load %arg13[%get3A_1840, %get3A_1841, %get3A_1842] {strides = array<i32>} : memref<2x64x128xf32, #tpu.memory_space<vmem>>, vector<16xf32>,
        %mul3A_1844 = arith.mulf %mul3A_1838, %get3A_1843 : vector<16xf32>
        %add3A_1845 = arith.addf %add3A_1827, %mul3A_1844 : vector<16xf32>
        %get3A_1846 = arith.constant 1 : i32
        %get3A_1847 = arith.index_cast %get3A_1846 : i32 to index
        %get3A_1848 = arith.index_cast %add3A_1756 : i32 to index
        %get3A_1849 = arith.constant 80 : index
        %get3A_1850 = tpu.vector_load %arg11[%get3A_1847, %get3A_1848, %get3A_1849] {strides = array<i32>} : memref<2x64x128xf32, #tpu.memory_space<vmem>>, vector<16xf32>,
        %get3A_1851 = arith.constant 1 : i32
        %get3A_1852 = arith.index_cast %get3A_1851 : i32 to index
        %get3A_1853 = arith.index_cast %add3A_1756 : i32 to index
        %get3A_1854 = arith.constant 80 : index
        %get3A_1855 = tpu.vector_load %arg12[%get3A_1852, %get3A_1853, %get3A_1854] {strides = array<i32>} : memref<2x64x128xf32, #tpu.memory_space<vmem>>, vector<16xf32>,
        %mul3A_1856 = arith.mulf %get3A_1850, %get3A_1855 : vector<16xf32>
        %get3A_1857 = arith.constant 1 : i32
        %get3A_1858 = arith.index_cast %get3A_1857 : i32 to index
        %get3A_1859 = arith.index_cast %add3A_1756 : i32 to index
        %get3A_1860 = arith.constant 80 : index
        %get3A_1861 = tpu.vector_load %arg13[%get3A_1858, %get3A_1859, %get3A_1860] {strides = array<i32>} : memref<2x64x128xf32, #tpu.memory_space<vmem>>, vector<16xf32>,
        %mul3A_1862 = arith.mulf %mul3A_1856, %get3A_1861 : vector<16xf32>
        %add3A_1863 = arith.addf %add3A_1845, %mul3A_1862 : vector<16xf32>
        %get3A_1864 = arith.constant 1 : i32
        %get3A_1865 = arith.index_cast %get3A_1864 : i32 to index
        %get3A_1866 = arith.index_cast %add3A_1756 : i32 to index
        %get3A_1867 = arith.constant 96 : index
        %get3A_1868 = tpu.vector_load %arg11[%get3A_1865, %get3A_1866, %get3A_1867] {strides = array<i32>} : memref<2x64x128xf32, #tpu.memory_space<vmem>>, vector<16xf32>,
        %get3A_1869 = arith.constant 1 : i32
        %get3A_1870 = arith.index_cast %get3A_1869 : i32 to index
        %get3A_1871 = arith.index_cast %add3A_1756 : i32 to index
        %get3A_1872 = arith.constant 96 : index
        %get3A_1873 = tpu.vector_load %arg12[%get3A_1870, %get3A_1871, %get3A_1872] {strides = array<i32>} : memref<2x64x128xf32, #tpu.memory_space<vmem>>, vector<16xf32>,
        %mul3A_1874 = arith.mulf %get3A_1868, %get3A_1873 : vector<16xf32>
        %get3A_1875 = arith.constant 1 : i32
        %get3A_1876 = arith.index_cast %get3A_1875 : i32 to index
        %get3A_1877 = arith.index_cast %add3A_1756 : i32 to index
        %get3A_1878 = arith.constant 96 : index
        %get3A_1879 = tpu.vector_load %arg13[%get3A_1876, %get3A_1877, %get3A_1878] {strides = array<i32>} : memref<2x64x128xf32, #tpu.memory_space<vmem>>, vector<16xf32>,
        %mul3A_1880 = arith.mulf %mul3A_1874, %get3A_1879 : vector<16xf32>
        %add3A_1881 = arith.addf %add3A_1863, %mul3A_1880 : vector<16xf32>
        %get3A_1882 = arith.constant 1 : i32
        %get3A_1883 = arith.index_cast %get3A_1882 : i32 to index
        %get3A_1884 = arith.index_cast %add3A_1756 : i32 to index
        %get3A_1885 = arith.constant 112 : index
        %get3A_1886 = tpu.vector_load %arg11[%get3A_1883, %get3A_1884, %get3A_1885] {strides = array<i32>} : memref<2x64x128xf32, #tpu.memory_space<vmem>>, vector<16xf32>,
        %get3A_1887 = arith.constant 1 : i32
        %get3A_1888 = arith.index_cast %get3A_1887 : i32 to index
        %get3A_1889 = arith.index_cast %add3A_1756 : i32 to index
        %get3A_1890 = arith.constant 112 : index
        %get3A_1891 = tpu.vector_load %arg12[%get3A_1888, %get3A_1889, %get3A_1890] {strides = array<i32>} : memref<2x64x128xf32, #tpu.memory_space<vmem>>, vector<16xf32>,
        %mul3A_1892 = arith.mulf %get3A_1886, %get3A_1891 : vector<16xf32>
        %get3A_1893 = arith.constant 1 : i32
        %get3A_1894 = arith.index_cast %get3A_1893 : i32 to index
        %get3A_1895 = arith.index_cast %add3A_1756 : i32 to index
        %get3A_1896 = arith.constant 112 : index
        %get3A_1897 = tpu.vector_load %arg13[%get3A_1894, %get3A_1895, %get3A_1896] {strides = array<i32>} : memref<2x64x128xf32, #tpu.memory_space<vmem>>, vector<16xf32>,
        %mul3A_1898 = arith.mulf %mul3A_1892, %get3A_1897 : vector<16xf32>
        %add3A_1899 = arith.addf %add3A_1881, %mul3A_1898 : vector<16xf32>
        %swap3A_1900 = arith.constant 160 : index
        %swap3A_1901 = tpu.vector_load %arg15[%swap3A_1900] {strides = array<i32>} : memref<256xf32, #tpu.memory_space<vmem>>, vector<16xf32>,
        tpu.vector_store %arg15[%swap3A_1900], %add3A_1899 {strides = array<i32>} : memref<256xf32, #tpu.memory_space<vmem>>, vector<16xf32>,
        %mul3A_1902 = arith.constant 16 : i32
        %mul3A_1903 = arith.muli %scan3A_264, %mul3A_1902 : i32
        %add3A_1904 = arith.constant 11 : i32
        %add3A_1905 = arith.addi %mul3A_1903, %add3A_1904 : i32
        %get3A_1906 = arith.constant 1 : i32
        %get3A_1907 = arith.index_cast %get3A_1906 : i32 to index
        %get3A_1908 = arith.index_cast %add3A_1905 : i32 to index
        %get3A_1909 = arith.constant 0 : index
        %get3A_1910 = tpu.vector_load %arg11[%get3A_1907, %get3A_1908, %get3A_1909] {strides = array<i32>} : memref<2x64x128xf32, #tpu.memory_space<vmem>>, vector<16xf32>,
        %get3A_1911 = arith.constant 1 : i32
        %get3A_1912 = arith.index_cast %get3A_1911 : i32 to index
        %get3A_1913 = arith.index_cast %add3A_1905 : i32 to index
        %get3A_1914 = arith.constant 0 : index
        %get3A_1915 = tpu.vector_load %arg12[%get3A_1912, %get3A_1913, %get3A_1914] {strides = array<i32>} : memref<2x64x128xf32, #tpu.memory_space<vmem>>, vector<16xf32>,
        %mul3A_1916 = arith.mulf %get3A_1910, %get3A_1915 : vector<16xf32>
        %get3A_1917 = arith.constant 1 : i32
        %get3A_1918 = arith.index_cast %get3A_1917 : i32 to index
        %get3A_1919 = arith.index_cast %add3A_1905 : i32 to index
        %get3A_1920 = arith.constant 0 : index
        %get3A_1921 = tpu.vector_load %arg13[%get3A_1918, %get3A_1919, %get3A_1920] {strides = array<i32>} : memref<2x64x128xf32, #tpu.memory_space<vmem>>, vector<16xf32>,
        %mul3A_1922 = arith.mulf %mul3A_1916, %get3A_1921 : vector<16xf32>
        %get3A_1923 = arith.constant 1 : i32
        %get3A_1924 = arith.index_cast %get3A_1923 : i32 to index
        %get3A_1925 = arith.index_cast %add3A_1905 : i32 to index
        %get3A_1926 = arith.constant 16 : index
        %get3A_1927 = tpu.vector_load %arg11[%get3A_1924, %get3A_1925, %get3A_1926] {strides = array<i32>} : memref<2x64x128xf32, #tpu.memory_space<vmem>>, vector<16xf32>,
        %get3A_1928 = arith.constant 1 : i32
        %get3A_1929 = arith.index_cast %get3A_1928 : i32 to index
        %get3A_1930 = arith.index_cast %add3A_1905 : i32 to index
        %get3A_1931 = arith.constant 16 : index
        %get3A_1932 = tpu.vector_load %arg12[%get3A_1929, %get3A_1930, %get3A_1931] {strides = array<i32>} : memref<2x64x128xf32, #tpu.memory_space<vmem>>, vector<16xf32>,
        %mul3A_1933 = arith.mulf %get3A_1927, %get3A_1932 : vector<16xf32>
        %get3A_1934 = arith.constant 1 : i32
        %get3A_1935 = arith.index_cast %get3A_1934 : i32 to index
        %get3A_1936 = arith.index_cast %add3A_1905 : i32 to index
        %get3A_1937 = arith.constant 16 : index
        %get3A_1938 = tpu.vector_load %arg13[%get3A_1935, %get3A_1936, %get3A_1937] {strides = array<i32>} : memref<2x64x128xf32, #tpu.memory_space<vmem>>, vector<16xf32>,
        %mul3A_1939 = arith.mulf %mul3A_1933, %get3A_1938 : vector<16xf32>
        %add3A_1940 = arith.addf %mul3A_1922, %mul3A_1939 : vector<16xf32>
        %get3A_1941 = arith.constant 1 : i32
        %get3A_1942 = arith.index_cast %get3A_1941 : i32 to index
        %get3A_1943 = arith.index_cast %add3A_1905 : i32 to index
        %get3A_1944 = arith.constant 32 : index
        %get3A_1945 = tpu.vector_load %arg11[%get3A_1942, %get3A_1943, %get3A_1944] {strides = array<i32>} : memref<2x64x128xf32, #tpu.memory_space<vmem>>, vector<16xf32>,
        %get3A_1946 = arith.constant 1 : i32
        %get3A_1947 = arith.index_cast %get3A_1946 : i32 to index
        %get3A_1948 = arith.index_cast %add3A_1905 : i32 to index
        %get3A_1949 = arith.constant 32 : index
        %get3A_1950 = tpu.vector_load %arg12[%get3A_1947, %get3A_1948, %get3A_1949] {strides = array<i32>} : memref<2x64x128xf32, #tpu.memory_space<vmem>>, vector<16xf32>,
        %mul3A_1951 = arith.mulf %get3A_1945, %get3A_1950 : vector<16xf32>
        %get3A_1952 = arith.constant 1 : i32
        %get3A_1953 = arith.index_cast %get3A_1952 : i32 to index
        %get3A_1954 = arith.index_cast %add3A_1905 : i32 to index
        %get3A_1955 = arith.constant 32 : index
        %get3A_1956 = tpu.vector_load %arg13[%get3A_1953, %get3A_1954, %get3A_1955] {strides = array<i32>} : memref<2x64x128xf32, #tpu.memory_space<vmem>>, vector<16xf32>,
        %mul3A_1957 = arith.mulf %mul3A_1951, %get3A_1956 : vector<16xf32>
        %add3A_1958 = arith.addf %add3A_1940, %mul3A_1957 : vector<16xf32>
        %get3A_1959 = arith.constant 1 : i32
        %get3A_1960 = arith.index_cast %get3A_1959 : i32 to index
        %get3A_1961 = arith.index_cast %add3A_1905 : i32 to index
        %get3A_1962 = arith.constant 48 : index
        %get3A_1963 = tpu.vector_load %arg11[%get3A_1960, %get3A_1961, %get3A_1962] {strides = array<i32>} : memref<2x64x128xf32, #tpu.memory_space<vmem>>, vector<16xf32>,
        %get3A_1964 = arith.constant 1 : i32
        %get3A_1965 = arith.index_cast %get3A_1964 : i32 to index
        %get3A_1966 = arith.index_cast %add3A_1905 : i32 to index
        %get3A_1967 = arith.constant 48 : index
        %get3A_1968 = tpu.vector_load %arg12[%get3A_1965, %get3A_1966, %get3A_1967] {strides = array<i32>} : memref<2x64x128xf32, #tpu.memory_space<vmem>>, vector<16xf32>,
        %mul3A_1969 = arith.mulf %get3A_1963, %get3A_1968 : vector<16xf32>
        %get3A_1970 = arith.constant 1 : i32
        %get3A_1971 = arith.index_cast %get3A_1970 : i32 to index
        %get3A_1972 = arith.index_cast %add3A_1905 : i32 to index
        %get3A_1973 = arith.constant 48 : index
        %get3A_1974 = tpu.vector_load %arg13[%get3A_1971, %get3A_1972, %get3A_1973] {strides = array<i32>} : memref<2x64x128xf32, #tpu.memory_space<vmem>>, vector<16xf32>,
        %mul3A_1975 = arith.mulf %mul3A_1969, %get3A_1974 : vector<16xf32>
        %add3A_1976 = arith.addf %add3A_1958, %mul3A_1975 : vector<16xf32>
        %get3A_1977 = arith.constant 1 : i32
        %get3A_1978 = arith.index_cast %get3A_1977 : i32 to index
        %get3A_1979 = arith.index_cast %add3A_1905 : i32 to index
        %get3A_1980 = arith.constant 64 : index
        %get3A_1981 = tpu.vector_load %arg11[%get3A_1978, %get3A_1979, %get3A_1980] {strides = array<i32>} : memref<2x64x128xf32, #tpu.memory_space<vmem>>, vector<16xf32>,
        %get3A_1982 = arith.constant 1 : i32
        %get3A_1983 = arith.index_cast %get3A_1982 : i32 to index
        %get3A_1984 = arith.index_cast %add3A_1905 : i32 to index
        %get3A_1985 = arith.constant 64 : index
        %get3A_1986 = tpu.vector_load %arg12[%get3A_1983, %get3A_1984, %get3A_1985] {strides = array<i32>} : memref<2x64x128xf32, #tpu.memory_space<vmem>>, vector<16xf32>,
        %mul3A_1987 = arith.mulf %get3A_1981, %get3A_1986 : vector<16xf32>
        %get3A_1988 = arith.constant 1 : i32
        %get3A_1989 = arith.index_cast %get3A_1988 : i32 to index
        %get3A_1990 = arith.index_cast %add3A_1905 : i32 to index
        %get3A_1991 = arith.constant 64 : index
        %get3A_1992 = tpu.vector_load %arg13[%get3A_1989, %get3A_1990, %get3A_1991] {strides = array<i32>} : memref<2x64x128xf32, #tpu.memory_space<vmem>>, vector<16xf32>,
        %mul3A_1993 = arith.mulf %mul3A_1987, %get3A_1992 : vector<16xf32>
        %add3A_1994 = arith.addf %add3A_1976, %mul3A_1993 : vector<16xf32>
        %get3A_1995 = arith.constant 1 : i32
        %get3A_1996 = arith.index_cast %get3A_1995 : i32 to index
        %get3A_1997 = arith.index_cast %add3A_1905 : i32 to index
        %get3A_1998 = arith.constant 80 : index
        %get3A_1999 = tpu.vector_load %arg11[%get3A_1996, %get3A_1997, %get3A_1998] {strides = array<i32>} : memref<2x64x128xf32, #tpu.memory_space<vmem>>, vector<16xf32>,
        %get3A_2000 = arith.constant 1 : i32
        %get3A_2001 = arith.index_cast %get3A_2000 : i32 to index
        %get3A_2002 = arith.index_cast %add3A_1905 : i32 to index
        %get3A_2003 = arith.constant 80 : index
        %get3A_2004 = tpu.vector_load %arg12[%get3A_2001, %get3A_2002, %get3A_2003] {strides = array<i32>} : memref<2x64x128xf32, #tpu.memory_space<vmem>>, vector<16xf32>,
        %mul3A_2005 = arith.mulf %get3A_1999, %get3A_2004 : vector<16xf32>
        %get3A_2006 = arith.constant 1 : i32
        %get3A_2007 = arith.index_cast %get3A_2006 : i32 to index
        %get3A_2008 = arith.index_cast %add3A_1905 : i32 to index
        %get3A_2009 = arith.constant 80 : index
        %get3A_2010 = tpu.vector_load %arg13[%get3A_2007, %get3A_2008, %get3A_2009] {strides = array<i32>} : memref<2x64x128xf32, #tpu.memory_space<vmem>>, vector<16xf32>,
        %mul3A_2011 = arith.mulf %mul3A_2005, %get3A_2010 : vector<16xf32>
        %add3A_2012 = arith.addf %add3A_1994, %mul3A_2011 : vector<16xf32>
        %get3A_2013 = arith.constant 1 : i32
        %get3A_2014 = arith.index_cast %get3A_2013 : i32 to index
        %get3A_2015 = arith.index_cast %add3A_1905 : i32 to index
        %get3A_2016 = arith.constant 96 : index
        %get3A_2017 = tpu.vector_load %arg11[%get3A_2014, %get3A_2015, %get3A_2016] {strides = array<i32>} : memref<2x64x128xf32, #tpu.memory_space<vmem>>, vector<16xf32>,
        %get3A_2018 = arith.constant 1 : i32
        %get3A_2019 = arith.index_cast %get3A_2018 : i32 to index
        %get3A_2020 = arith.index_cast %add3A_1905 : i32 to index
        %get3A_2021 = arith.constant 96 : index
        %get3A_2022 = tpu.vector_load %arg12[%get3A_2019, %get3A_2020, %get3A_2021] {strides = array<i32>} : memref<2x64x128xf32, #tpu.memory_space<vmem>>, vector<16xf32>,
        %mul3A_2023 = arith.mulf %get3A_2017, %get3A_2022 : vector<16xf32>
        %get3A_2024 = arith.constant 1 : i32
        %get3A_2025 = arith.index_cast %get3A_2024 : i32 to index
        %get3A_2026 = arith.index_cast %add3A_1905 : i32 to index
        %get3A_2027 = arith.constant 96 : index
        %get3A_2028 = tpu.vector_load %arg13[%get3A_2025, %get3A_2026, %get3A_2027] {strides = array<i32>} : memref<2x64x128xf32, #tpu.memory_space<vmem>>, vector<16xf32>,
        %mul3A_2029 = arith.mulf %mul3A_2023, %get3A_2028 : vector<16xf32>
        %add3A_2030 = arith.addf %add3A_2012, %mul3A_2029 : vector<16xf32>
        %get3A_2031 = arith.constant 1 : i32
        %get3A_2032 = arith.index_cast %get3A_2031 : i32 to index
        %get3A_2033 = arith.index_cast %add3A_1905 : i32 to index
        %get3A_2034 = arith.constant 112 : index
        %get3A_2035 = tpu.vector_load %arg11[%get3A_2032, %get3A_2033, %get3A_2034] {strides = array<i32>} : memref<2x64x128xf32, #tpu.memory_space<vmem>>, vector<16xf32>,
        %get3A_2036 = arith.constant 1 : i32
        %get3A_2037 = arith.index_cast %get3A_2036 : i32 to index
        %get3A_2038 = arith.index_cast %add3A_1905 : i32 to index
        %get3A_2039 = arith.constant 112 : index
        %get3A_2040 = tpu.vector_load %arg12[%get3A_2037, %get3A_2038, %get3A_2039] {strides = array<i32>} : memref<2x64x128xf32, #tpu.memory_space<vmem>>, vector<16xf32>,
        %mul3A_2041 = arith.mulf %get3A_2035, %get3A_2040 : vector<16xf32>
        %get3A_2042 = arith.constant 1 : i32
        %get3A_2043 = arith.index_cast %get3A_2042 : i32 to index
        %get3A_2044 = arith.index_cast %add3A_1905 : i32 to index
        %get3A_2045 = arith.constant 112 : index
        %get3A_2046 = tpu.vector_load %arg13[%get3A_2043, %get3A_2044, %get3A_2045] {strides = array<i32>} : memref<2x64x128xf32, #tpu.memory_space<vmem>>, vector<16xf32>,
        %mul3A_2047 = arith.mulf %mul3A_2041, %get3A_2046 : vector<16xf32>
        %add3A_2048 = arith.addf %add3A_2030, %mul3A_2047 : vector<16xf32>
        %swap3A_2049 = arith.constant 176 : index
        %swap3A_2050 = tpu.vector_load %arg15[%swap3A_2049] {strides = array<i32>} : memref<256xf32, #tpu.memory_space<vmem>>, vector<16xf32>,
        tpu.vector_store %arg15[%swap3A_2049], %add3A_2048 {strides = array<i32>} : memref<256xf32, #tpu.memory_space<vmem>>, vector<16xf32>,
        %mul3A_2051 = arith.constant 16 : i32
        %mul3A_2052 = arith.muli %scan3A_264, %mul3A_2051 : i32
        %add3A_2053 = arith.constant 12 : i32
        %add3A_2054 = arith.addi %mul3A_2052, %add3A_2053 : i32
        %get3A_2055 = arith.constant 1 : i32
        %get3A_2056 = arith.index_cast %get3A_2055 : i32 to index
        %get3A_2057 = arith.index_cast %add3A_2054 : i32 to index
        %get3A_2058 = arith.constant 0 : index
        %get3A_2059 = tpu.vector_load %arg11[%get3A_2056, %get3A_2057, %get3A_2058] {strides = array<i32>} : memref<2x64x128xf32, #tpu.memory_space<vmem>>, vector<16xf32>,
        %get3A_2060 = arith.constant 1 : i32
        %get3A_2061 = arith.index_cast %get3A_2060 : i32 to index
        %get3A_2062 = arith.index_cast %add3A_2054 : i32 to index
        %get3A_2063 = arith.constant 0 : index
        %get3A_2064 = tpu.vector_load %arg12[%get3A_2061, %get3A_2062, %get3A_2063] {strides = array<i32>} : memref<2x64x128xf32, #tpu.memory_space<vmem>>, vector<16xf32>,
        %mul3A_2065 = arith.mulf %get3A_2059, %get3A_2064 : vector<16xf32>
        %get3A_2066 = arith.constant 1 : i32
        %get3A_2067 = arith.index_cast %get3A_2066 : i32 to index
        %get3A_2068 = arith.index_cast %add3A_2054 : i32 to index
        %get3A_2069 = arith.constant 0 : index
        %get3A_2070 = tpu.vector_load %arg13[%get3A_2067, %get3A_2068, %get3A_2069] {strides = array<i32>} : memref<2x64x128xf32, #tpu.memory_space<vmem>>, vector<16xf32>,
        %mul3A_2071 = arith.mulf %mul3A_2065, %get3A_2070 : vector<16xf32>
        %get3A_2072 = arith.constant 1 : i32
        %get3A_2073 = arith.index_cast %get3A_2072 : i32 to index
        %get3A_2074 = arith.index_cast %add3A_2054 : i32 to index
        %get3A_2075 = arith.constant 16 : index
        %get3A_2076 = tpu.vector_load %arg11[%get3A_2073, %get3A_2074, %get3A_2075] {strides = array<i32>} : memref<2x64x128xf32, #tpu.memory_space<vmem>>, vector<16xf32>,
        %get3A_2077 = arith.constant 1 : i32
        %get3A_2078 = arith.index_cast %get3A_2077 : i32 to index
        %get3A_2079 = arith.index_cast %add3A_2054 : i32 to index
        %get3A_2080 = arith.constant 16 : index
        %get3A_2081 = tpu.vector_load %arg12[%get3A_2078, %get3A_2079, %get3A_2080] {strides = array<i32>} : memref<2x64x128xf32, #tpu.memory_space<vmem>>, vector<16xf32>,
        %mul3A_2082 = arith.mulf %get3A_2076, %get3A_2081 : vector<16xf32>
        %get3A_2083 = arith.constant 1 : i32
        %get3A_2084 = arith.index_cast %get3A_2083 : i32 to index
        %get3A_2085 = arith.index_cast %add3A_2054 : i32 to index
        %get3A_2086 = arith.constant 16 : index
        %get3A_2087 = tpu.vector_load %arg13[%get3A_2084, %get3A_2085, %get3A_2086] {strides = array<i32>} : memref<2x64x128xf32, #tpu.memory_space<vmem>>, vector<16xf32>,
        %mul3A_2088 = arith.mulf %mul3A_2082, %get3A_2087 : vector<16xf32>
        %add3A_2089 = arith.addf %mul3A_2071, %mul3A_2088 : vector<16xf32>
        %get3A_2090 = arith.constant 1 : i32
        %get3A_2091 = arith.index_cast %get3A_2090 : i32 to index
        %get3A_2092 = arith.index_cast %add3A_2054 : i32 to index
        %get3A_2093 = arith.constant 32 : index
        %get3A_2094 = tpu.vector_load %arg11[%get3A_2091, %get3A_2092, %get3A_2093] {strides = array<i32>} : memref<2x64x128xf32, #tpu.memory_space<vmem>>, vector<16xf32>,
        %get3A_2095 = arith.constant 1 : i32
        %get3A_2096 = arith.index_cast %get3A_2095 : i32 to index
        %get3A_2097 = arith.index_cast %add3A_2054 : i32 to index
        %get3A_2098 = arith.constant 32 : index
        %get3A_2099 = tpu.vector_load %arg12[%get3A_2096, %get3A_2097, %get3A_2098] {strides = array<i32>} : memref<2x64x128xf32, #tpu.memory_space<vmem>>, vector<16xf32>,
        %mul3A_2100 = arith.mulf %get3A_2094, %get3A_2099 : vector<16xf32>
        %get3A_2101 = arith.constant 1 : i32
        %get3A_2102 = arith.index_cast %get3A_2101 : i32 to index
        %get3A_2103 = arith.index_cast %add3A_2054 : i32 to index
        %get3A_2104 = arith.constant 32 : index
        %get3A_2105 = tpu.vector_load %arg13[%get3A_2102, %get3A_2103, %get3A_2104] {strides = array<i32>} : memref<2x64x128xf32, #tpu.memory_space<vmem>>, vector<16xf32>,
        %mul3A_2106 = arith.mulf %mul3A_2100, %get3A_2105 : vector<16xf32>
        %add3A_2107 = arith.addf %add3A_2089, %mul3A_2106 : vector<16xf32>
        %get3A_2108 = arith.constant 1 : i32
        %get3A_2109 = arith.index_cast %get3A_2108 : i32 to index
        %get3A_2110 = arith.index_cast %add3A_2054 : i32 to index
        %get3A_2111 = arith.constant 48 : index
        %get3A_2112 = tpu.vector_load %arg11[%get3A_2109, %get3A_2110, %get3A_2111] {strides = array<i32>} : memref<2x64x128xf32, #tpu.memory_space<vmem>>, vector<16xf32>,
        %get3A_2113 = arith.constant 1 : i32
        %get3A_2114 = arith.index_cast %get3A_2113 : i32 to index
        %get3A_2115 = arith.index_cast %add3A_2054 : i32 to index
        %get3A_2116 = arith.constant 48 : index
        %get3A_2117 = tpu.vector_load %arg12[%get3A_2114, %get3A_2115, %get3A_2116] {strides = array<i32>} : memref<2x64x128xf32, #tpu.memory_space<vmem>>, vector<16xf32>,
        %mul3A_2118 = arith.mulf %get3A_2112, %get3A_2117 : vector<16xf32>
        %get3A_2119 = arith.constant 1 : i32
        %get3A_2120 = arith.index_cast %get3A_2119 : i32 to index
        %get3A_2121 = arith.index_cast %add3A_2054 : i32 to index
        %get3A_2122 = arith.constant 48 : index
        %get3A_2123 = tpu.vector_load %arg13[%get3A_2120, %get3A_2121, %get3A_2122] {strides = array<i32>} : memref<2x64x128xf32, #tpu.memory_space<vmem>>, vector<16xf32>,
        %mul3A_2124 = arith.mulf %mul3A_2118, %get3A_2123 : vector<16xf32>
        %add3A_2125 = arith.addf %add3A_2107, %mul3A_2124 : vector<16xf32>
        %get3A_2126 = arith.constant 1 : i32
        %get3A_2127 = arith.index_cast %get3A_2126 : i32 to index
        %get3A_2128 = arith.index_cast %add3A_2054 : i32 to index
        %get3A_2129 = arith.constant 64 : index
        %get3A_2130 = tpu.vector_load %arg11[%get3A_2127, %get3A_2128, %get3A_2129] {strides = array<i32>} : memref<2x64x128xf32, #tpu.memory_space<vmem>>, vector<16xf32>,
        %get3A_2131 = arith.constant 1 : i32
        %get3A_2132 = arith.index_cast %get3A_2131 : i32 to index
        %get3A_2133 = arith.index_cast %add3A_2054 : i32 to index
        %get3A_2134 = arith.constant 64 : index
        %get3A_2135 = tpu.vector_load %arg12[%get3A_2132, %get3A_2133, %get3A_2134] {strides = array<i32>} : memref<2x64x128xf32, #tpu.memory_space<vmem>>, vector<16xf32>,
        %mul3A_2136 = arith.mulf %get3A_2130, %get3A_2135 : vector<16xf32>
        %get3A_2137 = arith.constant 1 : i32
        %get3A_2138 = arith.index_cast %get3A_2137 : i32 to index
        %get3A_2139 = arith.index_cast %add3A_2054 : i32 to index
        %get3A_2140 = arith.constant 64 : index
        %get3A_2141 = tpu.vector_load %arg13[%get3A_2138, %get3A_2139, %get3A_2140] {strides = array<i32>} : memref<2x64x128xf32, #tpu.memory_space<vmem>>, vector<16xf32>,
        %mul3A_2142 = arith.mulf %mul3A_2136, %get3A_2141 : vector<16xf32>
        %add3A_2143 = arith.addf %add3A_2125, %mul3A_2142 : vector<16xf32>
        %get3A_2144 = arith.constant 1 : i32
        %get3A_2145 = arith.index_cast %get3A_2144 : i32 to index
        %get3A_2146 = arith.index_cast %add3A_2054 : i32 to index
        %get3A_2147 = arith.constant 80 : index
        %get3A_2148 = tpu.vector_load %arg11[%get3A_2145, %get3A_2146, %get3A_2147] {strides = array<i32>} : memref<2x64x128xf32, #tpu.memory_space<vmem>>, vector<16xf32>,
        %get3A_2149 = arith.constant 1 : i32
        %get3A_2150 = arith.index_cast %get3A_2149 : i32 to index
        %get3A_2151 = arith.index_cast %add3A_2054 : i32 to index
        %get3A_2152 = arith.constant 80 : index
        %get3A_2153 = tpu.vector_load %arg12[%get3A_2150, %get3A_2151, %get3A_2152] {strides = array<i32>} : memref<2x64x128xf32, #tpu.memory_space<vmem>>, vector<16xf32>,
        %mul3A_2154 = arith.mulf %get3A_2148, %get3A_2153 : vector<16xf32>
        %get3A_2155 = arith.constant 1 : i32
        %get3A_2156 = arith.index_cast %get3A_2155 : i32 to index
        %get3A_2157 = arith.index_cast %add3A_2054 : i32 to index
        %get3A_2158 = arith.constant 80 : index
        %get3A_2159 = tpu.vector_load %arg13[%get3A_2156, %get3A_2157, %get3A_2158] {strides = array<i32>} : memref<2x64x128xf32, #tpu.memory_space<vmem>>, vector<16xf32>,
        %mul3A_2160 = arith.mulf %mul3A_2154, %get3A_2159 : vector<16xf32>
        %add3A_2161 = arith.addf %add3A_2143, %mul3A_2160 : vector<16xf32>
        %get3A_2162 = arith.constant 1 : i32
        %get3A_2163 = arith.index_cast %get3A_2162 : i32 to index
        %get3A_2164 = arith.index_cast %add3A_2054 : i32 to index
        %get3A_2165 = arith.constant 96 : index
        %get3A_2166 = tpu.vector_load %arg11[%get3A_2163, %get3A_2164, %get3A_2165] {strides = array<i32>} : memref<2x64x128xf32, #tpu.memory_space<vmem>>, vector<16xf32>,
        %get3A_2167 = arith.constant 1 : i32
        %get3A_2168 = arith.index_cast %get3A_2167 : i32 to index
        %get3A_2169 = arith.index_cast %add3A_2054 : i32 to index
        %get3A_2170 = arith.constant 96 : index
        %get3A_2171 = tpu.vector_load %arg12[%get3A_2168, %get3A_2169, %get3A_2170] {strides = array<i32>} : memref<2x64x128xf32, #tpu.memory_space<vmem>>, vector<16xf32>,
        %mul3A_2172 = arith.mulf %get3A_2166, %get3A_2171 : vector<16xf32>
        %get3A_2173 = arith.constant 1 : i32
        %get3A_2174 = arith.index_cast %get3A_2173 : i32 to index
        %get3A_2175 = arith.index_cast %add3A_2054 : i32 to index
        %get3A_2176 = arith.constant 96 : index
        %get3A_2177 = tpu.vector_load %arg13[%get3A_2174, %get3A_2175, %get3A_2176] {strides = array<i32>} : memref<2x64x128xf32, #tpu.memory_space<vmem>>, vector<16xf32>,
        %mul3A_2178 = arith.mulf %mul3A_2172, %get3A_2177 : vector<16xf32>
        %add3A_2179 = arith.addf %add3A_2161, %mul3A_2178 : vector<16xf32>
        %get3A_2180 = arith.constant 1 : i32
        %get3A_2181 = arith.index_cast %get3A_2180 : i32 to index
        %get3A_2182 = arith.index_cast %add3A_2054 : i32 to index
        %get3A_2183 = arith.constant 112 : index
        %get3A_2184 = tpu.vector_load %arg11[%get3A_2181, %get3A_2182, %get3A_2183] {strides = array<i32>} : memref<2x64x128xf32, #tpu.memory_space<vmem>>, vector<16xf32>,
        %get3A_2185 = arith.constant 1 : i32
        %get3A_2186 = arith.index_cast %get3A_2185 : i32 to index
        %get3A_2187 = arith.index_cast %add3A_2054 : i32 to index
        %get3A_2188 = arith.constant 112 : index
        %get3A_2189 = tpu.vector_load %arg12[%get3A_2186, %get3A_2187, %get3A_2188] {strides = array<i32>} : memref<2x64x128xf32, #tpu.memory_space<vmem>>, vector<16xf32>,
        %mul3A_2190 = arith.mulf %get3A_2184, %get3A_2189 : vector<16xf32>
        %get3A_2191 = arith.constant 1 : i32
        %get3A_2192 = arith.index_cast %get3A_2191 : i32 to index
        %get3A_2193 = arith.index_cast %add3A_2054 : i32 to index
        %get3A_2194 = arith.constant 112 : index
        %get3A_2195 = tpu.vector_load %arg13[%get3A_2192, %get3A_2193, %get3A_2194] {strides = array<i32>} : memref<2x64x128xf32, #tpu.memory_space<vmem>>, vector<16xf32>,
        %mul3A_2196 = arith.mulf %mul3A_2190, %get3A_2195 : vector<16xf32>
        %add3A_2197 = arith.addf %add3A_2179, %mul3A_2196 : vector<16xf32>
        %swap3A_2198 = arith.constant 192 : index
        %swap3A_2199 = tpu.vector_load %arg15[%swap3A_2198] {strides = array<i32>} : memref<256xf32, #tpu.memory_space<vmem>>, vector<16xf32>,
        tpu.vector_store %arg15[%swap3A_2198], %add3A_2197 {strides = array<i32>} : memref<256xf32, #tpu.memory_space<vmem>>, vector<16xf32>,
        %mul3A_2200 = arith.constant 16 : i32
        %mul3A_2201 = arith.muli %scan3A_264, %mul3A_2200 : i32
        %add3A_2202 = arith.constant 13 : i32
        %add3A_2203 = arith.addi %mul3A_2201, %add3A_2202 : i32
        %get3A_2204 = arith.constant 1 : i32
        %get3A_2205 = arith.index_cast %get3A_2204 : i32 to index
        %get3A_2206 = arith.index_cast %add3A_2203 : i32 to index
        %get3A_2207 = arith.constant 0 : index
        %get3A_2208 = tpu.vector_load %arg11[%get3A_2205, %get3A_2206, %get3A_2207] {strides = array<i32>} : memref<2x64x128xf32, #tpu.memory_space<vmem>>, vector<16xf32>,
        %get3A_2209 = arith.constant 1 : i32
        %get3A_2210 = arith.index_cast %get3A_2209 : i32 to index
        %get3A_2211 = arith.index_cast %add3A_2203 : i32 to index
        %get3A_2212 = arith.constant 0 : index
        %get3A_2213 = tpu.vector_load %arg12[%get3A_2210, %get3A_2211, %get3A_2212] {strides = array<i32>} : memref<2x64x128xf32, #tpu.memory_space<vmem>>, vector<16xf32>,
        %mul3A_2214 = arith.mulf %get3A_2208, %get3A_2213 : vector<16xf32>
        %get3A_2215 = arith.constant 1 : i32
        %get3A_2216 = arith.index_cast %get3A_2215 : i32 to index
        %get3A_2217 = arith.index_cast %add3A_2203 : i32 to index
        %get3A_2218 = arith.constant 0 : index
        %get3A_2219 = tpu.vector_load %arg13[%get3A_2216, %get3A_2217, %get3A_2218] {strides = array<i32>} : memref<2x64x128xf32, #tpu.memory_space<vmem>>, vector<16xf32>,
        %mul3A_2220 = arith.mulf %mul3A_2214, %get3A_2219 : vector<16xf32>
        %get3A_2221 = arith.constant 1 : i32
        %get3A_2222 = arith.index_cast %get3A_2221 : i32 to index
        %get3A_2223 = arith.index_cast %add3A_2203 : i32 to index
        %get3A_2224 = arith.constant 16 : index
        %get3A_2225 = tpu.vector_load %arg11[%get3A_2222, %get3A_2223, %get3A_2224] {strides = array<i32>} : memref<2x64x128xf32, #tpu.memory_space<vmem>>, vector<16xf32>,
        %get3A_2226 = arith.constant 1 : i32
        %get3A_2227 = arith.index_cast %get3A_2226 : i32 to index
        %get3A_2228 = arith.index_cast %add3A_2203 : i32 to index
        %get3A_2229 = arith.constant 16 : index
        %get3A_2230 = tpu.vector_load %arg12[%get3A_2227, %get3A_2228, %get3A_2229] {strides = array<i32>} : memref<2x64x128xf32, #tpu.memory_space<vmem>>, vector<16xf32>,
        %mul3A_2231 = arith.mulf %get3A_2225, %get3A_2230 : vector<16xf32>
        %get3A_2232 = arith.constant 1 : i32
        %get3A_2233 = arith.index_cast %get3A_2232 : i32 to index
        %get3A_2234 = arith.index_cast %add3A_2203 : i32 to index
        %get3A_2235 = arith.constant 16 : index
        %get3A_2236 = tpu.vector_load %arg13[%get3A_2233, %get3A_2234, %get3A_2235] {strides = array<i32>} : memref<2x64x128xf32, #tpu.memory_space<vmem>>, vector<16xf32>,
        %mul3A_2237 = arith.mulf %mul3A_2231, %get3A_2236 : vector<16xf32>
        %add3A_2238 = arith.addf %mul3A_2220, %mul3A_2237 : vector<16xf32>
        %get3A_2239 = arith.constant 1 : i32
        %get3A_2240 = arith.index_cast %get3A_2239 : i32 to index
        %get3A_2241 = arith.index_cast %add3A_2203 : i32 to index
        %get3A_2242 = arith.constant 32 : index
        %get3A_2243 = tpu.vector_load %arg11[%get3A_2240, %get3A_2241, %get3A_2242] {strides = array<i32>} : memref<2x64x128xf32, #tpu.memory_space<vmem>>, vector<16xf32>,
        %get3A_2244 = arith.constant 1 : i32
        %get3A_2245 = arith.index_cast %get3A_2244 : i32 to index
        %get3A_2246 = arith.index_cast %add3A_2203 : i32 to index
        %get3A_2247 = arith.constant 32 : index
        %get3A_2248 = tpu.vector_load %arg12[%get3A_2245, %get3A_2246, %get3A_2247] {strides = array<i32>} : memref<2x64x128xf32, #tpu.memory_space<vmem>>, vector<16xf32>,
        %mul3A_2249 = arith.mulf %get3A_2243, %get3A_2248 : vector<16xf32>
        %get3A_2250 = arith.constant 1 : i32
        %get3A_2251 = arith.index_cast %get3A_2250 : i32 to index
        %get3A_2252 = arith.index_cast %add3A_2203 : i32 to index
        %get3A_2253 = arith.constant 32 : index
        %get3A_2254 = tpu.vector_load %arg13[%get3A_2251, %get3A_2252, %get3A_2253] {strides = array<i32>} : memref<2x64x128xf32, #tpu.memory_space<vmem>>, vector<16xf32>,
        %mul3A_2255 = arith.mulf %mul3A_2249, %get3A_2254 : vector<16xf32>
        %add3A_2256 = arith.addf %add3A_2238, %mul3A_2255 : vector<16xf32>
        %get3A_2257 = arith.constant 1 : i32
        %get3A_2258 = arith.index_cast %get3A_2257 : i32 to index
        %get3A_2259 = arith.index_cast %add3A_2203 : i32 to index
        %get3A_2260 = arith.constant 48 : index
        %get3A_2261 = tpu.vector_load %arg11[%get3A_2258, %get3A_2259, %get3A_2260] {strides = array<i32>} : memref<2x64x128xf32, #tpu.memory_space<vmem>>, vector<16xf32>,
        %get3A_2262 = arith.constant 1 : i32
        %get3A_2263 = arith.index_cast %get3A_2262 : i32 to index
        %get3A_2264 = arith.index_cast %add3A_2203 : i32 to index
        %get3A_2265 = arith.constant 48 : index
        %get3A_2266 = tpu.vector_load %arg12[%get3A_2263, %get3A_2264, %get3A_2265] {strides = array<i32>} : memref<2x64x128xf32, #tpu.memory_space<vmem>>, vector<16xf32>,
        %mul3A_2267 = arith.mulf %get3A_2261, %get3A_2266 : vector<16xf32>
        %get3A_2268 = arith.constant 1 : i32
        %get3A_2269 = arith.index_cast %get3A_2268 : i32 to index
        %get3A_2270 = arith.index_cast %add3A_2203 : i32 to index
        %get3A_2271 = arith.constant 48 : index
        %get3A_2272 = tpu.vector_load %arg13[%get3A_2269, %get3A_2270, %get3A_2271] {strides = array<i32>} : memref<2x64x128xf32, #tpu.memory_space<vmem>>, vector<16xf32>,
        %mul3A_2273 = arith.mulf %mul3A_2267, %get3A_2272 : vector<16xf32>
        %add3A_2274 = arith.addf %add3A_2256, %mul3A_2273 : vector<16xf32>
        %get3A_2275 = arith.constant 1 : i32
        %get3A_2276 = arith.index_cast %get3A_2275 : i32 to index
        %get3A_2277 = arith.index_cast %add3A_2203 : i32 to index
        %get3A_2278 = arith.constant 64 : index
        %get3A_2279 = tpu.vector_load %arg11[%get3A_2276, %get3A_2277, %get3A_2278] {strides = array<i32>} : memref<2x64x128xf32, #tpu.memory_space<vmem>>, vector<16xf32>,
        %get3A_2280 = arith.constant 1 : i32
        %get3A_2281 = arith.index_cast %get3A_2280 : i32 to index
        %get3A_2282 = arith.index_cast %add3A_2203 : i32 to index
        %get3A_2283 = arith.constant 64 : index
        %get3A_2284 = tpu.vector_load %arg12[%get3A_2281, %get3A_2282, %get3A_2283] {strides = array<i32>} : memref<2x64x128xf32, #tpu.memory_space<vmem>>, vector<16xf32>,
        %mul3A_2285 = arith.mulf %get3A_2279, %get3A_2284 : vector<16xf32>
        %get3A_2286 = arith.constant 1 : i32
        %get3A_2287 = arith.index_cast %get3A_2286 : i32 to index
        %get3A_2288 = arith.index_cast %add3A_2203 : i32 to index
        %get3A_2289 = arith.constant 64 : index
        %get3A_2290 = tpu.vector_load %arg13[%get3A_2287, %get3A_2288, %get3A_2289] {strides = array<i32>} : memref<2x64x128xf32, #tpu.memory_space<vmem>>, vector<16xf32>,
        %mul3A_2291 = arith.mulf %mul3A_2285, %get3A_2290 : vector<16xf32>
        %add3A_2292 = arith.addf %add3A_2274, %mul3A_2291 : vector<16xf32>
        %get3A_2293 = arith.constant 1 : i32
        %get3A_2294 = arith.index_cast %get3A_2293 : i32 to index
        %get3A_2295 = arith.index_cast %add3A_2203 : i32 to index
        %get3A_2296 = arith.constant 80 : index
        %get3A_2297 = tpu.vector_load %arg11[%get3A_2294, %get3A_2295, %get3A_2296] {strides = array<i32>} : memref<2x64x128xf32, #tpu.memory_space<vmem>>, vector<16xf32>,
        %get3A_2298 = arith.constant 1 : i32
        %get3A_2299 = arith.index_cast %get3A_2298 : i32 to index
        %get3A_2300 = arith.index_cast %add3A_2203 : i32 to index
        %get3A_2301 = arith.constant 80 : index
        %get3A_2302 = tpu.vector_load %arg12[%get3A_2299, %get3A_2300, %get3A_2301] {strides = array<i32>} : memref<2x64x128xf32, #tpu.memory_space<vmem>>, vector<16xf32>,
        %mul3A_2303 = arith.mulf %get3A_2297, %get3A_2302 : vector<16xf32>
        %get3A_2304 = arith.constant 1 : i32
        %get3A_2305 = arith.index_cast %get3A_2304 : i32 to index
        %get3A_2306 = arith.index_cast %add3A_2203 : i32 to index
        %get3A_2307 = arith.constant 80 : index
        %get3A_2308 = tpu.vector_load %arg13[%get3A_2305, %get3A_2306, %get3A_2307] {strides = array<i32>} : memref<2x64x128xf32, #tpu.memory_space<vmem>>, vector<16xf32>,
        %mul3A_2309 = arith.mulf %mul3A_2303, %get3A_2308 : vector<16xf32>
        %add3A_2310 = arith.addf %add3A_2292, %mul3A_2309 : vector<16xf32>
        %get3A_2311 = arith.constant 1 : i32
        %get3A_2312 = arith.index_cast %get3A_2311 : i32 to index
        %get3A_2313 = arith.index_cast %add3A_2203 : i32 to index
        %get3A_2314 = arith.constant 96 : index
        %get3A_2315 = tpu.vector_load %arg11[%get3A_2312, %get3A_2313, %get3A_2314] {strides = array<i32>} : memref<2x64x128xf32, #tpu.memory_space<vmem>>, vector<16xf32>,
        %get3A_2316 = arith.constant 1 : i32
        %get3A_2317 = arith.index_cast %get3A_2316 : i32 to index
        %get3A_2318 = arith.index_cast %add3A_2203 : i32 to index
        %get3A_2319 = arith.constant 96 : index
        %get3A_2320 = tpu.vector_load %arg12[%get3A_2317, %get3A_2318, %get3A_2319] {strides = array<i32>} : memref<2x64x128xf32, #tpu.memory_space<vmem>>, vector<16xf32>,
        %mul3A_2321 = arith.mulf %get3A_2315, %get3A_2320 : vector<16xf32>
        %get3A_2322 = arith.constant 1 : i32
        %get3A_2323 = arith.index_cast %get3A_2322 : i32 to index
        %get3A_2324 = arith.index_cast %add3A_2203 : i32 to index
        %get3A_2325 = arith.constant 96 : index
        %get3A_2326 = tpu.vector_load %arg13[%get3A_2323, %get3A_2324, %get3A_2325] {strides = array<i32>} : memref<2x64x128xf32, #tpu.memory_space<vmem>>, vector<16xf32>,
        %mul3A_2327 = arith.mulf %mul3A_2321, %get3A_2326 : vector<16xf32>
        %add3A_2328 = arith.addf %add3A_2310, %mul3A_2327 : vector<16xf32>
        %get3A_2329 = arith.constant 1 : i32
        %get3A_2330 = arith.index_cast %get3A_2329 : i32 to index
        %get3A_2331 = arith.index_cast %add3A_2203 : i32 to index
        %get3A_2332 = arith.constant 112 : index
        %get3A_2333 = tpu.vector_load %arg11[%get3A_2330, %get3A_2331, %get3A_2332] {strides = array<i32>} : memref<2x64x128xf32, #tpu.memory_space<vmem>>, vector<16xf32>,
        %get3A_2334 = arith.constant 1 : i32
        %get3A_2335 = arith.index_cast %get3A_2334 : i32 to index
        %get3A_2336 = arith.index_cast %add3A_2203 : i32 to index
        %get3A_2337 = arith.constant 112 : index
        %get3A_2338 = tpu.vector_load %arg12[%get3A_2335, %get3A_2336, %get3A_2337] {strides = array<i32>} : memref<2x64x128xf32, #tpu.memory_space<vmem>>, vector<16xf32>,
        %mul3A_2339 = arith.mulf %get3A_2333, %get3A_2338 : vector<16xf32>
        %get3A_2340 = arith.constant 1 : i32
        %get3A_2341 = arith.index_cast %get3A_2340 : i32 to index
        %get3A_2342 = arith.index_cast %add3A_2203 : i32 to index
        %get3A_2343 = arith.constant 112 : index
        %get3A_2344 = tpu.vector_load %arg13[%get3A_2341, %get3A_2342, %get3A_2343] {strides = array<i32>} : memref<2x64x128xf32, #tpu.memory_space<vmem>>, vector<16xf32>,
        %mul3A_2345 = arith.mulf %mul3A_2339, %get3A_2344 : vector<16xf32>
        %add3A_2346 = arith.addf %add3A_2328, %mul3A_2345 : vector<16xf32>
        %swap3A_2347 = arith.constant 208 : index
        %swap3A_2348 = tpu.vector_load %arg15[%swap3A_2347] {strides = array<i32>} : memref<256xf32, #tpu.memory_space<vmem>>, vector<16xf32>,
        tpu.vector_store %arg15[%swap3A_2347], %add3A_2346 {strides = array<i32>} : memref<256xf32, #tpu.memory_space<vmem>>, vector<16xf32>,
        %mul3A_2349 = arith.constant 16 : i32
        %mul3A_2350 = arith.muli %scan3A_264, %mul3A_2349 : i32
        %add3A_2351 = arith.constant 14 : i32
        %add3A_2352 = arith.addi %mul3A_2350, %add3A_2351 : i32
        %get3A_2353 = arith.constant 1 : i32
        %get3A_2354 = arith.index_cast %get3A_2353 : i32 to index
        %get3A_2355 = arith.index_cast %add3A_2352 : i32 to index
        %get3A_2356 = arith.constant 0 : index
        %get3A_2357 = tpu.vector_load %arg11[%get3A_2354, %get3A_2355, %get3A_2356] {strides = array<i32>} : memref<2x64x128xf32, #tpu.memory_space<vmem>>, vector<16xf32>,
        %get3A_2358 = arith.constant 1 : i32
        %get3A_2359 = arith.index_cast %get3A_2358 : i32 to index
        %get3A_2360 = arith.index_cast %add3A_2352 : i32 to index
        %get3A_2361 = arith.constant 0 : index
        %get3A_2362 = tpu.vector_load %arg12[%get3A_2359, %get3A_2360, %get3A_2361] {strides = array<i32>} : memref<2x64x128xf32, #tpu.memory_space<vmem>>, vector<16xf32>,
        %mul3A_2363 = arith.mulf %get3A_2357, %get3A_2362 : vector<16xf32>
        %get3A_2364 = arith.constant 1 : i32
        %get3A_2365 = arith.index_cast %get3A_2364 : i32 to index
        %get3A_2366 = arith.index_cast %add3A_2352 : i32 to index
        %get3A_2367 = arith.constant 0 : index
        %get3A_2368 = tpu.vector_load %arg13[%get3A_2365, %get3A_2366, %get3A_2367] {strides = array<i32>} : memref<2x64x128xf32, #tpu.memory_space<vmem>>, vector<16xf32>,
        %mul3A_2369 = arith.mulf %mul3A_2363, %get3A_2368 : vector<16xf32>
        %get3A_2370 = arith.constant 1 : i32
        %get3A_2371 = arith.index_cast %get3A_2370 : i32 to index
        %get3A_2372 = arith.index_cast %add3A_2352 : i32 to index
        %get3A_2373 = arith.constant 16 : index
        %get3A_2374 = tpu.vector_load %arg11[%get3A_2371, %get3A_2372, %get3A_2373] {strides = array<i32>} : memref<2x64x128xf32, #tpu.memory_space<vmem>>, vector<16xf32>,
        %get3A_2375 = arith.constant 1 : i32
        %get3A_2376 = arith.index_cast %get3A_2375 : i32 to index
        %get3A_2377 = arith.index_cast %add3A_2352 : i32 to index
        %get3A_2378 = arith.constant 16 : index
        %get3A_2379 = tpu.vector_load %arg12[%get3A_2376, %get3A_2377, %get3A_2378] {strides = array<i32>} : memref<2x64x128xf32, #tpu.memory_space<vmem>>, vector<16xf32>,
        %mul3A_2380 = arith.mulf %get3A_2374, %get3A_2379 : vector<16xf32>
        %get3A_2381 = arith.constant 1 : i32
        %get3A_2382 = arith.index_cast %get3A_2381 : i32 to index
        %get3A_2383 = arith.index_cast %add3A_2352 : i32 to index
        %get3A_2384 = arith.constant 16 : index
        %get3A_2385 = tpu.vector_load %arg13[%get3A_2382, %get3A_2383, %get3A_2384] {strides = array<i32>} : memref<2x64x128xf32, #tpu.memory_space<vmem>>, vector<16xf32>,
        %mul3A_2386 = arith.mulf %mul3A_2380, %get3A_2385 : vector<16xf32>
        %add3A_2387 = arith.addf %mul3A_2369, %mul3A_2386 : vector<16xf32>
        %get3A_2388 = arith.constant 1 : i32
        %get3A_2389 = arith.index_cast %get3A_2388 : i32 to index
        %get3A_2390 = arith.index_cast %add3A_2352 : i32 to index
        %get3A_2391 = arith.constant 32 : index
        %get3A_2392 = tpu.vector_load %arg11[%get3A_2389, %get3A_2390, %get3A_2391] {strides = array<i32>} : memref<2x64x128xf32, #tpu.memory_space<vmem>>, vector<16xf32>,
        %get3A_2393 = arith.constant 1 : i32
        %get3A_2394 = arith.index_cast %get3A_2393 : i32 to index
        %get3A_2395 = arith.index_cast %add3A_2352 : i32 to index
        %get3A_2396 = arith.constant 32 : index
        %get3A_2397 = tpu.vector_load %arg12[%get3A_2394, %get3A_2395, %get3A_2396] {strides = array<i32>} : memref<2x64x128xf32, #tpu.memory_space<vmem>>, vector<16xf32>,
        %mul3A_2398 = arith.mulf %get3A_2392, %get3A_2397 : vector<16xf32>
        %get3A_2399 = arith.constant 1 : i32
        %get3A_2400 = arith.index_cast %get3A_2399 : i32 to index
        %get3A_2401 = arith.index_cast %add3A_2352 : i32 to index
        %get3A_2402 = arith.constant 32 : index
        %get3A_2403 = tpu.vector_load %arg13[%get3A_2400, %get3A_2401, %get3A_2402] {strides = array<i32>} : memref<2x64x128xf32, #tpu.memory_space<vmem>>, vector<16xf32>,
        %mul3A_2404 = arith.mulf %mul3A_2398, %get3A_2403 : vector<16xf32>
        %add3A_2405 = arith.addf %add3A_2387, %mul3A_2404 : vector<16xf32>
        %get3A_2406 = arith.constant 1 : i32
        %get3A_2407 = arith.index_cast %get3A_2406 : i32 to index
        %get3A_2408 = arith.index_cast %add3A_2352 : i32 to index
        %get3A_2409 = arith.constant 48 : index
        %get3A_2410 = tpu.vector_load %arg11[%get3A_2407, %get3A_2408, %get3A_2409] {strides = array<i32>} : memref<2x64x128xf32, #tpu.memory_space<vmem>>, vector<16xf32>,
        %get3A_2411 = arith.constant 1 : i32
        %get3A_2412 = arith.index_cast %get3A_2411 : i32 to index
        %get3A_2413 = arith.index_cast %add3A_2352 : i32 to index
        %get3A_2414 = arith.constant 48 : index
        %get3A_2415 = tpu.vector_load %arg12[%get3A_2412, %get3A_2413, %get3A_2414] {strides = array<i32>} : memref<2x64x128xf32, #tpu.memory_space<vmem>>, vector<16xf32>,
        %mul3A_2416 = arith.mulf %get3A_2410, %get3A_2415 : vector<16xf32>
        %get3A_2417 = arith.constant 1 : i32
        %get3A_2418 = arith.index_cast %get3A_2417 : i32 to index
        %get3A_2419 = arith.index_cast %add3A_2352 : i32 to index
        %get3A_2420 = arith.constant 48 : index
        %get3A_2421 = tpu.vector_load %arg13[%get3A_2418, %get3A_2419, %get3A_2420] {strides = array<i32>} : memref<2x64x128xf32, #tpu.memory_space<vmem>>, vector<16xf32>,
        %mul3A_2422 = arith.mulf %mul3A_2416, %get3A_2421 : vector<16xf32>
        %add3A_2423 = arith.addf %add3A_2405, %mul3A_2422 : vector<16xf32>
        %get3A_2424 = arith.constant 1 : i32
        %get3A_2425 = arith.index_cast %get3A_2424 : i32 to index
        %get3A_2426 = arith.index_cast %add3A_2352 : i32 to index
        %get3A_2427 = arith.constant 64 : index
        %get3A_2428 = tpu.vector_load %arg11[%get3A_2425, %get3A_2426, %get3A_2427] {strides = array<i32>} : memref<2x64x128xf32, #tpu.memory_space<vmem>>, vector<16xf32>,
        %get3A_2429 = arith.constant 1 : i32
        %get3A_2430 = arith.index_cast %get3A_2429 : i32 to index
        %get3A_2431 = arith.index_cast %add3A_2352 : i32 to index
        %get3A_2432 = arith.constant 64 : index
        %get3A_2433 = tpu.vector_load %arg12[%get3A_2430, %get3A_2431, %get3A_2432] {strides = array<i32>} : memref<2x64x128xf32, #tpu.memory_space<vmem>>, vector<16xf32>,
        %mul3A_2434 = arith.mulf %get3A_2428, %get3A_2433 : vector<16xf32>
        %get3A_2435 = arith.constant 1 : i32
        %get3A_2436 = arith.index_cast %get3A_2435 : i32 to index
        %get3A_2437 = arith.index_cast %add3A_2352 : i32 to index
        %get3A_2438 = arith.constant 64 : index
        %get3A_2439 = tpu.vector_load %arg13[%get3A_2436, %get3A_2437, %get3A_2438] {strides = array<i32>} : memref<2x64x128xf32, #tpu.memory_space<vmem>>, vector<16xf32>,
        %mul3A_2440 = arith.mulf %mul3A_2434, %get3A_2439 : vector<16xf32>
        %add3A_2441 = arith.addf %add3A_2423, %mul3A_2440 : vector<16xf32>
        %get3A_2442 = arith.constant 1 : i32
        %get3A_2443 = arith.index_cast %get3A_2442 : i32 to index
        %get3A_2444 = arith.index_cast %add3A_2352 : i32 to index
        %get3A_2445 = arith.constant 80 : index
        %get3A_2446 = tpu.vector_load %arg11[%get3A_2443, %get3A_2444, %get3A_2445] {strides = array<i32>} : memref<2x64x128xf32, #tpu.memory_space<vmem>>, vector<16xf32>,
        %get3A_2447 = arith.constant 1 : i32
        %get3A_2448 = arith.index_cast %get3A_2447 : i32 to index
        %get3A_2449 = arith.index_cast %add3A_2352 : i32 to index
        %get3A_2450 = arith.constant 80 : index
        %get3A_2451 = tpu.vector_load %arg12[%get3A_2448, %get3A_2449, %get3A_2450] {strides = array<i32>} : memref<2x64x128xf32, #tpu.memory_space<vmem>>, vector<16xf32>,
        %mul3A_2452 = arith.mulf %get3A_2446, %get3A_2451 : vector<16xf32>
        %get3A_2453 = arith.constant 1 : i32
        %get3A_2454 = arith.index_cast %get3A_2453 : i32 to index
        %get3A_2455 = arith.index_cast %add3A_2352 : i32 to index
        %get3A_2456 = arith.constant 80 : index
        %get3A_2457 = tpu.vector_load %arg13[%get3A_2454, %get3A_2455, %get3A_2456] {strides = array<i32>} : memref<2x64x128xf32, #tpu.memory_space<vmem>>, vector<16xf32>,
        %mul3A_2458 = arith.mulf %mul3A_2452, %get3A_2457 : vector<16xf32>
        %add3A_2459 = arith.addf %add3A_2441, %mul3A_2458 : vector<16xf32>
        %get3A_2460 = arith.constant 1 : i32
        %get3A_2461 = arith.index_cast %get3A_2460 : i32 to index
        %get3A_2462 = arith.index_cast %add3A_2352 : i32 to index
        %get3A_2463 = arith.constant 96 : index
        %get3A_2464 = tpu.vector_load %arg11[%get3A_2461, %get3A_2462, %get3A_2463] {strides = array<i32>} : memref<2x64x128xf32, #tpu.memory_space<vmem>>, vector<16xf32>,
        %get3A_2465 = arith.constant 1 : i32
        %get3A_2466 = arith.index_cast %get3A_2465 : i32 to index
        %get3A_2467 = arith.index_cast %add3A_2352 : i32 to index
        %get3A_2468 = arith.constant 96 : index
        %get3A_2469 = tpu.vector_load %arg12[%get3A_2466, %get3A_2467, %get3A_2468] {strides = array<i32>} : memref<2x64x128xf32, #tpu.memory_space<vmem>>, vector<16xf32>,
        %mul3A_2470 = arith.mulf %get3A_2464, %get3A_2469 : vector<16xf32>
        %get3A_2471 = arith.constant 1 : i32
        %get3A_2472 = arith.index_cast %get3A_2471 : i32 to index
        %get3A_2473 = arith.index_cast %add3A_2352 : i32 to index
        %get3A_2474 = arith.constant 96 : index
        %get3A_2475 = tpu.vector_load %arg13[%get3A_2472, %get3A_2473, %get3A_2474] {strides = array<i32>} : memref<2x64x128xf32, #tpu.memory_space<vmem>>, vector<16xf32>,
        %mul3A_2476 = arith.mulf %mul3A_2470, %get3A_2475 : vector<16xf32>
        %add3A_2477 = arith.addf %add3A_2459, %mul3A_2476 : vector<16xf32>
        %get3A_2478 = arith.constant 1 : i32
        %get3A_2479 = arith.index_cast %get3A_2478 : i32 to index
        %get3A_2480 = arith.index_cast %add3A_2352 : i32 to index
        %get3A_2481 = arith.constant 112 : index
        %get3A_2482 = tpu.vector_load %arg11[%get3A_2479, %get3A_2480, %get3A_2481] {strides = array<i32>} : memref<2x64x128xf32, #tpu.memory_space<vmem>>, vector<16xf32>,
        %get3A_2483 = arith.constant 1 : i32
        %get3A_2484 = arith.index_cast %get3A_2483 : i32 to index
        %get3A_2485 = arith.index_cast %add3A_2352 : i32 to index
        %get3A_2486 = arith.constant 112 : index
        %get3A_2487 = tpu.vector_load %arg12[%get3A_2484, %get3A_2485, %get3A_2486] {strides = array<i32>} : memref<2x64x128xf32, #tpu.memory_space<vmem>>, vector<16xf32>,
        %mul3A_2488 = arith.mulf %get3A_2482, %get3A_2487 : vector<16xf32>
        %get3A_2489 = arith.constant 1 : i32
        %get3A_2490 = arith.index_cast %get3A_2489 : i32 to index
        %get3A_2491 = arith.index_cast %add3A_2352 : i32 to index
        %get3A_2492 = arith.constant 112 : index
        %get3A_2493 = tpu.vector_load %arg13[%get3A_2490, %get3A_2491, %get3A_2492] {strides = array<i32>} : memref<2x64x128xf32, #tpu.memory_space<vmem>>, vector<16xf32>,
        %mul3A_2494 = arith.mulf %mul3A_2488, %get3A_2493 : vector<16xf32>
        %add3A_2495 = arith.addf %add3A_2477, %mul3A_2494 : vector<16xf32>
        %swap3A_2496 = arith.constant 224 : index
        %swap3A_2497 = tpu.vector_load %arg15[%swap3A_2496] {strides = array<i32>} : memref<256xf32, #tpu.memory_space<vmem>>, vector<16xf32>,
        tpu.vector_store %arg15[%swap3A_2496], %add3A_2495 {strides = array<i32>} : memref<256xf32, #tpu.memory_space<vmem>>, vector<16xf32>,
        %mul3A_2498 = arith.constant 16 : i32
        %mul3A_2499 = arith.muli %scan3A_264, %mul3A_2498 : i32
        %add3A_2500 = arith.constant 15 : i32
        %add3A_2501 = arith.addi %mul3A_2499, %add3A_2500 : i32
        %get3A_2502 = arith.constant 1 : i32
        %get3A_2503 = arith.index_cast %get3A_2502 : i32 to index
        %get3A_2504 = arith.index_cast %add3A_2501 : i32 to index
        %get3A_2505 = arith.constant 0 : index
        %get3A_2506 = tpu.vector_load %arg11[%get3A_2503, %get3A_2504, %get3A_2505] {strides = array<i32>} : memref<2x64x128xf32, #tpu.memory_space<vmem>>, vector<16xf32>,
        %get3A_2507 = arith.constant 1 : i32
        %get3A_2508 = arith.index_cast %get3A_2507 : i32 to index
        %get3A_2509 = arith.index_cast %add3A_2501 : i32 to index
        %get3A_2510 = arith.constant 0 : index
        %get3A_2511 = tpu.vector_load %arg12[%get3A_2508, %get3A_2509, %get3A_2510] {strides = array<i32>} : memref<2x64x128xf32, #tpu.memory_space<vmem>>, vector<16xf32>,
        %mul3A_2512 = arith.mulf %get3A_2506, %get3A_2511 : vector<16xf32>
        %get3A_2513 = arith.constant 1 : i32
        %get3A_2514 = arith.index_cast %get3A_2513 : i32 to index
        %get3A_2515 = arith.index_cast %add3A_2501 : i32 to index
        %get3A_2516 = arith.constant 0 : index
        %get3A_2517 = tpu.vector_load %arg13[%get3A_2514, %get3A_2515, %get3A_2516] {strides = array<i32>} : memref<2x64x128xf32, #tpu.memory_space<vmem>>, vector<16xf32>,
        %mul3A_2518 = arith.mulf %mul3A_2512, %get3A_2517 : vector<16xf32>
        %get3A_2519 = arith.constant 1 : i32
        %get3A_2520 = arith.index_cast %get3A_2519 : i32 to index
        %get3A_2521 = arith.index_cast %add3A_2501 : i32 to index
        %get3A_2522 = arith.constant 16 : index
        %get3A_2523 = tpu.vector_load %arg11[%get3A_2520, %get3A_2521, %get3A_2522] {strides = array<i32>} : memref<2x64x128xf32, #tpu.memory_space<vmem>>, vector<16xf32>,
        %get3A_2524 = arith.constant 1 : i32
        %get3A_2525 = arith.index_cast %get3A_2524 : i32 to index
        %get3A_2526 = arith.index_cast %add3A_2501 : i32 to index
        %get3A_2527 = arith.constant 16 : index
        %get3A_2528 = tpu.vector_load %arg12[%get3A_2525, %get3A_2526, %get3A_2527] {strides = array<i32>} : memref<2x64x128xf32, #tpu.memory_space<vmem>>, vector<16xf32>,
        %mul3A_2529 = arith.mulf %get3A_2523, %get3A_2528 : vector<16xf32>
        %get3A_2530 = arith.constant 1 : i32
        %get3A_2531 = arith.index_cast %get3A_2530 : i32 to index
        %get3A_2532 = arith.index_cast %add3A_2501 : i32 to index
        %get3A_2533 = arith.constant 16 : index
        %get3A_2534 = tpu.vector_load %arg13[%get3A_2531, %get3A_2532, %get3A_2533] {strides = array<i32>} : memref<2x64x128xf32, #tpu.memory_space<vmem>>, vector<16xf32>,
        %mul3A_2535 = arith.mulf %mul3A_2529, %get3A_2534 : vector<16xf32>
        %add3A_2536 = arith.addf %mul3A_2518, %mul3A_2535 : vector<16xf32>
        %get3A_2537 = arith.constant 1 : i32
        %get3A_2538 = arith.index_cast %get3A_2537 : i32 to index
        %get3A_2539 = arith.index_cast %add3A_2501 : i32 to index
        %get3A_2540 = arith.constant 32 : index
        %get3A_2541 = tpu.vector_load %arg11[%get3A_2538, %get3A_2539, %get3A_2540] {strides = array<i32>} : memref<2x64x128xf32, #tpu.memory_space<vmem>>, vector<16xf32>,
        %get3A_2542 = arith.constant 1 : i32
        %get3A_2543 = arith.index_cast %get3A_2542 : i32 to index
        %get3A_2544 = arith.index_cast %add3A_2501 : i32 to index
        %get3A_2545 = arith.constant 32 : index
        %get3A_2546 = tpu.vector_load %arg12[%get3A_2543, %get3A_2544, %get3A_2545] {strides = array<i32>} : memref<2x64x128xf32, #tpu.memory_space<vmem>>, vector<16xf32>,
        %mul3A_2547 = arith.mulf %get3A_2541, %get3A_2546 : vector<16xf32>
        %get3A_2548 = arith.constant 1 : i32
        %get3A_2549 = arith.index_cast %get3A_2548 : i32 to index
        %get3A_2550 = arith.index_cast %add3A_2501 : i32 to index
        %get3A_2551 = arith.constant 32 : index
        %get3A_2552 = tpu.vector_load %arg13[%get3A_2549, %get3A_2550, %get3A_2551] {strides = array<i32>} : memref<2x64x128xf32, #tpu.memory_space<vmem>>, vector<16xf32>,
        %mul3A_2553 = arith.mulf %mul3A_2547, %get3A_2552 : vector<16xf32>
        %add3A_2554 = arith.addf %add3A_2536, %mul3A_2553 : vector<16xf32>
        %get3A_2555 = arith.constant 1 : i32
        %get3A_2556 = arith.index_cast %get3A_2555 : i32 to index
        %get3A_2557 = arith.index_cast %add3A_2501 : i32 to index
        %get3A_2558 = arith.constant 48 : index
        %get3A_2559 = tpu.vector_load %arg11[%get3A_2556, %get3A_2557, %get3A_2558] {strides = array<i32>} : memref<2x64x128xf32, #tpu.memory_space<vmem>>, vector<16xf32>,
        %get3A_2560 = arith.constant 1 : i32
        %get3A_2561 = arith.index_cast %get3A_2560 : i32 to index
        %get3A_2562 = arith.index_cast %add3A_2501 : i32 to index
        %get3A_2563 = arith.constant 48 : index
        %get3A_2564 = tpu.vector_load %arg12[%get3A_2561, %get3A_2562, %get3A_2563] {strides = array<i32>} : memref<2x64x128xf32, #tpu.memory_space<vmem>>, vector<16xf32>,
        %mul3A_2565 = arith.mulf %get3A_2559, %get3A_2564 : vector<16xf32>
        %get3A_2566 = arith.constant 1 : i32
        %get3A_2567 = arith.index_cast %get3A_2566 : i32 to index
        %get3A_2568 = arith.index_cast %add3A_2501 : i32 to index
        %get3A_2569 = arith.constant 48 : index
        %get3A_2570 = tpu.vector_load %arg13[%get3A_2567, %get3A_2568, %get3A_2569] {strides = array<i32>} : memref<2x64x128xf32, #tpu.memory_space<vmem>>, vector<16xf32>,
        %mul3A_2571 = arith.mulf %mul3A_2565, %get3A_2570 : vector<16xf32>
        %add3A_2572 = arith.addf %add3A_2554, %mul3A_2571 : vector<16xf32>
        %get3A_2573 = arith.constant 1 : i32
        %get3A_2574 = arith.index_cast %get3A_2573 : i32 to index
        %get3A_2575 = arith.index_cast %add3A_2501 : i32 to index
        %get3A_2576 = arith.constant 64 : index
        %get3A_2577 = tpu.vector_load %arg11[%get3A_2574, %get3A_2575, %get3A_2576] {strides = array<i32>} : memref<2x64x128xf32, #tpu.memory_space<vmem>>, vector<16xf32>,
        %get3A_2578 = arith.constant 1 : i32
        %get3A_2579 = arith.index_cast %get3A_2578 : i32 to index
        %get3A_2580 = arith.index_cast %add3A_2501 : i32 to index
        %get3A_2581 = arith.constant 64 : index
        %get3A_2582 = tpu.vector_load %arg12[%get3A_2579, %get3A_2580, %get3A_2581] {strides = array<i32>} : memref<2x64x128xf32, #tpu.memory_space<vmem>>, vector<16xf32>,
        %mul3A_2583 = arith.mulf %get3A_2577, %get3A_2582 : vector<16xf32>
        %get3A_2584 = arith.constant 1 : i32
        %get3A_2585 = arith.index_cast %get3A_2584 : i32 to index
        %get3A_2586 = arith.index_cast %add3A_2501 : i32 to index
        %get3A_2587 = arith.constant 64 : index
        %get3A_2588 = tpu.vector_load %arg13[%get3A_2585, %get3A_2586, %get3A_2587] {strides = array<i32>} : memref<2x64x128xf32, #tpu.memory_space<vmem>>, vector<16xf32>,
        %mul3A_2589 = arith.mulf %mul3A_2583, %get3A_2588 : vector<16xf32>
        %add3A_2590 = arith.addf %add3A_2572, %mul3A_2589 : vector<16xf32>
        %get3A_2591 = arith.constant 1 : i32
        %get3A_2592 = arith.index_cast %get3A_2591 : i32 to index
        %get3A_2593 = arith.index_cast %add3A_2501 : i32 to index
        %get3A_2594 = arith.constant 80 : index
        %get3A_2595 = tpu.vector_load %arg11[%get3A_2592, %get3A_2593, %get3A_2594] {strides = array<i32>} : memref<2x64x128xf32, #tpu.memory_space<vmem>>, vector<16xf32>,
        %get3A_2596 = arith.constant 1 : i32
        %get3A_2597 = arith.index_cast %get3A_2596 : i32 to index
        %get3A_2598 = arith.index_cast %add3A_2501 : i32 to index
        %get3A_2599 = arith.constant 80 : index
        %get3A_2600 = tpu.vector_load %arg12[%get3A_2597, %get3A_2598, %get3A_2599] {strides = array<i32>} : memref<2x64x128xf32, #tpu.memory_space<vmem>>, vector<16xf32>,
        %mul3A_2601 = arith.mulf %get3A_2595, %get3A_2600 : vector<16xf32>
        %get3A_2602 = arith.constant 1 : i32
        %get3A_2603 = arith.index_cast %get3A_2602 : i32 to index
        %get3A_2604 = arith.index_cast %add3A_2501 : i32 to index
        %get3A_2605 = arith.constant 80 : index
        %get3A_2606 = tpu.vector_load %arg13[%get3A_2603, %get3A_2604, %get3A_2605] {strides = array<i32>} : memref<2x64x128xf32, #tpu.memory_space<vmem>>, vector<16xf32>,
        %mul3A_2607 = arith.mulf %mul3A_2601, %get3A_2606 : vector<16xf32>
        %add3A_2608 = arith.addf %add3A_2590, %mul3A_2607 : vector<16xf32>
        %get3A_2609 = arith.constant 1 : i32
        %get3A_2610 = arith.index_cast %get3A_2609 : i32 to index
        %get3A_2611 = arith.index_cast %add3A_2501 : i32 to index
        %get3A_2612 = arith.constant 96 : index
        %get3A_2613 = tpu.vector_load %arg11[%get3A_2610, %get3A_2611, %get3A_2612] {strides = array<i32>} : memref<2x64x128xf32, #tpu.memory_space<vmem>>, vector<16xf32>,
        %get3A_2614 = arith.constant 1 : i32
        %get3A_2615 = arith.index_cast %get3A_2614 : i32 to index
        %get3A_2616 = arith.index_cast %add3A_2501 : i32 to index
        %get3A_2617 = arith.constant 96 : index
        %get3A_2618 = tpu.vector_load %arg12[%get3A_2615, %get3A_2616, %get3A_2617] {strides = array<i32>} : memref<2x64x128xf32, #tpu.memory_space<vmem>>, vector<16xf32>,
        %mul3A_2619 = arith.mulf %get3A_2613, %get3A_2618 : vector<16xf32>
        %get3A_2620 = arith.constant 1 : i32
        %get3A_2621 = arith.index_cast %get3A_2620 : i32 to index
        %get3A_2622 = arith.index_cast %add3A_2501 : i32 to index
        %get3A_2623 = arith.constant 96 : index
        %get3A_2624 = tpu.vector_load %arg13[%get3A_2621, %get3A_2622, %get3A_2623] {strides = array<i32>} : memref<2x64x128xf32, #tpu.memory_space<vmem>>, vector<16xf32>,
        %mul3A_2625 = arith.mulf %mul3A_2619, %get3A_2624 : vector<16xf32>
        %add3A_2626 = arith.addf %add3A_2608, %mul3A_2625 : vector<16xf32>
        %get3A_2627 = arith.constant 1 : i32
        %get3A_2628 = arith.index_cast %get3A_2627 : i32 to index
        %get3A_2629 = arith.index_cast %add3A_2501 : i32 to index
        %get3A_2630 = arith.constant 112 : index
        %get3A_2631 = tpu.vector_load %arg11[%get3A_2628, %get3A_2629, %get3A_2630] {strides = array<i32>} : memref<2x64x128xf32, #tpu.memory_space<vmem>>, vector<16xf32>,
        %get3A_2632 = arith.constant 1 : i32
        %get3A_2633 = arith.index_cast %get3A_2632 : i32 to index
        %get3A_2634 = arith.index_cast %add3A_2501 : i32 to index
        %get3A_2635 = arith.constant 112 : index
        %get3A_2636 = tpu.vector_load %arg12[%get3A_2633, %get3A_2634, %get3A_2635] {strides = array<i32>} : memref<2x64x128xf32, #tpu.memory_space<vmem>>, vector<16xf32>,
        %mul3A_2637 = arith.mulf %get3A_2631, %get3A_2636 : vector<16xf32>
        %get3A_2638 = arith.constant 1 : i32
        %get3A_2639 = arith.index_cast %get3A_2638 : i32 to index
        %get3A_2640 = arith.index_cast %add3A_2501 : i32 to index
        %get3A_2641 = arith.constant 112 : index
        %get3A_2642 = tpu.vector_load %arg13[%get3A_2639, %get3A_2640, %get3A_2641] {strides = array<i32>} : memref<2x64x128xf32, #tpu.memory_space<vmem>>, vector<16xf32>,
        %mul3A_2643 = arith.mulf %mul3A_2637, %get3A_2642 : vector<16xf32>
        %add3A_2644 = arith.addf %add3A_2626, %mul3A_2643 : vector<16xf32>
        %swap3A_2645 = arith.constant 240 : index
        %swap3A_2646 = tpu.vector_load %arg15[%swap3A_2645] {strides = array<i32>} : memref<256xf32, #tpu.memory_space<vmem>>, vector<16xf32>,
        tpu.vector_store %arg15[%swap3A_2645], %add3A_2644 {strides = array<i32>} : memref<256xf32, #tpu.memory_space<vmem>>, vector<16xf32>,
        %mul3A_2647 = arith.constant 16 : i32
        %mul3A_2648 = vector.broadcast %mul3A_2647 : i32 to vector<16xi32>
        %mul3A_2649 = arith.muli %iota3A, %mul3A_2648 : vector<16xi32>
        %add3A_2650 = arith.constant 0 : i32
        %add3A_2651 = vector.broadcast %add3A_2650 : i32 to vector<16xi32>
        %add3A_2652 = arith.addi %mul3A_2649, %add3A_2651 : vector<16xi32>
        %gather3A = tpu.vector_load_idx %arg15[%add3A_2652] : memref<256xf32, #tpu.memory_space<vmem>>[vector<16xi32>], vector<16xf32>,
        %mul3A_2653 = arith.constant 16 : i32
        %mul3A_2654 = vector.broadcast %mul3A_2653 : i32 to vector<16xi32>
        %mul3A_2655 = arith.muli %iota3A, %mul3A_2654 : vector<16xi32>
        %add3A_2656 = arith.constant 1 : i32
        %add3A_2657 = vector.broadcast %add3A_2656 : i32 to vector<16xi32>
        %add3A_2658 = arith.addi %mul3A_2655, %add3A_2657 : vector<16xi32>
        %gather3A_2659 = tpu.vector_load_idx %arg15[%add3A_2658] : memref<256xf32, #tpu.memory_space<vmem>>[vector<16xi32>], vector<16xf32>,
        %add3A_2660 = arith.addf %gather3A, %gather3A_2659 : vector<16xf32>
        %mul3A_2661 = arith.constant 16 : i32
        %mul3A_2662 = vector.broadcast %mul3A_2661 : i32 to vector<16xi32>
        %mul3A_2663 = arith.muli %iota3A, %mul3A_2662 : vector<16xi32>
        %add3A_2664 = arith.constant 2 : i32
        %add3A_2665 = vector.broadcast %add3A_2664 : i32 to vector<16xi32>
        %add3A_2666 = arith.addi %mul3A_2663, %add3A_2665 : vector<16xi32>
        %gather3A_2667 = tpu.vector_load_idx %arg15[%add3A_2666] : memref<256xf32, #tpu.memory_space<vmem>>[vector<16xi32>], vector<16xf32>,
        %add3A_2668 = arith.addf %add3A_2660, %gather3A_2667 : vector<16xf32>
        %mul3A_2669 = arith.constant 16 : i32
        %mul3A_2670 = vector.broadcast %mul3A_2669 : i32 to vector<16xi32>
        %mul3A_2671 = arith.muli %iota3A, %mul3A_2670 : vector<16xi32>
        %add3A_2672 = arith.constant 3 : i32
        %add3A_2673 = vector.broadcast %add3A_2672 : i32 to vector<16xi32>
        %add3A_2674 = arith.addi %mul3A_2671, %add3A_2673 : vector<16xi32>
        %gather3A_2675 = tpu.vector_load_idx %arg15[%add3A_2674] : memref<256xf32, #tpu.memory_space<vmem>>[vector<16xi32>], vector<16xf32>,
        %add3A_2676 = arith.addf %add3A_2668, %gather3A_2675 : vector<16xf32>
        %mul3A_2677 = arith.constant 16 : i32
        %mul3A_2678 = vector.broadcast %mul3A_2677 : i32 to vector<16xi32>
        %mul3A_2679 = arith.muli %iota3A, %mul3A_2678 : vector<16xi32>
        %add3A_2680 = arith.constant 4 : i32
        %add3A_2681 = vector.broadcast %add3A_2680 : i32 to vector<16xi32>
        %add3A_2682 = arith.addi %mul3A_2679, %add3A_2681 : vector<16xi32>
        %gather3A_2683 = tpu.vector_load_idx %arg15[%add3A_2682] : memref<256xf32, #tpu.memory_space<vmem>>[vector<16xi32>], vector<16xf32>,
        %add3A_2684 = arith.addf %add3A_2676, %gather3A_2683 : vector<16xf32>
        %mul3A_2685 = arith.constant 16 : i32
        %mul3A_2686 = vector.broadcast %mul3A_2685 : i32 to vector<16xi32>
        %mul3A_2687 = arith.muli %iota3A, %mul3A_2686 : vector<16xi32>
        %add3A_2688 = arith.constant 5 : i32
        %add3A_2689 = vector.broadcast %add3A_2688 : i32 to vector<16xi32>
        %add3A_2690 = arith.addi %mul3A_2687, %add3A_2689 : vector<16xi32>
        %gather3A_2691 = tpu.vector_load_idx %arg15[%add3A_2690] : memref<256xf32, #tpu.memory_space<vmem>>[vector<16xi32>], vector<16xf32>,
        %add3A_2692 = arith.addf %add3A_2684, %gather3A_2691 : vector<16xf32>
        %mul3A_2693 = arith.constant 16 : i32
        %mul3A_2694 = vector.broadcast %mul3A_2693 : i32 to vector<16xi32>
        %mul3A_2695 = arith.muli %iota3A, %mul3A_2694 : vector<16xi32>
        %add3A_2696 = arith.constant 6 : i32
        %add3A_2697 = vector.broadcast %add3A_2696 : i32 to vector<16xi32>
        %add3A_2698 = arith.addi %mul3A_2695, %add3A_2697 : vector<16xi32>
        %gather3A_2699 = tpu.vector_load_idx %arg15[%add3A_2698] : memref<256xf32, #tpu.memory_space<vmem>>[vector<16xi32>], vector<16xf32>,
        %add3A_2700 = arith.addf %add3A_2692, %gather3A_2699 : vector<16xf32>
        %mul3A_2701 = arith.constant 16 : i32
        %mul3A_2702 = vector.broadcast %mul3A_2701 : i32 to vector<16xi32>
        %mul3A_2703 = arith.muli %iota3A, %mul3A_2702 : vector<16xi32>
        %add3A_2704 = arith.constant 7 : i32
        %add3A_2705 = vector.broadcast %add3A_2704 : i32 to vector<16xi32>
        %add3A_2706 = arith.addi %mul3A_2703, %add3A_2705 : vector<16xi32>
        %gather3A_2707 = tpu.vector_load_idx %arg15[%add3A_2706] : memref<256xf32, #tpu.memory_space<vmem>>[vector<16xi32>], vector<16xf32>,
        %add3A_2708 = arith.addf %add3A_2700, %gather3A_2707 : vector<16xf32>
        %mul3A_2709 = arith.constant 16 : i32
        %mul3A_2710 = vector.broadcast %mul3A_2709 : i32 to vector<16xi32>
        %mul3A_2711 = arith.muli %iota3A, %mul3A_2710 : vector<16xi32>
        %add3A_2712 = arith.constant 8 : i32
        %add3A_2713 = vector.broadcast %add3A_2712 : i32 to vector<16xi32>
        %add3A_2714 = arith.addi %mul3A_2711, %add3A_2713 : vector<16xi32>
        %gather3A_2715 = tpu.vector_load_idx %arg15[%add3A_2714] : memref<256xf32, #tpu.memory_space<vmem>>[vector<16xi32>], vector<16xf32>,
        %add3A_2716 = arith.addf %add3A_2708, %gather3A_2715 : vector<16xf32>
        %mul3A_2717 = arith.constant 16 : i32
        %mul3A_2718 = vector.broadcast %mul3A_2717 : i32 to vector<16xi32>
        %mul3A_2719 = arith.muli %iota3A, %mul3A_2718 : vector<16xi32>
        %add3A_2720 = arith.constant 9 : i32
        %add3A_2721 = vector.broadcast %add3A_2720 : i32 to vector<16xi32>
        %add3A_2722 = arith.addi %mul3A_2719, %add3A_2721 : vector<16xi32>
        %gather3A_2723 = tpu.vector_load_idx %arg15[%add3A_2722] : memref<256xf32, #tpu.memory_space<vmem>>[vector<16xi32>], vector<16xf32>,
        %add3A_2724 = arith.addf %add3A_2716, %gather3A_2723 : vector<16xf32>
        %mul3A_2725 = arith.constant 16 : i32
        %mul3A_2726 = vector.broadcast %mul3A_2725 : i32 to vector<16xi32>
        %mul3A_2727 = arith.muli %iota3A, %mul3A_2726 : vector<16xi32>
        %add3A_2728 = arith.constant 10 : i32
        %add3A_2729 = vector.broadcast %add3A_2728 : i32 to vector<16xi32>
        %add3A_2730 = arith.addi %mul3A_2727, %add3A_2729 : vector<16xi32>
        %gather3A_2731 = tpu.vector_load_idx %arg15[%add3A_2730] : memref<256xf32, #tpu.memory_space<vmem>>[vector<16xi32>], vector<16xf32>,
        %add3A_2732 = arith.addf %add3A_2724, %gather3A_2731 : vector<16xf32>
        %mul3A_2733 = arith.constant 16 : i32
        %mul3A_2734 = vector.broadcast %mul3A_2733 : i32 to vector<16xi32>
        %mul3A_2735 = arith.muli %iota3A, %mul3A_2734 : vector<16xi32>
        %add3A_2736 = arith.constant 11 : i32
        %add3A_2737 = vector.broadcast %add3A_2736 : i32 to vector<16xi32>
        %add3A_2738 = arith.addi %mul3A_2735, %add3A_2737 : vector<16xi32>
        %gather3A_2739 = tpu.vector_load_idx %arg15[%add3A_2738] : memref<256xf32, #tpu.memory_space<vmem>>[vector<16xi32>], vector<16xf32>,
        %add3A_2740 = arith.addf %add3A_2732, %gather3A_2739 : vector<16xf32>
        %mul3A_2741 = arith.constant 16 : i32
        %mul3A_2742 = vector.broadcast %mul3A_2741 : i32 to vector<16xi32>
        %mul3A_2743 = arith.muli %iota3A, %mul3A_2742 : vector<16xi32>
        %add3A_2744 = arith.constant 12 : i32
        %add3A_2745 = vector.broadcast %add3A_2744 : i32 to vector<16xi32>
        %add3A_2746 = arith.addi %mul3A_2743, %add3A_2745 : vector<16xi32>
        %gather3A_2747 = tpu.vector_load_idx %arg15[%add3A_2746] : memref<256xf32, #tpu.memory_space<vmem>>[vector<16xi32>], vector<16xf32>,
        %add3A_2748 = arith.addf %add3A_2740, %gather3A_2747 : vector<16xf32>
        %mul3A_2749 = arith.constant 16 : i32
        %mul3A_2750 = vector.broadcast %mul3A_2749 : i32 to vector<16xi32>
        %mul3A_2751 = arith.muli %iota3A, %mul3A_2750 : vector<16xi32>
        %add3A_2752 = arith.constant 13 : i32
        %add3A_2753 = vector.broadcast %add3A_2752 : i32 to vector<16xi32>
        %add3A_2754 = arith.addi %mul3A_2751, %add3A_2753 : vector<16xi32>
        %gather3A_2755 = tpu.vector_load_idx %arg15[%add3A_2754] : memref<256xf32, #tpu.memory_space<vmem>>[vector<16xi32>], vector<16xf32>,
        %add3A_2756 = arith.addf %add3A_2748, %gather3A_2755 : vector<16xf32>
        %mul3A_2757 = arith.constant 16 : i32
        %mul3A_2758 = vector.broadcast %mul3A_2757 : i32 to vector<16xi32>
        %mul3A_2759 = arith.muli %iota3A, %mul3A_2758 : vector<16xi32>
        %add3A_2760 = arith.constant 14 : i32
        %add3A_2761 = vector.broadcast %add3A_2760 : i32 to vector<16xi32>
        %add3A_2762 = arith.addi %mul3A_2759, %add3A_2761 : vector<16xi32>
        %gather3A_2763 = tpu.vector_load_idx %arg15[%add3A_2762] : memref<256xf32, #tpu.memory_space<vmem>>[vector<16xi32>], vector<16xf32>,
        %add3A_2764 = arith.addf %add3A_2756, %gather3A_2763 : vector<16xf32>
        %mul3A_2765 = arith.constant 16 : i32
        %mul3A_2766 = vector.broadcast %mul3A_2765 : i32 to vector<16xi32>
        %mul3A_2767 = arith.muli %iota3A, %mul3A_2766 : vector<16xi32>
        %add3A_2768 = arith.constant 15 : i32
        %add3A_2769 = vector.broadcast %add3A_2768 : i32 to vector<16xi32>
        %add3A_2770 = arith.addi %mul3A_2767, %add3A_2769 : vector<16xi32>
        %gather3A_2771 = tpu.vector_load_idx %arg15[%add3A_2770] : memref<256xf32, #tpu.memory_space<vmem>>[vector<16xi32>], vector<16xf32>,
        %add3A_2772 = arith.addf %add3A_2764, %gather3A_2771 : vector<16xf32>
        %mul3A_2773 = arith.constant 64 : i32
        %mul3A_2774 = arith.muli %add3A_250, %mul3A_2773 : i32
        %mul3A_2775 = arith.constant 16 : i32
        %mul3A_2776 = arith.muli %scan3A_264, %mul3A_2775 : i32
        %add3A_2777 = arith.addi %mul3A_2774, %mul3A_2776 : i32
        %swap3A_2778 = arith.index_cast %add3A_2777 : i32 to index
        %swap3A_2779 = tpu.vector_load %arg14[%swap3A_2778] {strides = array<i32>} : memref<512xf32, #tpu.memory_space<vmem>>, vector<16xf32>,
        tpu.vector_store %arg14[%swap3A_2778], %add3A_2772 {strides = array<i32>} : memref<512xf32, #tpu.memory_space<vmem>>, vector<16xf32>,
      }
      %scan3A_256 = arith.constant 4 : i32
      %add3A_257 = arith.constant 1 : i32
      %add3A_258 = arith.addi %scan3A_158, %add3A_257 : i32
      %lt3A_259 = arith.constant 4 : i32
      %lt3A_260 = arith.cmpi slt, %add3A_258, %lt3A_259 : i32
      %convert_element_type3A_261 = arith.extui %lt3A_260 : i1 to i32
      %cond3A_262 = arith.constant 0 : i32
      %cond3A_263 = arith.cmpi ne, %convert_element_type3A_261, %cond3A_262 : i32
      scf.if %cond3A_263 {
        %add3A_264 = arith.constant 3 : i32
        %add3A_265 = arith.addi %mul3A_160, %add3A_264 : i32
        %mul3A_266 = arith.constant 64 : i32
        %mul3A_267 = arith.muli %add3A_265, %mul3A_266 : i32
        %add3A_268 = arith.constant 0 : i32
        %add3A_269 = arith.addi %mul3A_267, %add3A_268 : i32
        %dma_start3A_270 = arith.constant 1 : i32
        %dma_start3A_271 = arith.constant 0 : i32
        %dma_start3A_272 = arith.constant 0 : i32
        %dma_start3A_273 = tpu.memref_slice %arg11[%dma_start3A_270, %dma_start3A_271, %dma_start3A_272] : memref<2x64x128xf32, #tpu.memory_space<vmem>> -> memref<1x64x128xf32, #tpu.memory_space<vmem>>
        %dma_start3A_274 = tpu.memref_squeeze %dma_start3A_273 : memref<1x64x128xf32, #tpu.memory_space<vmem>> -> memref<64x128xf32, #tpu.memory_space<vmem>>
        %dma_start3A_275 = arith.constant 0 : i32
        %dma_start3A_276 = arith.constant 0 : i32
        %dma_start3A_277 = tpu.memref_slice %dma_start3A_274[%dma_start3A_275, %dma_start3A_276] : memref<64x128xf32, #tpu.memory_space<vmem>> -> memref<64x128xf32, #tpu.memory_space<vmem>>
        %dma_start3A_278 = tpu.memref_slice %arg8[%add3A_269] : memref<512xi32, #tpu.memory_space<vmem>> -> memref<64xi32, #tpu.memory_space<vmem>>
        %dma_start3A_279 = arith.constant 0 : i32
        %dma_start3A_280 = arith.constant 0 : i32
        %dma_start3A_281 = tpu.memref_slice %arg2[%dma_start3A_279, %dma_start3A_280] : memref<100000x128xf32, #tpu.memory_space<hbm>> -> memref<100000x128xf32, #tpu.memory_space<hbm>>
        tpu.enqueue_indirect_dma source(%dma_start3A_281 : memref<100000x128xf32, #tpu.memory_space<hbm>>) target(%dma_start3A_277 : memref<64x128xf32, #tpu.memory_space<vmem>>) offsets(%dma_start3A_278 : memref<64xi32, #tpu.memory_space<vmem>>) semaphore(%arg17 : memref<!tpu.dma_semaphore, #tpu.memory_space<semaphore_mem>>)
        %dma_start3A_282 = arith.constant 1 : i32
        %dma_start3A_283 = arith.constant 0 : i32
        %dma_start3A_284 = arith.constant 0 : i32
        %dma_start3A_285 = tpu.memref_slice %arg12[%dma_start3A_282, %dma_start3A_283, %dma_start3A_284] : memref<2x64x128xf32, #tpu.memory_space<vmem>> -> memref<1x64x128xf32, #tpu.memory_space<vmem>>
        %dma_start3A_286 = tpu.memref_squeeze %dma_start3A_285 : memref<1x64x128xf32, #tpu.memory_space<vmem>> -> memref<64x128xf32, #tpu.memory_space<vmem>>
        %dma_start3A_287 = arith.constant 0 : i32
        %dma_start3A_288 = arith.constant 0 : i32
        %dma_start3A_289 = tpu.memref_slice %dma_start3A_286[%dma_start3A_287, %dma_start3A_288] : memref<64x128xf32, #tpu.memory_space<vmem>> -> memref<64x128xf32, #tpu.memory_space<vmem>>
        %dma_start3A_290 = tpu.memref_slice %arg9[%add3A_269] : memref<512xi32, #tpu.memory_space<vmem>> -> memref<64xi32, #tpu.memory_space<vmem>>
        %dma_start3A_291 = arith.constant 0 : i32
        %dma_start3A_292 = arith.constant 0 : i32
        %dma_start3A_293 = tpu.memref_slice %arg3[%dma_start3A_291, %dma_start3A_292] : memref<1000x128xf32, #tpu.memory_space<hbm>> -> memref<1000x128xf32, #tpu.memory_space<hbm>>
        tpu.enqueue_indirect_dma source(%dma_start3A_293 : memref<1000x128xf32, #tpu.memory_space<hbm>>) target(%dma_start3A_289 : memref<64x128xf32, #tpu.memory_space<vmem>>) offsets(%dma_start3A_290 : memref<64xi32, #tpu.memory_space<vmem>>) semaphore(%arg17 : memref<!tpu.dma_semaphore, #tpu.memory_space<semaphore_mem>>)
        %dma_start3A_294 = arith.constant 1 : i32
        %dma_start3A_295 = arith.constant 0 : i32
        %dma_start3A_296 = arith.constant 0 : i32
        %dma_start3A_297 = tpu.memref_slice %arg13[%dma_start3A_294, %dma_start3A_295, %dma_start3A_296] : memref<2x64x128xf32, #tpu.memory_space<vmem>> -> memref<1x64x128xf32, #tpu.memory_space<vmem>>
        %dma_start3A_298 = tpu.memref_squeeze %dma_start3A_297 : memref<1x64x128xf32, #tpu.memory_space<vmem>> -> memref<64x128xf32, #tpu.memory_space<vmem>>
        %dma_start3A_299 = arith.constant 0 : i32
        %dma_start3A_300 = arith.constant 0 : i32
        %dma_start3A_301 = tpu.memref_slice %dma_start3A_298[%dma_start3A_299, %dma_start3A_300] : memref<64x128xf32, #tpu.memory_space<vmem>> -> memref<64x128xf32, #tpu.memory_space<vmem>>
        %dma_start3A_302 = tpu.memref_slice %arg10[%add3A_269] : memref<512xi32, #tpu.memory_space<vmem>> -> memref<64xi32, #tpu.memory_space<vmem>>
        %dma_start3A_303 = arith.constant 0 : i32
        %dma_start3A_304 = arith.constant 0 : i32
        %dma_start3A_305 = tpu.memref_slice %arg2[%dma_start3A_303, %dma_start3A_304] : memref<100000x128xf32, #tpu.memory_space<hbm>> -> memref<100000x128xf32, #tpu.memory_space<hbm>>
        tpu.enqueue_indirect_dma source(%dma_start3A_305 : memref<100000x128xf32, #tpu.memory_space<hbm>>) target(%dma_start3A_301 : memref<64x128xf32, #tpu.memory_space<vmem>>) offsets(%dma_start3A_302 : memref<64xi32, #tpu.memory_space<vmem>>) semaphore(%arg17 : memref<!tpu.dma_semaphore, #tpu.memory_space<semaphore_mem>>)
      } else {
      }
    }
    %scan3A_157 = arith.constant 4 : i32
    "tpu.region"() ({
      %run_scoped3A = tpu.sem_alloc : memref<!tpu.dma_semaphore, #tpu.memory_space<semaphore_mem>>
      %dma_start3A_158 = tpu.memref_slice %arg7[%mul3A_2] : memref<16384xf32, #tpu.memory_space<hbm>> -> memref<512xf32, #tpu.memory_space<hbm>>
      %dma_start3A_159 = tpu.memref_slice %arg7[%mul3A_2] : memref<16384xf32, #tpu.memory_space<hbm>> -> memref<512xf32, #tpu.memory_space<hbm>>
      tpu.enqueue_dma source(%arg14 : memref<512xf32, #tpu.memory_space<vmem>>) target(%dma_start3A_159 : memref<512xf32, #tpu.memory_space<hbm>>) target_semaphore(%run_scoped3A : memref<!tpu.dma_semaphore, #tpu.memory_space<semaphore_mem>>)
      %dma_wait3A_160 = tpu.memref_slice %arg7[%mul3A_2] : memref<16384xf32, #tpu.memory_space<hbm>> -> memref<512xf32, #tpu.memory_space<hbm>>
      %dma_wait3A_161 = tpu.memref_slice %arg7[%mul3A_2] : memref<16384xf32, #tpu.memory_space<hbm>> -> memref<512xf32, #tpu.memory_space<hbm>>
      tpu.wait_dma2 semaphore(%run_scoped3A : memref<!tpu.dma_semaphore, #tpu.memory_space<semaphore_mem>>) src(%arg14 : memref<512xf32, #tpu.memory_space<vmem>>) dst(%dma_wait3A_161 : memref<512xf32, #tpu.memory_space<hbm>>)
      tpu.yield
    }) : () -> ()
    return
  }
}

</mosaic_0001>

<sc_bundles>
// kernel: kernel.3.cloned.1.call-start
scs
__scs_entry_jumppad:
0x0: {  	(pc) =	sbr.rel $0x88, $3  }
0x1: {  	(tag) =	ssettag $0x0;
	lr =	simm.s32 $0x1  }
0x2: {  	[smem:$0x3F9C] =	sst lr;
	_ =	strace $0xD0000000  }
0x3: {  	_ = 	snop  }
0x4: {  	_ = 	snop  }
0x5: {  	_ = 	snop  }
0x6: {  	_ = 	snop  }
0x7: {  	_ = 	snop  }
__scs_overlays_trampoline_lowered:
0x8: {  	[smem:$0x3FAB] =	sst s0  }
0x9: {  	[smem:$0x3FAC] =	sst s1  }
0xa: {  	[smem:$0x3FAD] =	sst s2  }
0xb: {  	[smem:$0x3FAE] =	sst s3  }
0xc: {  	[smem:$0x3FAF] =	sst s4  }
0xd: {  	[smem:$0x3FB0] =	sst s5  }
0xe: {  	[smem:$0x3FB1] =	sst s6  }
0xf: {  	[smem:$0x3FB2] =	sst s7  }
0x10: {  	[smem:$0x3FB3] =	sst s8  }
0x11: {  	[smem:$0x3FB4] =	sst s9;
	s0 =	simm.s32 @!p0 $0x0  }
0x12: {  	s1 =	sld [smem:$0x3F9A];
	s0 =	simm.s32 @p0 $0x1  }
0x13: {  	[smem:$0x3FB5] =	sst s0;
	s0 =	simm.s32 @!p1 $0x0  }
0x14: {  	s2 =	sld [smem:$0x3F99];
	s0 =	simm.s32 @p1 $0x1  }
0x15: {  	[smem:$0x3FB6] =	sst s0;
	s0 =	simm.s32 @!p2 $0x0  }
0x16: {  	s3 =	sld [smem:$0x3FDB];
	s0 =	simm.s32 @p2 $0x1  }
0x17: {  	s4 =	simm.s32 $0x1BF5;
	[smem:$0x3FB8] =	sst s0  }
0x18: {  	s0 =	sld [smem:$0x3F9B];
	_ =	swait.ge [sflag:s4], $0x0  }
0x19: {  	s7 =	sld [smem:$0x3F9C]  }
0x1a: {  	s8 =	sadd.s32 $0xFFFFE003, lr  }
0x1b: {  	s9 =	sadd.s32 $0xFFFFFEF7, lr;
	s5 =	simm.s32 $0xFFFFFFFF;
	p2 =	slt.u32 s8, $0xFFFFF086  }
0x1c: {  	p1 =	slt.u32 s9, $0xF7A;
	s5 =	simm.s32 @!p2 $0x0  }
0x1d: {  	s5 =	simm.s32 @p1 $0x1;
	p0 =	seq.s32 s7, s2  }
0x1e: {  	s7 =	smul.u32 @!p0 $0xF7A, s2;
	p2 =	seq.s32 @!p0 s5, $0x0  }
0x1f: {  	s9 =	smul.u32 $0xF7A, s1;
	s8 =	simm.s32 @!p0 $0x1BF5;
	p2 =	por !p2, p0  }
0x20: {  	[sflag:s8] =	ssyncset.s32 @!p0 $0xFFFFF086;
	s6 =	sadd.s32 @!p0 s3, s7;
	s7 =	simm.s32 @!p0 $0x108  }
0x21: {  	s3 =	sadd.s32 s3, s9;
	s6 =	sadd.s32 @!p0 $0x88, s6;
	s7 =	simm.s32 @p2 $0x1082  }
0x22: {  	[simem:s7], [sflag:s8] =	dma.local @!p0 [hbm:s6], $0xF7A  }
0x23: {  	s9 =	sor.u32 $0xD0000000, s2;
	s6 =	simm.s32 $0x108;
	_ =	swait.ge @!p0 [sflag:s8], $0x0  }
0x24: {  	s3 =	sadd.s32 $0x88, s3;
	s6 =	simm.s32 @!p1 $0x1082;
	[sflag:s4] =	ssyncset.s32 $0xFFFFF086  }
0x25: {  	[simem:s6], [sflag:s4] =	dma.local [hbm:s3], $0xF7A  }
0x26: {  	[smem:$0x3F9C] =	sst s1;
	(tag) =	ssettag s2;
	_ =	strace s9  }
0x27: {  	s1 =	sld [smem:$0x3FAC]  }
0x28: {  	s2 =	sld [smem:$0x3FAD]  }
0x29: {  	s4 =	sld [smem:$0x3FAF]  }
0x2a: {  	p0 =	seq.s32 s5, $0x0;
	s5 =	sld [smem:$0x3FB0]  }
0x2b: {  	s6 =	sld [smem:$0x3FB1]  }
0x2c: {  	s7 =	sld [smem:$0x3FB2]  }
0x2d: {  	s3 =	simm.s32 $0x108;
	s8 =	sld [smem:$0x3FB3]  }
0x2e: {  	s3 =	simm.s32 @!p0 $0x1082;
	s9 =	sld [smem:$0x3FB4]  }
0x2f: {  	lr =	sadd.s32 s0, s3;
	s0 =	sld [smem:$0x3FAB]  }
0x30: {  	s3 =	sld [smem:$0x3FAE]  }
0x31: {  	[smem:$0x3FB7] =	sst s10  }
0x32: {  	s10 =	sld [smem:$0x3FB5];
	_ =	sdelay $0x3  }
0x33: {  	p0 =	seq.s32 s10, $0x1;
	s10 =	sld [smem:$0x3FB7];
	_ =	sdelay $0x3  }
0x34: {  	[smem:$0x3FB7] =	sst s10  }
0x35: {  	s10 =	sld [smem:$0x3FB6];
	_ =	sdelay $0x3  }
0x36: {  	p1 =	seq.s32 s10, $0x1;
	s10 =	sld [smem:$0x3FB7];
	_ =	sdelay $0x3  }
0x37: {  	[smem:$0x3FB7] =	sst s10  }
0x38: {  	s10 =	sld [smem:$0x3FB8]  }
0x39: {  	_ = 	snop;
	(pc) =	sbr.ind lr, $3  }
0x3a: {  	_ = 	snop  }
0x3b: {  	_ = 	snop  }
0x3c: {  	p2 =	seq.s32 s10, $0x1;
	s10 =	sld [smem:$0x3FB7]  }
0x3d: {  	_ =	shalt  }
0x3e: {  	_ =	shalt  }
0x3f: {  	_ =	shalt  }
0x40: {  	_ =	shalt  }
0x41: {  	_ =	shalt  }
0x42: {  	_ =	shalt  }
0x43: {  	_ =	shalt  }
0x44: {  	_ =	shalt  }
0x45: {  	_ =	shalt  }
0x46: {  	_ =	shalt  }
0x47: {  	_ =	shalt  }
0x48: {  	_ =	shalt  }
0x49: {  	_ =	shalt  }
0x4a: {  	_ =	shalt  }
0x4b: {  	_ =	shalt  }
0x4c: {  	_ =	shalt  }
0x4d: {  	_ =	shalt  }
0x4e: {  	_ =	shalt  }
0x4f: {  	_ =	shalt  }
0x50: {  	_ =	shalt  }
0x51: {  	_ =	shalt  }
0x52: {  	_ =	shalt  }
0x53: {  	_ =	shalt  }
0x54: {  	_ =	shalt  }
0x55: {  	_ =	shalt  }
0x56: {  	_ =	shalt  }
0x57: {  	_ =	shalt  }
0x58: {  	_ =	shalt  }
0x59: {  	_ =	shalt  }
0x5a: {  	_ =	shalt  }
0x5b: {  	_ =	shalt  }
0x5c: {  	_ =	shalt  }
0x5d: {  	_ =	shalt  }
0x5e: {  	_ =	shalt  }
0x5f: {  	_ =	shalt  }
0x60: {  	_ =	shalt  }
0x61: {  	_ =	shalt  }
0x62: {  	_ =	shalt  }
0x63: {  	_ =	shalt  }
0x64: {  	_ =	shalt  }
0x65: {  	_ =	shalt  }
0x66: {  	_ =	shalt  }
0x67: {  	_ =	shalt  }
0x68: {  	_ =	shalt  }
0x69: {  	_ =	shalt  }
0x6a: {  	_ =	shalt  }
0x6b: {  	_ =	shalt  }
0x6c: {  	_ =	shalt  }
0x6d: {  	_ =	shalt  }
0x6e: {  	_ =	shalt  }
0x6f: {  	_ =	shalt  }
0x70: {  	_ =	shalt  }
0x71: {  	_ =	shalt  }
0x72: {  	_ =	shalt  }
0x73: {  	_ =	shalt  }
0x74: {  	_ =	shalt  }
0x75: {  	_ =	shalt  }
0x76: {  	_ =	shalt  }
0x77: {  	_ =	shalt  }
0x78: {  	_ =	shalt  }
0x79: {  	_ =	shalt  }
0x7a: {  	_ =	shalt  }
0x7b: {  	_ =	shalt  }
0x7c: {  	_ =	shalt  }
0x7d: {  	_ =	shalt  }
0x7e: {  	_ =	shalt  }
0x7f: {  	_ =	shalt  }
0x80: {  	_ =	shalt  }
0x81: {  	_ =	shalt  }
0x82: {  	_ =	shalt  }
0x83: {  	_ =	shalt  }
0x84: {  	_ =	shalt  }
0x85: {  	_ =	shalt  }
0x86: {  	_ =	shalt  }
0x87: {  	_ =	shalt  }
.Lfunc_end0:
.L_simem_size_0:
called_computation_lowered:
.L_overlay_start_0:
0x88: {  	s2 =	sld [smem:$0x3FD9]  }
0x89: {  	s3 =	sld [smem:$0x3FFE];
	_ =	sdelay $0x1  }
0x8a: {  	s1 =	srdreg.scid  }
0x8b: {  	s0 =	sand.u32 $0x1, s1  }
0x8c: {  	s18 =	sshll.u32 s0, $0xA;
	s2 =	sadd.s32 s3, s2  }
0x8d: {  	s2 =	sadd.s32 s2, s18  }
0x8e: {  	[smem:$0x3FC3] =	sst s2  }
0x8f: {  	_ = 	snop  }
0x90: {  	s2 =	sld [smem:$0x3FC9]  }
0x91: {  	s19 =	sld [smem:$0x3FC8]  }
0x92: {  	s4 =	sld [smem:$0x3FC7]  }
0x93: {  	s5 =	sld [smem:$0x3FC6]  }
0x94: {  	s6 =	sld [smem:$0x3FC5]  }
0x95: {  	s7 =	sld [smem:$0x3FD0];
	(tm) =	ssettm $0x1  }
0x96: {  	s8 =	sld [smem:$0x3FFB];
	_ =	sdelay $0x3  }
0x97: {  	_ =	strace s8  }
0x98: {  	s8 =	sld [smem:$0x3FFC];
	_ =	sdelay $0x3  }
0x99: {  	_ =	strace s8  }
0x9a: {  	s8 =	sld [smem:$0x3FFD];
	_ =	sdelay $0x3  }
0x9b: {  	_ =	strace s8  }
0x9c: {  	_ =	strace $0x8FFFFFFF  }
0x9d: {  	s20 =	sld [smem:$0x3FDB];
	_ =	sdelay $0x1  }
0x9e: {  	s9 =	simm.s32 $_scs_section_size  }
0x9f: {  	s10 =	simm.s32 $_size__tile_overlayer_lowered;
	s11 =	simm.s32 $_tile_overlayer_lowered  }
0xa0: {  	s23 =	simm.s32 $0x1BFF;
	s22 =	sshll.u32 s11, $0x1;
	s8 =	sadd.s32 s9, s20  }
0xa1: {  	s12 =	simm.s32 $0x0;
	s21 =	sshll.u32 s10, $0x1;
	s10 =	sadd.s32 s22, s8  }
0xa2: {  	[timem:s12], [sflag:s23] =	dma.local [hbm:s10], s21  }
0xa3: {  	_ =	swait.ge [sflag:s23], s21  }
0xa4: {  	s9 =	ssub.s32 $0x0, s21;
	[sflag:s23] =	ssyncset.done $0x0  }
0xa5: {  	[sflag:s23] =	ssyncadd.s32 s9;
	_ =	sdelay $0x1  }
0xa6: {  	s24 =	simm.s32 $0x1B8B  }
0xa7: {  	_ =	swait.ge [sflag:s24], $0x1  }
0xa8: {  	[sflag:s24] =	ssyncset.done $0x0  }
0xa9: {  	s25 =	simm.s32 $0x1B8E;
	[sflag:s24] =	ssyncadd.s32 $0xFFFFFFFF  }
0xaa: {  	s26 =	simm.s32 $execute0_lowered;
	[smem:$0x3FD2] =	sst s25  }
0xab: {  	s9 =	sshll.u32 s26, $0x1;
	_ =	strace $0x80000046;
	[dreg:$0x1] =	wrdreg $0xFFFFFFFF  }
0xac: {  	s28 =	simm.s32 $_size_execute0_lowered;
	s8 =	sadd.s32 s8, s9;
	[dreg:$0x0] =	wrdreg $0x0  }
0xad: {  	s9 =	sshll.u32 s28, $0x1;
	[dreg:$0x2] =	wrdreg s8  }
0xae: {  	[dreg:$0x3] =	wrdreg s9  }
0xaf: {  	[dreg:$0x4] =	wrdreg $0xC0  }
0xb0: {  	_ =	task [dreg:s12], $0x5FFFF  }
0xb1: {  	[dreg:$0x1] =	wrdreg $0xFFFFFFFF  }
0xb2: {  	[dreg:$0x0] =	wrdreg $0x60  }
0xb3: {  	[dreg:$0x2] =	wrdreg s2  }
0xb4: {  	[dreg:$0x3] =	wrdreg s19  }
0xb5: {  	[dreg:$0x4] =	wrdreg s4  }
0xb6: {  	[dreg:$0x5] =	wrdreg s5  }
0xb7: {  	[dreg:$0x6] =	wrdreg s6  }
0xb8: {  	[dreg:$0x7] =	wrdreg s7  }
0xb9: {  	[dreg:$0x8] =	wrdreg $0x9  }
0xba: {  	_ =	task.clear_ibuf [dreg:s12], $0x9FFFF;
	_ =	strace $0x90000046  }
0xbb: {  	s29 =	simm.s32 $0x9;
	_ =	strace $0x80000048  }
0xbc: {  	_ =	swait.ge [sflag:s29], $0x1  }
0xbd: {  	[sflag:s29] =	ssyncadd.s32 $0xFFFFFFFF  }
0xbe: {  	_ =	strace $0x90000048  }
0xbf: {  	_ =	sfence  }
0xc0: {  	s30 =	sld [smem:$0x0];
	_ =	sdelay $0x2  }
0xc1: {  	s31 =	sshll.u32 s1, $0xD;
	s1 =	sshrl.u32 s1, $0x2  }
0xc2: {  	s3 =	sand.u32 $0x4000, s31;
	s1 =	sadd.s32 s1, s30  }
0xc3: {  	s0 =	sor.u32 s3, s0;
	s1 =	sshll.u32 s1, $0x11  }
0xc4: {  	s0 =	sor.u32 s1, s0  }
0xc5: {  	s0 =	sadd.s32 $0x8F2B, s0  }
0xc6: {  	[sflag:s0] =	ssyncadd.remote.s32 $0x1  }
0xc7: {  	_ =	sfence.sel $0xFFFF  }
0xc8: {  	[dreg:$0x0] =	wrdreg $0xFFFFFFFF;
	(pc) =	sbr.abs _section_cstart, $3  }
0xc9: {  	[dreg:$0x1] =	wrdreg $0xFFFFFFFF  }
0xca: {  	_ =	task.clear_ibuf [dreg:s12], $0x2FFFF;
	_ =	strace $0x9FFFFFFF  }
0xcb: {  	(tm) =	ssettm $0x7FFFFFFF  }
tec
execute0_lowered:
.L_overlay_start_1:
0x0: {  	(tag) =	ssettag $0x1  }
0x1: {  	s1 =	rddreg [dreg:$0x0]  }
0x2: {  	s2 =	rddreg [dreg:$0x1]  }
0x3: {  	s0 =	rddreg [dreg:$0x2]  }
0x4: {  	s3 =	rddreg [dreg:$0x3]  }
0x5: {  	s10 =	rddreg [dreg:$0x4]  }
0x6: {  	s11 =	rddreg [dreg:$0x5];
	s4 =	simm.s32 $0x0;
	s5 =	srdreg.scid  }
0x7: {  	s7 =	stileid.u32;
	s15 =	simm.s32 $0x1;
	s16 =	simm.s32 $0x40  }
0x8: {  	s23 =	simm.s32 $0x440;
	s24 =	simm.s32 $0xA600;
	s25 =	simm.s32 $0x80  }
0x9: {  	s26 =	simm.s32 $0x280;
	s28 =	simm.s32 $0x480;
	s29 =	simm.s32 $0xC800  }
0xa: {  	v0 =	vlaneseq.u32;
	s30 =	simm.s32 $0x2;
	s31 =	simm.s32 $0xC600;
	s5 =	sand.u32 $0x1, s5  }
0xb: {  	s7 =	sshll.u32 s7, $0x7;
	v0 =	vmul.u32 $0x10, v0;
	s6 =	ssub.s32 $0x2, s5;
	s5 =	sshll.u32 s5, $0x6  }
0xc: {  	[smem:$0x7FF] =	sst s4;
	s8 =	sshrl.u32 s6, $0x1;
	s12 =	sor.u32 s5, s7  }
0xd: {  	_ =	strace $0x80000047;
	v1 =	vor.u32 $0x1, v0;
	v2 =	vor.u32 $0x2, v0;
	v3 =	vor.u32 $0x3, v0;
	s13 =	ssub.s32 s6, s8;
	s5 =	sadd.s32 s0, s12  }
0xe: {  	v4 =	vor.u32 $0x4, v0;
	v5 =	vor.u32 $0x5, v0;
	v6 =	vor.u32 $0x6, v0;
	s14 =	sor.u32 $0x10, s12;
	s6 =	sadd.s32 s3, s12;
	s7 =	sadd.s32 s10, s12  }
0xf: {  	v7 =	vor.u32 $0x7, v0;
	v8 =	vor.u32 $0x8, v0;
	v9 =	vor.u32 $0x9, v0;
	s11 =	sadd.s32 s11, s12;
	s8 =	sadd.s32 s0, s14;
	s9 =	sadd.s32 s3, s14  }
0x10: {  	v10 =	vor.u32 $0xA, v0;
	v11 =	vor.u32 $0xB, v0;
	v12 =	vor.u32 $0xC, v0;
	s10 =	sadd.s32 s10, s14;
	s12 =	smax.u32 s13, $0x1;
	s13 =	simm.s32 $0x200  }
0x11: {  	v13 =	vor.u32 $0xD, v0;
	v14 =	vor.u32 $0xE, v0;
	v15 =	vor.u32 $0xF, v0;
	s14 =	simm.s32 $0x400;
	s0 =	simm.s32 $0x3;
	s3 =	simm.s32 $0x0  }
.LBB2_1:
0x12: {  	[tilespmem:s4], [sflag:$0x1] =	stream.linear.gather [hbm4b:s5+s4], $0x80, $0x38;
	[tilespmem:$0xC900] =	vst v63  }
0x13: {  	_ = 	snop  }
0x14: {  	[tilespmem:s13], [sflag:$0x1] =	stream.linear.gather [hbm4b:s6+s4], $0x80, $0x38;
	[tilespmem:$0xC900] =	vst v63  }
0x15: {  	_ = 	snop  }
0x16: {  	[tilespmem:s14], [sflag:$0x1] =	stream.linear.gather [hbm4b:s7+s4], $0x80, $0x38;
	[tilespmem:$0xC900] =	vst v63  }
0x17: {  	_ =	swait.ge [sflag:s15], $0x80  }
0x18: {  	[sflag:s15] =	ssyncset.done $0x0  }
0x19: {  	[sflag:s15] =	ssyncadd.s32 $0xFFFFFF80  }
0x1a: {  	_ =	swait.ge [sflag:s15], $0x80  }
0x1b: {  	[sflag:s15] =	ssyncset.done $0x0  }
0x1c: {  	[sflag:s15] =	ssyncadd.s32 $0xFFFFFF80  }
0x1d: {  	_ =	swait.ge [sflag:s15], $0x80  }
0x1e: {  	[sflag:s15] =	ssyncset.done $0x0  }
0x1f: {  	s17 =	simm.s32 $0x600;
	[sflag:s15] =	ssyncadd.s32 $0xFFFFFF80  }
0x20: {  	[tilespmem:s17], [sflag:$0x1] =	stream.indirect.gather [hbm4b:s1+s16], $0x80, s4, s16, $0xb8;
	[tilespmem:$0xC900] =	vst v63  }
0x21: {  	s19 =	simm.s32 $0x4600  }
0x22: {  	[tilespmem:s19], [sflag:$0x1] =	stream.indirect.gather [hbm4b:s2+s16], $0x80, s13, s16, $0xb8;
	[tilespmem:$0xC900] =	vst v63  }
0x23: {  	s20 =	simm.s32 $0x8600  }
0x24: {  	[tilespmem:s20], [sflag:$0x1] =	stream.indirect.gather [hbm4b:s1+s16], $0x80, s14, s16, $0xb8;
	[tilespmem:$0xC900] =	vst v63  }
0x25: {  	s21 =	simm.s32 $0x2600  }
0x26: {  	[tilespmem:s21], [sflag:$0x2] =	stream.indirect.gather [hbm4b:s1+s16], $0x80, s16, s16, $0xb8;
	[tilespmem:$0xC900] =	vst v63  }
0x27: {  	s22 =	simm.s32 $0x240;
	s18 =	simm.s32 $0x6600  }
0x28: {  	[tilespmem:s18], [sflag:$0x2] =	stream.indirect.gather [hbm4b:s2+s16], $0x80, s22, s16, $0xb8;
	[tilespmem:$0xC900] =	vst v63  }
0x29: {  	_ = 	snop  }
0x2a: {  	[tilespmem:s24], [sflag:$0x2] =	stream.indirect.gather [hbm4b:s1+s16], $0x80, s23, s16, $0xb8;
	[tilespmem:$0xC900] =	vst v63  }
0x2b: {  	_ = 	snop  }
0x2c: {  	[tilespmem:s25], [sflag:$0x1] =	stream.linear.gather [hbm4b:s8+s4], $0x180, $0x38;
	[tilespmem:$0xC900] =	vst v63  }
0x2d: {  	_ = 	snop  }
0x2e: {  	[tilespmem:s26], [sflag:$0x1] =	stream.linear.gather [hbm4b:s9+s4], $0x180, $0x38;
	[tilespmem:$0xC900] =	vst v63  }
0x2f: {  	_ = 	snop  }
0x30: {  	[tilespmem:s28], [sflag:$0x1] =	stream.linear.gather [hbm4b:s10+s4], $0x180, $0x38;
	[tilespmem:$0xC900] =	vst v63  }
0x31: {  	_ =	swait.ge [sflag:s15], $0x180  }
0x32: {  	[sflag:s15] =	ssyncset.done $0x0  }
0x33: {  	[sflag:s15] =	ssyncadd.s32 $0xFFFFFE80  }
0x34: {  	_ =	swait.ge [sflag:s15], $0x180  }
0x35: {  	[sflag:s15] =	ssyncset.done $0x0  }
0x36: {  	[sflag:s15] =	ssyncadd.s32 $0xFFFFFE80  }
0x37: {  	_ =	swait.ge [sflag:s15], $0x180  }
0x38: {  	[sflag:s15] =	ssyncset.done $0x0  }
0x39: {  	s18 =	simm.s32 $0x0;
	[sflag:s15] =	ssyncadd.s32 $0xFFFFFE80  }
.LBB2_2:
0x3a: {  	_ =	swait.ge [sflag:s15], $0x2000  }
0x3b: {  	[sflag:s15] =	ssyncset.done $0x0  }
0x3c: {  	[sflag:s15] =	ssyncadd.s32 $0xFFFFE000  }
0x3d: {  	_ =	swait.ge [sflag:s15], $0x2000  }
0x3e: {  	[sflag:s15] =	ssyncset.done $0x0  }
0x3f: {  	s17 =	sshll.u32 s18, $0x7;
	[sflag:s15] =	ssyncadd.s32 $0xFFFFE000  }
0x40: {  	s19 =	sand.u32 $0x3FFFFF80, s17;
	_ =	swait.ge [sflag:s15], $0x2000  }
0x41: {  	s20 =	sadd.s32 $0xC600, s19;
	[sflag:s15] =	ssyncset.done $0x0  }
0x42: {  	s17 =	simm.s32 $0x0;
	v16 =	vmov s20;
	[sflag:s15] =	ssyncadd.s32 $0xFFFFE000  }
.LBB2_3:
0x43: {  	s20 =	sshll.u32 s17, $0xB  }
0x44: {  	v17 =	vld [tilespmem:s20+$0x600]  }
0x45: {  	v18 =	vld [tilespmem:s20+$0x4600]  }
0x46: {  	v19 =	vld [tilespmem:s20+$0x8600]  }
0x47: {  	v20 =	vld [tilespmem:s20+$0x610]  }
0x48: {  	v21 =	vld [tilespmem:s20+$0x4610]  }
0x49: {  	v22 =	vld [tilespmem:s20+$0x8610]  }
0x4a: {  	v23 =	vld [tilespmem:s20+$0x620]  }
0x4b: {  	v24 =	vld [tilespmem:s20+$0x4620]  }
0x4c: {  	v25 =	vld [tilespmem:s20+$0x8620]  }
0x4d: {  	v26 =	vld [tilespmem:s20+$0x630]  }
0x4e: {  	v27 =	vld [tilespmem:s20+$0x4630]  }
0x4f: {  	v28 =	vld [tilespmem:s20+$0x8630]  }
0x50: {  	v29 =	vld [tilespmem:s20+$0x640]  }
0x51: {  	v30 =	vld [tilespmem:s20+$0x4640]  }
0x52: {  	v39 =	vld [tilespmem:s20+$0x650]  }
0x53: {  	v41 =	vld [tilespmem:s20+$0x8650];
	v17 =	vmul.f32 v18, v17;
	v20 =	vmul.f32 v21, v20  }
0x54: {  	v42 =	vld [tilespmem:s20+$0x660];
	v40 =	vmul.f32 v24, v23  }
0x55: {  	v18 =	vld [tilespmem:s20+$0x8640];
	v17 =	vmul.f32 v19, v17;
	v20 =	vmul.f32 v22, v20  }
0x56: {  	v19 =	vld [tilespmem:s20+$0x4650]  }
0x57: {  	v45 =	vld [tilespmem:s20+$0x4660];
	v44 =	vmul.f32 v27, v26;
	v43 =	vmul.f32 v25, v40;
	v17 =	vadd.f32 v20, v17  }
0x58: {  	v46 =	vld [tilespmem:s20+$0x8660]  }
0x59: {  	v49 =	vld [tilespmem:s20+$0x670];
	v48 =	vmul.f32 v30, v29;
	v47 =	vmul.f32 v28, v44;
	v17 =	vadd.f32 v43, v17  }
0x5a: {  	v50 =	vld [tilespmem:s20+$0x4670]  }
0x5b: {  	v18 =	vmul.f32 v18, v48;
	v19 =	vmul.f32 v19, v39;
	v17 =	vadd.f32 v47, v17  }
0x5c: {  	v51 =	vld [tilespmem:s20+$0x8670]  }
0x5d: {  	v17 =	vadd.f32 v18, v17;
	v18 =	vmul.f32 v41, v19;
	v19 =	vmul.f32 v45, v42;
	_ =	sdelay $0x1  }
0x5e: {  	v17 =	vadd.f32 v18, v17;
	v18 =	vmul.f32 v46, v19;
	v19 =	vmul.f32 v50, v49;
	_ =	sdelay $0x1  }
0x5f: {  	v17 =	vadd.f32 v18, v17;
	v18 =	vmul.f32 v51, v19;
	_ =	sdelay $0x1  }
0x60: {  	v17 =	vadd.f32 v18, v17;
	_ =	sdelay $0x1  }
0x61: {  	[tilespmem:$0xC800] =	vst v17  }
0x62: {  	v17 =	vld [tilespmem:s20+$0x680]  }
0x63: {  	v18 =	vld [tilespmem:s20+$0x4680]  }
0x64: {  	v19 =	vld [tilespmem:s20+$0x8680]  }
0x65: {  	v52 =	vld [tilespmem:s20+$0x690]  }
0x66: {  	v53 =	vld [tilespmem:s20+$0x4690]  }
0x67: {  	v54 =	vld [tilespmem:s20+$0x8690]  }
0x68: {  	v55 =	vld [tilespmem:s20+$0x6A0]  }
0x69: {  	v56 =	vld [tilespmem:s20+$0x46A0]  }
0x6a: {  	v57 =	vld [tilespmem:s20+$0x86A0]  }
0x6b: {  	v58 =	vld [tilespmem:s20+$0x6B0]  }
0x6c: {  	v59 =	vld [tilespmem:s20+$0x46B0]  }
0x6d: {  	v60 =	vld [tilespmem:s20+$0x86B0]  }
0x6e: {  	v61 =	vld [tilespmem:s20+$0x6C0]  }
0x6f: {  	v62 =	vld [tilespmem:s20+$0x46C0]  }
0x70: {  	v63 =	vld [tilespmem:s20+$0x6D0]  }
0x71: {  	v32 =	vld [tilespmem:s20+$0x86D0];
	v17 =	vmul.f32 v18, v17;
	v20 =	vmul.f32 v53, v52  }
0x72: {  	v33 =	vld [tilespmem:s20+$0x6E0];
	v31 =	vmul.f32 v56, v55  }
0x73: {  	v18 =	vld [tilespmem:s20+$0x86C0];
	v17 =	vmul.f32 v19, v17;
	v20 =	vmul.f32 v54, v20  }
0x74: {  	v19 =	vld [tilespmem:s20+$0x46D0]  }
0x75: {  	v36 =	vld [tilespmem:s20+$0x46E0];
	v35 =	vmul.f32 v59, v58;
	v34 =	vmul.f32 v57, v31;
	v17 =	vadd.f32 v20, v17  }
0x76: {  	v37 =	vld [tilespmem:s20+$0x86E0]  }
0x77: {  	v40 =	vld [tilespmem:s20+$0x6F0];
	v39 =	vmul.f32 v62, v61;
	v38 =	vmul.f32 v60, v35;
	v17 =	vadd.f32 v34, v17  }
0x78: {  	v41 =	vld [tilespmem:s20+$0x46F0]  }
0x79: {  	v18 =	vmul.f32 v18, v39;
	v19 =	vmul.f32 v19, v63;
	v17 =	vadd.f32 v38, v17  }
0x7a: {  	v42 =	vld [tilespmem:s20+$0x86F0]  }
0x7b: {  	v17 =	vadd.f32 v18, v17;
	v18 =	vmul.f32 v32, v19;
	v19 =	vmul.f32 v36, v33;
	_ =	sdelay $0x1  }
0x7c: {  	v17 =	vadd.f32 v18, v17;
	v18 =	vmul.f32 v37, v19;
	v19 =	vmul.f32 v41, v40;
	_ =	sdelay $0x1  }
0x7d: {  	v17 =	vadd.f32 v18, v17;
	v18 =	vmul.f32 v42, v19;
	_ =	sdelay $0x1  }
0x7e: {  	v17 =	vadd.f32 v18, v17;
	_ =	sdelay $0x1  }
0x7f: {  	[tilespmem:$0xC810] =	vst v17  }
0x80: {  	v17 =	vld [tilespmem:s20+$0x700]  }
0x81: {  	v18 =	vld [tilespmem:s20+$0x4700]  }
0x82: {  	v19 =	vld [tilespmem:s20+$0x8700]  }
0x83: {  	v43 =	vld [tilespmem:s20+$0x710]  }
0x84: {  	v44 =	vld [tilespmem:s20+$0x4710]  }
0x85: {  	v45 =	vld [tilespmem:s20+$0x8710]  }
0x86: {  	v46 =	vld [tilespmem:s20+$0x720]  }
0x87: {  	v47 =	vld [tilespmem:s20+$0x4720]  }
0x88: {  	v48 =	vld [tilespmem:s20+$0x8720]  }
0x89: {  	v49 =	vld [tilespmem:s20+$0x730]  }
0x8a: {  	v50 =	vld [tilespmem:s20+$0x4730]  }
0x8b: {  	v51 =	vld [tilespmem:s20+$0x8730]  }
0x8c: {  	v52 =	vld [tilespmem:s20+$0x740]  }
0x8d: {  	v53 =	vld [tilespmem:s20+$0x4740]  }
0x8e: {  	v54 =	vld [tilespmem:s20+$0x750]  }
0x8f: {  	v56 =	vld [tilespmem:s20+$0x8750];
	v17 =	vmul.f32 v18, v17;
	v20 =	vmul.f32 v44, v43  }
0x90: {  	v57 =	vld [tilespmem:s20+$0x760];
	v55 =	vmul.f32 v47, v46  }
0x91: {  	v18 =	vld [tilespmem:s20+$0x8740];
	v17 =	vmul.f32 v19, v17;
	v20 =	vmul.f32 v45, v20  }
0x92: {  	v19 =	vld [tilespmem:s20+$0x4750]  }
0x93: {  	v60 =	vld [tilespmem:s20+$0x4760];
	v59 =	vmul.f32 v50, v49;
	v58 =	vmul.f32 v48, v55;
	v17 =	vadd.f32 v20, v17  }
0x94: {  	v61 =	vld [tilespmem:s20+$0x8760]  }
0x95: {  	v32 =	vld [tilespmem:s20+$0x770];
	v63 =	vmul.f32 v53, v52;
	v62 =	vmul.f32 v51, v59;
	v17 =	vadd.f32 v58, v17  }
0x96: {  	v33 =	vld [tilespmem:s20+$0x4770]  }
0x97: {  	v18 =	vmul.f32 v18, v63;
	v19 =	vmul.f32 v19, v54;
	v17 =	vadd.f32 v62, v17  }
0x98: {  	v34 =	vld [tilespmem:s20+$0x8770]  }
0x99: {  	v17 =	vadd.f32 v18, v17;
	v18 =	vmul.f32 v56, v19;
	v19 =	vmul.f32 v60, v57;
	_ =	sdelay $0x1  }
0x9a: {  	v17 =	vadd.f32 v18, v17;
	v18 =	vmul.f32 v61, v19;
	v19 =	vmul.f32 v33, v32;
	_ =	sdelay $0x1  }
0x9b: {  	v17 =	vadd.f32 v18, v17;
	v18 =	vmul.f32 v34, v19;
	_ =	sdelay $0x1  }
0x9c: {  	v17 =	vadd.f32 v18, v17;
	_ =	sdelay $0x1  }
0x9d: {  	[tilespmem:$0xC820] =	vst v17  }
0x9e: {  	v17 =	vld [tilespmem:s20+$0x780]  }
0x9f: {  	v18 =	vld [tilespmem:s20+$0x4780]  }
0xa0: {  	v19 =	vld [tilespmem:s20+$0x8780]  }
0xa1: {  	v35 =	vld [tilespmem:s20+$0x790]  }
0xa2: {  	v36 =	vld [tilespmem:s20+$0x4790]  }
0xa3: {  	v37 =	vld [tilespmem:s20+$0x8790]  }
0xa4: {  	v38 =	vld [tilespmem:s20+$0x7A0]  }
0xa5: {  	v39 =	vld [tilespmem:s20+$0x47A0]  }
0xa6: {  	v40 =	vld [tilespmem:s20+$0x87A0]  }
0xa7: {  	v41 =	vld [tilespmem:s20+$0x7B0]  }
0xa8: {  	v42 =	vld [tilespmem:s20+$0x47B0]  }
0xa9: {  	v43 =	vld [tilespmem:s20+$0x87B0]  }
0xaa: {  	v44 =	vld [tilespmem:s20+$0x7C0]  }
0xab: {  	v45 =	vld [tilespmem:s20+$0x47C0]  }
0xac: {  	v46 =	vld [tilespmem:s20+$0x7D0]  }
0xad: {  	v48 =	vld [tilespmem:s20+$0x87D0];
	v17 =	vmul.f32 v18, v17;
	v20 =	vmul.f32 v36, v35  }
0xae: {  	v49 =	vld [tilespmem:s20+$0x7E0];
	v47 =	vmul.f32 v39, v38  }
0xaf: {  	v18 =	vld [tilespmem:s20+$0x87C0];
	v17 =	vmul.f32 v19, v17;
	v20 =	vmul.f32 v37, v20  }
0xb0: {  	v19 =	vld [tilespmem:s20+$0x47D0]  }
0xb1: {  	v52 =	vld [tilespmem:s20+$0x47E0];
	v51 =	vmul.f32 v42, v41;
	v50 =	vmul.f32 v40, v47;
	v17 =	vadd.f32 v20, v17  }
0xb2: {  	v53 =	vld [tilespmem:s20+$0x87E0]  }
0xb3: {  	v56 =	vld [tilespmem:s20+$0x7F0];
	v55 =	vmul.f32 v45, v44;
	v54 =	vmul.f32 v43, v51;
	v17 =	vadd.f32 v50, v17  }
0xb4: {  	v57 =	vld [tilespmem:s20+$0x47F0]  }
0xb5: {  	v18 =	vmul.f32 v18, v55;
	v19 =	vmul.f32 v19, v46;
	v17 =	vadd.f32 v54, v17  }
0xb6: {  	v58 =	vld [tilespmem:s20+$0x87F0]  }
0xb7: {  	v17 =	vadd.f32 v18, v17;
	v18 =	vmul.f32 v48, v19;
	v19 =	vmul.f32 v52, v49;
	_ =	sdelay $0x1  }
0xb8: {  	v17 =	vadd.f32 v18, v17;
	v18 =	vmul.f32 v53, v19;
	v19 =	vmul.f32 v57, v56;
	_ =	sdelay $0x1  }
0xb9: {  	v17 =	vadd.f32 v18, v17;
	v18 =	vmul.f32 v58, v19;
	_ =	sdelay $0x1  }
0xba: {  	v17 =	vadd.f32 v18, v17;
	_ =	sdelay $0x1  }
0xbb: {  	[tilespmem:$0xC830] =	vst v17  }
0xbc: {  	v17 =	vld [tilespmem:s20+$0x800]  }
0xbd: {  	v18 =	vld [tilespmem:s20+$0x4800]  }
0xbe: {  	v19 =	vld [tilespmem:s20+$0x8800]  }
0xbf: {  	v59 =	vld [tilespmem:s20+$0x810]  }
0xc0: {  	v60 =	vld [tilespmem:s20+$0x4810]  }
0xc1: {  	v61 =	vld [tilespmem:s20+$0x8810]  }
0xc2: {  	v62 =	vld [tilespmem:s20+$0x820]  }
0xc3: {  	v63 =	vld [tilespmem:s20+$0x4820]  }
0xc4: {  	v33 =	vld [tilespmem:s20+$0x8820]  }
0xc5: {  	v34 =	vld [tilespmem:s20+$0x830]  }
0xc6: {  	v35 =	vld [tilespmem:s20+$0x4830]  }
0xc7: {  	v36 =	vld [tilespmem:s20+$0x8830]  }
0xc8: {  	v37 =	vld [tilespmem:s20+$0x840]  }
0xc9: {  	v38 =	vld [tilespmem:s20+$0x4840]  }
0xca: {  	v39 =	vld [tilespmem:s20+$0x850]  }
0xcb: {  	v41 =	vld [tilespmem:s20+$0x8850];
	v17 =	vmul.f32 v18, v17;
	v20 =	vmul.f32 v60, v59  }
0xcc: {  	v42 =	vld [tilespmem:s20+$0x860];
	v40 =	vmul.f32 v63, v62  }
0xcd: {  	v18 =	vld [tilespmem:s20+$0x8840];
	v17 =	vmul.f32 v19, v17;
	v20 =	vmul.f32 v61, v20  }
0xce: {  	v19 =	vld [tilespmem:s20+$0x4850]  }
0xcf: {  	v45 =	vld [tilespmem:s20+$0x4860];
	v44 =	vmul.f32 v35, v34;
	v43 =	vmul.f32 v33, v40;
	v17 =	vadd.f32 v20, v17  }
0xd0: {  	v46 =	vld [tilespmem:s20+$0x8860]  }
0xd1: {  	v49 =	vld [tilespmem:s20+$0x870];
	v48 =	vmul.f32 v38, v37;
	v47 =	vmul.f32 v36, v44;
	v17 =	vadd.f32 v43, v17  }
0xd2: {  	v50 =	vld [tilespmem:s20+$0x4870]  }
0xd3: {  	v18 =	vmul.f32 v18, v48;
	v19 =	vmul.f32 v19, v39;
	v17 =	vadd.f32 v47, v17  }
0xd4: {  	v51 =	vld [tilespmem:s20+$0x8870]  }
0xd5: {  	v17 =	vadd.f32 v18, v17;
	v18 =	vmul.f32 v41, v19;
	v19 =	vmul.f32 v45, v42;
	_ =	sdelay $0x1  }
0xd6: {  	v17 =	vadd.f32 v18, v17;
	v18 =	vmul.f32 v46, v19;
	v19 =	vmul.f32 v50, v49;
	_ =	sdelay $0x1  }
0xd7: {  	v17 =	vadd.f32 v18, v17;
	v18 =	vmul.f32 v51, v19;
	_ =	sdelay $0x1  }
0xd8: {  	v17 =	vadd.f32 v18, v17;
	_ =	sdelay $0x1  }
0xd9: {  	[tilespmem:$0xC840] =	vst v17  }
0xda: {  	v17 =	vld [tilespmem:s20+$0x880]  }
0xdb: {  	v18 =	vld [tilespmem:s20+$0x4880]  }
0xdc: {  	v19 =	vld [tilespmem:s20+$0x8880]  }
0xdd: {  	v52 =	vld [tilespmem:s20+$0x890]  }
0xde: {  	v53 =	vld [tilespmem:s20+$0x4890]  }
0xdf: {  	v54 =	vld [tilespmem:s20+$0x8890]  }
0xe0: {  	v55 =	vld [tilespmem:s20+$0x8A0]  }
0xe1: {  	v56 =	vld [tilespmem:s20+$0x48A0]  }
0xe2: {  	v57 =	vld [tilespmem:s20+$0x88A0]  }
0xe3: {  	v58 =	vld [tilespmem:s20+$0x8B0]  }
0xe4: {  	v59 =	vld [tilespmem:s20+$0x48B0]  }
0xe5: {  	v60 =	vld [tilespmem:s20+$0x88B0]  }
0xe6: {  	v61 =	vld [tilespmem:s20+$0x8C0]  }
0xe7: {  	v62 =	vld [tilespmem:s20+$0x48C0]  }
0xe8: {  	v63 =	vld [tilespmem:s20+$0x8D0]  }
0xe9: {  	v32 =	vld [tilespmem:s20+$0x88D0];
	v17 =	vmul.f32 v18, v17;
	v20 =	vmul.f32 v53, v52  }
0xea: {  	v33 =	vld [tilespmem:s20+$0x8E0];
	v31 =	vmul.f32 v56, v55  }
0xeb: {  	v18 =	vld [tilespmem:s20+$0x88C0];
	v17 =	vmul.f32 v19, v17;
	v20 =	vmul.f32 v54, v20  }
0xec: {  	v19 =	vld [tilespmem:s20+$0x48D0]  }
0xed: {  	v36 =	vld [tilespmem:s20+$0x48E0];
	v35 =	vmul.f32 v59, v58;
	v34 =	vmul.f32 v57, v31;
	v17 =	vadd.f32 v20, v17  }
0xee: {  	v37 =	vld [tilespmem:s20+$0x88E0]  }
0xef: {  	v40 =	vld [tilespmem:s20+$0x8F0];
	v39 =	vmul.f32 v62, v61;
	v38 =	vmul.f32 v60, v35;
	v17 =	vadd.f32 v34, v17  }
0xf0: {  	v41 =	vld [tilespmem:s20+$0x48F0]  }
0xf1: {  	v18 =	vmul.f32 v18, v39;
	v19 =	vmul.f32 v19, v63;
	v17 =	vadd.f32 v38, v17  }
0xf2: {  	v42 =	vld [tilespmem:s20+$0x88F0]  }
0xf3: {  	v17 =	vadd.f32 v18, v17;
	v18 =	vmul.f32 v32, v19;
	v19 =	vmul.f32 v36, v33;
	_ =	sdelay $0x1  }
0xf4: {  	v17 =	vadd.f32 v18, v17;
	v18 =	vmul.f32 v37, v19;
	v19 =	vmul.f32 v41, v40;
	_ =	sdelay $0x1  }
0xf5: {  	v17 =	vadd.f32 v18, v17;
	v18 =	vmul.f32 v42, v19;
	_ =	sdelay $0x1  }
0xf6: {  	v17 =	vadd.f32 v18, v17;
	_ =	sdelay $0x1  }
0xf7: {  	[tilespmem:$0xC850] =	vst v17  }
0xf8: {  	v17 =	vld [tilespmem:s20+$0x900]  }
0xf9: {  	v18 =	vld [tilespmem:s20+$0x4900]  }
0xfa: {  	v19 =	vld [tilespmem:s20+$0x8900]  }
0xfb: {  	v43 =	vld [tilespmem:s20+$0x910]  }
0xfc: {  	v44 =	vld [tilespmem:s20+$0x4910]  }
0xfd: {  	v45 =	vld [tilespmem:s20+$0x8910]  }
0xfe: {  	v46 =	vld [tilespmem:s20+$0x920]  }
0xff: {  	v47 =	vld [tilespmem:s20+$0x4920]  }
0x100: {  	v48 =	vld [tilespmem:s20+$0x8920]  }
0x101: {  	v49 =	vld [tilespmem:s20+$0x930]  }
0x102: {  	v50 =	vld [tilespmem:s20+$0x4930]  }
0x103: {  	v51 =	vld [tilespmem:s20+$0x8930]  }
0x104: {  	v52 =	vld [tilespmem:s20+$0x940]  }
0x105: {  	v53 =	vld [tilespmem:s20+$0x4940]  }
0x106: {  	v54 =	vld [tilespmem:s20+$0x950]  }
0x107: {  	v56 =	vld [tilespmem:s20+$0x8950];
	v17 =	vmul.f32 v18, v17;
	v20 =	vmul.f32 v44, v43  }
0x108: {  	v57 =	vld [tilespmem:s20+$0x960];
	v55 =	vmul.f32 v47, v46  }
0x109: {  	v18 =	vld [tilespmem:s20+$0x8940];
	v17 =	vmul.f32 v19, v17;
	v20 =	vmul.f32 v45, v20  }
0x10a: {  	v19 =	vld [tilespmem:s20+$0x4950]  }
0x10b: {  	v60 =	vld [tilespmem:s20+$0x4960];
	v59 =	vmul.f32 v50, v49;
	v58 =	vmul.f32 v48, v55;
	v17 =	vadd.f32 v20, v17  }
0x10c: {  	v61 =	vld [tilespmem:s20+$0x8960]  }
0x10d: {  	v32 =	vld [tilespmem:s20+$0x970];
	v63 =	vmul.f32 v53, v52;
	v62 =	vmul.f32 v51, v59;
	v17 =	vadd.f32 v58, v17  }
0x10e: {  	v33 =	vld [tilespmem:s20+$0x4970]  }
0x10f: {  	v18 =	vmul.f32 v18, v63;
	v19 =	vmul.f32 v19, v54;
	v17 =	vadd.f32 v62, v17  }
0x110: {  	v34 =	vld [tilespmem:s20+$0x8970]  }
0x111: {  	v17 =	vadd.f32 v18, v17;
	v18 =	vmul.f32 v56, v19;
	v19 =	vmul.f32 v60, v57;
	_ =	sdelay $0x1  }
0x112: {  	v17 =	vadd.f32 v18, v17;
	v18 =	vmul.f32 v61, v19;
	v19 =	vmul.f32 v33, v32;
	_ =	sdelay $0x1  }
0x113: {  	v17 =	vadd.f32 v18, v17;
	v18 =	vmul.f32 v34, v19;
	_ =	sdelay $0x1  }
0x114: {  	v17 =	vadd.f32 v18, v17;
	_ =	sdelay $0x1  }
0x115: {  	[tilespmem:$0xC860] =	vst v17  }
0x116: {  	v17 =	vld [tilespmem:s20+$0x980]  }
0x117: {  	v18 =	vld [tilespmem:s20+$0x4980]  }
0x118: {  	v19 =	vld [tilespmem:s20+$0x8980]  }
0x119: {  	v35 =	vld [tilespmem:s20+$0x990]  }
0x11a: {  	v36 =	vld [tilespmem:s20+$0x4990]  }
0x11b: {  	v37 =	vld [tilespmem:s20+$0x8990]  }
0x11c: {  	v38 =	vld [tilespmem:s20+$0x9A0]  }
0x11d: {  	v39 =	vld [tilespmem:s20+$0x49A0]  }
0x11e: {  	v40 =	vld [tilespmem:s20+$0x89A0]  }
0x11f: {  	v41 =	vld [tilespmem:s20+$0x9B0]  }
0x120: {  	v42 =	vld [tilespmem:s20+$0x49B0]  }
0x121: {  	v43 =	vld [tilespmem:s20+$0x89B0]  }
0x122: {  	v44 =	vld [tilespmem:s20+$0x9C0]  }
0x123: {  	v45 =	vld [tilespmem:s20+$0x49C0]  }
0x124: {  	v46 =	vld [tilespmem:s20+$0x9D0]  }
0x125: {  	v48 =	vld [tilespmem:s20+$0x89D0];
	v17 =	vmul.f32 v18, v17;
	v20 =	vmul.f32 v36, v35  }
0x126: {  	v49 =	vld [tilespmem:s20+$0x9E0];
	v47 =	vmul.f32 v39, v38  }
0x127: {  	v18 =	vld [tilespmem:s20+$0x89C0];
	v17 =	vmul.f32 v19, v17;
	v20 =	vmul.f32 v37, v20  }
0x128: {  	v19 =	vld [tilespmem:s20+$0x49D0]  }
0x129: {  	v52 =	vld [tilespmem:s20+$0x49E0];
	v51 =	vmul.f32 v42, v41;
	v50 =	vmul.f32 v40, v47;
	v17 =	vadd.f32 v20, v17  }
0x12a: {  	v53 =	vld [tilespmem:s20+$0x89E0]  }
0x12b: {  	v56 =	vld [tilespmem:s20+$0x9F0];
	v55 =	vmul.f32 v45, v44;
	v54 =	vmul.f32 v43, v51;
	v17 =	vadd.f32 v50, v17  }
0x12c: {  	v57 =	vld [tilespmem:s20+$0x49F0]  }
0x12d: {  	v18 =	vmul.f32 v18, v55;
	v19 =	vmul.f32 v19, v46;
	v17 =	vadd.f32 v54, v17  }
0x12e: {  	v58 =	vld [tilespmem:s20+$0x89F0]  }
0x12f: {  	v17 =	vadd.f32 v18, v17;
	v18 =	vmul.f32 v48, v19;
	v19 =	vmul.f32 v52, v49;
	_ =	sdelay $0x1  }
0x130: {  	v17 =	vadd.f32 v18, v17;
	v18 =	vmul.f32 v53, v19;
	v19 =	vmul.f32 v57, v56;
	_ =	sdelay $0x1  }
0x131: {  	v17 =	vadd.f32 v18, v17;
	v18 =	vmul.f32 v58, v19;
	_ =	sdelay $0x1  }
0x132: {  	v17 =	vadd.f32 v18, v17;
	_ =	sdelay $0x1  }
0x133: {  	[tilespmem:$0xC870] =	vst v17  }
0x134: {  	v17 =	vld [tilespmem:s20+$0xA00]  }
0x135: {  	v18 =	vld [tilespmem:s20+$0x4A00]  }
0x136: {  	v19 =	vld [tilespmem:s20+$0x8A00]  }
0x137: {  	v59 =	vld [tilespmem:s20+$0xA10]  }
0x138: {  	v60 =	vld [tilespmem:s20+$0x4A10]  }
0x139: {  	v61 =	vld [tilespmem:s20+$0x8A10]  }
0x13a: {  	v62 =	vld [tilespmem:s20+$0xA20]  }
0x13b: {  	v63 =	vld [tilespmem:s20+$0x4A20]  }
0x13c: {  	v33 =	vld [tilespmem:s20+$0x8A20]  }
0x13d: {  	v34 =	vld [tilespmem:s20+$0xA30]  }
0x13e: {  	v35 =	vld [tilespmem:s20+$0x4A30]  }
0x13f: {  	v36 =	vld [tilespmem:s20+$0x8A30]  }
0x140: {  	v37 =	vld [tilespmem:s20+$0xA40]  }
0x141: {  	v38 =	vld [tilespmem:s20+$0x4A40]  }
0x142: {  	v39 =	vld [tilespmem:s20+$0xA50]  }
0x143: {  	v41 =	vld [tilespmem:s20+$0x8A50];
	v17 =	vmul.f32 v18, v17;
	v20 =	vmul.f32 v60, v59  }
0x144: {  	v42 =	vld [tilespmem:s20+$0xA60];
	v40 =	vmul.f32 v63, v62  }
0x145: {  	v18 =	vld [tilespmem:s20+$0x8A40];
	v17 =	vmul.f32 v19, v17;
	v20 =	vmul.f32 v61, v20  }
0x146: {  	v19 =	vld [tilespmem:s20+$0x4A50]  }
0x147: {  	v45 =	vld [tilespmem:s20+$0x4A60];
	v44 =	vmul.f32 v35, v34;
	v43 =	vmul.f32 v33, v40;
	v17 =	vadd.f32 v20, v17  }
0x148: {  	v46 =	vld [tilespmem:s20+$0x8A60]  }
0x149: {  	v49 =	vld [tilespmem:s20+$0xA70];
	v48 =	vmul.f32 v38, v37;
	v47 =	vmul.f32 v36, v44;
	v17 =	vadd.f32 v43, v17  }
0x14a: {  	v50 =	vld [tilespmem:s20+$0x4A70]  }
0x14b: {  	v18 =	vmul.f32 v18, v48;
	v19 =	vmul.f32 v19, v39;
	v17 =	vadd.f32 v47, v17  }
0x14c: {  	v51 =	vld [tilespmem:s20+$0x8A70]  }
0x14d: {  	v17 =	vadd.f32 v18, v17;
	v18 =	vmul.f32 v41, v19;
	v19 =	vmul.f32 v45, v42;
	_ =	sdelay $0x1  }
0x14e: {  	v17 =	vadd.f32 v18, v17;
	v18 =	vmul.f32 v46, v19;
	v19 =	vmul.f32 v50, v49;
	_ =	sdelay $0x1  }
0x14f: {  	v17 =	vadd.f32 v18, v17;
	v18 =	vmul.f32 v51, v19;
	_ =	sdelay $0x1  }
0x150: {  	v17 =	vadd.f32 v18, v17;
	_ =	sdelay $0x1  }
0x151: {  	[tilespmem:$0xC880] =	vst v17  }
0x152: {  	v17 =	vld [tilespmem:s20+$0xA80]  }
0x153: {  	v18 =	vld [tilespmem:s20+$0x4A80]  }
0x154: {  	v19 =	vld [tilespmem:s20+$0x8A80]  }
0x155: {  	v52 =	vld [tilespmem:s20+$0xA90]  }
0x156: {  	v53 =	vld [tilespmem:s20+$0x4A90]  }
0x157: {  	v54 =	vld [tilespmem:s20+$0x8A90]  }
0x158: {  	v55 =	vld [tilespmem:s20+$0xAA0]  }
0x159: {  	v56 =	vld [tilespmem:s20+$0x4AA0]  }
0x15a: {  	v57 =	vld [tilespmem:s20+$0x8AA0]  }
0x15b: {  	v58 =	vld [tilespmem:s20+$0xAB0]  }
0x15c: {  	v59 =	vld [tilespmem:s20+$0x4AB0]  }
0x15d: {  	v60 =	vld [tilespmem:s20+$0x8AB0]  }
0x15e: {  	v61 =	vld [tilespmem:s20+$0xAC0]  }
0x15f: {  	v62 =	vld [tilespmem:s20+$0x4AC0]  }
0x160: {  	v63 =	vld [tilespmem:s20+$0xAD0]  }
0x161: {  	v32 =	vld [tilespmem:s20+$0x8AD0];
	v17 =	vmul.f32 v18, v17;
	v20 =	vmul.f32 v53, v52  }
0x162: {  	v33 =	vld [tilespmem:s20+$0xAE0];
	v31 =	vmul.f32 v56, v55  }
0x163: {  	v18 =	vld [tilespmem:s20+$0x8AC0];
	v17 =	vmul.f32 v19, v17;
	v20 =	vmul.f32 v54, v20  }
0x164: {  	v19 =	vld [tilespmem:s20+$0x4AD0]  }
0x165: {  	v36 =	vld [tilespmem:s20+$0x4AE0];
	v35 =	vmul.f32 v59, v58;
	v34 =	vmul.f32 v57, v31;
	v17 =	vadd.f32 v20, v17  }
0x166: {  	v37 =	vld [tilespmem:s20+$0x8AE0]  }
0x167: {  	v40 =	vld [tilespmem:s20+$0xAF0];
	v39 =	vmul.f32 v62, v61;
	v38 =	vmul.f32 v60, v35;
	v17 =	vadd.f32 v34, v17  }
0x168: {  	v41 =	vld [tilespmem:s20+$0x4AF0]  }
0x169: {  	v18 =	vmul.f32 v18, v39;
	v19 =	vmul.f32 v19, v63;
	v17 =	vadd.f32 v38, v17  }
0x16a: {  	v42 =	vld [tilespmem:s20+$0x8AF0]  }
0x16b: {  	v17 =	vadd.f32 v18, v17;
	v18 =	vmul.f32 v32, v19;
	v19 =	vmul.f32 v36, v33;
	_ =	sdelay $0x1  }
0x16c: {  	v17 =	vadd.f32 v18, v17;
	v18 =	vmul.f32 v37, v19;
	v19 =	vmul.f32 v41, v40;
	_ =	sdelay $0x1  }
0x16d: {  	v17 =	vadd.f32 v18, v17;
	v18 =	vmul.f32 v42, v19;
	_ =	sdelay $0x1  }
0x16e: {  	v17 =	vadd.f32 v18, v17;
	_ =	sdelay $0x1  }
0x16f: {  	[tilespmem:$0xC890] =	vst v17  }
0x170: {  	v17 =	vld [tilespmem:s20+$0xB00]  }
0x171: {  	v18 =	vld [tilespmem:s20+$0x4B00]  }
0x172: {  	v19 =	vld [tilespmem:s20+$0x8B00]  }
0x173: {  	v43 =	vld [tilespmem:s20+$0xB10]  }
0x174: {  	v44 =	vld [tilespmem:s20+$0x4B10]  }
0x175: {  	v45 =	vld [tilespmem:s20+$0x8B10]  }
0x176: {  	v46 =	vld [tilespmem:s20+$0xB20]  }
0x177: {  	v47 =	vld [tilespmem:s20+$0x4B20]  }
0x178: {  	v48 =	vld [tilespmem:s20+$0x8B20]  }
0x179: {  	v49 =	vld [tilespmem:s20+$0xB30]  }
0x17a: {  	v50 =	vld [tilespmem:s20+$0x4B30]  }
0x17b: {  	v51 =	vld [tilespmem:s20+$0x8B30]  }
0x17c: {  	v52 =	vld [tilespmem:s20+$0xB40]  }
0x17d: {  	v53 =	vld [tilespmem:s20+$0x4B40]  }
0x17e: {  	v54 =	vld [tilespmem:s20+$0xB50]  }
0x17f: {  	v56 =	vld [tilespmem:s20+$0x8B50];
	v17 =	vmul.f32 v18, v17;
	v20 =	vmul.f32 v44, v43  }
0x180: {  	v57 =	vld [tilespmem:s20+$0xB60];
	v55 =	vmul.f32 v47, v46  }
0x181: {  	v18 =	vld [tilespmem:s20+$0x8B40];
	v17 =	vmul.f32 v19, v17;
	v20 =	vmul.f32 v45, v20  }
0x182: {  	v19 =	vld [tilespmem:s20+$0x4B50]  }
0x183: {  	v60 =	vld [tilespmem:s20+$0x4B60];
	v59 =	vmul.f32 v50, v49;
	v58 =	vmul.f32 v48, v55;
	v17 =	vadd.f32 v20, v17  }
0x184: {  	v61 =	vld [tilespmem:s20+$0x8B60]  }
0x185: {  	v32 =	vld [tilespmem:s20+$0xB70];
	v63 =	vmul.f32 v53, v52;
	v62 =	vmul.f32 v51, v59;
	v17 =	vadd.f32 v58, v17  }
0x186: {  	v33 =	vld [tilespmem:s20+$0x4B70]  }
0x187: {  	v18 =	vmul.f32 v18, v63;
	v19 =	vmul.f32 v19, v54;
	v17 =	vadd.f32 v62, v17  }
0x188: {  	v34 =	vld [tilespmem:s20+$0x8B70]  }
0x189: {  	v17 =	vadd.f32 v18, v17;
	v18 =	vmul.f32 v56, v19;
	v19 =	vmul.f32 v60, v57;
	_ =	sdelay $0x1  }
0x18a: {  	v17 =	vadd.f32 v18, v17;
	v18 =	vmul.f32 v61, v19;
	v19 =	vmul.f32 v33, v32;
	_ =	sdelay $0x1  }
0x18b: {  	v17 =	vadd.f32 v18, v17;
	v18 =	vmul.f32 v34, v19;
	_ =	sdelay $0x1  }
0x18c: {  	v17 =	vadd.f32 v18, v17;
	_ =	sdelay $0x1  }
0x18d: {  	[tilespmem:$0xC8A0] =	vst v17  }
0x18e: {  	v17 =	vld [tilespmem:s20+$0xB80]  }
0x18f: {  	v18 =	vld [tilespmem:s20+$0x4B80]  }
0x190: {  	v19 =	vld [tilespmem:s20+$0x8B80]  }
0x191: {  	v35 =	vld [tilespmem:s20+$0xB90]  }
0x192: {  	v36 =	vld [tilespmem:s20+$0x4B90]  }
0x193: {  	v37 =	vld [tilespmem:s20+$0x8B90]  }
0x194: {  	v38 =	vld [tilespmem:s20+$0xBA0]  }
0x195: {  	v39 =	vld [tilespmem:s20+$0x4BA0]  }
0x196: {  	v40 =	vld [tilespmem:s20+$0x8BA0]  }
0x197: {  	v41 =	vld [tilespmem:s20+$0xBB0]  }
0x198: {  	v42 =	vld [tilespmem:s20+$0x4BB0]  }
0x199: {  	v43 =	vld [tilespmem:s20+$0x8BB0]  }
0x19a: {  	v44 =	vld [tilespmem:s20+$0xBC0]  }
0x19b: {  	v45 =	vld [tilespmem:s20+$0x4BC0]  }
0x19c: {  	v46 =	vld [tilespmem:s20+$0xBD0]  }
0x19d: {  	v48 =	vld [tilespmem:s20+$0x8BD0];
	v17 =	vmul.f32 v18, v17;
	v20 =	vmul.f32 v36, v35  }
0x19e: {  	v49 =	vld [tilespmem:s20+$0xBE0];
	v47 =	vmul.f32 v39, v38  }
0x19f: {  	v18 =	vld [tilespmem:s20+$0x8BC0];
	v17 =	vmul.f32 v19, v17;
	v20 =	vmul.f32 v37, v20  }
0x1a0: {  	v19 =	vld [tilespmem:s20+$0x4BD0]  }
0x1a1: {  	v52 =	vld [tilespmem:s20+$0x4BE0];
	v51 =	vmul.f32 v42, v41;
	v50 =	vmul.f32 v40, v47;
	v17 =	vadd.f32 v20, v17  }
0x1a2: {  	v53 =	vld [tilespmem:s20+$0x8BE0]  }
0x1a3: {  	v56 =	vld [tilespmem:s20+$0xBF0];
	v55 =	vmul.f32 v45, v44;
	v54 =	vmul.f32 v43, v51;
	v17 =	vadd.f32 v50, v17  }
0x1a4: {  	v57 =	vld [tilespmem:s20+$0x4BF0]  }
0x1a5: {  	v18 =	vmul.f32 v18, v55;
	v19 =	vmul.f32 v19, v46;
	v17 =	vadd.f32 v54, v17  }
0x1a6: {  	v58 =	vld [tilespmem:s20+$0x8BF0]  }
0x1a7: {  	v17 =	vadd.f32 v18, v17;
	v18 =	vmul.f32 v48, v19;
	v19 =	vmul.f32 v52, v49;
	_ =	sdelay $0x1  }
0x1a8: {  	v17 =	vadd.f32 v18, v17;
	v18 =	vmul.f32 v53, v19;
	v19 =	vmul.f32 v57, v56;
	_ =	sdelay $0x1  }
0x1a9: {  	v17 =	vadd.f32 v18, v17;
	v18 =	vmul.f32 v58, v19;
	_ =	sdelay $0x1  }
0x1aa: {  	v17 =	vadd.f32 v18, v17;
	_ =	sdelay $0x1  }
0x1ab: {  	[tilespmem:$0xC8B0] =	vst v17  }
0x1ac: {  	v17 =	vld [tilespmem:s20+$0xC00]  }
0x1ad: {  	v18 =	vld [tilespmem:s20+$0x4C00]  }
0x1ae: {  	v19 =	vld [tilespmem:s20+$0x8C00]  }
0x1af: {  	v59 =	vld [tilespmem:s20+$0xC10]  }
0x1b0: {  	v60 =	vld [tilespmem:s20+$0x4C10]  }
0x1b1: {  	v61 =	vld [tilespmem:s20+$0x8C10]  }
0x1b2: {  	v62 =	vld [tilespmem:s20+$0xC20]  }
0x1b3: {  	v63 =	vld [tilespmem:s20+$0x4C20]  }
0x1b4: {  	v33 =	vld [tilespmem:s20+$0x8C20]  }
0x1b5: {  	v34 =	vld [tilespmem:s20+$0xC30]  }
0x1b6: {  	v35 =	vld [tilespmem:s20+$0x4C30]  }
0x1b7: {  	v36 =	vld [tilespmem:s20+$0x8C30]  }
0x1b8: {  	v37 =	vld [tilespmem:s20+$0xC40]  }
0x1b9: {  	v38 =	vld [tilespmem:s20+$0x4C40]  }
0x1ba: {  	v39 =	vld [tilespmem:s20+$0xC50]  }
0x1bb: {  	v41 =	vld [tilespmem:s20+$0x8C50];
	v17 =	vmul.f32 v18, v17;
	v20 =	vmul.f32 v60, v59  }
0x1bc: {  	v42 =	vld [tilespmem:s20+$0xC60];
	v40 =	vmul.f32 v63, v62  }
0x1bd: {  	v18 =	vld [tilespmem:s20+$0x8C40];
	v17 =	vmul.f32 v19, v17;
	v20 =	vmul.f32 v61, v20  }
0x1be: {  	v19 =	vld [tilespmem:s20+$0x4C50]  }
0x1bf: {  	v45 =	vld [tilespmem:s20+$0x4C60];
	v44 =	vmul.f32 v35, v34;
	v43 =	vmul.f32 v33, v40;
	v17 =	vadd.f32 v20, v17  }
0x1c0: {  	v46 =	vld [tilespmem:s20+$0x8C60]  }
0x1c1: {  	v49 =	vld [tilespmem:s20+$0xC70];
	v48 =	vmul.f32 v38, v37;
	v47 =	vmul.f32 v36, v44;
	v17 =	vadd.f32 v43, v17  }
0x1c2: {  	v50 =	vld [tilespmem:s20+$0x4C70]  }
0x1c3: {  	v18 =	vmul.f32 v18, v48;
	v19 =	vmul.f32 v19, v39;
	v17 =	vadd.f32 v47, v17  }
0x1c4: {  	v51 =	vld [tilespmem:s20+$0x8C70]  }
0x1c5: {  	v17 =	vadd.f32 v18, v17;
	v18 =	vmul.f32 v41, v19;
	v19 =	vmul.f32 v45, v42;
	_ =	sdelay $0x1  }
0x1c6: {  	v17 =	vadd.f32 v18, v17;
	v18 =	vmul.f32 v46, v19;
	v19 =	vmul.f32 v50, v49;
	_ =	sdelay $0x1  }
0x1c7: {  	v17 =	vadd.f32 v18, v17;
	v18 =	vmul.f32 v51, v19;
	_ =	sdelay $0x1  }
0x1c8: {  	v17 =	vadd.f32 v18, v17;
	_ =	sdelay $0x1  }
0x1c9: {  	[tilespmem:$0xC8C0] =	vst v17  }
0x1ca: {  	v17 =	vld [tilespmem:s20+$0xC80]  }
0x1cb: {  	v18 =	vld [tilespmem:s20+$0x4C80]  }
0x1cc: {  	v19 =	vld [tilespmem:s20+$0x8C80]  }
0x1cd: {  	v52 =	vld [tilespmem:s20+$0xC90]  }
0x1ce: {  	v53 =	vld [tilespmem:s20+$0x4C90]  }
0x1cf: {  	v54 =	vld [tilespmem:s20+$0x8C90]  }
0x1d0: {  	v55 =	vld [tilespmem:s20+$0xCA0]  }
0x1d1: {  	v56 =	vld [tilespmem:s20+$0x4CA0]  }
0x1d2: {  	v57 =	vld [tilespmem:s20+$0x8CA0]  }
0x1d3: {  	v58 =	vld [tilespmem:s20+$0xCB0]  }
0x1d4: {  	v59 =	vld [tilespmem:s20+$0x4CB0]  }
0x1d5: {  	v60 =	vld [tilespmem:s20+$0x8CB0]  }
0x1d6: {  	v61 =	vld [tilespmem:s20+$0xCC0]  }
0x1d7: {  	v62 =	vld [tilespmem:s20+$0x4CC0]  }
0x1d8: {  	v63 =	vld [tilespmem:s20+$0xCD0]  }
0x1d9: {  	v32 =	vld [tilespmem:s20+$0x8CD0];
	v17 =	vmul.f32 v18, v17;
	v20 =	vmul.f32 v53, v52  }
0x1da: {  	v33 =	vld [tilespmem:s20+$0xCE0];
	v31 =	vmul.f32 v56, v55  }
0x1db: {  	v18 =	vld [tilespmem:s20+$0x8CC0];
	v17 =	vmul.f32 v19, v17;
	v20 =	vmul.f32 v54, v20  }
0x1dc: {  	v19 =	vld [tilespmem:s20+$0x4CD0]  }
0x1dd: {  	v36 =	vld [tilespmem:s20+$0x4CE0];
	v35 =	vmul.f32 v59, v58;
	v34 =	vmul.f32 v57, v31;
	v17 =	vadd.f32 v20, v17  }
0x1de: {  	v37 =	vld [tilespmem:s20+$0x8CE0]  }
0x1df: {  	v40 =	vld [tilespmem:s20+$0xCF0];
	v39 =	vmul.f32 v62, v61;
	v38 =	vmul.f32 v60, v35;
	v17 =	vadd.f32 v34, v17  }
0x1e0: {  	v41 =	vld [tilespmem:s20+$0x4CF0]  }
0x1e1: {  	v18 =	vmul.f32 v18, v39;
	v19 =	vmul.f32 v19, v63;
	v17 =	vadd.f32 v38, v17  }
0x1e2: {  	v42 =	vld [tilespmem:s20+$0x8CF0]  }
0x1e3: {  	v17 =	vadd.f32 v18, v17;
	v18 =	vmul.f32 v32, v19;
	v19 =	vmul.f32 v36, v33;
	_ =	sdelay $0x1  }
0x1e4: {  	v17 =	vadd.f32 v18, v17;
	v18 =	vmul.f32 v37, v19;
	v19 =	vmul.f32 v41, v40;
	_ =	sdelay $0x1  }
0x1e5: {  	v17 =	vadd.f32 v18, v17;
	v18 =	vmul.f32 v42, v19;
	_ =	sdelay $0x1  }
0x1e6: {  	v17 =	vadd.f32 v18, v17;
	_ =	sdelay $0x1  }
0x1e7: {  	[tilespmem:$0xC8D0] =	vst v17  }
0x1e8: {  	v17 =	vld [tilespmem:s20+$0xD00]  }
0x1e9: {  	v18 =	vld [tilespmem:s20+$0x4D00]  }
0x1ea: {  	v19 =	vld [tilespmem:s20+$0x8D00]  }
0x1eb: {  	v43 =	vld [tilespmem:s20+$0xD10]  }
0x1ec: {  	v44 =	vld [tilespmem:s20+$0x4D10]  }
0x1ed: {  	v45 =	vld [tilespmem:s20+$0x8D10]  }
0x1ee: {  	v46 =	vld [tilespmem:s20+$0xD20]  }
0x1ef: {  	v47 =	vld [tilespmem:s20+$0x4D20]  }
0x1f0: {  	v48 =	vld [tilespmem:s20+$0x8D20]  }
0x1f1: {  	v49 =	vld [tilespmem:s20+$0xD30]  }
0x1f2: {  	v50 =	vld [tilespmem:s20+$0x4D30]  }
0x1f3: {  	v51 =	vld [tilespmem:s20+$0x8D30]  }
0x1f4: {  	v52 =	vld [tilespmem:s20+$0xD40]  }
0x1f5: {  	v53 =	vld [tilespmem:s20+$0x4D40]  }
0x1f6: {  	v54 =	vld [tilespmem:s20+$0xD50]  }
0x1f7: {  	v56 =	vld [tilespmem:s20+$0x8D50];
	v17 =	vmul.f32 v18, v17;
	v20 =	vmul.f32 v44, v43  }
0x1f8: {  	v57 =	vld [tilespmem:s20+$0xD60];
	v55 =	vmul.f32 v47, v46  }
0x1f9: {  	v18 =	vld [tilespmem:s20+$0x8D40];
	v17 =	vmul.f32 v19, v17;
	v20 =	vmul.f32 v45, v20  }
0x1fa: {  	v19 =	vld [tilespmem:s20+$0x4D50]  }
0x1fb: {  	v60 =	vld [tilespmem:s20+$0x4D60];
	v59 =	vmul.f32 v50, v49;
	v58 =	vmul.f32 v48, v55;
	v17 =	vadd.f32 v20, v17  }
0x1fc: {  	v61 =	vld [tilespmem:s20+$0x8D60]  }
0x1fd: {  	v32 =	vld [tilespmem:s20+$0xD70];
	v63 =	vmul.f32 v53, v52;
	v62 =	vmul.f32 v51, v59;
	v17 =	vadd.f32 v58, v17  }
0x1fe: {  	v33 =	vld [tilespmem:s20+$0x4D70]  }
0x1ff: {  	v18 =	vmul.f32 v18, v63;
	v19 =	vmul.f32 v19, v54;
	v17 =	vadd.f32 v62, v17  }
0x200: {  	v34 =	vld [tilespmem:s20+$0x8D70]  }
0x201: {  	v17 =	vadd.f32 v18, v17;
	v18 =	vmul.f32 v56, v19;
	v19 =	vmul.f32 v60, v57;
	_ =	sdelay $0x1  }
0x202: {  	v17 =	vadd.f32 v18, v17;
	v18 =	vmul.f32 v61, v19;
	v19 =	vmul.f32 v33, v32;
	_ =	sdelay $0x1  }
0x203: {  	v17 =	vadd.f32 v18, v17;
	v18 =	vmul.f32 v34, v19;
	_ =	sdelay $0x1  }
0x204: {  	v17 =	vadd.f32 v18, v17;
	_ =	sdelay $0x1  }
0x205: {  	[tilespmem:$0xC8E0] =	vst v17  }
0x206: {  	v17 =	vld [tilespmem:s20+$0xD80]  }
0x207: {  	v18 =	vld [tilespmem:s20+$0x4D80]  }
0x208: {  	v19 =	vld [tilespmem:s20+$0x8D80]  }
0x209: {  	v35 =	vld [tilespmem:s20+$0xD90]  }
0x20a: {  	v36 =	vld [tilespmem:s20+$0x4D90]  }
0x20b: {  	v37 =	vld [tilespmem:s20+$0x8D90]  }
0x20c: {  	v38 =	vld [tilespmem:s20+$0xDA0]  }
0x20d: {  	v39 =	vld [tilespmem:s20+$0x4DA0]  }
0x20e: {  	v40 =	vld [tilespmem:s20+$0x8DA0]  }
0x20f: {  	v41 =	vld [tilespmem:s20+$0xDB0]  }
0x210: {  	v42 =	vld [tilespmem:s20+$0x4DB0]  }
0x211: {  	v43 =	vld [tilespmem:s20+$0x8DB0]  }
0x212: {  	v44 =	vld [tilespmem:s20+$0xDC0]  }
0x213: {  	v45 =	vld [tilespmem:s20+$0x4DC0]  }
0x214: {  	v46 =	vld [tilespmem:s20+$0xDD0]  }
0x215: {  	v48 =	vld [tilespmem:s20+$0x8DD0];
	v17 =	vmul.f32 v18, v17;
	v20 =	vmul.f32 v36, v35  }
0x216: {  	v49 =	vld [tilespmem:s20+$0xDE0];
	v47 =	vmul.f32 v39, v38  }
0x217: {  	v18 =	vld [tilespmem:s20+$0x8DC0];
	v17 =	vmul.f32 v19, v17;
	v20 =	vmul.f32 v37, v20  }
0x218: {  	v19 =	vld [tilespmem:s20+$0x4DD0]  }
0x219: {  	v52 =	vld [tilespmem:s20+$0x4DE0];
	v51 =	vmul.f32 v42, v41;
	v50 =	vmul.f32 v40, v47;
	v17 =	vadd.f32 v20, v17  }
0x21a: {  	v53 =	vld [tilespmem:s20+$0x8DE0]  }
0x21b: {  	v56 =	vld [tilespmem:s20+$0xDF0];
	v55 =	vmul.f32 v45, v44;
	v54 =	vmul.f32 v43, v51;
	v17 =	vadd.f32 v50, v17  }
0x21c: {  	v57 =	vld [tilespmem:s20+$0x4DF0]  }
0x21d: {  	v18 =	vmul.f32 v18, v55;
	v19 =	vmul.f32 v19, v46;
	v17 =	vadd.f32 v54, v17  }
0x21e: {  	v58 =	vld [tilespmem:s20+$0x8DF0]  }
0x21f: {  	v17 =	vadd.f32 v18, v17;
	v18 =	vmul.f32 v48, v19;
	v19 =	vmul.f32 v52, v49;
	_ =	sdelay $0x1  }
0x220: {  	v17 =	vadd.f32 v18, v17;
	v18 =	vmul.f32 v53, v19;
	v19 =	vmul.f32 v57, v56;
	_ =	sdelay $0x1  }
0x221: {  	v17 =	vadd.f32 v18, v17;
	v18 =	vmul.f32 v58, v19;
	_ =	sdelay $0x1  }
0x222: {  	v17 =	vadd.f32 v18, v17;
	_ =	sdelay $0x1  }
0x223: {  	[tilespmem:$0xC8F0] =	vst v17  }
0x224: {  	v17 =	vld.idx.msk [tilespmem:v0+s29+$0x0], $0xffff  }
0x225: {  	v18 =	vld.idx.msk [tilespmem:v1+s29+$0x0], $0xffff;
	_ =	sdelay $0x1  }
0x226: {  	v19 =	vld.idx.msk [tilespmem:v2+s29+$0x0], $0xffff;
	_ =	sdelay $0x1  }
0x227: {  	v59 =	vld.idx.msk [tilespmem:v3+s29+$0x0], $0xffff  }
0x228: {  	v17 =	vadd.f32 v18, v17  }
0x229: {  	v18 =	vld.idx.msk [tilespmem:v4+s29+$0x0], $0xffff  }
0x22a: {  	v17 =	vadd.f32 v19, v17  }
0x22b: {  	v19 =	vld.idx.msk [tilespmem:v5+s29+$0x0], $0xffff  }
0x22c: {  	v17 =	vadd.f32 v59, v17  }
0x22d: {  	v60 =	vld.idx.msk [tilespmem:v6+s29+$0x0], $0xffff  }
0x22e: {  	v17 =	vadd.f32 v18, v17  }
0x22f: {  	v18 =	vld.idx.msk [tilespmem:v7+s29+$0x0], $0xffff  }
0x230: {  	v17 =	vadd.f32 v19, v17  }
0x231: {  	v19 =	vld.idx.msk [tilespmem:v8+s29+$0x0], $0xffff  }
0x232: {  	v17 =	vadd.f32 v60, v17  }
0x233: {  	v61 =	vld.idx.msk [tilespmem:v9+s29+$0x0], $0xffff  }
0x234: {  	v17 =	vadd.f32 v18, v17  }
0x235: {  	v18 =	vld.idx.msk [tilespmem:v10+s29+$0x0], $0xffff  }
0x236: {  	v17 =	vadd.f32 v19, v17  }
0x237: {  	v19 =	vld.idx.msk [tilespmem:v11+s29+$0x0], $0xffff  }
0x238: {  	v17 =	vadd.f32 v61, v17  }
0x239: {  	v62 =	vld.idx.msk [tilespmem:v12+s29+$0x0], $0xffff  }
0x23a: {  	v17 =	vadd.f32 v18, v17  }
0x23b: {  	v18 =	vld.idx.msk [tilespmem:v13+s29+$0x0], $0xffff  }
0x23c: {  	v17 =	vadd.f32 v19, v17  }
0x23d: {  	v19 =	vld.idx.msk [tilespmem:v14+s29+$0x0], $0xffff  }
0x23e: {  	v17 =	vadd.f32 v62, v17  }
0x23f: {  	v63 =	vld.idx.msk [tilespmem:v15+s29+$0x0], $0xffff  }
0x240: {  	v17 =	vadd.f32 v18, v17  }
0x241: {  	p0 =	sne.s32 s17, $0x3  }
.Ltmp0:
0x242: {  	v17 =	vadd.f32 v19, v17;
	(pc) =	sbr.rel @p0 .LBB2_3-.Ltmp0, $4  }
0x243: {  	_ = 	snop  }
0x244: {  	s22 =	sshll.u32 s17, $0x4;
	v17 =	vadd.f32 v63, v17  }
0x245: {  	s20 =	sand.u32 $0x3FFFFFF0, s22  }
0x246: {  	s17 =	sadd.s32 $0x1, s17;
	[tilespmem:v16+s20+$0x0 ss:$0x1] =	vst.idx.msk $0xffff, v17  }
0x247: {  	p0 =	seq.s32 s18, $0x3  }
0x248: {  	s17 =	sshll.u32 @!p0 s18, $0x7  }
0x249: {  	s21 =	simm.s32 @!p0 $0x40;
	s22 =	simm.s32 @!p0 $0x600;
	s20 =	sadd.s32 @!p0 $0x80, s17  }
0x24a: {  	[tilespmem:s22], [sflag:$0x1] =	stream.indirect.gather @!p0 [hbm4b:s1+s21], $0x80, s20, s21, $0xb8;
	[tilespmem:$0xC900] =	vst v63  }
0x24b: {  	s20 =	sadd.s32 @!p0 $0x280, s17;
	s22 =	simm.s32 @!p0 $0x4600  }
0x24c: {  	[tilespmem:s22], [sflag:$0x1] =	stream.indirect.gather @!p0 [hbm4b:s2+s21], $0x80, s20, s21, $0xb8;
	[tilespmem:$0xC900] =	vst v63  }
0x24d: {  	s20 =	sadd.s32 @!p0 $0x480, s17;
	s22 =	simm.s32 @!p0 $0x8600  }
0x24e: {  	[tilespmem:s22], [sflag:$0x1] =	stream.indirect.gather @!p0 [hbm4b:s1+s21], $0x80, s20, s21, $0xb8;
	[tilespmem:$0xC900] =	vst v63  }
0x24f: {  	_ =	swait.ge [sflag:s30], $0x2000  }
0x250: {  	[sflag:s30] =	ssyncset.done $0x0  }
0x251: {  	[sflag:s30] =	ssyncadd.s32 $0xFFFFE000  }
0x252: {  	_ =	swait.ge [sflag:s30], $0x2000  }
0x253: {  	[sflag:s30] =	ssyncset.done $0x0  }
0x254: {  	[sflag:s30] =	ssyncadd.s32 $0xFFFFE000  }
0x255: {  	_ =	swait.ge [sflag:s30], $0x2000  }
0x256: {  	s22 =	sadd.s32 $0xC640, s19;
	[sflag:s30] =	ssyncset.done $0x0  }
0x257: {  	s18 =	sadd.s32 $0x1, s18;
	s19 =	simm.s32 $0x0;
	v16 =	vmov s22;
	[sflag:s30] =	ssyncadd.s32 $0xFFFFE000  }
.LBB2_5:
0x258: {  	s20 =	sshll.u32 s19, $0xB  }
0x259: {  	v18 =	vld [tilespmem:s20+$0x6600]  }
0x25a: {  	v19 =	vld [tilespmem:s20+$0xA600]  }
0x25b: {  	v21 =	vld [tilespmem:s20+$0x6610]  }
0x25c: {  	v22 =	vld [tilespmem:s20+$0xA610]  }
0x25d: {  	v24 =	vld [tilespmem:s20+$0x6620]  }
0x25e: {  	v25 =	vld [tilespmem:s20+$0xA620]  }
0x25f: {  	v27 =	vld [tilespmem:s20+$0x6630]  }
0x260: {  	v28 =	vld [tilespmem:s20+$0xA630]  }
0x261: {  	s21 =	sor.u32 $0x2600, s20;
	v30 =	vld [tilespmem:s20+$0x6640]  }
0x262: {  	s22 =	sor.u32 $0x2610, s20;
	v17 =	vld [tilespmem:s21+$0x0]  }
0x263: {  	v20 =	vld [tilespmem:s22+$0x0];
	s22 =	sor.u32 $0x2620, s20  }
0x264: {  	v23 =	vld [tilespmem:s22+$0x0]  }
0x265: {  	v41 =	vld [tilespmem:s20+$0xA650]  }
0x266: {  	v45 =	vld [tilespmem:s20+$0x6660];
	s22 =	sor.u32 $0x2630, s20  }
0x267: {  	v26 =	vld [tilespmem:s22+$0x0];
	s22 =	sor.u32 $0x2640, s20  }
0x268: {  	v29 =	vld [tilespmem:s22+$0x0];
	s22 =	sor.u32 $0x2650, s20;
	v17 =	vmul.f32 v18, v17;
	v20 =	vmul.f32 v21, v20  }
0x269: {  	v39 =	vld [tilespmem:s22+$0x0];
	v40 =	vmul.f32 v24, v23  }
0x26a: {  	v18 =	vld [tilespmem:s20+$0xA640];
	v17 =	vmul.f32 v19, v17;
	v20 =	vmul.f32 v22, v20  }
0x26b: {  	v19 =	vld [tilespmem:s20+$0x6650]  }
0x26c: {  	v46 =	vld [tilespmem:s20+$0xA660];
	s22 =	sor.u32 $0x2660, s20;
	v44 =	vmul.f32 v27, v26;
	v43 =	vmul.f32 v25, v40;
	v17 =	vadd.f32 v20, v17  }
0x26d: {  	v42 =	vld [tilespmem:s22+$0x0]  }
0x26e: {  	v50 =	vld [tilespmem:s20+$0x6670];
	s22 =	sor.u32 $0x2670, s20;
	v48 =	vmul.f32 v30, v29;
	v47 =	vmul.f32 v28, v44;
	v17 =	vadd.f32 v43, v17  }
0x26f: {  	v49 =	vld [tilespmem:s22+$0x0]  }
0x270: {  	v18 =	vmul.f32 v18, v48;
	v19 =	vmul.f32 v19, v39;
	v17 =	vadd.f32 v47, v17  }
0x271: {  	v51 =	vld [tilespmem:s20+$0xA670]  }
0x272: {  	v17 =	vadd.f32 v18, v17;
	v18 =	vmul.f32 v41, v19;
	v19 =	vmul.f32 v45, v42;
	_ =	sdelay $0x1  }
0x273: {  	v17 =	vadd.f32 v18, v17;
	v18 =	vmul.f32 v46, v19;
	v19 =	vmul.f32 v50, v49;
	_ =	sdelay $0x1  }
0x274: {  	v17 =	vadd.f32 v18, v17;
	v18 =	vmul.f32 v51, v19;
	_ =	sdelay $0x1  }
0x275: {  	v17 =	vadd.f32 v18, v17;
	_ =	sdelay $0x1  }
0x276: {  	s22 =	sor.u32 $0x2680, s20;
	[tilespmem:$0xC800] =	vst v17  }
0x277: {  	v17 =	vld [tilespmem:s22+$0x0]  }
0x278: {  	v18 =	vld [tilespmem:s20+$0x6680]  }
0x279: {  	v19 =	vld [tilespmem:s20+$0xA680]  }
0x27a: {  	v53 =	vld [tilespmem:s20+$0x6690]  }
0x27b: {  	v54 =	vld [tilespmem:s20+$0xA690]  }
0x27c: {  	v56 =	vld [tilespmem:s20+$0x66A0]  }
0x27d: {  	v57 =	vld [tilespmem:s20+$0xA6A0]  }
0x27e: {  	v59 =	vld [tilespmem:s20+$0x66B0]  }
0x27f: {  	v60 =	vld [tilespmem:s20+$0xA6B0]  }
0x280: {  	s22 =	sor.u32 $0x2690, s20;
	v62 =	vld [tilespmem:s20+$0x66C0]  }
0x281: {  	v52 =	vld [tilespmem:s22+$0x0]  }
0x282: {  	v32 =	vld [tilespmem:s20+$0xA6D0];
	s22 =	sor.u32 $0x26A0, s20  }
0x283: {  	v55 =	vld [tilespmem:s22+$0x0]  }
0x284: {  	v36 =	vld [tilespmem:s20+$0x66E0];
	s22 =	sor.u32 $0x26B0, s20  }
0x285: {  	v58 =	vld [tilespmem:s22+$0x0];
	s22 =	sor.u32 $0x26C0, s20;
	v17 =	vmul.f32 v18, v17  }
0x286: {  	v61 =	vld [tilespmem:s22+$0x0];
	v20 =	vmul.f32 v53, v52  }
0x287: {  	s22 =	sor.u32 $0x26D0, s20;
	v18 =	vld [tilespmem:s20+$0xA6C0];
	v17 =	vmul.f32 v19, v17  }
0x288: {  	v63 =	vld [tilespmem:s22+$0x0];
	v31 =	vmul.f32 v56, v55;
	v20 =	vmul.f32 v54, v20  }
0x289: {  	v19 =	vld [tilespmem:s20+$0x66D0]  }
0x28a: {  	v37 =	vld [tilespmem:s20+$0xA6E0];
	s22 =	sor.u32 $0x26E0, s20;
	v35 =	vmul.f32 v59, v58;
	v34 =	vmul.f32 v57, v31;
	v17 =	vadd.f32 v20, v17  }
0x28b: {  	v33 =	vld [tilespmem:s22+$0x0]  }
0x28c: {  	v41 =	vld [tilespmem:s20+$0x66F0];
	s22 =	sor.u32 $0x26F0, s20;
	v39 =	vmul.f32 v62, v61;
	v38 =	vmul.f32 v60, v35;
	v17 =	vadd.f32 v34, v17  }
0x28d: {  	v40 =	vld [tilespmem:s22+$0x0]  }
0x28e: {  	v18 =	vmul.f32 v18, v39;
	v19 =	vmul.f32 v19, v63;
	v17 =	vadd.f32 v38, v17  }
0x28f: {  	v42 =	vld [tilespmem:s20+$0xA6F0]  }
0x290: {  	v17 =	vadd.f32 v18, v17;
	v18 =	vmul.f32 v32, v19;
	v19 =	vmul.f32 v36, v33;
	_ =	sdelay $0x1  }
0x291: {  	v17 =	vadd.f32 v18, v17;
	v18 =	vmul.f32 v37, v19;
	v19 =	vmul.f32 v41, v40;
	_ =	sdelay $0x1  }
0x292: {  	v17 =	vadd.f32 v18, v17;
	v18 =	vmul.f32 v42, v19;
	_ =	sdelay $0x1  }
0x293: {  	v17 =	vadd.f32 v18, v17;
	_ =	sdelay $0x1  }
0x294: {  	s22 =	sor.u32 $0x2700, s20;
	[tilespmem:$0xC810] =	vst v17  }
0x295: {  	v17 =	vld [tilespmem:s22+$0x0]  }
0x296: {  	v18 =	vld [tilespmem:s20+$0x6700]  }
0x297: {  	v19 =	vld [tilespmem:s20+$0xA700]  }
0x298: {  	v44 =	vld [tilespmem:s20+$0x6710]  }
0x299: {  	v45 =	vld [tilespmem:s20+$0xA710]  }
0x29a: {  	v47 =	vld [tilespmem:s20+$0x6720]  }
0x29b: {  	v48 =	vld [tilespmem:s20+$0xA720]  }
0x29c: {  	v50 =	vld [tilespmem:s20+$0x6730]  }
0x29d: {  	v51 =	vld [tilespmem:s20+$0xA730]  }
0x29e: {  	s22 =	sor.u32 $0x2710, s20;
	v53 =	vld [tilespmem:s20+$0x6740]  }
0x29f: {  	v43 =	vld [tilespmem:s22+$0x0]  }
0x2a0: {  	v56 =	vld [tilespmem:s20+$0xA750];
	s22 =	sor.u32 $0x2720, s20  }
0x2a1: {  	v46 =	vld [tilespmem:s22+$0x0]  }
0x2a2: {  	v60 =	vld [tilespmem:s20+$0x6760];
	s22 =	sor.u32 $0x2730, s20  }
0x2a3: {  	v49 =	vld [tilespmem:s22+$0x0];
	s22 =	sor.u32 $0x2740, s20;
	v17 =	vmul.f32 v18, v17  }
0x2a4: {  	v52 =	vld [tilespmem:s22+$0x0];
	v20 =	vmul.f32 v44, v43  }
0x2a5: {  	s22 =	sor.u32 $0x2750, s20;
	v18 =	vld [tilespmem:s20+$0xA740];
	v17 =	vmul.f32 v19, v17  }
0x2a6: {  	v54 =	vld [tilespmem:s22+$0x0];
	v55 =	vmul.f32 v47, v46;
	v20 =	vmul.f32 v45, v20  }
0x2a7: {  	v19 =	vld [tilespmem:s20+$0x6750]  }
0x2a8: {  	v61 =	vld [tilespmem:s20+$0xA760];
	s22 =	sor.u32 $0x2760, s20;
	v59 =	vmul.f32 v50, v49;
	v58 =	vmul.f32 v48, v55;
	v17 =	vadd.f32 v20, v17  }
0x2a9: {  	v57 =	vld [tilespmem:s22+$0x0]  }
0x2aa: {  	v33 =	vld [tilespmem:s20+$0x6770];
	s22 =	sor.u32 $0x2770, s20;
	v63 =	vmul.f32 v53, v52;
	v62 =	vmul.f32 v51, v59;
	v17 =	vadd.f32 v58, v17  }
0x2ab: {  	v32 =	vld [tilespmem:s22+$0x0]  }
0x2ac: {  	v18 =	vmul.f32 v18, v63;
	v19 =	vmul.f32 v19, v54;
	v17 =	vadd.f32 v62, v17  }
0x2ad: {  	v34 =	vld [tilespmem:s20+$0xA770]  }
0x2ae: {  	v17 =	vadd.f32 v18, v17;
	v18 =	vmul.f32 v56, v19;
	v19 =	vmul.f32 v60, v57;
	_ =	sdelay $0x1  }
0x2af: {  	v17 =	vadd.f32 v18, v17;
	v18 =	vmul.f32 v61, v19;
	v19 =	vmul.f32 v33, v32;
	_ =	sdelay $0x1  }
0x2b0: {  	v17 =	vadd.f32 v18, v17;
	v18 =	vmul.f32 v34, v19;
	_ =	sdelay $0x1  }
0x2b1: {  	v17 =	vadd.f32 v18, v17;
	_ =	sdelay $0x1  }
0x2b2: {  	s22 =	sor.u32 $0x2780, s20;
	[tilespmem:$0xC820] =	vst v17  }
0x2b3: {  	v17 =	vld [tilespmem:s22+$0x0]  }
0x2b4: {  	v18 =	vld [tilespmem:s20+$0x6780]  }
0x2b5: {  	v19 =	vld [tilespmem:s20+$0xA780]  }
0x2b6: {  	v36 =	vld [tilespmem:s20+$0x6790]  }
0x2b7: {  	v37 =	vld [tilespmem:s20+$0xA790]  }
0x2b8: {  	v39 =	vld [tilespmem:s20+$0x67A0]  }
0x2b9: {  	v40 =	vld [tilespmem:s20+$0xA7A0]  }
0x2ba: {  	v42 =	vld [tilespmem:s20+$0x67B0]  }
0x2bb: {  	v43 =	vld [tilespmem:s20+$0xA7B0]  }
0x2bc: {  	s22 =	sor.u32 $0x2790, s20;
	v45 =	vld [tilespmem:s20+$0x67C0]  }
0x2bd: {  	v35 =	vld [tilespmem:s22+$0x0]  }
0x2be: {  	v48 =	vld [tilespmem:s20+$0xA7D0];
	s22 =	sor.u32 $0x27A0, s20  }
0x2bf: {  	v38 =	vld [tilespmem:s22+$0x0]  }
0x2c0: {  	v52 =	vld [tilespmem:s20+$0x67E0];
	s22 =	sor.u32 $0x27B0, s20  }
0x2c1: {  	v41 =	vld [tilespmem:s22+$0x0];
	s22 =	sor.u32 $0x27C0, s20;
	v17 =	vmul.f32 v18, v17  }
0x2c2: {  	v44 =	vld [tilespmem:s22+$0x0];
	v20 =	vmul.f32 v36, v35  }
0x2c3: {  	s22 =	sor.u32 $0x27D0, s20;
	v18 =	vld [tilespmem:s20+$0xA7C0];
	v17 =	vmul.f32 v19, v17  }
0x2c4: {  	v46 =	vld [tilespmem:s22+$0x0];
	v47 =	vmul.f32 v39, v38;
	v20 =	vmul.f32 v37, v20  }
0x2c5: {  	v19 =	vld [tilespmem:s20+$0x67D0]  }
0x2c6: {  	v53 =	vld [tilespmem:s20+$0xA7E0];
	s22 =	sor.u32 $0x27E0, s20;
	v51 =	vmul.f32 v42, v41;
	v50 =	vmul.f32 v40, v47;
	v17 =	vadd.f32 v20, v17  }
0x2c7: {  	v49 =	vld [tilespmem:s22+$0x0]  }
0x2c8: {  	v57 =	vld [tilespmem:s20+$0x67F0];
	s22 =	sor.u32 $0x27F0, s20;
	v55 =	vmul.f32 v45, v44;
	v54 =	vmul.f32 v43, v51;
	v17 =	vadd.f32 v50, v17  }
0x2c9: {  	v56 =	vld [tilespmem:s22+$0x0]  }
0x2ca: {  	v18 =	vmul.f32 v18, v55;
	v19 =	vmul.f32 v19, v46;
	v17 =	vadd.f32 v54, v17  }
0x2cb: {  	v58 =	vld [tilespmem:s20+$0xA7F0]  }
0x2cc: {  	v17 =	vadd.f32 v18, v17;
	v18 =	vmul.f32 v48, v19;
	v19 =	vmul.f32 v52, v49;
	_ =	sdelay $0x1  }
0x2cd: {  	v17 =	vadd.f32 v18, v17;
	v18 =	vmul.f32 v53, v19;
	v19 =	vmul.f32 v57, v56;
	_ =	sdelay $0x1  }
0x2ce: {  	v17 =	vadd.f32 v18, v17;
	v18 =	vmul.f32 v58, v19;
	_ =	sdelay $0x1  }
0x2cf: {  	v17 =	vadd.f32 v18, v17;
	_ =	sdelay $0x1  }
0x2d0: {  	[tilespmem:$0xC830] =	vst v17  }
0x2d1: {  	v17 =	vld [tilespmem:s20+$0x2800]  }
0x2d2: {  	v18 =	vld [tilespmem:s20+$0x6800]  }
0x2d3: {  	v19 =	vld [tilespmem:s20+$0xA800]  }
0x2d4: {  	v59 =	vld [tilespmem:s20+$0x2810]  }
0x2d5: {  	v60 =	vld [tilespmem:s20+$0x6810]  }
0x2d6: {  	v61 =	vld [tilespmem:s20+$0xA810]  }
0x2d7: {  	v62 =	vld [tilespmem:s20+$0x2820]  }
0x2d8: {  	v63 =	vld [tilespmem:s20+$0x6820]  }
0x2d9: {  	v33 =	vld [tilespmem:s20+$0xA820]  }
0x2da: {  	v34 =	vld [tilespmem:s20+$0x2830]  }
0x2db: {  	v35 =	vld [tilespmem:s20+$0x6830]  }
0x2dc: {  	v36 =	vld [tilespmem:s20+$0xA830]  }
0x2dd: {  	v37 =	vld [tilespmem:s20+$0x2840]  }
0x2de: {  	v38 =	vld [tilespmem:s20+$0x6840]  }
0x2df: {  	v39 =	vld [tilespmem:s20+$0x2850]  }
0x2e0: {  	v41 =	vld [tilespmem:s20+$0xA850];
	v17 =	vmul.f32 v18, v17;
	v20 =	vmul.f32 v60, v59  }
0x2e1: {  	v42 =	vld [tilespmem:s20+$0x2860];
	v40 =	vmul.f32 v63, v62  }
0x2e2: {  	v18 =	vld [tilespmem:s20+$0xA840];
	v17 =	vmul.f32 v19, v17;
	v20 =	vmul.f32 v61, v20  }
0x2e3: {  	v19 =	vld [tilespmem:s20+$0x6850]  }
0x2e4: {  	v45 =	vld [tilespmem:s20+$0x6860];
	v44 =	vmul.f32 v35, v34;
	v43 =	vmul.f32 v33, v40;
	v17 =	vadd.f32 v20, v17  }
0x2e5: {  	v46 =	vld [tilespmem:s20+$0xA860]  }
0x2e6: {  	v49 =	vld [tilespmem:s20+$0x2870];
	v48 =	vmul.f32 v38, v37;
	v47 =	vmul.f32 v36, v44;
	v17 =	vadd.f32 v43, v17  }
0x2e7: {  	v50 =	vld [tilespmem:s20+$0x6870]  }
0x2e8: {  	v18 =	vmul.f32 v18, v48;
	v19 =	vmul.f32 v19, v39;
	v17 =	vadd.f32 v47, v17  }
0x2e9: {  	v51 =	vld [tilespmem:s20+$0xA870]  }
0x2ea: {  	v17 =	vadd.f32 v18, v17;
	v18 =	vmul.f32 v41, v19;
	v19 =	vmul.f32 v45, v42;
	_ =	sdelay $0x1  }
0x2eb: {  	v17 =	vadd.f32 v18, v17;
	v18 =	vmul.f32 v46, v19;
	v19 =	vmul.f32 v50, v49;
	_ =	sdelay $0x1  }
0x2ec: {  	v17 =	vadd.f32 v18, v17;
	v18 =	vmul.f32 v51, v19;
	_ =	sdelay $0x1  }
0x2ed: {  	v17 =	vadd.f32 v18, v17;
	_ =	sdelay $0x1  }
0x2ee: {  	[tilespmem:$0xC840] =	vst v17  }
0x2ef: {  	v17 =	vld [tilespmem:s20+$0x2880]  }
0x2f0: {  	v18 =	vld [tilespmem:s20+$0x6880]  }
0x2f1: {  	v19 =	vld [tilespmem:s20+$0xA880]  }
0x2f2: {  	v52 =	vld [tilespmem:s20+$0x2890]  }
0x2f3: {  	v53 =	vld [tilespmem:s20+$0x6890]  }
0x2f4: {  	v54 =	vld [tilespmem:s20+$0xA890]  }
0x2f5: {  	v55 =	vld [tilespmem:s20+$0x28A0]  }
0x2f6: {  	v56 =	vld [tilespmem:s20+$0x68A0]  }
0x2f7: {  	v57 =	vld [tilespmem:s20+$0xA8A0]  }
0x2f8: {  	v58 =	vld [tilespmem:s20+$0x28B0]  }
0x2f9: {  	v59 =	vld [tilespmem:s20+$0x68B0]  }
0x2fa: {  	v60 =	vld [tilespmem:s20+$0xA8B0]  }
0x2fb: {  	v61 =	vld [tilespmem:s20+$0x28C0]  }
0x2fc: {  	v62 =	vld [tilespmem:s20+$0x68C0]  }
0x2fd: {  	v63 =	vld [tilespmem:s20+$0x28D0]  }
0x2fe: {  	v32 =	vld [tilespmem:s20+$0xA8D0];
	v17 =	vmul.f32 v18, v17;
	v20 =	vmul.f32 v53, v52  }
0x2ff: {  	v33 =	vld [tilespmem:s20+$0x28E0];
	v31 =	vmul.f32 v56, v55  }
0x300: {  	v18 =	vld [tilespmem:s20+$0xA8C0];
	v17 =	vmul.f32 v19, v17;
	v20 =	vmul.f32 v54, v20  }
0x301: {  	v19 =	vld [tilespmem:s20+$0x68D0]  }
0x302: {  	v36 =	vld [tilespmem:s20+$0x68E0];
	v35 =	vmul.f32 v59, v58;
	v34 =	vmul.f32 v57, v31;
	v17 =	vadd.f32 v20, v17  }
0x303: {  	v37 =	vld [tilespmem:s20+$0xA8E0]  }
0x304: {  	v40 =	vld [tilespmem:s20+$0x28F0];
	v39 =	vmul.f32 v62, v61;
	v38 =	vmul.f32 v60, v35;
	v17 =	vadd.f32 v34, v17  }
0x305: {  	v41 =	vld [tilespmem:s20+$0x68F0]  }
0x306: {  	v18 =	vmul.f32 v18, v39;
	v19 =	vmul.f32 v19, v63;
	v17 =	vadd.f32 v38, v17  }
0x307: {  	v42 =	vld [tilespmem:s20+$0xA8F0]  }
0x308: {  	v17 =	vadd.f32 v18, v17;
	v18 =	vmul.f32 v32, v19;
	v19 =	vmul.f32 v36, v33;
	_ =	sdelay $0x1  }
0x309: {  	v17 =	vadd.f32 v18, v17;
	v18 =	vmul.f32 v37, v19;
	v19 =	vmul.f32 v41, v40;
	_ =	sdelay $0x1  }
0x30a: {  	v17 =	vadd.f32 v18, v17;
	v18 =	vmul.f32 v42, v19;
	_ =	sdelay $0x1  }
0x30b: {  	v17 =	vadd.f32 v18, v17;
	_ =	sdelay $0x1  }
0x30c: {  	[tilespmem:$0xC850] =	vst v17  }
0x30d: {  	v17 =	vld [tilespmem:s20+$0x2900]  }
0x30e: {  	v18 =	vld [tilespmem:s20+$0x6900]  }
0x30f: {  	v19 =	vld [tilespmem:s20+$0xA900]  }
0x310: {  	v43 =	vld [tilespmem:s20+$0x2910]  }
0x311: {  	v44 =	vld [tilespmem:s20+$0x6910]  }
0x312: {  	v45 =	vld [tilespmem:s20+$0xA910]  }
0x313: {  	v46 =	vld [tilespmem:s20+$0x2920]  }
0x314: {  	v47 =	vld [tilespmem:s20+$0x6920]  }
0x315: {  	v48 =	vld [tilespmem:s20+$0xA920]  }
0x316: {  	v49 =	vld [tilespmem:s20+$0x2930]  }
0x317: {  	v50 =	vld [tilespmem:s20+$0x6930]  }
0x318: {  	v51 =	vld [tilespmem:s20+$0xA930]  }
0x319: {  	v52 =	vld [tilespmem:s20+$0x2940]  }
0x31a: {  	v53 =	vld [tilespmem:s20+$0x6940]  }
0x31b: {  	v54 =	vld [tilespmem:s20+$0x2950]  }
0x31c: {  	v56 =	vld [tilespmem:s20+$0xA950];
	v17 =	vmul.f32 v18, v17;
	v20 =	vmul.f32 v44, v43  }
0x31d: {  	v57 =	vld [tilespmem:s20+$0x2960];
	v55 =	vmul.f32 v47, v46  }
0x31e: {  	v18 =	vld [tilespmem:s20+$0xA940];
	v17 =	vmul.f32 v19, v17;
	v20 =	vmul.f32 v45, v20  }
0x31f: {  	v19 =	vld [tilespmem:s20+$0x6950]  }
0x320: {  	v60 =	vld [tilespmem:s20+$0x6960];
	v59 =	vmul.f32 v50, v49;
	v58 =	vmul.f32 v48, v55;
	v17 =	vadd.f32 v20, v17  }
0x321: {  	v61 =	vld [tilespmem:s20+$0xA960]  }
0x322: {  	v32 =	vld [tilespmem:s20+$0x2970];
	v63 =	vmul.f32 v53, v52;
	v62 =	vmul.f32 v51, v59;
	v17 =	vadd.f32 v58, v17  }
0x323: {  	v33 =	vld [tilespmem:s20+$0x6970]  }
0x324: {  	v18 =	vmul.f32 v18, v63;
	v19 =	vmul.f32 v19, v54;
	v17 =	vadd.f32 v62, v17  }
0x325: {  	v34 =	vld [tilespmem:s20+$0xA970]  }
0x326: {  	v17 =	vadd.f32 v18, v17;
	v18 =	vmul.f32 v56, v19;
	v19 =	vmul.f32 v60, v57;
	_ =	sdelay $0x1  }
0x327: {  	v17 =	vadd.f32 v18, v17;
	v18 =	vmul.f32 v61, v19;
	v19 =	vmul.f32 v33, v32;
	_ =	sdelay $0x1  }
0x328: {  	v17 =	vadd.f32 v18, v17;
	v18 =	vmul.f32 v34, v19;
	_ =	sdelay $0x1  }
0x329: {  	v17 =	vadd.f32 v18, v17;
	_ =	sdelay $0x1  }
0x32a: {  	[tilespmem:$0xC860] =	vst v17  }
0x32b: {  	v17 =	vld [tilespmem:s20+$0x2980]  }
0x32c: {  	v18 =	vld [tilespmem:s20+$0x6980]  }
0x32d: {  	v19 =	vld [tilespmem:s20+$0xA980]  }
0x32e: {  	v35 =	vld [tilespmem:s20+$0x2990]  }
0x32f: {  	v36 =	vld [tilespmem:s20+$0x6990]  }
0x330: {  	v37 =	vld [tilespmem:s20+$0xA990]  }
0x331: {  	v38 =	vld [tilespmem:s20+$0x29A0]  }
0x332: {  	v39 =	vld [tilespmem:s20+$0x69A0]  }
0x333: {  	v40 =	vld [tilespmem:s20+$0xA9A0]  }
0x334: {  	v41 =	vld [tilespmem:s20+$0x29B0]  }
0x335: {  	v42 =	vld [tilespmem:s20+$0x69B0]  }
0x336: {  	v43 =	vld [tilespmem:s20+$0xA9B0]  }
0x337: {  	v44 =	vld [tilespmem:s20+$0x29C0]  }
0x338: {  	v45 =	vld [tilespmem:s20+$0x69C0]  }
0x339: {  	v46 =	vld [tilespmem:s20+$0x29D0]  }
0x33a: {  	v48 =	vld [tilespmem:s20+$0xA9D0];
	v17 =	vmul.f32 v18, v17;
	v20 =	vmul.f32 v36, v35  }
0x33b: {  	v49 =	vld [tilespmem:s20+$0x29E0];
	v47 =	vmul.f32 v39, v38  }
0x33c: {  	v18 =	vld [tilespmem:s20+$0xA9C0];
	v17 =	vmul.f32 v19, v17;
	v20 =	vmul.f32 v37, v20  }
0x33d: {  	v19 =	vld [tilespmem:s20+$0x69D0]  }
0x33e: {  	v52 =	vld [tilespmem:s20+$0x69E0];
	v51 =	vmul.f32 v42, v41;
	v50 =	vmul.f32 v40, v47;
	v17 =	vadd.f32 v20, v17  }
0x33f: {  	v53 =	vld [tilespmem:s20+$0xA9E0]  }
0x340: {  	v56 =	vld [tilespmem:s20+$0x29F0];
	v55 =	vmul.f32 v45, v44;
	v54 =	vmul.f32 v43, v51;
	v17 =	vadd.f32 v50, v17  }
0x341: {  	v57 =	vld [tilespmem:s20+$0x69F0]  }
0x342: {  	v18 =	vmul.f32 v18, v55;
	v19 =	vmul.f32 v19, v46;
	v17 =	vadd.f32 v54, v17  }
0x343: {  	v58 =	vld [tilespmem:s20+$0xA9F0]  }
0x344: {  	v17 =	vadd.f32 v18, v17;
	v18 =	vmul.f32 v48, v19;
	v19 =	vmul.f32 v52, v49;
	_ =	sdelay $0x1  }
0x345: {  	v17 =	vadd.f32 v18, v17;
	v18 =	vmul.f32 v53, v19;
	v19 =	vmul.f32 v57, v56;
	_ =	sdelay $0x1  }
0x346: {  	v17 =	vadd.f32 v18, v17;
	v18 =	vmul.f32 v58, v19;
	_ =	sdelay $0x1  }
0x347: {  	v17 =	vadd.f32 v18, v17;
	_ =	sdelay $0x1  }
0x348: {  	[tilespmem:$0xC870] =	vst v17  }
0x349: {  	v17 =	vld [tilespmem:s20+$0x2A00]  }
0x34a: {  	v18 =	vld [tilespmem:s20+$0x6A00]  }
0x34b: {  	v19 =	vld [tilespmem:s20+$0xAA00]  }
0x34c: {  	v59 =	vld [tilespmem:s20+$0x2A10]  }
0x34d: {  	v60 =	vld [tilespmem:s20+$0x6A10]  }
0x34e: {  	v61 =	vld [tilespmem:s20+$0xAA10]  }
0x34f: {  	v62 =	vld [tilespmem:s20+$0x2A20]  }
0x350: {  	v63 =	vld [tilespmem:s20+$0x6A20]  }
0x351: {  	v33 =	vld [tilespmem:s20+$0xAA20]  }
0x352: {  	v34 =	vld [tilespmem:s20+$0x2A30]  }
0x353: {  	v35 =	vld [tilespmem:s20+$0x6A30]  }
0x354: {  	v36 =	vld [tilespmem:s20+$0xAA30]  }
0x355: {  	v37 =	vld [tilespmem:s20+$0x2A40]  }
0x356: {  	v38 =	vld [tilespmem:s20+$0x6A40]  }
0x357: {  	v39 =	vld [tilespmem:s20+$0x2A50]  }
0x358: {  	v41 =	vld [tilespmem:s20+$0xAA50];
	v17 =	vmul.f32 v18, v17;
	v20 =	vmul.f32 v60, v59  }
0x359: {  	v42 =	vld [tilespmem:s20+$0x2A60];
	v40 =	vmul.f32 v63, v62  }
0x35a: {  	v18 =	vld [tilespmem:s20+$0xAA40];
	v17 =	vmul.f32 v19, v17;
	v20 =	vmul.f32 v61, v20  }
0x35b: {  	v19 =	vld [tilespmem:s20+$0x6A50]  }
0x35c: {  	v45 =	vld [tilespmem:s20+$0x6A60];
	v44 =	vmul.f32 v35, v34;
	v43 =	vmul.f32 v33, v40;
	v17 =	vadd.f32 v20, v17  }
0x35d: {  	v46 =	vld [tilespmem:s20+$0xAA60]  }
0x35e: {  	v49 =	vld [tilespmem:s20+$0x2A70];
	v48 =	vmul.f32 v38, v37;
	v47 =	vmul.f32 v36, v44;
	v17 =	vadd.f32 v43, v17  }
0x35f: {  	v50 =	vld [tilespmem:s20+$0x6A70]  }
0x360: {  	v18 =	vmul.f32 v18, v48;
	v19 =	vmul.f32 v19, v39;
	v17 =	vadd.f32 v47, v17  }
0x361: {  	v51 =	vld [tilespmem:s20+$0xAA70]  }
0x362: {  	v17 =	vadd.f32 v18, v17;
	v18 =	vmul.f32 v41, v19;
	v19 =	vmul.f32 v45, v42;
	_ =	sdelay $0x1  }
0x363: {  	v17 =	vadd.f32 v18, v17;
	v18 =	vmul.f32 v46, v19;
	v19 =	vmul.f32 v50, v49;
	_ =	sdelay $0x1  }
0x364: {  	v17 =	vadd.f32 v18, v17;
	v18 =	vmul.f32 v51, v19;
	_ =	sdelay $0x1  }
0x365: {  	v17 =	vadd.f32 v18, v17;
	_ =	sdelay $0x1  }
0x366: {  	[tilespmem:$0xC880] =	vst v17  }
0x367: {  	v17 =	vld [tilespmem:s20+$0x2A80]  }
0x368: {  	v18 =	vld [tilespmem:s20+$0x6A80]  }
0x369: {  	v19 =	vld [tilespmem:s20+$0xAA80]  }
0x36a: {  	v52 =	vld [tilespmem:s20+$0x2A90]  }
0x36b: {  	v53 =	vld [tilespmem:s20+$0x6A90]  }
0x36c: {  	v54 =	vld [tilespmem:s20+$0xAA90]  }
0x36d: {  	v55 =	vld [tilespmem:s20+$0x2AA0]  }
0x36e: {  	v56 =	vld [tilespmem:s20+$0x6AA0]  }
0x36f: {  	v57 =	vld [tilespmem:s20+$0xAAA0]  }
0x370: {  	v58 =	vld [tilespmem:s20+$0x2AB0]  }
0x371: {  	v59 =	vld [tilespmem:s20+$0x6AB0]  }
0x372: {  	v60 =	vld [tilespmem:s20+$0xAAB0]  }
0x373: {  	v61 =	vld [tilespmem:s20+$0x2AC0]  }
0x374: {  	v62 =	vld [tilespmem:s20+$0x6AC0]  }
0x375: {  	v63 =	vld [tilespmem:s20+$0x2AD0]  }
0x376: {  	v32 =	vld [tilespmem:s20+$0xAAD0];
	v17 =	vmul.f32 v18, v17;
	v20 =	vmul.f32 v53, v52  }
0x377: {  	v33 =	vld [tilespmem:s20+$0x2AE0];
	v31 =	vmul.f32 v56, v55  }
0x378: {  	v18 =	vld [tilespmem:s20+$0xAAC0];
	v17 =	vmul.f32 v19, v17;
	v20 =	vmul.f32 v54, v20  }
0x379: {  	v19 =	vld [tilespmem:s20+$0x6AD0]  }
0x37a: {  	v36 =	vld [tilespmem:s20+$0x6AE0];
	v35 =	vmul.f32 v59, v58;
	v34 =	vmul.f32 v57, v31;
	v17 =	vadd.f32 v20, v17  }
0x37b: {  	v37 =	vld [tilespmem:s20+$0xAAE0]  }
0x37c: {  	v40 =	vld [tilespmem:s20+$0x2AF0];
	v39 =	vmul.f32 v62, v61;
	v38 =	vmul.f32 v60, v35;
	v17 =	vadd.f32 v34, v17  }
0x37d: {  	v41 =	vld [tilespmem:s20+$0x6AF0]  }
0x37e: {  	v18 =	vmul.f32 v18, v39;
	v19 =	vmul.f32 v19, v63;
	v17 =	vadd.f32 v38, v17  }
0x37f: {  	v42 =	vld [tilespmem:s20+$0xAAF0]  }
0x380: {  	v17 =	vadd.f32 v18, v17;
	v18 =	vmul.f32 v32, v19;
	v19 =	vmul.f32 v36, v33;
	_ =	sdelay $0x1  }
0x381: {  	v17 =	vadd.f32 v18, v17;
	v18 =	vmul.f32 v37, v19;
	v19 =	vmul.f32 v41, v40;
	_ =	sdelay $0x1  }
0x382: {  	v17 =	vadd.f32 v18, v17;
	v18 =	vmul.f32 v42, v19;
	_ =	sdelay $0x1  }
0x383: {  	v17 =	vadd.f32 v18, v17;
	_ =	sdelay $0x1  }
0x384: {  	[tilespmem:$0xC890] =	vst v17  }
0x385: {  	v17 =	vld [tilespmem:s20+$0x2B00]  }
0x386: {  	v18 =	vld [tilespmem:s20+$0x6B00]  }
0x387: {  	v19 =	vld [tilespmem:s20+$0xAB00]  }
0x388: {  	v43 =	vld [tilespmem:s20+$0x2B10]  }
0x389: {  	v44 =	vld [tilespmem:s20+$0x6B10]  }
0x38a: {  	v45 =	vld [tilespmem:s20+$0xAB10]  }
0x38b: {  	v46 =	vld [tilespmem:s20+$0x2B20]  }
0x38c: {  	v47 =	vld [tilespmem:s20+$0x6B20]  }
0x38d: {  	v48 =	vld [tilespmem:s20+$0xAB20]  }
0x38e: {  	v49 =	vld [tilespmem:s20+$0x2B30]  }
0x38f: {  	v50 =	vld [tilespmem:s20+$0x6B30]  }
0x390: {  	v51 =	vld [tilespmem:s20+$0xAB30]  }
0x391: {  	v52 =	vld [tilespmem:s20+$0x2B40]  }
0x392: {  	v53 =	vld [tilespmem:s20+$0x6B40]  }
0x393: {  	v54 =	vld [tilespmem:s20+$0x2B50]  }
0x394: {  	v56 =	vld [tilespmem:s20+$0xAB50];
	v17 =	vmul.f32 v18, v17;
	v20 =	vmul.f32 v44, v43  }
0x395: {  	v57 =	vld [tilespmem:s20+$0x2B60];
	v55 =	vmul.f32 v47, v46  }
0x396: {  	v18 =	vld [tilespmem:s20+$0xAB40];
	v17 =	vmul.f32 v19, v17;
	v20 =	vmul.f32 v45, v20  }
0x397: {  	v19 =	vld [tilespmem:s20+$0x6B50]  }
0x398: {  	v60 =	vld [tilespmem:s20+$0x6B60];
	v59 =	vmul.f32 v50, v49;
	v58 =	vmul.f32 v48, v55;
	v17 =	vadd.f32 v20, v17  }
0x399: {  	v61 =	vld [tilespmem:s20+$0xAB60]  }
0x39a: {  	v32 =	vld [tilespmem:s20+$0x2B70];
	v63 =	vmul.f32 v53, v52;
	v62 =	vmul.f32 v51, v59;
	v17 =	vadd.f32 v58, v17  }
0x39b: {  	v33 =	vld [tilespmem:s20+$0x6B70]  }
0x39c: {  	v18 =	vmul.f32 v18, v63;
	v19 =	vmul.f32 v19, v54;
	v17 =	vadd.f32 v62, v17  }
0x39d: {  	v34 =	vld [tilespmem:s20+$0xAB70]  }
0x39e: {  	v17 =	vadd.f32 v18, v17;
	v18 =	vmul.f32 v56, v19;
	v19 =	vmul.f32 v60, v57;
	_ =	sdelay $0x1  }
0x39f: {  	v17 =	vadd.f32 v18, v17;
	v18 =	vmul.f32 v61, v19;
	v19 =	vmul.f32 v33, v32;
	_ =	sdelay $0x1  }
0x3a0: {  	v17 =	vadd.f32 v18, v17;
	v18 =	vmul.f32 v34, v19;
	_ =	sdelay $0x1  }
0x3a1: {  	v17 =	vadd.f32 v18, v17;
	_ =	sdelay $0x1  }
0x3a2: {  	[tilespmem:$0xC8A0] =	vst v17  }
0x3a3: {  	v17 =	vld [tilespmem:s20+$0x2B80]  }
0x3a4: {  	v18 =	vld [tilespmem:s20+$0x6B80]  }
0x3a5: {  	v19 =	vld [tilespmem:s20+$0xAB80]  }
0x3a6: {  	v35 =	vld [tilespmem:s20+$0x2B90]  }
0x3a7: {  	v36 =	vld [tilespmem:s20+$0x6B90]  }
0x3a8: {  	v37 =	vld [tilespmem:s20+$0xAB90]  }
0x3a9: {  	v38 =	vld [tilespmem:s20+$0x2BA0]  }
0x3aa: {  	v39 =	vld [tilespmem:s20+$0x6BA0]  }
0x3ab: {  	v40 =	vld [tilespmem:s20+$0xABA0]  }
0x3ac: {  	v41 =	vld [tilespmem:s20+$0x2BB0]  }
0x3ad: {  	v42 =	vld [tilespmem:s20+$0x6BB0]  }
0x3ae: {  	v43 =	vld [tilespmem:s20+$0xABB0]  }
0x3af: {  	v44 =	vld [tilespmem:s20+$0x2BC0]  }
0x3b0: {  	v45 =	vld [tilespmem:s20+$0x6BC0]  }
0x3b1: {  	v46 =	vld [tilespmem:s20+$0x2BD0]  }
0x3b2: {  	v48 =	vld [tilespmem:s20+$0xABD0];
	v17 =	vmul.f32 v18, v17;
	v20 =	vmul.f32 v36, v35  }
0x3b3: {  	v49 =	vld [tilespmem:s20+$0x2BE0];
	v47 =	vmul.f32 v39, v38  }
0x3b4: {  	v18 =	vld [tilespmem:s20+$0xABC0];
	v17 =	vmul.f32 v19, v17;
	v20 =	vmul.f32 v37, v20  }
0x3b5: {  	v19 =	vld [tilespmem:s20+$0x6BD0]  }
0x3b6: {  	v52 =	vld [tilespmem:s20+$0x6BE0];
	v51 =	vmul.f32 v42, v41;
	v50 =	vmul.f32 v40, v47;
	v17 =	vadd.f32 v20, v17  }
0x3b7: {  	v53 =	vld [tilespmem:s20+$0xABE0]  }
0x3b8: {  	v56 =	vld [tilespmem:s20+$0x2BF0];
	v55 =	vmul.f32 v45, v44;
	v54 =	vmul.f32 v43, v51;
	v17 =	vadd.f32 v50, v17  }
0x3b9: {  	v57 =	vld [tilespmem:s20+$0x6BF0]  }
0x3ba: {  	v18 =	vmul.f32 v18, v55;
	v19 =	vmul.f32 v19, v46;
	v17 =	vadd.f32 v54, v17  }
0x3bb: {  	v58 =	vld [tilespmem:s20+$0xABF0]  }
0x3bc: {  	v17 =	vadd.f32 v18, v17;
	v18 =	vmul.f32 v48, v19;
	v19 =	vmul.f32 v52, v49;
	_ =	sdelay $0x1  }
0x3bd: {  	v17 =	vadd.f32 v18, v17;
	v18 =	vmul.f32 v53, v19;
	v19 =	vmul.f32 v57, v56;
	_ =	sdelay $0x1  }
0x3be: {  	v17 =	vadd.f32 v18, v17;
	v18 =	vmul.f32 v58, v19;
	_ =	sdelay $0x1  }
0x3bf: {  	v17 =	vadd.f32 v18, v17;
	_ =	sdelay $0x1  }
0x3c0: {  	[tilespmem:$0xC8B0] =	vst v17  }
0x3c1: {  	v17 =	vld [tilespmem:s20+$0x2C00]  }
0x3c2: {  	v18 =	vld [tilespmem:s20+$0x6C00]  }
0x3c3: {  	v19 =	vld [tilespmem:s20+$0xAC00]  }
0x3c4: {  	v59 =	vld [tilespmem:s20+$0x2C10]  }
0x3c5: {  	v60 =	vld [tilespmem:s20+$0x6C10]  }
0x3c6: {  	v61 =	vld [tilespmem:s20+$0xAC10]  }
0x3c7: {  	v62 =	vld [tilespmem:s20+$0x2C20]  }
0x3c8: {  	v63 =	vld [tilespmem:s20+$0x6C20]  }
0x3c9: {  	v33 =	vld [tilespmem:s20+$0xAC20]  }
0x3ca: {  	v34 =	vld [tilespmem:s20+$0x2C30]  }
0x3cb: {  	v35 =	vld [tilespmem:s20+$0x6C30]  }
0x3cc: {  	v36 =	vld [tilespmem:s20+$0xAC30]  }
0x3cd: {  	v37 =	vld [tilespmem:s20+$0x2C40]  }
0x3ce: {  	v38 =	vld [tilespmem:s20+$0x6C40]  }
0x3cf: {  	v39 =	vld [tilespmem:s20+$0x2C50]  }
0x3d0: {  	v41 =	vld [tilespmem:s20+$0xAC50];
	v17 =	vmul.f32 v18, v17;
	v20 =	vmul.f32 v60, v59  }
0x3d1: {  	v42 =	vld [tilespmem:s20+$0x2C60];
	v40 =	vmul.f32 v63, v62  }
0x3d2: {  	v18 =	vld [tilespmem:s20+$0xAC40];
	v17 =	vmul.f32 v19, v17;
	v20 =	vmul.f32 v61, v20  }
0x3d3: {  	v19 =	vld [tilespmem:s20+$0x6C50]  }
0x3d4: {  	v45 =	vld [tilespmem:s20+$0x6C60];
	v44 =	vmul.f32 v35, v34;
	v43 =	vmul.f32 v33, v40;
	v17 =	vadd.f32 v20, v17  }
0x3d5: {  	v46 =	vld [tilespmem:s20+$0xAC60]  }
0x3d6: {  	v49 =	vld [tilespmem:s20+$0x2C70];
	v48 =	vmul.f32 v38, v37;
	v47 =	vmul.f32 v36, v44;
	v17 =	vadd.f32 v43, v17  }
0x3d7: {  	v50 =	vld [tilespmem:s20+$0x6C70]  }
0x3d8: {  	v18 =	vmul.f32 v18, v48;
	v19 =	vmul.f32 v19, v39;
	v17 =	vadd.f32 v47, v17  }
0x3d9: {  	v51 =	vld [tilespmem:s20+$0xAC70]  }
0x3da: {  	v17 =	vadd.f32 v18, v17;
	v18 =	vmul.f32 v41, v19;
	v19 =	vmul.f32 v45, v42;
	_ =	sdelay $0x1  }
0x3db: {  	v17 =	vadd.f32 v18, v17;
	v18 =	vmul.f32 v46, v19;
	v19 =	vmul.f32 v50, v49;
	_ =	sdelay $0x1  }
0x3dc: {  	v17 =	vadd.f32 v18, v17;
	v18 =	vmul.f32 v51, v19;
	_ =	sdelay $0x1  }
0x3dd: {  	v17 =	vadd.f32 v18, v17;
	_ =	sdelay $0x1  }
0x3de: {  	[tilespmem:$0xC8C0] =	vst v17  }
0x3df: {  	v17 =	vld [tilespmem:s20+$0x2C80]  }
0x3e0: {  	v18 =	vld [tilespmem:s20+$0x6C80]  }
0x3e1: {  	v19 =	vld [tilespmem:s20+$0xAC80]  }
0x3e2: {  	v52 =	vld [tilespmem:s20+$0x2C90]  }
0x3e3: {  	v53 =	vld [tilespmem:s20+$0x6C90]  }
0x3e4: {  	v54 =	vld [tilespmem:s20+$0xAC90]  }
0x3e5: {  	v55 =	vld [tilespmem:s20+$0x2CA0]  }
0x3e6: {  	v56 =	vld [tilespmem:s20+$0x6CA0]  }
0x3e7: {  	v57 =	vld [tilespmem:s20+$0xACA0]  }
0x3e8: {  	v58 =	vld [tilespmem:s20+$0x2CB0]  }
0x3e9: {  	v59 =	vld [tilespmem:s20+$0x6CB0]  }
0x3ea: {  	v60 =	vld [tilespmem:s20+$0xACB0]  }
0x3eb: {  	v61 =	vld [tilespmem:s20+$0x2CC0]  }
0x3ec: {  	v62 =	vld [tilespmem:s20+$0x6CC0]  }
0x3ed: {  	v63 =	vld [tilespmem:s20+$0x2CD0]  }
0x3ee: {  	v32 =	vld [tilespmem:s20+$0xACD0];
	v17 =	vmul.f32 v18, v17;
	v20 =	vmul.f32 v53, v52  }
0x3ef: {  	v33 =	vld [tilespmem:s20+$0x2CE0];
	v31 =	vmul.f32 v56, v55  }
0x3f0: {  	v18 =	vld [tilespmem:s20+$0xACC0];
	v17 =	vmul.f32 v19, v17;
	v20 =	vmul.f32 v54, v20  }
0x3f1: {  	v19 =	vld [tilespmem:s20+$0x6CD0]  }
0x3f2: {  	v36 =	vld [tilespmem:s20+$0x6CE0];
	v35 =	vmul.f32 v59, v58;
	v34 =	vmul.f32 v57, v31;
	v17 =	vadd.f32 v20, v17  }
0x3f3: {  	v37 =	vld [tilespmem:s20+$0xACE0]  }
0x3f4: {  	v40 =	vld [tilespmem:s20+$0x2CF0];
	v39 =	vmul.f32 v62, v61;
	v38 =	vmul.f32 v60, v35;
	v17 =	vadd.f32 v34, v17  }
0x3f5: {  	v41 =	vld [tilespmem:s20+$0x6CF0]  }
0x3f6: {  	v18 =	vmul.f32 v18, v39;
	v19 =	vmul.f32 v19, v63;
	v17 =	vadd.f32 v38, v17  }
0x3f7: {  	v42 =	vld [tilespmem:s20+$0xACF0]  }
0x3f8: {  	v17 =	vadd.f32 v18, v17;
	v18 =	vmul.f32 v32, v19;
	v19 =	vmul.f32 v36, v33;
	_ =	sdelay $0x1  }
0x3f9: {  	v17 =	vadd.f32 v18, v17;
	v18 =	vmul.f32 v37, v19;
	v19 =	vmul.f32 v41, v40;
	_ =	sdelay $0x1  }
0x3fa: {  	v17 =	vadd.f32 v18, v17;
	v18 =	vmul.f32 v42, v19;
	_ =	sdelay $0x1  }
0x3fb: {  	v17 =	vadd.f32 v18, v17;
	_ =	sdelay $0x1  }
0x3fc: {  	[tilespmem:$0xC8D0] =	vst v17  }
0x3fd: {  	v17 =	vld [tilespmem:s20+$0x2D00]  }
0x3fe: {  	v18 =	vld [tilespmem:s20+$0x6D00]  }
0x3ff: {  	v19 =	vld [tilespmem:s20+$0xAD00]  }
0x400: {  	v43 =	vld [tilespmem:s20+$0x2D10]  }
0x401: {  	v44 =	vld [tilespmem:s20+$0x6D10]  }
0x402: {  	v45 =	vld [tilespmem:s20+$0xAD10]  }
0x403: {  	v46 =	vld [tilespmem:s20+$0x2D20]  }
0x404: {  	v47 =	vld [tilespmem:s20+$0x6D20]  }
0x405: {  	v48 =	vld [tilespmem:s20+$0xAD20]  }
0x406: {  	v49 =	vld [tilespmem:s20+$0x2D30]  }
0x407: {  	v50 =	vld [tilespmem:s20+$0x6D30]  }
0x408: {  	v51 =	vld [tilespmem:s20+$0xAD30]  }
0x409: {  	v52 =	vld [tilespmem:s20+$0x2D40]  }
0x40a: {  	v53 =	vld [tilespmem:s20+$0x6D40]  }
0x40b: {  	v54 =	vld [tilespmem:s20+$0x2D50]  }
0x40c: {  	v56 =	vld [tilespmem:s20+$0xAD50];
	v17 =	vmul.f32 v18, v17;
	v20 =	vmul.f32 v44, v43  }
0x40d: {  	v57 =	vld [tilespmem:s20+$0x2D60];
	v55 =	vmul.f32 v47, v46  }
0x40e: {  	v18 =	vld [tilespmem:s20+$0xAD40];
	v17 =	vmul.f32 v19, v17;
	v20 =	vmul.f32 v45, v20  }
0x40f: {  	v19 =	vld [tilespmem:s20+$0x6D50]  }
0x410: {  	v60 =	vld [tilespmem:s20+$0x6D60];
	v59 =	vmul.f32 v50, v49;
	v58 =	vmul.f32 v48, v55;
	v17 =	vadd.f32 v20, v17  }
0x411: {  	v61 =	vld [tilespmem:s20+$0xAD60]  }
0x412: {  	v32 =	vld [tilespmem:s20+$0x2D70];
	v63 =	vmul.f32 v53, v52;
	v62 =	vmul.f32 v51, v59;
	v17 =	vadd.f32 v58, v17  }
0x413: {  	v33 =	vld [tilespmem:s20+$0x6D70]  }
0x414: {  	v18 =	vmul.f32 v18, v63;
	v19 =	vmul.f32 v19, v54;
	v17 =	vadd.f32 v62, v17  }
0x415: {  	v34 =	vld [tilespmem:s20+$0xAD70]  }
0x416: {  	v17 =	vadd.f32 v18, v17;
	v18 =	vmul.f32 v56, v19;
	v19 =	vmul.f32 v60, v57;
	_ =	sdelay $0x1  }
0x417: {  	v17 =	vadd.f32 v18, v17;
	v18 =	vmul.f32 v61, v19;
	v19 =	vmul.f32 v33, v32;
	_ =	sdelay $0x1  }
0x418: {  	v17 =	vadd.f32 v18, v17;
	v18 =	vmul.f32 v34, v19;
	_ =	sdelay $0x1  }
0x419: {  	v17 =	vadd.f32 v18, v17;
	_ =	sdelay $0x1  }
0x41a: {  	[tilespmem:$0xC8E0] =	vst v17  }
0x41b: {  	v17 =	vld [tilespmem:s20+$0x2D80]  }
0x41c: {  	v18 =	vld [tilespmem:s20+$0x6D80]  }
0x41d: {  	v19 =	vld [tilespmem:s20+$0xAD80]  }
0x41e: {  	v35 =	vld [tilespmem:s20+$0x2D90]  }
0x41f: {  	v36 =	vld [tilespmem:s20+$0x6D90]  }
0x420: {  	v37 =	vld [tilespmem:s20+$0xAD90]  }
0x421: {  	v38 =	vld [tilespmem:s20+$0x2DA0]  }
0x422: {  	v39 =	vld [tilespmem:s20+$0x6DA0]  }
0x423: {  	v40 =	vld [tilespmem:s20+$0xADA0]  }
0x424: {  	v41 =	vld [tilespmem:s20+$0x2DB0]  }
0x425: {  	v42 =	vld [tilespmem:s20+$0x6DB0]  }
0x426: {  	v43 =	vld [tilespmem:s20+$0xADB0]  }
0x427: {  	v44 =	vld [tilespmem:s20+$0x2DC0]  }
0x428: {  	v45 =	vld [tilespmem:s20+$0x6DC0]  }
0x429: {  	v46 =	vld [tilespmem:s20+$0x2DD0]  }
0x42a: {  	v48 =	vld [tilespmem:s20+$0xADD0];
	v17 =	vmul.f32 v18, v17;
	v20 =	vmul.f32 v36, v35  }
0x42b: {  	v49 =	vld [tilespmem:s20+$0x2DE0];
	v47 =	vmul.f32 v39, v38  }
0x42c: {  	v18 =	vld [tilespmem:s20+$0xADC0];
	v17 =	vmul.f32 v19, v17;
	v20 =	vmul.f32 v37, v20  }
0x42d: {  	v19 =	vld [tilespmem:s20+$0x6DD0]  }
0x42e: {  	v52 =	vld [tilespmem:s20+$0x6DE0];
	v51 =	vmul.f32 v42, v41;
	v50 =	vmul.f32 v40, v47;
	v17 =	vadd.f32 v20, v17  }
0x42f: {  	v53 =	vld [tilespmem:s20+$0xADE0]  }
0x430: {  	v56 =	vld [tilespmem:s20+$0x2DF0];
	v55 =	vmul.f32 v45, v44;
	v54 =	vmul.f32 v43, v51;
	v17 =	vadd.f32 v50, v17  }
0x431: {  	v57 =	vld [tilespmem:s20+$0x6DF0]  }
0x432: {  	v18 =	vmul.f32 v18, v55;
	v19 =	vmul.f32 v19, v46;
	v17 =	vadd.f32 v54, v17  }
0x433: {  	v58 =	vld [tilespmem:s20+$0xADF0]  }
0x434: {  	v17 =	vadd.f32 v18, v17;
	v18 =	vmul.f32 v48, v19;
	v19 =	vmul.f32 v52, v49;
	_ =	sdelay $0x1  }
0x435: {  	v17 =	vadd.f32 v18, v17;
	v18 =	vmul.f32 v53, v19;
	v19 =	vmul.f32 v57, v56;
	_ =	sdelay $0x1  }
0x436: {  	v17 =	vadd.f32 v18, v17;
	v18 =	vmul.f32 v58, v19;
	_ =	sdelay $0x1  }
0x437: {  	v17 =	vadd.f32 v18, v17;
	_ =	sdelay $0x1  }
0x438: {  	[tilespmem:$0xC8F0] =	vst v17  }
0x439: {  	v17 =	vld.idx.msk [tilespmem:v0+s29+$0x0], $0xffff  }
0x43a: {  	v18 =	vld.idx.msk [tilespmem:v1+s29+$0x0], $0xffff;
	_ =	sdelay $0x1  }
0x43b: {  	v19 =	vld.idx.msk [tilespmem:v2+s29+$0x0], $0xffff;
	_ =	sdelay $0x1  }
0x43c: {  	v59 =	vld.idx.msk [tilespmem:v3+s29+$0x0], $0xffff  }
0x43d: {  	v17 =	vadd.f32 v18, v17  }
0x43e: {  	v18 =	vld.idx.msk [tilespmem:v4+s29+$0x0], $0xffff  }
0x43f: {  	v17 =	vadd.f32 v19, v17  }
0x440: {  	v19 =	vld.idx.msk [tilespmem:v5+s29+$0x0], $0xffff  }
0x441: {  	v17 =	vadd.f32 v59, v17  }
0x442: {  	v60 =	vld.idx.msk [tilespmem:v6+s29+$0x0], $0xffff  }
0x443: {  	v17 =	vadd.f32 v18, v17  }
0x444: {  	v18 =	vld.idx.msk [tilespmem:v7+s29+$0x0], $0xffff  }
0x445: {  	v17 =	vadd.f32 v19, v17  }
0x446: {  	v19 =	vld.idx.msk [tilespmem:v8+s29+$0x0], $0xffff  }
0x447: {  	v17 =	vadd.f32 v60, v17  }
0x448: {  	v61 =	vld.idx.msk [tilespmem:v9+s29+$0x0], $0xffff  }
0x449: {  	v17 =	vadd.f32 v18, v17  }
0x44a: {  	v18 =	vld.idx.msk [tilespmem:v10+s29+$0x0], $0xffff  }
0x44b: {  	v17 =	vadd.f32 v19, v17  }
0x44c: {  	v19 =	vld.idx.msk [tilespmem:v11+s29+$0x0], $0xffff  }
0x44d: {  	v17 =	vadd.f32 v61, v17  }
0x44e: {  	v62 =	vld.idx.msk [tilespmem:v12+s29+$0x0], $0xffff  }
0x44f: {  	v17 =	vadd.f32 v18, v17  }
0x450: {  	v18 =	vld.idx.msk [tilespmem:v13+s29+$0x0], $0xffff  }
0x451: {  	v17 =	vadd.f32 v19, v17  }
0x452: {  	v19 =	vld.idx.msk [tilespmem:v14+s29+$0x0], $0xffff  }
0x453: {  	v17 =	vadd.f32 v62, v17  }
0x454: {  	v63 =	vld.idx.msk [tilespmem:v15+s29+$0x0], $0xffff  }
0x455: {  	v17 =	vadd.f32 v18, v17  }
0x456: {  	p1 =	sne.s32 s19, $0x3  }
.Ltmp1:
0x457: {  	v17 =	vadd.f32 v19, v17;
	(pc) =	sbr.rel @p1 .LBB2_5-.Ltmp1, $4  }
0x458: {  	_ = 	snop  }
0x459: {  	s22 =	sshll.u32 s19, $0x4;
	v17 =	vadd.f32 v63, v17  }
0x45a: {  	s20 =	sand.u32 $0x3FFFFFF0, s22  }
0x45b: {  	s19 =	sadd.s32 $0x1, s19;
	[tilespmem:v16+s20+$0x0 ss:$0x1] =	vst.idx.msk $0xffff, v17  }
0x45c: {  	s19 =	sadd.s32 @!p0 $0xC0, s17;
	s20 =	simm.s32 @!p0 $0x40;
	s21 =	simm.s32 @!p0 $0x2600  }
0x45d: {  	[tilespmem:s21], [sflag:$0x2] =	stream.indirect.gather @!p0 [hbm4b:s1+s20], $0x80, s19, s20, $0xb8;
	[tilespmem:$0xC900] =	vst v63  }
0x45e: {  	s19 =	sadd.s32 @!p0 $0x2C0, s17;
	s21 =	simm.s32 @!p0 $0x6600  }
0x45f: {  	[tilespmem:s21], [sflag:$0x2] =	stream.indirect.gather @!p0 [hbm4b:s2+s20], $0x80, s19, s20, $0xb8;
	[tilespmem:$0xC900] =	vst v63  }
0x460: {  	p1 =	sne.s32 @!p0 s18, $0x4;
	s17 =	sadd.s32 @!p0 $0x4C0, s17;
	s19 =	simm.s32 @!p0 $0xA600  }
0x461: {  	[tilespmem:s19], [sflag:$0x2] =	stream.indirect.gather @!p0 [hbm4b:s1+s20], $0x80, s17, s20, $0xb8;
	[tilespmem:$0xC900] =	vst v63  }
0x462: {  	p0 =	por p0, !p1  }
.Ltmp2:
0x463: {  	_ = 	snop;
	(pc) =	sbr.rel @!p0 .LBB2_2-.Ltmp2, $1  }
0x464: {  	_ =	sdelay $0x3  }
0x465: {  	s3 =	sadd.s32 $0x1, s3  }
0x466: {  	p0 =	sne.s32 s3, s12  }
.Ltmp3:
0x467: {  	_ = 	snop;
	(pc) =	sbr.rel @p0 .LBB2_1-.Ltmp3, $4  }
0x468: {  	[hbm4b:s11+s4] =	stream.linear.scatter [tilespmem:s31], [sflag:$0x3], $0x200, $0x38;
	[tilespmem:$0xC900] =	vst v63  }
0x469: {  	_ =	swait.ge [sflag:s0], $0x200  }
0x46a: {  	[sflag:s0] =	ssyncset.done $0x0  }
0x46b: {  	[sflag:s0] =	ssyncadd.s32 $0xFFFFFE00  }
0x46c: {  	_ =	sfence.sel $0x180000  }
0x46d: {  	[bflag:$0x0] =	sbarrier.arrive $0xFFFF  }
0x46e: {  	_ =	strace $0x90000047  }
0x46f: {  	s0 =	stileid.u32;
	[bflag:$0x2] =	sbarrier.arrive $0xFFFF  }
0x470: {  	p0 =	sne.s32 s0, $0x0;
	s0 =	rddreg [dreg:$0x6]  }
0x471: {  	s0 =	sadd.s32 @!p0 $0x100000, s0  }
0x472: {  	[sflag:s0] =	ssyncadd.tile.s32 @!p0 $0x1;
	_ =	shalt  }
.Lfunc_end2:
_tile_overlayer_lowered:
.L_overlay_start_2:
0x473: {  	(tag) =	ssettag $0x2  }
0x474: {  	s0 =	rddreg [dreg:$0x0];
	s2 =	stileid.u32  }
0x475: {  	s1 =	rddreg [dreg:$0x1];
	p0 =	sne.s32 s2, $0x0  }
0x476: {  	s3 =	rddreg [dreg:$0x2];
	[bflag:$0x3] =	sbarrier.arrive $0xFFFF;
	s2 =	simm.s32 @!p0 $0x1C03  }
0x477: {  	[timem:s3], [sflag:s2] =	dma.local @!p0 [hbm:s0], s1  }
0x478: {  	s0 =	simm.s32 @!p0 $0x3  }
0x479: {  	_ =	swait.ge @!p0 [sflag:s0], s1  }
0x47a: {  	s1 =	ssub.s32 @!p0 $0x0, s1;
	[sflag:s0] =	ssyncset.done @!p0 $0x0  }
0x47b: {  	[sflag:s0] =	ssyncadd.s32 @!p0 s1  }
0x47c: {  	[bflag:$0x3] =	sbarrier.arrive $0xFFFF  }
0x47d: {  	_ =	shalt  }

</sc_bundles>
